<compile_context>
chip_gen: v7x
topology: tpu7x:2x2x1
jax: 0.10.2.dev20260603
libtpu: 0.0.44.dev20260713+nightly
codegen_flags: <defaults>
</compile_context>

<pallas_src>
import functools

import jax
import jax.numpy as jnp
from jax import lax
from jax.experimental import pallas as pl
from jax.experimental.pallas import tpu as pltpu
from jax.experimental.pallas import tpu_sc as plsc

N_NODES = 10000
N_EDGES = 320000
IN_DIM = 128
HID_DIM = 32

NC = 2
NS = 16
NW = NC * NS
CHUNK = 128
NPAD = 10240
ROWS_PER_TILE = NPAD // NS
TCH = 79
NCH = NW * TCH
EPAD = NCH * CHUNK
TCH0 = 95
TCH1 = 63
TCHMAX = max(TCH0, TCH1)
CW = 8
NBUF = 4

_f32 = jnp.float32


def _sc_count_body(dst_hbm, ones_hbm, zeros_hbm, cnt_hbm,
                   idx_v, ones_v, rb_v, acc_sh):
    c = lax.axis_index("c")
    s = lax.axis_index("s")
    wid = c * NS + s
    base_row = s * ROWS_PER_TILE

    pltpu.sync_copy(zeros_hbm, rb_v.at[pl.ds(0, CHUNK)])
    for r in range(ROWS_PER_TILE // CHUNK):
        pltpu.sync_copy(rb_v.at[pl.ds(0, CHUNK)],
                        acc_sh.at[pl.ds(base_row + r * CHUNK, CHUNK)])
    pltpu.sync_copy(ones_hbm, ones_v)
    pltpu.sync_copy(dst_hbm.at[pl.ds(wid * TCH, TCH)], idx_v)
    plsc.subcore_barrier()

    def body(j, carry):
        pltpu.sync_copy(ones_v, acc_sh.at[idx_v.at[j]], add=True)
        return carry

    lax.fori_loop(0, TCH, body, 0)
    plsc.subcore_barrier()

    pltpu.sync_copy(acc_sh.at[pl.ds(base_row, ROWS_PER_TILE)], rb_v)
    pltpu.sync_copy(rb_v, cnt_hbm.at[c, pl.ds(base_row, ROWS_PER_TILE)])


@functools.lru_cache(maxsize=None)
def _sc_count():
    return pl.kernel(
        _sc_count_body,
        out_type=jax.ShapeDtypeStruct((NC, NPAD, CW), _f32),
        mesh=plsc.VectorSubcoreMesh(core_axis_name="c",
                                    subcore_axis_name="s"),
        scratch_types=[
            pltpu.VMEM((TCH, CHUNK), jnp.int32),
            pltpu.VMEM((CHUNK, CW), _f32),
            pltpu.VMEM((ROWS_PER_TILE, CW), _f32),
            pltpu.VMEM_SHARED((NPAD, CW), _f32),
        ],
        compiler_params=pltpu.CompilerParams(use_tc_tiling_on_sc=False),
    )


def _sc_agg_body(table_hbm, src_hbm, dst_hbm, zeros_hbm, acc_hbm,
                 sidx_v, didx_v, r0, r1, r2, r3, rb_v,
                 sg0, sg1, sg2, sg3, ss0, ss1, ss2, ss3, acc_sh):
    rows = (r0, r1, r2, r3)
    semg = (sg0, sg1, sg2, sg3)
    sems = (ss0, ss1, ss2, ss3)
    c = lax.axis_index("c")
    s = lax.axis_index("s")
    wid = c * NS + s
    base_row = s * ROWS_PER_TILE

    pltpu.sync_copy(zeros_hbm, r0)
    for r in range(ROWS_PER_TILE // CHUNK):
        pltpu.sync_copy(r0, acc_sh.at[pl.ds(base_row + r * CHUNK, CHUNK)])
    plsc.subcore_barrier()

    def gath(cc, b):
        pltpu.async_copy(table_hbm.at[sidx_v.at[cc]], rows[b], semg[b])

    def wait_g(cc, b):
        pltpu.make_async_copy(table_hbm.at[sidx_v.at[cc]], rows[b],
                              semg[b]).wait()

    def scat(cc, b):
        pltpu.async_copy(rows[b], acc_sh.at[didx_v.at[cc]], sems[b],
                         add=True)

    def wait_s(cc, b):
        pltpu.make_async_copy(rows[b], acc_sh.at[didx_v.at[cc]],
                              sems[b]).wait()

    def pipeline(tch, chunk_base):
        pltpu.sync_copy(src_hbm.at[pl.ds(chunk_base, tch)],
                        sidx_v.at[pl.ds(0, tch)])
        pltpu.sync_copy(dst_hbm.at[pl.ds(chunk_base, tch)],
                        didx_v.at[pl.ds(0, tch)])
        gath(0, 0)
        gath(1, 1)
        gath(2, 2)
        wait_g(0, 0)
        scat(0, 0)
        gath(3, 3)
        wait_g(1, 1)
        scat(1, 1)

        def body(j, carry):
            for b in range(NBUF):
                cc = j * NBUF + b
                wait_s(cc - 4, b)
                gath(cc, b)
                bp = (b + 2) % NBUF
                wait_g(cc - 2, bp)
                scat(cc - 2, bp)
            return carry

        lax.fori_loop(1, (tch - 4) // NBUF + 1, body, 0)

        for cc in range(NBUF * ((tch - 4) // NBUF + 1), tch):
            b = cc % NBUF
            wait_s(cc - 4, b)
            gath(cc, b)
            bp = (cc - 2) % NBUF
            wait_g(cc - 2, bp)
            scat(cc - 2, bp)
        for cc in range(tch - 2, tch):
            wait_g(cc, cc % NBUF)
            scat(cc, cc % NBUF)
        for cc in range(tch - 4, tch):
            wait_s(cc, cc % NBUF)

    @pl.when(c == 0)
    def _():
        pipeline(TCH0, s * TCH0)

    @pl.when(c == 1)
    def _():
        pipeline(TCH1, NS * TCH0 + s * TCH1)

    plsc.subcore_barrier()

    pltpu.sync_copy(acc_sh.at[pl.ds(base_row, ROWS_PER_TILE)], rb_v)
    pltpu.sync_copy(rb_v, acc_hbm.at[c, pl.ds(base_row, ROWS_PER_TILE)])


@functools.lru_cache(maxsize=None)
def _sc_agg(w):
    return pl.kernel(
        _sc_agg_body,
        out_type=jax.ShapeDtypeStruct((NC, NPAD, w), _f32),
        mesh=plsc.VectorSubcoreMesh(core_axis_name="c",
                                    subcore_axis_name="s"),
        scratch_types=[
            pltpu.VMEM((TCHMAX, CHUNK), jnp.int32),
            pltpu.VMEM((TCHMAX, CHUNK), jnp.int32),
            pltpu.VMEM((CHUNK, w), _f32),
            pltpu.VMEM((CHUNK, w), _f32),
            pltpu.VMEM((CHUNK, w), _f32),
            pltpu.VMEM((CHUNK, w), _f32),
            pltpu.VMEM((ROWS_PER_TILE, w), _f32),
            pltpu.SemaphoreType.DMA,
            pltpu.SemaphoreType.DMA,
            pltpu.SemaphoreType.DMA,
            pltpu.SemaphoreType.DMA,
            pltpu.SemaphoreType.DMA,
            pltpu.SemaphoreType.DMA,
            pltpu.SemaphoreType.DMA,
            pltpu.SemaphoreType.DMA,
            pltpu.VMEM_SHARED((NPAD, w), _f32),
        ],
        compiler_params=pltpu.CompilerParams(use_tc_tiling_on_sc=False),
    )


_BLK = 512
_GRID = NPAD // _BLK


def _tc_mm_body(x_ref, w_ref, h_ref):
    h_ref[...] = jnp.dot(x_ref[...], w_ref[...],
                         preferred_element_type=_f32,
                         precision=lax.Precision.HIGHEST)


def _tc_mm(x, w1):
    return pl.pallas_call(
        _tc_mm_body,
        grid=(_GRID,),
        in_specs=[
            pl.BlockSpec((_BLK, IN_DIM), lambda i: (i, 0)),
            pl.BlockSpec((IN_DIM, HID_DIM), lambda i: (0, 0)),
        ],
        out_specs=pl.BlockSpec((_BLK, HID_DIM), lambda i: (i, 0)),
        out_shape=jax.ShapeDtypeStruct((NPAD, HID_DIM), _f32),
    )(x, w1)


def _tc_scale_body(h_ref, cnt_ref, xs_ref, dis_ref):
    deg = cnt_ref[0, :, 0:1] + cnt_ref[1, :, 0:1] + 1.0
    dis = lax.rsqrt(deg)
    xs_ref[...] = h_ref[...] * dis
    dis_ref[...] = dis


def _tc_scale(h, cnt):
    return pl.pallas_call(
        _tc_scale_body,
        grid=(_GRID,),
        in_specs=[
            pl.BlockSpec((_BLK, HID_DIM), lambda i: (i, 0)),
            pl.BlockSpec((NC, _BLK, CW), lambda i: (0, i, 0)),
        ],
        out_specs=[
            pl.BlockSpec((_BLK, HID_DIM), lambda i: (i, 0)),
            pl.BlockSpec((_BLK, 1), lambda i: (i, 0)),
        ],
        out_shape=[
            jax.ShapeDtypeStruct((NPAD, HID_DIM), _f32),
            jax.ShapeDtypeStruct((NPAD, 1), _f32),
        ],
    )(h, cnt)


def _tc_glue1_body(acc_ref, xs_ref, dis_ref, b1_ref, w2_ref,
                   g8_ref, gs_ref):
    dis = dis_ref[...]
    agg = dis * (acc_ref[0] + acc_ref[1] + xs_ref[...])
    h1 = jnp.maximum(agg + b1_ref[...], 0.0)
    g = jnp.sum(h1 * w2_ref[...], axis=1, keepdims=True)
    gs = dis * g
    g8_ref[...] = gs * jnp.ones((1, CW), _f32)
    gs_ref[...] = gs


def _tc_glue1(acc, xs, dis, b1row, w2row):
    return pl.pallas_call(
        _tc_glue1_body,
        grid=(_GRID,),
        in_specs=[
            pl.BlockSpec((NC, _BLK, HID_DIM), lambda i: (0, i, 0)),
            pl.BlockSpec((_BLK, HID_DIM), lambda i: (i, 0)),
            pl.BlockSpec((_BLK, 1), lambda i: (i, 0)),
            pl.BlockSpec((1, HID_DIM), lambda i: (0, 0)),
            pl.BlockSpec((1, HID_DIM), lambda i: (0, 0)),
        ],
        out_specs=[
            pl.BlockSpec((_BLK, CW), lambda i: (i, 0)),
            pl.BlockSpec((_BLK, 1), lambda i: (i, 0)),
        ],
        out_shape=[
            jax.ShapeDtypeStruct((NPAD, CW), _f32),
            jax.ShapeDtypeStruct((NPAD, 1), _f32),
        ],
    )(acc, xs, dis, b1row, w2row)


def _tc_glue2_body(acc_ref, gs_ref, dis_ref, b2_ref, out_ref):
    out_ref[...] = (dis_ref[...] * (acc_ref[0, :, 0:1] + acc_ref[1, :, 0:1]
                                    + gs_ref[...]) + b2_ref[...])


def _tc_glue2(acc, gs, dis, b2sq):
    return pl.pallas_call(
        _tc_glue2_body,
        grid=(_GRID,),
        in_specs=[
            pl.BlockSpec((NC, _BLK, CW), lambda i: (0, i, 0)),
            pl.BlockSpec((_BLK, 1), lambda i: (i, 0)),
            pl.BlockSpec((_BLK, 1), lambda i: (i, 0)),
            pl.BlockSpec((1, 1), lambda i: (0, 0)),
        ],
        out_specs=pl.BlockSpec((_BLK, 1), lambda i: (i, 0)),
        out_shape=jax.ShapeDtypeStruct((NPAD, 1), _f32),
    )(acc, gs, dis, b2sq)


def kernel(x, edge_index, W1, b1, W2, b2):
    ei = edge_index.astype(jnp.int32)
    npad_e = EPAD - N_EDGES
    pad_src = jnp.zeros((npad_e,), jnp.int32)
    pad_dst = N_NODES + (jnp.arange(npad_e, dtype=jnp.int32)
                         % (NPAD - N_NODES))
    src2d = jnp.concatenate([ei[0], pad_src]).reshape(EPAD // CHUNK, CHUNK)
    dst2d = jnp.concatenate([ei[1], pad_dst]).reshape(EPAD // CHUNK, CHUNK)

    ones8 = jnp.ones((CHUNK, CW), _f32)
    zeros8 = jnp.zeros((CHUNK, CW), _f32)
    zeros32 = jnp.zeros((CHUNK, HID_DIM), _f32)

    cnt = _sc_count()(dst2d, ones8, zeros8)
    h = _tc_mm(x, W1)
    xs, dis = _tc_scale(h, cnt)
    acc1 = _sc_agg(HID_DIM)(xs, src2d, dst2d, zeros32)
    g8, gs = _tc_glue1(acc1, xs, dis, b1.reshape(1, HID_DIM),
                       W2.reshape(1, HID_DIM))
    acc2 = _sc_agg(CW)(g8, src2d, dst2d, zeros8)
    out = _tc_glue2(acc2, gs, dis, b2.reshape(1, 1))
    return out[:N_NODES, 0]

# --- scband reference (transcript-rebuilt; emitter-appended) ---
"""Pipeline reference for scband-basic-gnn-60765197304392 (READ-ONLY COPY).

The authoritative reference and input builder live on the scoring server;
editing this copy changes nothing except your own understanding.
"""

import jax, jax.numpy as jnp
import numpy as np

N_NODES = 10000
N_EDGES = 320000
IN_DIM = 128
HID_DIM = 32


def _gcn_conv(x, edge_index, W, b):
    n = x.shape[0]
    # linear transform first (PyG GCNConv order)
    x = x @ W
    src = edge_index[0]
    dst = edge_index[1]
    # add self loops
    loop = jnp.arange(n, dtype=edge_index.dtype)
    src = jnp.concatenate([src, loop])
    dst = jnp.concatenate([dst, loop])
    ew = jnp.ones(src.shape[0], dtype=x.dtype)
    # symmetric normalization: D^{-1/2} (A+I) D^{-1/2}
    deg = jnp.zeros((n,), dtype=x.dtype).at[dst].add(ew)
    deg_inv_sqrt = jnp.where(deg > 0, jax.lax.rsqrt(jnp.maximum(deg, 1e-12)), 0.0)
    norm = deg_inv_sqrt[src] * ew * deg_inv_sqrt[dst]
    msg = x[src] * norm[:, None]
    out = jnp.zeros((n, x.shape[1]), dtype=x.dtype).at[dst].add(msg)
    return out + b


def setup_inputs(seed: int = 0) -> dict:
    key = jax.random.key(seed)
    k1, k2, k3, k4, k5 = jax.random.split(key, 5)
    x = jax.random.normal(k1, (N_NODES, IN_DIM), dtype=jnp.float32)
    edge_index = jax.random.randint(k2, (2, N_EDGES), 0, N_NODES, dtype=jnp.int64)
    s1 = (6.0 / (IN_DIM + HID_DIM)) ** 0.5
    W1 = jax.random.uniform(k3, (IN_DIM, HID_DIM), dtype=jnp.float32, minval=-s1, maxval=s1)
    b1 = jnp.zeros((HID_DIM,), dtype=jnp.float32)
    s2 = (6.0 / (HID_DIM + 1)) ** 0.5
    W2 = jax.random.uniform(k4, (HID_DIM, 1), dtype=jnp.float32, minval=-s2, maxval=s2)
    b2 = jnp.zeros((1,), dtype=jnp.float32)
    return {"x": x, "edge_index": edge_index, "W1": W1, "b1": b1, "W2": W2, "b2": b2}


def reference(x, edge_index, W1, b1, W2, b2):
    h = _gcn_conv(x, edge_index, W1, b1)
    h = jax.nn.relu(h)
    # dropout p=0.25 is identity in eval mode (training=False)
    out = _gcn_conv(h, edge_index, W2, b2)
    return out.reshape(-1)

if __name__ == "__main__":
    import jax
    _d = setup_inputs()
    print(jax.jit(kernel)(*tuple(_d.values())))

</pallas_src>

<mosaic_0001>
#map = affine_map<(d0, d1) -> (0, 0)>
#map1 = affine_map<(d0, d1) -> (0, 0, 0)>
module attributes {stable_mosaic.version = 14 : i64} {
  func.func @_sc_count_body(%arg0: i32, %arg1: i32, %arg2: memref<2528x128xi32, #tpu.memory_space<hbm>>, %arg3: memref<128x8xf32, #tpu.memory_space<hbm>>, %arg4: memref<128x8xf32, #tpu.memory_space<hbm>>, %arg5: memref<2x10240x8xf32, #tpu.memory_space<hbm>>, %arg6: memref<79x128xi32, #tpu.memory_space<vmem>>, %arg7: memref<128x8xf32, #tpu.memory_space<vmem>>, %arg8: memref<640x8xf32, #tpu.memory_space<vmem>>, %arg9: memref<10240x8xf32, #tpu.memory_space<vmem_shared>>) attributes {dimension_semantics = [#tpu.dimension_semantics<core_parallel>, #tpu.dimension_semantics<subcore_parallel>], iteration_bounds = array<i64: 2, 16>, scalar_prefetch = 0 : i64, scratch_operands = 4 : i64, tpu.core_type = #tpu.core_type<sc_vector_subcore>, window_params = [{transform_indices = #map}, {transform_indices = #map}, {transform_indices = #map}, {transform_indices = #map1}]} {
    %mul3A = arith.constant 16 : i32
    %mul3A_0 = arith.muli %arg0, %mul3A : i32
    %add3A = arith.addi %mul3A_0, %arg1 : i32
    %mul3A_1 = arith.constant 640 : i32
    %mul3A_2 = arith.muli %arg1, %mul3A_1 : i32
    "tpu.region"() ({
      %run_scoped3A = tpu.sem_alloc : memref<!tpu.dma_semaphore, #tpu.memory_space<semaphore_mem>>
      %dma_start3A = arith.constant 0 : i32
      %dma_start3A_21 = arith.constant 0 : i32
      %dma_start3A_22 = tpu.memref_slice %arg8[%dma_start3A, %dma_start3A_21] : memref<640x8xf32, #tpu.memory_space<vmem>> -> memref<128x8xf32, #tpu.memory_space<vmem>>
      %dma_start3A_23 = arith.constant 0 : i32
      %dma_start3A_24 = arith.constant 0 : i32
      %dma_start3A_25 = tpu.memref_slice %arg8[%dma_start3A_23, %dma_start3A_24] : memref<640x8xf32, #tpu.memory_space<vmem>> -> memref<128x8xf32, #tpu.memory_space<vmem>>
      tpu.enqueue_dma source(%arg4 : memref<128x8xf32, #tpu.memory_space<hbm>>) target(%dma_start3A_25 : memref<128x8xf32, #tpu.memory_space<vmem>>) target_semaphore(%run_scoped3A : memref<!tpu.dma_semaphore, #tpu.memory_space<semaphore_mem>>)
      %dma_wait3A = arith.constant 0 : i32
      %dma_wait3A_26 = arith.constant 0 : i32
      %dma_wait3A_27 = tpu.memref_slice %arg8[%dma_wait3A, %dma_wait3A_26] : memref<640x8xf32, #tpu.memory_space<vmem>> -> memref<128x8xf32, #tpu.memory_space<vmem>>
      %dma_wait3A_28 = arith.constant 0 : i32
      %dma_wait3A_29 = arith.constant 0 : i32
      %dma_wait3A_30 = tpu.memref_slice %arg8[%dma_wait3A_28, %dma_wait3A_29] : memref<640x8xf32, #tpu.memory_space<vmem>> -> memref<128x8xf32, #tpu.memory_space<vmem>>
      tpu.wait_dma2 semaphore(%run_scoped3A : memref<!tpu.dma_semaphore, #tpu.memory_space<semaphore_mem>>) src(%arg4 : memref<128x8xf32, #tpu.memory_space<hbm>>) dst(%dma_wait3A_30 : memref<128x8xf32, #tpu.memory_space<vmem>>)
      tpu.yield
    }) : () -> ()
    %add3A_3 = arith.constant 0 : i32
    %add3A_4 = arith.addi %mul3A_2, %add3A_3 : i32
    "tpu.region"() ({
      %run_scoped3A = tpu.sem_alloc : memref<!tpu.dma_semaphore, #tpu.memory_space<semaphore_mem>>
      %dma_start3A = arith.constant 0 : i32
      %dma_start3A_21 = arith.constant 0 : i32
      %dma_start3A_22 = tpu.memref_slice %arg8[%dma_start3A, %dma_start3A_21] : memref<640x8xf32, #tpu.memory_space<vmem>> -> memref<128x8xf32, #tpu.memory_space<vmem>>
      %dma_start3A_23 = arith.constant 0 : i32
      %dma_start3A_24 = tpu.memref_slice %arg9[%add3A_4, %dma_start3A_23] : memref<10240x8xf32, #tpu.memory_space<vmem_shared>> -> memref<128x8xf32, #tpu.memory_space<vmem_shared>>
      %dma_start3A_25 = arith.constant 0 : i32
      %dma_start3A_26 = tpu.memref_slice %arg9[%add3A_4, %dma_start3A_25] : memref<10240x8xf32, #tpu.memory_space<vmem_shared>> -> memref<128x8xf32, #tpu.memory_space<vmem_shared>>
      %dma_start3A_27 = arith.constant 0 : i32
      %dma_start3A_28 = arith.constant 0 : i32
      %dma_start3A_29 = tpu.memref_slice %arg8[%dma_start3A_27, %dma_start3A_28] : memref<640x8xf32, #tpu.memory_space<vmem>> -> memref<128x8xf32, #tpu.memory_space<vmem>>
      tpu.enqueue_dma source(%dma_start3A_29 : memref<128x8xf32, #tpu.memory_space<vmem>>) target(%dma_start3A_26 : memref<128x8xf32, #tpu.memory_space<vmem_shared>>) target_semaphore(%run_scoped3A : memref<!tpu.dma_semaphore, #tpu.memory_space<semaphore_mem>>)
      %dma_wait3A = arith.constant 0 : i32
      %dma_wait3A_30 = arith.constant 0 : i32
      %dma_wait3A_31 = tpu.memref_slice %arg8[%dma_wait3A, %dma_wait3A_30] : memref<640x8xf32, #tpu.memory_space<vmem>> -> memref<128x8xf32, #tpu.memory_space<vmem>>
      %dma_wait3A_32 = arith.constant 0 : i32
      %dma_wait3A_33 = tpu.memref_slice %arg9[%add3A_4, %dma_wait3A_32] : memref<10240x8xf32, #tpu.memory_space<vmem_shared>> -> memref<128x8xf32, #tpu.memory_space<vmem_shared>>
      %dma_wait3A_34 = arith.constant 0 : i32
      %dma_wait3A_35 = tpu.memref_slice %arg9[%add3A_4, %dma_wait3A_34] : memref<10240x8xf32, #tpu.memory_space<vmem_shared>> -> memref<128x8xf32, #tpu.memory_space<vmem_shared>>
      %dma_wait3A_36 = arith.constant 0 : i32
      %dma_wait3A_37 = arith.constant 0 : i32
      %dma_wait3A_38 = tpu.memref_slice %arg8[%dma_wait3A_36, %dma_wait3A_37] : memref<640x8xf32, #tpu.memory_space<vmem>> -> memref<128x8xf32, #tpu.memory_space<vmem>>
      tpu.wait_dma2 semaphore(%run_scoped3A : memref<!tpu.dma_semaphore, #tpu.memory_space<semaphore_mem>>) src(%dma_wait3A_38 : memref<128x8xf32, #tpu.memory_space<vmem>>) dst(%dma_wait3A_35 : memref<128x8xf32, #tpu.memory_space<vmem_shared>>)
      tpu.yield
    }) : () -> ()
    %add3A_5 = arith.constant 128 : i32
    %add3A_6 = arith.addi %mul3A_2, %add3A_5 : i32
    "tpu.region"() ({
      %run_scoped3A = tpu.sem_alloc : memref<!tpu.dma_semaphore, #tpu.memory_space<semaphore_mem>>
      %dma_start3A = arith.constant 0 : i32
      %dma_start3A_21 = arith.constant 0 : i32
      %dma_start3A_22 = tpu.memref_slice %arg8[%dma_start3A, %dma_start3A_21] : memref<640x8xf32, #tpu.memory_space<vmem>> -> memref<128x8xf32, #tpu.memory_space<vmem>>
      %dma_start3A_23 = arith.constant 0 : i32
      %dma_start3A_24 = tpu.memref_slice %arg9[%add3A_6, %dma_start3A_23] : memref<10240x8xf32, #tpu.memory_space<vmem_shared>> -> memref<128x8xf32, #tpu.memory_space<vmem_shared>>
      %dma_start3A_25 = arith.constant 0 : i32
      %dma_start3A_26 = tpu.memref_slice %arg9[%add3A_6, %dma_start3A_25] : memref<10240x8xf32, #tpu.memory_space<vmem_shared>> -> memref<128x8xf32, #tpu.memory_space<vmem_shared>>
      %dma_start3A_27 = arith.constant 0 : i32
      %dma_start3A_28 = arith.constant 0 : i32
      %dma_start3A_29 = tpu.memref_slice %arg8[%dma_start3A_27, %dma_start3A_28] : memref<640x8xf32, #tpu.memory_space<vmem>> -> memref<128x8xf32, #tpu.memory_space<vmem>>
      tpu.enqueue_dma source(%dma_start3A_29 : memref<128x8xf32, #tpu.memory_space<vmem>>) target(%dma_start3A_26 : memref<128x8xf32, #tpu.memory_space<vmem_shared>>) target_semaphore(%run_scoped3A : memref<!tpu.dma_semaphore, #tpu.memory_space<semaphore_mem>>)
      %dma_wait3A = arith.constant 0 : i32
      %dma_wait3A_30 = arith.constant 0 : i32
      %dma_wait3A_31 = tpu.memref_slice %arg8[%dma_wait3A, %dma_wait3A_30] : memref<640x8xf32, #tpu.memory_space<vmem>> -> memref<128x8xf32, #tpu.memory_space<vmem>>
      %dma_wait3A_32 = arith.constant 0 : i32
      %dma_wait3A_33 = tpu.memref_slice %arg9[%add3A_6, %dma_wait3A_32] : memref<10240x8xf32, #tpu.memory_space<vmem_shared>> -> memref<128x8xf32, #tpu.memory_space<vmem_shared>>
      %dma_wait3A_34 = arith.constant 0 : i32
      %dma_wait3A_35 = tpu.memref_slice %arg9[%add3A_6, %dma_wait3A_34] : memref<10240x8xf32, #tpu.memory_space<vmem_shared>> -> memref<128x8xf32, #tpu.memory_space<vmem_shared>>
      %dma_wait3A_36 = arith.constant 0 : i32
      %dma_wait3A_37 = arith.constant 0 : i32
      %dma_wait3A_38 = tpu.memref_slice %arg8[%dma_wait3A_36, %dma_wait3A_37] : memref<640x8xf32, #tpu.memory_space<vmem>> -> memref<128x8xf32, #tpu.memory_space<vmem>>
      tpu.wait_dma2 semaphore(%run_scoped3A : memref<!tpu.dma_semaphore, #tpu.memory_space<semaphore_mem>>) src(%dma_wait3A_38 : memref<128x8xf32, #tpu.memory_space<vmem>>) dst(%dma_wait3A_35 : memref<128x8xf32, #tpu.memory_space<vmem_shared>>)
      tpu.yield
    }) : () -> ()
    %add3A_7 = arith.constant 256 : i32
    %add3A_8 = arith.addi %mul3A_2, %add3A_7 : i32
    "tpu.region"() ({
      %run_scoped3A = tpu.sem_alloc : memref<!tpu.dma_semaphore, #tpu.memory_space<semaphore_mem>>
      %dma_start3A = arith.constant 0 : i32
      %dma_start3A_21 = arith.constant 0 : i32
      %dma_start3A_22 = tpu.memref_slice %arg8[%dma_start3A, %dma_start3A_21] : memref<640x8xf32, #tpu.memory_space<vmem>> -> memref<128x8xf32, #tpu.memory_space<vmem>>
      %dma_start3A_23 = arith.constant 0 : i32
      %dma_start3A_24 = tpu.memref_slice %arg9[%add3A_8, %dma_start3A_23] : memref<10240x8xf32, #tpu.memory_space<vmem_shared>> -> memref<128x8xf32, #tpu.memory_space<vmem_shared>>
      %dma_start3A_25 = arith.constant 0 : i32
      %dma_start3A_26 = tpu.memref_slice %arg9[%add3A_8, %dma_start3A_25] : memref<10240x8xf32, #tpu.memory_space<vmem_shared>> -> memref<128x8xf32, #tpu.memory_space<vmem_shared>>
      %dma_start3A_27 = arith.constant 0 : i32
      %dma_start3A_28 = arith.constant 0 : i32
      %dma_start3A_29 = tpu.memref_slice %arg8[%dma_start3A_27, %dma_start3A_28] : memref<640x8xf32, #tpu.memory_space<vmem>> -> memref<128x8xf32, #tpu.memory_space<vmem>>
      tpu.enqueue_dma source(%dma_start3A_29 : memref<128x8xf32, #tpu.memory_space<vmem>>) target(%dma_start3A_26 : memref<128x8xf32, #tpu.memory_space<vmem_shared>>) target_semaphore(%run_scoped3A : memref<!tpu.dma_semaphore, #tpu.memory_space<semaphore_mem>>)
      %dma_wait3A = arith.constant 0 : i32
      %dma_wait3A_30 = arith.constant 0 : i32
      %dma_wait3A_31 = tpu.memref_slice %arg8[%dma_wait3A, %dma_wait3A_30] : memref<640x8xf32, #tpu.memory_space<vmem>> -> memref<128x8xf32, #tpu.memory_space<vmem>>
      %dma_wait3A_32 = arith.constant 0 : i32
      %dma_wait3A_33 = tpu.memref_slice %arg9[%add3A_8, %dma_wait3A_32] : memref<10240x8xf32, #tpu.memory_space<vmem_shared>> -> memref<128x8xf32, #tpu.memory_space<vmem_shared>>
      %dma_wait3A_34 = arith.constant 0 : i32
      %dma_wait3A_35 = tpu.memref_slice %arg9[%add3A_8, %dma_wait3A_34] : memref<10240x8xf32, #tpu.memory_space<vmem_shared>> -> memref<128x8xf32, #tpu.memory_space<vmem_shared>>
      %dma_wait3A_36 = arith.constant 0 : i32
      %dma_wait3A_37 = arith.constant 0 : i32
      %dma_wait3A_38 = tpu.memref_slice %arg8[%dma_wait3A_36, %dma_wait3A_37] : memref<640x8xf32, #tpu.memory_space<vmem>> -> memref<128x8xf32, #tpu.memory_space<vmem>>
      tpu.wait_dma2 semaphore(%run_scoped3A : memref<!tpu.dma_semaphore, #tpu.memory_space<semaphore_mem>>) src(%dma_wait3A_38 : memref<128x8xf32, #tpu.memory_space<vmem>>) dst(%dma_wait3A_35 : memref<128x8xf32, #tpu.memory_space<vmem_shared>>)
      tpu.yield
    }) : () -> ()
    %add3A_9 = arith.constant 384 : i32
    %add3A_10 = arith.addi %mul3A_2, %add3A_9 : i32
    "tpu.region"() ({
      %run_scoped3A = tpu.sem_alloc : memref<!tpu.dma_semaphore, #tpu.memory_space<semaphore_mem>>
      %dma_start3A = arith.constant 0 : i32
      %dma_start3A_21 = arith.constant 0 : i32
      %dma_start3A_22 = tpu.memref_slice %arg8[%dma_start3A, %dma_start3A_21] : memref<640x8xf32, #tpu.memory_space<vmem>> -> memref<128x8xf32, #tpu.memory_space<vmem>>
      %dma_start3A_23 = arith.constant 0 : i32
      %dma_start3A_24 = tpu.memref_slice %arg9[%add3A_10, %dma_start3A_23] : memref<10240x8xf32, #tpu.memory_space<vmem_shared>> -> memref<128x8xf32, #tpu.memory_space<vmem_shared>>
      %dma_start3A_25 = arith.constant 0 : i32
      %dma_start3A_26 = tpu.memref_slice %arg9[%add3A_10, %dma_start3A_25] : memref<10240x8xf32, #tpu.memory_space<vmem_shared>> -> memref<128x8xf32, #tpu.memory_space<vmem_shared>>
      %dma_start3A_27 = arith.constant 0 : i32
      %dma_start3A_28 = arith.constant 0 : i32
      %dma_start3A_29 = tpu.memref_slice %arg8[%dma_start3A_27, %dma_start3A_28] : memref<640x8xf32, #tpu.memory_space<vmem>> -> memref<128x8xf32, #tpu.memory_space<vmem>>
      tpu.enqueue_dma source(%dma_start3A_29 : memref<128x8xf32, #tpu.memory_space<vmem>>) target(%dma_start3A_26 : memref<128x8xf32, #tpu.memory_space<vmem_shared>>) target_semaphore(%run_scoped3A : memref<!tpu.dma_semaphore, #tpu.memory_space<semaphore_mem>>)
      %dma_wait3A = arith.constant 0 : i32
      %dma_wait3A_30 = arith.constant 0 : i32
      %dma_wait3A_31 = tpu.memref_slice %arg8[%dma_wait3A, %dma_wait3A_30] : memref<640x8xf32, #tpu.memory_space<vmem>> -> memref<128x8xf32, #tpu.memory_space<vmem>>
      %dma_wait3A_32 = arith.constant 0 : i32
      %dma_wait3A_33 = tpu.memref_slice %arg9[%add3A_10, %dma_wait3A_32] : memref<10240x8xf32, #tpu.memory_space<vmem_shared>> -> memref<128x8xf32, #tpu.memory_space<vmem_shared>>
      %dma_wait3A_34 = arith.constant 0 : i32
      %dma_wait3A_35 = tpu.memref_slice %arg9[%add3A_10, %dma_wait3A_34] : memref<10240x8xf32, #tpu.memory_space<vmem_shared>> -> memref<128x8xf32, #tpu.memory_space<vmem_shared>>
      %dma_wait3A_36 = arith.constant 0 : i32
      %dma_wait3A_37 = arith.constant 0 : i32
      %dma_wait3A_38 = tpu.memref_slice %arg8[%dma_wait3A_36, %dma_wait3A_37] : memref<640x8xf32, #tpu.memory_space<vmem>> -> memref<128x8xf32, #tpu.memory_space<vmem>>
      tpu.wait_dma2 semaphore(%run_scoped3A : memref<!tpu.dma_semaphore, #tpu.memory_space<semaphore_mem>>) src(%dma_wait3A_38 : memref<128x8xf32, #tpu.memory_space<vmem>>) dst(%dma_wait3A_35 : memref<128x8xf32, #tpu.memory_space<vmem_shared>>)
      tpu.yield
    }) : () -> ()
    %add3A_11 = arith.constant 512 : i32
    %add3A_12 = arith.addi %mul3A_2, %add3A_11 : i32
    "tpu.region"() ({
      %run_scoped3A = tpu.sem_alloc : memref<!tpu.dma_semaphore, #tpu.memory_space<semaphore_mem>>
      %dma_start3A = arith.constant 0 : i32
      %dma_start3A_21 = arith.constant 0 : i32
      %dma_start3A_22 = tpu.memref_slice %arg8[%dma_start3A, %dma_start3A_21] : memref<640x8xf32, #tpu.memory_space<vmem>> -> memref<128x8xf32, #tpu.memory_space<vmem>>
      %dma_start3A_23 = arith.constant 0 : i32
      %dma_start3A_24 = tpu.memref_slice %arg9[%add3A_12, %dma_start3A_23] : memref<10240x8xf32, #tpu.memory_space<vmem_shared>> -> memref<128x8xf32, #tpu.memory_space<vmem_shared>>
      %dma_start3A_25 = arith.constant 0 : i32
      %dma_start3A_26 = tpu.memref_slice %arg9[%add3A_12, %dma_start3A_25] : memref<10240x8xf32, #tpu.memory_space<vmem_shared>> -> memref<128x8xf32, #tpu.memory_space<vmem_shared>>
      %dma_start3A_27 = arith.constant 0 : i32
      %dma_start3A_28 = arith.constant 0 : i32
      %dma_start3A_29 = tpu.memref_slice %arg8[%dma_start3A_27, %dma_start3A_28] : memref<640x8xf32, #tpu.memory_space<vmem>> -> memref<128x8xf32, #tpu.memory_space<vmem>>
      tpu.enqueue_dma source(%dma_start3A_29 : memref<128x8xf32, #tpu.memory_space<vmem>>) target(%dma_start3A_26 : memref<128x8xf32, #tpu.memory_space<vmem_shared>>) target_semaphore(%run_scoped3A : memref<!tpu.dma_semaphore, #tpu.memory_space<semaphore_mem>>)
      %dma_wait3A = arith.constant 0 : i32
      %dma_wait3A_30 = arith.constant 0 : i32
      %dma_wait3A_31 = tpu.memref_slice %arg8[%dma_wait3A, %dma_wait3A_30] : memref<640x8xf32, #tpu.memory_space<vmem>> -> memref<128x8xf32, #tpu.memory_space<vmem>>
      %dma_wait3A_32 = arith.constant 0 : i32
      %dma_wait3A_33 = tpu.memref_slice %arg9[%add3A_12, %dma_wait3A_32] : memref<10240x8xf32, #tpu.memory_space<vmem_shared>> -> memref<128x8xf32, #tpu.memory_space<vmem_shared>>
      %dma_wait3A_34 = arith.constant 0 : i32
      %dma_wait3A_35 = tpu.memref_slice %arg9[%add3A_12, %dma_wait3A_34] : memref<10240x8xf32, #tpu.memory_space<vmem_shared>> -> memref<128x8xf32, #tpu.memory_space<vmem_shared>>
      %dma_wait3A_36 = arith.constant 0 : i32
      %dma_wait3A_37 = arith.constant 0 : i32
      %dma_wait3A_38 = tpu.memref_slice %arg8[%dma_wait3A_36, %dma_wait3A_37] : memref<640x8xf32, #tpu.memory_space<vmem>> -> memref<128x8xf32, #tpu.memory_space<vmem>>
      tpu.wait_dma2 semaphore(%run_scoped3A : memref<!tpu.dma_semaphore, #tpu.memory_space<semaphore_mem>>) src(%dma_wait3A_38 : memref<128x8xf32, #tpu.memory_space<vmem>>) dst(%dma_wait3A_35 : memref<128x8xf32, #tpu.memory_space<vmem_shared>>)
      tpu.yield
    }) : () -> ()
    "tpu.region"() ({
      %run_scoped3A = tpu.sem_alloc : memref<!tpu.dma_semaphore, #tpu.memory_space<semaphore_mem>>
      tpu.enqueue_dma source(%arg3 : memref<128x8xf32, #tpu.memory_space<hbm>>) target(%arg7 : memref<128x8xf32, #tpu.memory_space<vmem>>) target_semaphore(%run_scoped3A : memref<!tpu.dma_semaphore, #tpu.memory_space<semaphore_mem>>)
      tpu.wait_dma2 semaphore(%run_scoped3A : memref<!tpu.dma_semaphore, #tpu.memory_space<semaphore_mem>>) src(%arg3 : memref<128x8xf32, #tpu.memory_space<hbm>>) dst(%arg7 : memref<128x8xf32, #tpu.memory_space<vmem>>)
      tpu.yield
    }) : () -> ()
    %mul3A_13 = arith.constant 79 : i32
    %mul3A_14 = arith.muli %add3A, %mul3A_13 : i32
    "tpu.region"() ({
      %run_scoped3A = tpu.sem_alloc : memref<!tpu.dma_semaphore, #tpu.memory_space<semaphore_mem>>
      %dma_start3A = arith.constant 0 : i32
      %dma_start3A_21 = tpu.memref_slice %arg2[%mul3A_14, %dma_start3A] : memref<2528x128xi32, #tpu.memory_space<hbm>> -> memref<79x128xi32, #tpu.memory_space<hbm>>
      %dma_start3A_22 = arith.constant 0 : i32
      %dma_start3A_23 = tpu.memref_slice %arg2[%mul3A_14, %dma_start3A_22] : memref<2528x128xi32, #tpu.memory_space<hbm>> -> memref<79x128xi32, #tpu.memory_space<hbm>>
      tpu.enqueue_dma source(%dma_start3A_23 : memref<79x128xi32, #tpu.memory_space<hbm>>) target(%arg6 : memref<79x128xi32, #tpu.memory_space<vmem>>) target_semaphore(%run_scoped3A : memref<!tpu.dma_semaphore, #tpu.memory_space<semaphore_mem>>)
      %dma_wait3A = arith.constant 0 : i32
      %dma_wait3A_24 = tpu.memref_slice %arg2[%mul3A_14, %dma_wait3A] : memref<2528x128xi32, #tpu.memory_space<hbm>> -> memref<79x128xi32, #tpu.memory_space<hbm>>
      %dma_wait3A_25 = arith.constant 0 : i32
      %dma_wait3A_26 = tpu.memref_slice %arg2[%mul3A_14, %dma_wait3A_25] : memref<2528x128xi32, #tpu.memory_space<hbm>> -> memref<79x128xi32, #tpu.memory_space<hbm>>
      tpu.wait_dma2 semaphore(%run_scoped3A : memref<!tpu.dma_semaphore, #tpu.memory_space<semaphore_mem>>) src(%dma_wait3A_26 : memref<79x128xi32, #tpu.memory_space<hbm>>) dst(%arg6 : memref<79x128xi32, #tpu.memory_space<vmem>>)
      tpu.yield
    }) : () -> ()
    %barrier3A = arith.constant 0 : index
    tpu.barrier barrier_id(%barrier3A)
    %scan3A = arith.constant 0 : i32
    %scan3A_15 = arith.constant 0 : i32
    %scan3A_16 = arith.constant 79 : i32
    %scan3A_17 = arith.addi %scan3A_15, %scan3A_16 : i32
    %scan3A_18 = arith.constant 1 : i32
    scf.for %scan3A_21 = %scan3A_15 to %scan3A_17 step %scan3A_18  : i32 {
      "tpu.region"() ({
        %run_scoped3A = tpu.sem_alloc : memref<!tpu.dma_semaphore, #tpu.memory_space<semaphore_mem>>
        %dma_start3A = arith.constant 0 : i32
        %dma_start3A_22 = tpu.memref_slice %arg6[%scan3A_21, %dma_start3A] : memref<79x128xi32, #tpu.memory_space<vmem>> -> memref<1x128xi32, #tpu.memory_space<vmem>>
        %dma_start3A_23 = tpu.memref_squeeze %dma_start3A_22 : memref<1x128xi32, #tpu.memory_space<vmem>> -> memref<128xi32, #tpu.memory_space<vmem>>
        %dma_start3A_24 = arith.constant 0 : i32
        %dma_start3A_25 = arith.constant 0 : i32
        %dma_start3A_26 = tpu.memref_slice %arg9[%dma_start3A_24, %dma_start3A_25] : memref<10240x8xf32, #tpu.memory_space<vmem_shared>> -> memref<10240x8xf32, #tpu.memory_space<vmem_shared>>
        tpu.enqueue_indirect_dma source(%arg7 : memref<128x8xf32, #tpu.memory_space<vmem>>) target(%dma_start3A_26 : memref<10240x8xf32, #tpu.memory_space<vmem_shared>>) offsets(%dma_start3A_23 : memref<128xi32, #tpu.memory_space<vmem>>) semaphore(%run_scoped3A : memref<!tpu.dma_semaphore, #tpu.memory_space<semaphore_mem>>) {add = true}
        %dma_wait3A = arith.constant 0 : i32
        %dma_wait3A_27 = tpu.memref_slice %arg6[%scan3A_21, %dma_wait3A] : memref<79x128xi32, #tpu.memory_space<vmem>> -> memref<1x128xi32, #tpu.memory_space<vmem>>
        %dma_wait3A_28 = tpu.memref_squeeze %dma_wait3A_27 : memref<1x128xi32, #tpu.memory_space<vmem>> -> memref<128xi32, #tpu.memory_space<vmem>>
        %dma_wait3A_29 = arith.constant 0 : i32
        %dma_wait3A_30 = arith.constant 0 : i32
        %dma_wait3A_31 = tpu.memref_slice %arg9[%dma_wait3A_29, %dma_wait3A_30] : memref<10240x8xf32, #tpu.memory_space<vmem_shared>> -> memref<10240x8xf32, #tpu.memory_space<vmem_shared>>
        tpu.wait_indirect_dma semaphore(%run_scoped3A : memref<!tpu.dma_semaphore, #tpu.memory_space<semaphore_mem>>) src(%arg7 : memref<128x8xf32, #tpu.memory_space<vmem>>) dst(%dma_wait3A_31 : memref<10240x8xf32, #tpu.memory_space<vmem_shared>>)
        tpu.yield
      }) : () -> ()
    }
    %scan3A_19 = arith.constant 79 : i32
    %barrier3A_20 = arith.constant 0 : index
    tpu.barrier barrier_id(%barrier3A_20)
    "tpu.region"() ({
      %run_scoped3A = tpu.sem_alloc : memref<!tpu.dma_semaphore, #tpu.memory_space<semaphore_mem>>
      %dma_start3A = arith.constant 0 : i32
      %dma_start3A_21 = tpu.memref_slice %arg9[%mul3A_2, %dma_start3A] : memref<10240x8xf32, #tpu.memory_space<vmem_shared>> -> memref<640x8xf32, #tpu.memory_space<vmem_shared>>
      %dma_start3A_22 = arith.constant 0 : i32
      %dma_start3A_23 = tpu.memref_slice %arg9[%mul3A_2, %dma_start3A_22] : memref<10240x8xf32, #tpu.memory_space<vmem_shared>> -> memref<640x8xf32, #tpu.memory_space<vmem_shared>>
      tpu.enqueue_dma source(%dma_start3A_23 : memref<640x8xf32, #tpu.memory_space<vmem_shared>>) target(%arg8 : memref<640x8xf32, #tpu.memory_space<vmem>>) target_semaphore(%run_scoped3A : memref<!tpu.dma_semaphore, #tpu.memory_space<semaphore_mem>>)
      %dma_wait3A = arith.constant 0 : i32
      %dma_wait3A_24 = tpu.memref_slice %arg9[%mul3A_2, %dma_wait3A] : memref<10240x8xf32, #tpu.memory_space<vmem_shared>> -> memref<640x8xf32, #tpu.memory_space<vmem_shared>>
      %dma_wait3A_25 = arith.constant 0 : i32
      %dma_wait3A_26 = tpu.memref_slice %arg9[%mul3A_2, %dma_wait3A_25] : memref<10240x8xf32, #tpu.memory_space<vmem_shared>> -> memref<640x8xf32, #tpu.memory_space<vmem_shared>>
      tpu.wait_dma2 semaphore(%run_scoped3A : memref<!tpu.dma_semaphore, #tpu.memory_space<semaphore_mem>>) src(%dma_wait3A_26 : memref<640x8xf32, #tpu.memory_space<vmem_shared>>) dst(%arg8 : memref<640x8xf32, #tpu.memory_space<vmem>>)
      tpu.yield
    }) : () -> ()
    "tpu.region"() ({
      %run_scoped3A = tpu.sem_alloc : memref<!tpu.dma_semaphore, #tpu.memory_space<semaphore_mem>>
      %dma_start3A = arith.constant 0 : i32
      %dma_start3A_21 = tpu.memref_slice %arg5[%arg0, %mul3A_2, %dma_start3A] : memref<2x10240x8xf32, #tpu.memory_space<hbm>> -> memref<1x640x8xf32, #tpu.memory_space<hbm>>
      %dma_start3A_22 = tpu.memref_squeeze %dma_start3A_21 : memref<1x640x8xf32, #tpu.memory_space<hbm>> -> memref<640x8xf32, #tpu.memory_space<hbm>>
      %dma_start3A_23 = arith.constant 0 : i32
      %dma_start3A_24 = tpu.memref_slice %arg5[%arg0, %mul3A_2, %dma_start3A_23] : memref<2x10240x8xf32, #tpu.memory_space<hbm>> -> memref<1x640x8xf32, #tpu.memory_space<hbm>>
      %dma_start3A_25 = tpu.memref_squeeze %dma_start3A_24 : memref<1x640x8xf32, #tpu.memory_space<hbm>> -> memref<640x8xf32, #tpu.memory_space<hbm>>
      tpu.enqueue_dma source(%arg8 : memref<640x8xf32, #tpu.memory_space<vmem>>) target(%dma_start3A_25 : memref<640x8xf32, #tpu.memory_space<hbm>>) target_semaphore(%run_scoped3A : memref<!tpu.dma_semaphore, #tpu.memory_space<semaphore_mem>>)
      %dma_wait3A = arith.constant 0 : i32
      %dma_wait3A_26 = tpu.memref_slice %arg5[%arg0, %mul3A_2, %dma_wait3A] : memref<2x10240x8xf32, #tpu.memory_space<hbm>> -> memref<1x640x8xf32, #tpu.memory_space<hbm>>
      %dma_wait3A_27 = tpu.memref_squeeze %dma_wait3A_26 : memref<1x640x8xf32, #tpu.memory_space<hbm>> -> memref<640x8xf32, #tpu.memory_space<hbm>>
      %dma_wait3A_28 = arith.constant 0 : i32
      %dma_wait3A_29 = tpu.memref_slice %arg5[%arg0, %mul3A_2, %dma_wait3A_28] : memref<2x10240x8xf32, #tpu.memory_space<hbm>> -> memref<1x640x8xf32, #tpu.memory_space<hbm>>
      %dma_wait3A_30 = tpu.memref_squeeze %dma_wait3A_29 : memref<1x640x8xf32, #tpu.memory_space<hbm>> -> memref<640x8xf32, #tpu.memory_space<hbm>>
      tpu.wait_dma2 semaphore(%run_scoped3A : memref<!tpu.dma_semaphore, #tpu.memory_space<semaphore_mem>>) src(%arg8 : memref<640x8xf32, #tpu.memory_space<vmem>>) dst(%dma_wait3A_30 : memref<640x8xf32, #tpu.memory_space<hbm>>)
      tpu.yield
    }) : () -> ()
    return
  }
}

#map = affine_map<(d0, d1) -> (0, 0)>
#map1 = affine_map<(d0, d1) -> (0, 0, 0)>
module attributes {stable_mosaic.version = 14 : i64} {
  func.func @_sc_agg_body(%arg0: i32, %arg1: i32, %arg2: memref<10240x8xf32, #tpu.memory_space<hbm>>, %arg3: memref<2528x128xi32, #tpu.memory_space<hbm>>, %arg4: memref<2528x128xi32, #tpu.memory_space<hbm>>, %arg5: memref<128x8xf32, #tpu.memory_space<hbm>>, %arg6: memref<2x10240x8xf32, #tpu.memory_space<hbm>>, %arg7: memref<95x128xi32, #tpu.memory_space<vmem>>, %arg8: memref<95x128xi32, #tpu.memory_space<vmem>>, %arg9: memref<128x8xf32, #tpu.memory_space<vmem>>, %arg10: memref<128x8xf32, #tpu.memory_space<vmem>>, %arg11: memref<128x8xf32, #tpu.memory_space<vmem>>, %arg12: memref<128x8xf32, #tpu.memory_space<vmem>>, %arg13: memref<640x8xf32, #tpu.memory_space<vmem>>, %arg14: memref<!tpu.dma_semaphore, #tpu.memory_space<semaphore_mem>>, %arg15: memref<!tpu.dma_semaphore, #tpu.memory_space<semaphore_mem>>, %arg16: memref<!tpu.dma_semaphore, #tpu.memory_space<semaphore_mem>>, %arg17: memref<!tpu.dma_semaphore, #tpu.memory_space<semaphore_mem>>, %arg18: memref<!tpu.dma_semaphore, #tpu.memory_space<semaphore_mem>>, %arg19: memref<!tpu.dma_semaphore, #tpu.memory_space<semaphore_mem>>, %arg20: memref<!tpu.dma_semaphore, #tpu.memory_space<semaphore_mem>>, %arg21: memref<!tpu.dma_semaphore, #tpu.memory_space<semaphore_mem>>, %arg22: memref<10240x8xf32, #tpu.memory_space<vmem_shared>>) attributes {dimension_semantics = [#tpu.dimension_semantics<core_parallel>, #tpu.dimension_semantics<subcore_parallel>], iteration_bounds = array<i64: 2, 16>, scalar_prefetch = 0 : i64, scratch_operands = 16 : i64, tpu.core_type = #tpu.core_type<sc_vector_subcore>, window_params = [{transform_indices = #map}, {transform_indices = #map}, {transform_indices = #map}, {transform_indices = #map}, {transform_indices = #map1}]} {
    %mul3A = arith.constant 16 : i32
    %mul3A_0 = arith.muli %arg0, %mul3A : i32
    %add3A = arith.addi %mul3A_0, %arg1 : i32
    %mul3A_1 = arith.constant 640 : i32
    %mul3A_2 = arith.muli %arg1, %mul3A_1 : i32
    "tpu.region"() ({
      %run_scoped3A = tpu.sem_alloc : memref<!tpu.dma_semaphore, #tpu.memory_space<semaphore_mem>>
      tpu.enqueue_dma source(%arg5 : memref<128x8xf32, #tpu.memory_space<hbm>>) target(%arg9 : memref<128x8xf32, #tpu.memory_space<vmem>>) target_semaphore(%run_scoped3A : memref<!tpu.dma_semaphore, #tpu.memory_space<semaphore_mem>>)
      tpu.wait_dma2 semaphore(%run_scoped3A : memref<!tpu.dma_semaphore, #tpu.memory_space<semaphore_mem>>) src(%arg5 : memref<128x8xf32, #tpu.memory_space<hbm>>) dst(%arg9 : memref<128x8xf32, #tpu.memory_space<vmem>>)
      tpu.yield
    }) : () -> ()
    %add3A_3 = arith.constant 0 : i32
    %add3A_4 = arith.addi %mul3A_2, %add3A_3 : i32
    "tpu.region"() ({
      %run_scoped3A = tpu.sem_alloc : memref<!tpu.dma_semaphore, #tpu.memory_space<semaphore_mem>>
      %dma_start3A = arith.constant 0 : i32
      %dma_start3A_21 = tpu.memref_slice %arg22[%add3A_4, %dma_start3A] : memref<10240x8xf32, #tpu.memory_space<vmem_shared>> -> memref<128x8xf32, #tpu.memory_space<vmem_shared>>
      %dma_start3A_22 = arith.constant 0 : i32
      %dma_start3A_23 = tpu.memref_slice %arg22[%add3A_4, %dma_start3A_22] : memref<10240x8xf32, #tpu.memory_space<vmem_shared>> -> memref<128x8xf32, #tpu.memory_space<vmem_shared>>
      tpu.enqueue_dma source(%arg9 : memref<128x8xf32, #tpu.memory_space<vmem>>) target(%dma_start3A_23 : memref<128x8xf32, #tpu.memory_space<vmem_shared>>) target_semaphore(%run_scoped3A : memref<!tpu.dma_semaphore, #tpu.memory_space<semaphore_mem>>)
      %dma_wait3A = arith.constant 0 : i32
      %dma_wait3A_24 = tpu.memref_slice %arg22[%add3A_4, %dma_wait3A] : memref<10240x8xf32, #tpu.memory_space<vmem_shared>> -> memref<128x8xf32, #tpu.memory_space<vmem_shared>>
      %dma_wait3A_25 = arith.constant 0 : i32
      %dma_wait3A_26 = tpu.memref_slice %arg22[%add3A_4, %dma_wait3A_25] : memref<10240x8xf32, #tpu.memory_space<vmem_shared>> -> memref<128x8xf32, #tpu.memory_space<vmem_shared>>
      tpu.wait_dma2 semaphore(%run_scoped3A : memref<!tpu.dma_semaphore, #tpu.memory_space<semaphore_mem>>) src(%arg9 : memref<128x8xf32, #tpu.memory_space<vmem>>) dst(%dma_wait3A_26 : memref<128x8xf32, #tpu.memory_space<vmem_shared>>)
      tpu.yield
    }) : () -> ()
    %add3A_5 = arith.constant 128 : i32
    %add3A_6 = arith.addi %mul3A_2, %add3A_5 : i32
    "tpu.region"() ({
      %run_scoped3A = tpu.sem_alloc : memref<!tpu.dma_semaphore, #tpu.memory_space<semaphore_mem>>
      %dma_start3A = arith.constant 0 : i32
      %dma_start3A_21 = tpu.memref_slice %arg22[%add3A_6, %dma_start3A] : memref<10240x8xf32, #tpu.memory_space<vmem_shared>> -> memref<128x8xf32, #tpu.memory_space<vmem_shared>>
      %dma_start3A_22 = arith.constant 0 : i32
      %dma_start3A_23 = tpu.memref_slice %arg22[%add3A_6, %dma_start3A_22] : memref<10240x8xf32, #tpu.memory_space<vmem_shared>> -> memref<128x8xf32, #tpu.memory_space<vmem_shared>>
      tpu.enqueue_dma source(%arg9 : memref<128x8xf32, #tpu.memory_space<vmem>>) target(%dma_start3A_23 : memref<128x8xf32, #tpu.memory_space<vmem_shared>>) target_semaphore(%run_scoped3A : memref<!tpu.dma_semaphore, #tpu.memory_space<semaphore_mem>>)
      %dma_wait3A = arith.constant 0 : i32
      %dma_wait3A_24 = tpu.memref_slice %arg22[%add3A_6, %dma_wait3A] : memref<10240x8xf32, #tpu.memory_space<vmem_shared>> -> memref<128x8xf32, #tpu.memory_space<vmem_shared>>
      %dma_wait3A_25 = arith.constant 0 : i32
      %dma_wait3A_26 = tpu.memref_slice %arg22[%add3A_6, %dma_wait3A_25] : memref<10240x8xf32, #tpu.memory_space<vmem_shared>> -> memref<128x8xf32, #tpu.memory_space<vmem_shared>>
      tpu.wait_dma2 semaphore(%run_scoped3A : memref<!tpu.dma_semaphore, #tpu.memory_space<semaphore_mem>>) src(%arg9 : memref<128x8xf32, #tpu.memory_space<vmem>>) dst(%dma_wait3A_26 : memref<128x8xf32, #tpu.memory_space<vmem_shared>>)
      tpu.yield
    }) : () -> ()
    %add3A_7 = arith.constant 256 : i32
    %add3A_8 = arith.addi %mul3A_2, %add3A_7 : i32
    "tpu.region"() ({
      %run_scoped3A = tpu.sem_alloc : memref<!tpu.dma_semaphore, #tpu.memory_space<semaphore_mem>>
      %dma_start3A = arith.constant 0 : i32
      %dma_start3A_21 = tpu.memref_slice %arg22[%add3A_8, %dma_start3A] : memref<10240x8xf32, #tpu.memory_space<vmem_shared>> -> memref<128x8xf32, #tpu.memory_space<vmem_shared>>
      %dma_start3A_22 = arith.constant 0 : i32
      %dma_start3A_23 = tpu.memref_slice %arg22[%add3A_8, %dma_start3A_22] : memref<10240x8xf32, #tpu.memory_space<vmem_shared>> -> memref<128x8xf32, #tpu.memory_space<vmem_shared>>
      tpu.enqueue_dma source(%arg9 : memref<128x8xf32, #tpu.memory_space<vmem>>) target(%dma_start3A_23 : memref<128x8xf32, #tpu.memory_space<vmem_shared>>) target_semaphore(%run_scoped3A : memref<!tpu.dma_semaphore, #tpu.memory_space<semaphore_mem>>)
      %dma_wait3A = arith.constant 0 : i32
      %dma_wait3A_24 = tpu.memref_slice %arg22[%add3A_8, %dma_wait3A] : memref<10240x8xf32, #tpu.memory_space<vmem_shared>> -> memref<128x8xf32, #tpu.memory_space<vmem_shared>>
      %dma_wait3A_25 = arith.constant 0 : i32
      %dma_wait3A_26 = tpu.memref_slice %arg22[%add3A_8, %dma_wait3A_25] : memref<10240x8xf32, #tpu.memory_space<vmem_shared>> -> memref<128x8xf32, #tpu.memory_space<vmem_shared>>
      tpu.wait_dma2 semaphore(%run_scoped3A : memref<!tpu.dma_semaphore, #tpu.memory_space<semaphore_mem>>) src(%arg9 : memref<128x8xf32, #tpu.memory_space<vmem>>) dst(%dma_wait3A_26 : memref<128x8xf32, #tpu.memory_space<vmem_shared>>)
      tpu.yield
    }) : () -> ()
    %add3A_9 = arith.constant 384 : i32
    %add3A_10 = arith.addi %mul3A_2, %add3A_9 : i32
    "tpu.region"() ({
      %run_scoped3A = tpu.sem_alloc : memref<!tpu.dma_semaphore, #tpu.memory_space<semaphore_mem>>
      %dma_start3A = arith.constant 0 : i32
      %dma_start3A_21 = tpu.memref_slice %arg22[%add3A_10, %dma_start3A] : memref<10240x8xf32, #tpu.memory_space<vmem_shared>> -> memref<128x8xf32, #tpu.memory_space<vmem_shared>>
      %dma_start3A_22 = arith.constant 0 : i32
      %dma_start3A_23 = tpu.memref_slice %arg22[%add3A_10, %dma_start3A_22] : memref<10240x8xf32, #tpu.memory_space<vmem_shared>> -> memref<128x8xf32, #tpu.memory_space<vmem_shared>>
      tpu.enqueue_dma source(%arg9 : memref<128x8xf32, #tpu.memory_space<vmem>>) target(%dma_start3A_23 : memref<128x8xf32, #tpu.memory_space<vmem_shared>>) target_semaphore(%run_scoped3A : memref<!tpu.dma_semaphore, #tpu.memory_space<semaphore_mem>>)
      %dma_wait3A = arith.constant 0 : i32
      %dma_wait3A_24 = tpu.memref_slice %arg22[%add3A_10, %dma_wait3A] : memref<10240x8xf32, #tpu.memory_space<vmem_shared>> -> memref<128x8xf32, #tpu.memory_space<vmem_shared>>
      %dma_wait3A_25 = arith.constant 0 : i32
      %dma_wait3A_26 = tpu.memref_slice %arg22[%add3A_10, %dma_wait3A_25] : memref<10240x8xf32, #tpu.memory_space<vmem_shared>> -> memref<128x8xf32, #tpu.memory_space<vmem_shared>>
      tpu.wait_dma2 semaphore(%run_scoped3A : memref<!tpu.dma_semaphore, #tpu.memory_space<semaphore_mem>>) src(%arg9 : memref<128x8xf32, #tpu.memory_space<vmem>>) dst(%dma_wait3A_26 : memref<128x8xf32, #tpu.memory_space<vmem_shared>>)
      tpu.yield
    }) : () -> ()
    %add3A_11 = arith.constant 512 : i32
    %add3A_12 = arith.addi %mul3A_2, %add3A_11 : i32
    "tpu.region"() ({
      %run_scoped3A = tpu.sem_alloc : memref<!tpu.dma_semaphore, #tpu.memory_space<semaphore_mem>>
      %dma_start3A = arith.constant 0 : i32
      %dma_start3A_21 = tpu.memref_slice %arg22[%add3A_12, %dma_start3A] : memref<10240x8xf32, #tpu.memory_space<vmem_shared>> -> memref<128x8xf32, #tpu.memory_space<vmem_shared>>
      %dma_start3A_22 = arith.constant 0 : i32
      %dma_start3A_23 = tpu.memref_slice %arg22[%add3A_12, %dma_start3A_22] : memref<10240x8xf32, #tpu.memory_space<vmem_shared>> -> memref<128x8xf32, #tpu.memory_space<vmem_shared>>
      tpu.enqueue_dma source(%arg9 : memref<128x8xf32, #tpu.memory_space<vmem>>) target(%dma_start3A_23 : memref<128x8xf32, #tpu.memory_space<vmem_shared>>) target_semaphore(%run_scoped3A : memref<!tpu.dma_semaphore, #tpu.memory_space<semaphore_mem>>)
      %dma_wait3A = arith.constant 0 : i32
      %dma_wait3A_24 = tpu.memref_slice %arg22[%add3A_12, %dma_wait3A] : memref<10240x8xf32, #tpu.memory_space<vmem_shared>> -> memref<128x8xf32, #tpu.memory_space<vmem_shared>>
      %dma_wait3A_25 = arith.constant 0 : i32
      %dma_wait3A_26 = tpu.memref_slice %arg22[%add3A_12, %dma_wait3A_25] : memref<10240x8xf32, #tpu.memory_space<vmem_shared>> -> memref<128x8xf32, #tpu.memory_space<vmem_shared>>
      tpu.wait_dma2 semaphore(%run_scoped3A : memref<!tpu.dma_semaphore, #tpu.memory_space<semaphore_mem>>) src(%arg9 : memref<128x8xf32, #tpu.memory_space<vmem>>) dst(%dma_wait3A_26 : memref<128x8xf32, #tpu.memory_space<vmem_shared>>)
      tpu.yield
    }) : () -> ()
    %barrier3A = arith.constant 0 : index
    tpu.barrier barrier_id(%barrier3A)
    %eq3A = arith.constant 0 : i32
    %eq3A_13 = arith.cmpi eq, %arg0, %eq3A : i32
    %convert_element_type3A = arith.extui %eq3A_13 : i1 to i32
    %cond3A = arith.constant 0 : i32
    %cond3A_14 = arith.cmpi ne, %convert_element_type3A, %cond3A : i32
    scf.if %cond3A_14 {
      %mul3A_21 = arith.constant 95 : i32
      %mul3A_22 = arith.muli %arg1, %mul3A_21 : i32
      "tpu.region"() ({
        %run_scoped3A = tpu.sem_alloc : memref<!tpu.dma_semaphore, #tpu.memory_space<semaphore_mem>>
        %dma_start3A_222 = arith.constant 0 : i32
        %dma_start3A_223 = arith.constant 0 : i32
        %dma_start3A_224 = tpu.memref_slice %arg7[%dma_start3A_222, %dma_start3A_223] : memref<95x128xi32, #tpu.memory_space<vmem>> -> memref<95x128xi32, #tpu.memory_space<vmem>>
        %dma_start3A_225 = arith.constant 0 : i32
        %dma_start3A_226 = tpu.memref_slice %arg3[%mul3A_22, %dma_start3A_225] : memref<2528x128xi32, #tpu.memory_space<hbm>> -> memref<95x128xi32, #tpu.memory_space<hbm>>
        %dma_start3A_227 = arith.constant 0 : i32
        %dma_start3A_228 = arith.constant 0 : i32
        %dma_start3A_229 = tpu.memref_slice %arg7[%dma_start3A_227, %dma_start3A_228] : memref<95x128xi32, #tpu.memory_space<vmem>> -> memref<95x128xi32, #tpu.memory_space<vmem>>
        %dma_start3A_230 = arith.constant 0 : i32
        %dma_start3A_231 = tpu.memref_slice %arg3[%mul3A_22, %dma_start3A_230] : memref<2528x128xi32, #tpu.memory_space<hbm>> -> memref<95x128xi32, #tpu.memory_space<hbm>>
        tpu.enqueue_dma source(%dma_start3A_231 : memref<95x128xi32, #tpu.memory_space<hbm>>) target(%dma_start3A_229 : memref<95x128xi32, #tpu.memory_space<vmem>>) target_semaphore(%run_scoped3A : memref<!tpu.dma_semaphore, #tpu.memory_space<semaphore_mem>>)
        %dma_wait3A_232 = arith.constant 0 : i32
        %dma_wait3A_233 = arith.constant 0 : i32
        %dma_wait3A_234 = tpu.memref_slice %arg7[%dma_wait3A_232, %dma_wait3A_233] : memref<95x128xi32, #tpu.memory_space<vmem>> -> memref<95x128xi32, #tpu.memory_space<vmem>>
        %dma_wait3A_235 = arith.constant 0 : i32
        %dma_wait3A_236 = tpu.memref_slice %arg3[%mul3A_22, %dma_wait3A_235] : memref<2528x128xi32, #tpu.memory_space<hbm>> -> memref<95x128xi32, #tpu.memory_space<hbm>>
        %dma_wait3A_237 = arith.constant 0 : i32
        %dma_wait3A_238 = arith.constant 0 : i32
        %dma_wait3A_239 = tpu.memref_slice %arg7[%dma_wait3A_237, %dma_wait3A_238] : memref<95x128xi32, #tpu.memory_space<vmem>> -> memref<95x128xi32, #tpu.memory_space<vmem>>
        %dma_wait3A_240 = arith.constant 0 : i32
        %dma_wait3A_241 = tpu.memref_slice %arg3[%mul3A_22, %dma_wait3A_240] : memref<2528x128xi32, #tpu.memory_space<hbm>> -> memref<95x128xi32, #tpu.memory_space<hbm>>
        tpu.wait_dma2 semaphore(%run_scoped3A : memref<!tpu.dma_semaphore, #tpu.memory_space<semaphore_mem>>) src(%dma_wait3A_241 : memref<95x128xi32, #tpu.memory_space<hbm>>) dst(%dma_wait3A_239 : memref<95x128xi32, #tpu.memory_space<vmem>>)
        tpu.yield
      }) : () -> ()
      "tpu.region"() ({
        %run_scoped3A = tpu.sem_alloc : memref<!tpu.dma_semaphore, #tpu.memory_space<semaphore_mem>>
        %dma_start3A_222 = arith.constant 0 : i32
        %dma_start3A_223 = arith.constant 0 : i32
        %dma_start3A_224 = tpu.memref_slice %arg8[%dma_start3A_222, %dma_start3A_223] : memref<95x128xi32, #tpu.memory_space<vmem>> -> memref<95x128xi32, #tpu.memory_space<vmem>>
        %dma_start3A_225 = arith.constant 0 : i32
        %dma_start3A_226 = tpu.memref_slice %arg4[%mul3A_22, %dma_start3A_225] : memref<2528x128xi32, #tpu.memory_space<hbm>> -> memref<95x128xi32, #tpu.memory_space<hbm>>
        %dma_start3A_227 = arith.constant 0 : i32
        %dma_start3A_228 = arith.constant 0 : i32
        %dma_start3A_229 = tpu.memref_slice %arg8[%dma_start3A_227, %dma_start3A_228] : memref<95x128xi32, #tpu.memory_space<vmem>> -> memref<95x128xi32, #tpu.memory_space<vmem>>
        %dma_start3A_230 = arith.constant 0 : i32
        %dma_start3A_231 = tpu.memref_slice %arg4[%mul3A_22, %dma_start3A_230] : memref<2528x128xi32, #tpu.memory_space<hbm>> -> memref<95x128xi32, #tpu.memory_space<hbm>>
        tpu.enqueue_dma source(%dma_start3A_231 : memref<95x128xi32, #tpu.memory_space<hbm>>) target(%dma_start3A_229 : memref<95x128xi32, #tpu.memory_space<vmem>>) target_semaphore(%run_scoped3A : memref<!tpu.dma_semaphore, #tpu.memory_space<semaphore_mem>>)
        %dma_wait3A_232 = arith.constant 0 : i32
        %dma_wait3A_233 = arith.constant 0 : i32
        %dma_wait3A_234 = tpu.memref_slice %arg8[%dma_wait3A_232, %dma_wait3A_233] : memref<95x128xi32, #tpu.memory_space<vmem>> -> memref<95x128xi32, #tpu.memory_space<vmem>>
        %dma_wait3A_235 = arith.constant 0 : i32
        %dma_wait3A_236 = tpu.memref_slice %arg4[%mul3A_22, %dma_wait3A_235] : memref<2528x128xi32, #tpu.memory_space<hbm>> -> memref<95x128xi32, #tpu.memory_space<hbm>>
        %dma_wait3A_237 = arith.constant 0 : i32
        %dma_wait3A_238 = arith.constant 0 : i32
        %dma_wait3A_239 = tpu.memref_slice %arg8[%dma_wait3A_237, %dma_wait3A_238] : memref<95x128xi32, #tpu.memory_space<vmem>> -> memref<95x128xi32, #tpu.memory_space<vmem>>
        %dma_wait3A_240 = arith.constant 0 : i32
        %dma_wait3A_241 = tpu.memref_slice %arg4[%mul3A_22, %dma_wait3A_240] : memref<2528x128xi32, #tpu.memory_space<hbm>> -> memref<95x128xi32, #tpu.memory_space<hbm>>
        tpu.wait_dma2 semaphore(%run_scoped3A : memref<!tpu.dma_semaphore, #tpu.memory_space<semaphore_mem>>) src(%dma_wait3A_241 : memref<95x128xi32, #tpu.memory_space<hbm>>) dst(%dma_wait3A_239 : memref<95x128xi32, #tpu.memory_space<vmem>>)
        tpu.yield
      }) : () -> ()
      %dma_start3A = arith.constant 0 : i32
      %dma_start3A_23 = arith.constant 0 : i32
      %dma_start3A_24 = tpu.memref_slice %arg7[%dma_start3A, %dma_start3A_23] : memref<95x128xi32, #tpu.memory_space<vmem>> -> memref<1x128xi32, #tpu.memory_space<vmem>>
      %dma_start3A_25 = tpu.memref_squeeze %dma_start3A_24 : memref<1x128xi32, #tpu.memory_space<vmem>> -> memref<128xi32, #tpu.memory_space<vmem>>
      %dma_start3A_26 = arith.constant 0 : i32
      %dma_start3A_27 = arith.constant 0 : i32
      %dma_start3A_28 = tpu.memref_slice %arg2[%dma_start3A_26, %dma_start3A_27] : memref<10240x8xf32, #tpu.memory_space<hbm>> -> memref<10240x8xf32, #tpu.memory_space<hbm>>
      tpu.enqueue_indirect_dma source(%dma_start3A_28 : memref<10240x8xf32, #tpu.memory_space<hbm>>) target(%arg9 : memref<128x8xf32, #tpu.memory_space<vmem>>) offsets(%dma_start3A_25 : memref<128xi32, #tpu.memory_space<vmem>>) semaphore(%arg14 : memref<!tpu.dma_semaphore, #tpu.memory_space<semaphore_mem>>)
      %dma_start3A_29 = arith.constant 1 : i32
      %dma_start3A_30 = arith.constant 0 : i32
      %dma_start3A_31 = tpu.memref_slice %arg7[%dma_start3A_29, %dma_start3A_30] : memref<95x128xi32, #tpu.memory_space<vmem>> -> memref<1x128xi32, #tpu.memory_space<vmem>>
      %dma_start3A_32 = tpu.memref_squeeze %dma_start3A_31 : memref<1x128xi32, #tpu.memory_space<vmem>> -> memref<128xi32, #tpu.memory_space<vmem>>
      %dma_start3A_33 = arith.constant 0 : i32
      %dma_start3A_34 = arith.constant 0 : i32
      %dma_start3A_35 = tpu.memref_slice %arg2[%dma_start3A_33, %dma_start3A_34] : memref<10240x8xf32, #tpu.memory_space<hbm>> -> memref<10240x8xf32, #tpu.memory_space<hbm>>
      tpu.enqueue_indirect_dma source(%dma_start3A_35 : memref<10240x8xf32, #tpu.memory_space<hbm>>) target(%arg10 : memref<128x8xf32, #tpu.memory_space<vmem>>) offsets(%dma_start3A_32 : memref<128xi32, #tpu.memory_space<vmem>>) semaphore(%arg15 : memref<!tpu.dma_semaphore, #tpu.memory_space<semaphore_mem>>)
      %dma_start3A_36 = arith.constant 2 : i32
      %dma_start3A_37 = arith.constant 0 : i32
      %dma_start3A_38 = tpu.memref_slice %arg7[%dma_start3A_36, %dma_start3A_37] : memref<95x128xi32, #tpu.memory_space<vmem>> -> memref<1x128xi32, #tpu.memory_space<vmem>>
      %dma_start3A_39 = tpu.memref_squeeze %dma_start3A_38 : memref<1x128xi32, #tpu.memory_space<vmem>> -> memref<128xi32, #tpu.memory_space<vmem>>
      %dma_start3A_40 = arith.constant 0 : i32
      %dma_start3A_41 = arith.constant 0 : i32
      %dma_start3A_42 = tpu.memref_slice %arg2[%dma_start3A_40, %dma_start3A_41] : memref<10240x8xf32, #tpu.memory_space<hbm>> -> memref<10240x8xf32, #tpu.memory_space<hbm>>
      tpu.enqueue_indirect_dma source(%dma_start3A_42 : memref<10240x8xf32, #tpu.memory_space<hbm>>) target(%arg11 : memref<128x8xf32, #tpu.memory_space<vmem>>) offsets(%dma_start3A_39 : memref<128xi32, #tpu.memory_space<vmem>>) semaphore(%arg16 : memref<!tpu.dma_semaphore, #tpu.memory_space<semaphore_mem>>)
      %dma_wait3A = arith.constant 0 : i32
      %dma_wait3A_43 = arith.constant 0 : i32
      %dma_wait3A_44 = tpu.memref_slice %arg7[%dma_wait3A, %dma_wait3A_43] : memref<95x128xi32, #tpu.memory_space<vmem>> -> memref<1x128xi32, #tpu.memory_space<vmem>>
      %dma_wait3A_45 = tpu.memref_squeeze %dma_wait3A_44 : memref<1x128xi32, #tpu.memory_space<vmem>> -> memref<128xi32, #tpu.memory_space<vmem>>
      %dma_wait3A_46 = arith.constant 0 : i32
      %dma_wait3A_47 = arith.constant 0 : i32
      %dma_wait3A_48 = tpu.memref_slice %arg2[%dma_wait3A_46, %dma_wait3A_47] : memref<10240x8xf32, #tpu.memory_space<hbm>> -> memref<10240x8xf32, #tpu.memory_space<hbm>>
      tpu.wait_indirect_dma semaphore(%arg14 : memref<!tpu.dma_semaphore, #tpu.memory_space<semaphore_mem>>) src(%dma_wait3A_48 : memref<10240x8xf32, #tpu.memory_space<hbm>>) dst(%arg9 : memref<128x8xf32, #tpu.memory_space<vmem>>)
      %dma_start3A_49 = arith.constant 0 : i32
      %dma_start3A_50 = arith.constant 0 : i32
      %dma_start3A_51 = tpu.memref_slice %arg8[%dma_start3A_49, %dma_start3A_50] : memref<95x128xi32, #tpu.memory_space<vmem>> -> memref<1x128xi32, #tpu.memory_space<vmem>>
      %dma_start3A_52 = tpu.memref_squeeze %dma_start3A_51 : memref<1x128xi32, #tpu.memory_space<vmem>> -> memref<128xi32, #tpu.memory_space<vmem>>
      %dma_start3A_53 = arith.constant 0 : i32
      %dma_start3A_54 = arith.constant 0 : i32
      %dma_start3A_55 = tpu.memref_slice %arg22[%dma_start3A_53, %dma_start3A_54] : memref<10240x8xf32, #tpu.memory_space<vmem_shared>> -> memref<10240x8xf32, #tpu.memory_space<vmem_shared>>
      tpu.enqueue_indirect_dma source(%arg9 : memref<128x8xf32, #tpu.memory_space<vmem>>) target(%dma_start3A_55 : memref<10240x8xf32, #tpu.memory_space<vmem_shared>>) offsets(%dma_start3A_52 : memref<128xi32, #tpu.memory_space<vmem>>) semaphore(%arg18 : memref<!tpu.dma_semaphore, #tpu.memory_space<semaphore_mem>>) {add = true}
      %dma_start3A_56 = arith.constant 3 : i32
      %dma_start3A_57 = arith.constant 0 : i32
      %dma_start3A_58 = tpu.memref_slice %arg7[%dma_start3A_56, %dma_start3A_57] : memref<95x128xi32, #tpu.memory_space<vmem>> -> memref<1x128xi32, #tpu.memory_space<vmem>>
      %dma_start3A_59 = tpu.memref_squeeze %dma_start3A_58 : memref<1x128xi32, #tpu.memory_space<vmem>> -> memref<128xi32, #tpu.memory_space<vmem>>
      %dma_start3A_60 = arith.constant 0 : i32
      %dma_start3A_61 = arith.constant 0 : i32
      %dma_start3A_62 = tpu.memref_slice %arg2[%dma_start3A_60, %dma_start3A_61] : memref<10240x8xf32, #tpu.memory_space<hbm>> -> memref<10240x8xf32, #tpu.memory_space<hbm>>
      tpu.enqueue_indirect_dma source(%dma_start3A_62 : memref<10240x8xf32, #tpu.memory_space<hbm>>) target(%arg12 : memref<128x8xf32, #tpu.memory_space<vmem>>) offsets(%dma_start3A_59 : memref<128xi32, #tpu.memory_space<vmem>>) semaphore(%arg17 : memref<!tpu.dma_semaphore, #tpu.memory_space<semaphore_mem>>)
      %dma_wait3A_63 = arith.constant 1 : i32
      %dma_wait3A_64 = arith.constant 0 : i32
      %dma_wait3A_65 = tpu.memref_slice %arg7[%dma_wait3A_63, %dma_wait3A_64] : memref<95x128xi32, #tpu.memory_space<vmem>> -> memref<1x128xi32, #tpu.memory_space<vmem>>
      %dma_wait3A_66 = tpu.memref_squeeze %dma_wait3A_65 : memref<1x128xi32, #tpu.memory_space<vmem>> -> memref<128xi32, #tpu.memory_space<vmem>>
      %dma_wait3A_67 = arith.constant 0 : i32
      %dma_wait3A_68 = arith.constant 0 : i32
      %dma_wait3A_69 = tpu.memref_slice %arg2[%dma_wait3A_67, %dma_wait3A_68] : memref<10240x8xf32, #tpu.memory_space<hbm>> -> memref<10240x8xf32, #tpu.memory_space<hbm>>
      tpu.wait_indirect_dma semaphore(%arg15 : memref<!tpu.dma_semaphore, #tpu.memory_space<semaphore_mem>>) src(%dma_wait3A_69 : memref<10240x8xf32, #tpu.memory_space<hbm>>) dst(%arg10 : memref<128x8xf32, #tpu.memory_space<vmem>>)
      %dma_start3A_70 = arith.constant 1 : i32
      %dma_start3A_71 = arith.constant 0 : i32
      %dma_start3A_72 = tpu.memref_slice %arg8[%dma_start3A_70, %dma_start3A_71] : memref<95x128xi32, #tpu.memory_space<vmem>> -> memref<1x128xi32, #tpu.memory_space<vmem>>
      %dma_start3A_73 = tpu.memref_squeeze %dma_start3A_72 : memref<1x128xi32, #tpu.memory_space<vmem>> -> memref<128xi32, #tpu.memory_space<vmem>>
      %dma_start3A_74 = arith.constant 0 : i32
      %dma_start3A_75 = arith.constant 0 : i32
      %dma_start3A_76 = tpu.memref_slice %arg22[%dma_start3A_74, %dma_start3A_75] : memref<10240x8xf32, #tpu.memory_space<vmem_shared>> -> memref<10240x8xf32, #tpu.memory_space<vmem_shared>>
      tpu.enqueue_indirect_dma source(%arg10 : memref<128x8xf32, #tpu.memory_space<vmem>>) target(%dma_start3A_76 : memref<10240x8xf32, #tpu.memory_space<vmem_shared>>) offsets(%dma_start3A_73 : memref<128xi32, #tpu.memory_space<vmem>>) semaphore(%arg19 : memref<!tpu.dma_semaphore, #tpu.memory_space<semaphore_mem>>) {add = true}
      %scan3A = arith.constant 0 : i32
      %scan3A_77 = arith.constant 1 : i32
      %scan3A_78 = arith.constant 22 : i32
      %scan3A_79 = arith.addi %scan3A_77, %scan3A_78 : i32
      %scan3A_80 = arith.constant 1 : i32
      scf.for %scan3A_222 = %scan3A_77 to %scan3A_79 step %scan3A_80  : i32 {
        %mul3A_223 = arith.constant 4 : i32
        %mul3A_224 = arith.muli %scan3A_222, %mul3A_223 : i32
        %add3A_225 = arith.constant 0 : i32
        %add3A_226 = arith.addi %mul3A_224, %add3A_225 : i32
        %sub3A = arith.constant 4 : i32
        %sub3A_227 = arith.subi %add3A_226, %sub3A : i32
        %dma_wait3A_228 = arith.constant 0 : i32
        %dma_wait3A_229 = tpu.memref_slice %arg8[%sub3A_227, %dma_wait3A_228] : memref<95x128xi32, #tpu.memory_space<vmem>> -> memref<1x128xi32, #tpu.memory_space<vmem>>
        %dma_wait3A_230 = tpu.memref_squeeze %dma_wait3A_229 : memref<1x128xi32, #tpu.memory_space<vmem>> -> memref<128xi32, #tpu.memory_space<vmem>>
        %dma_wait3A_231 = arith.constant 0 : i32
        %dma_wait3A_232 = arith.constant 0 : i32
        %dma_wait3A_233 = tpu.memref_slice %arg22[%dma_wait3A_231, %dma_wait3A_232] : memref<10240x8xf32, #tpu.memory_space<vmem_shared>> -> memref<10240x8xf32, #tpu.memory_space<vmem_shared>>
        tpu.wait_indirect_dma semaphore(%arg18 : memref<!tpu.dma_semaphore, #tpu.memory_space<semaphore_mem>>) src(%arg9 : memref<128x8xf32, #tpu.memory_space<vmem>>) dst(%dma_wait3A_233 : memref<10240x8xf32, #tpu.memory_space<vmem_shared>>)
        %dma_start3A_234 = arith.constant 0 : i32
        %dma_start3A_235 = tpu.memref_slice %arg7[%add3A_226, %dma_start3A_234] : memref<95x128xi32, #tpu.memory_space<vmem>> -> memref<1x128xi32, #tpu.memory_space<vmem>>
        %dma_start3A_236 = tpu.memref_squeeze %dma_start3A_235 : memref<1x128xi32, #tpu.memory_space<vmem>> -> memref<128xi32, #tpu.memory_space<vmem>>
        %dma_start3A_237 = arith.constant 0 : i32
        %dma_start3A_238 = arith.constant 0 : i32
        %dma_start3A_239 = tpu.memref_slice %arg2[%dma_start3A_237, %dma_start3A_238] : memref<10240x8xf32, #tpu.memory_space<hbm>> -> memref<10240x8xf32, #tpu.memory_space<hbm>>
        tpu.enqueue_indirect_dma source(%dma_start3A_239 : memref<10240x8xf32, #tpu.memory_space<hbm>>) target(%arg9 : memref<128x8xf32, #tpu.memory_space<vmem>>) offsets(%dma_start3A_236 : memref<128xi32, #tpu.memory_space<vmem>>) semaphore(%arg14 : memref<!tpu.dma_semaphore, #tpu.memory_space<semaphore_mem>>)
        %sub3A_240 = arith.constant 2 : i32
        %sub3A_241 = arith.subi %add3A_226, %sub3A_240 : i32
        %dma_wait3A_242 = arith.constant 0 : i32
        %dma_wait3A_243 = tpu.memref_slice %arg7[%sub3A_241, %dma_wait3A_242] : memref<95x128xi32, #tpu.memory_space<vmem>> -> memref<1x128xi32, #tpu.memory_space<vmem>>
        %dma_wait3A_244 = tpu.memref_squeeze %dma_wait3A_243 : memref<1x128xi32, #tpu.memory_space<vmem>> -> memref<128xi32, #tpu.memory_space<vmem>>
        %dma_wait3A_245 = arith.constant 0 : i32
        %dma_wait3A_246 = arith.constant 0 : i32
        %dma_wait3A_247 = tpu.memref_slice %arg2[%dma_wait3A_245, %dma_wait3A_246] : memref<10240x8xf32, #tpu.memory_space<hbm>> -> memref<10240x8xf32, #tpu.memory_space<hbm>>
        tpu.wait_indirect_dma semaphore(%arg16 : memref<!tpu.dma_semaphore, #tpu.memory_space<semaphore_mem>>) src(%dma_wait3A_247 : memref<10240x8xf32, #tpu.memory_space<hbm>>) dst(%arg11 : memref<128x8xf32, #tpu.memory_space<vmem>>)
        %sub3A_248 = arith.constant 2 : i32
        %sub3A_249 = arith.subi %add3A_226, %sub3A_248 : i32
        %dma_start3A_250 = arith.constant 0 : i32
        %dma_start3A_251 = tpu.memref_slice %arg8[%sub3A_249, %dma_start3A_250] : memref<95x128xi32, #tpu.memory_space<vmem>> -> memref<1x128xi32, #tpu.memory_space<vmem>>
        %dma_start3A_252 = tpu.memref_squeeze %dma_start3A_251 : memref<1x128xi32, #tpu.memory_space<vmem>> -> memref<128xi32, #tpu.memory_space<vmem>>
        %dma_start3A_253 = arith.constant 0 : i32
        %dma_start3A_254 = arith.constant 0 : i32
        %dma_start3A_255 = tpu.memref_slice %arg22[%dma_start3A_253, %dma_start3A_254] : memref<10240x8xf32, #tpu.memory_space<vmem_shared>> -> memref<10240x8xf32, #tpu.memory_space<vmem_shared>>
        tpu.enqueue_indirect_dma source(%arg11 : memref<128x8xf32, #tpu.memory_space<vmem>>) target(%dma_start3A_255 : memref<10240x8xf32, #tpu.memory_space<vmem_shared>>) offsets(%dma_start3A_252 : memref<128xi32, #tpu.memory_space<vmem>>) semaphore(%arg20 : memref<!tpu.dma_semaphore, #tpu.memory_space<semaphore_mem>>) {add = true}
        %mul3A_256 = arith.constant 4 : i32
        %mul3A_257 = arith.muli %scan3A_222, %mul3A_256 : i32
        %add3A_258 = arith.constant 1 : i32
        %add3A_259 = arith.addi %mul3A_257, %add3A_258 : i32
        %sub3A_260 = arith.constant 4 : i32
        %sub3A_261 = arith.subi %add3A_259, %sub3A_260 : i32
        %dma_wait3A_262 = arith.constant 0 : i32
        %dma_wait3A_263 = tpu.memref_slice %arg8[%sub3A_261, %dma_wait3A_262] : memref<95x128xi32, #tpu.memory_space<vmem>> -> memref<1x128xi32, #tpu.memory_space<vmem>>
        %dma_wait3A_264 = tpu.memref_squeeze %dma_wait3A_263 : memref<1x128xi32, #tpu.memory_space<vmem>> -> memref<128xi32, #tpu.memory_space<vmem>>
        %dma_wait3A_265 = arith.constant 0 : i32
        %dma_wait3A_266 = arith.constant 0 : i32
        %dma_wait3A_267 = tpu.memref_slice %arg22[%dma_wait3A_265, %dma_wait3A_266] : memref<10240x8xf32, #tpu.memory_space<vmem_shared>> -> memref<10240x8xf32, #tpu.memory_space<vmem_shared>>
        tpu.wait_indirect_dma semaphore(%arg19 : memref<!tpu.dma_semaphore, #tpu.memory_space<semaphore_mem>>) src(%arg10 : memref<128x8xf32, #tpu.memory_space<vmem>>) dst(%dma_wait3A_267 : memref<10240x8xf32, #tpu.memory_space<vmem_shared>>)
        %dma_start3A_268 = arith.constant 0 : i32
        %dma_start3A_269 = tpu.memref_slice %arg7[%add3A_259, %dma_start3A_268] : memref<95x128xi32, #tpu.memory_space<vmem>> -> memref<1x128xi32, #tpu.memory_space<vmem>>
        %dma_start3A_270 = tpu.memref_squeeze %dma_start3A_269 : memref<1x128xi32, #tpu.memory_space<vmem>> -> memref<128xi32, #tpu.memory_space<vmem>>
        %dma_start3A_271 = arith.constant 0 : i32
        %dma_start3A_272 = arith.constant 0 : i32
        %dma_start3A_273 = tpu.memref_slice %arg2[%dma_start3A_271, %dma_start3A_272] : memref<10240x8xf32, #tpu.memory_space<hbm>> -> memref<10240x8xf32, #tpu.memory_space<hbm>>
        tpu.enqueue_indirect_dma source(%dma_start3A_273 : memref<10240x8xf32, #tpu.memory_space<hbm>>) target(%arg10 : memref<128x8xf32, #tpu.memory_space<vmem>>) offsets(%dma_start3A_270 : memref<128xi32, #tpu.memory_space<vmem>>) semaphore(%arg15 : memref<!tpu.dma_semaphore, #tpu.memory_space<semaphore_mem>>)
        %sub3A_274 = arith.constant 2 : i32
        %sub3A_275 = arith.subi %add3A_259, %sub3A_274 : i32
        %dma_wait3A_276 = arith.constant 0 : i32
        %dma_wait3A_277 = tpu.memref_slice %arg7[%sub3A_275, %dma_wait3A_276] : memref<95x128xi32, #tpu.memory_space<vmem>> -> memref<1x128xi32, #tpu.memory_space<vmem>>
        %dma_wait3A_278 = tpu.memref_squeeze %dma_wait3A_277 : memref<1x128xi32, #tpu.memory_space<vmem>> -> memref<128xi32, #tpu.memory_space<vmem>>
        %dma_wait3A_279 = arith.constant 0 : i32
        %dma_wait3A_280 = arith.constant 0 : i32
        %dma_wait3A_281 = tpu.memref_slice %arg2[%dma_wait3A_279, %dma_wait3A_280] : memref<10240x8xf32, #tpu.memory_space<hbm>> -> memref<10240x8xf32, #tpu.memory_space<hbm>>
        tpu.wait_indirect_dma semaphore(%arg17 : memref<!tpu.dma_semaphore, #tpu.memory_space<semaphore_mem>>) src(%dma_wait3A_281 : memref<10240x8xf32, #tpu.memory_space<hbm>>) dst(%arg12 : memref<128x8xf32, #tpu.memory_space<vmem>>)
        %sub3A_282 = arith.constant 2 : i32
        %sub3A_283 = arith.subi %add3A_259, %sub3A_282 : i32
        %dma_start3A_284 = arith.constant 0 : i32
        %dma_start3A_285 = tpu.memref_slice %arg8[%sub3A_283, %dma_start3A_284] : memref<95x128xi32, #tpu.memory_space<vmem>> -> memref<1x128xi32, #tpu.memory_space<vmem>>
        %dma_start3A_286 = tpu.memref_squeeze %dma_start3A_285 : memref<1x128xi32, #tpu.memory_space<vmem>> -> memref<128xi32, #tpu.memory_space<vmem>>
        %dma_start3A_287 = arith.constant 0 : i32
        %dma_start3A_288 = arith.constant 0 : i32
        %dma_start3A_289 = tpu.memref_slice %arg22[%dma_start3A_287, %dma_start3A_288] : memref<10240x8xf32, #tpu.memory_space<vmem_shared>> -> memref<10240x8xf32, #tpu.memory_space<vmem_shared>>
        tpu.enqueue_indirect_dma source(%arg12 : memref<128x8xf32, #tpu.memory_space<vmem>>) target(%dma_start3A_289 : memref<10240x8xf32, #tpu.memory_space<vmem_shared>>) offsets(%dma_start3A_286 : memref<128xi32, #tpu.memory_space<vmem>>) semaphore(%arg21 : memref<!tpu.dma_semaphore, #tpu.memory_space<semaphore_mem>>) {add = true}
        %mul3A_290 = arith.constant 4 : i32
        %mul3A_291 = arith.muli %scan3A_222, %mul3A_290 : i32
        %add3A_292 = arith.constant 2 : i32
        %add3A_293 = arith.addi %mul3A_291, %add3A_292 : i32
        %sub3A_294 = arith.constant 4 : i32
        %sub3A_295 = arith.subi %add3A_293, %sub3A_294 : i32
        %dma_wait3A_296 = arith.constant 0 : i32
        %dma_wait3A_297 = tpu.memref_slice %arg8[%sub3A_295, %dma_wait3A_296] : memref<95x128xi32, #tpu.memory_space<vmem>> -> memref<1x128xi32, #tpu.memory_space<vmem>>
        %dma_wait3A_298 = tpu.memref_squeeze %dma_wait3A_297 : memref<1x128xi32, #tpu.memory_space<vmem>> -> memref<128xi32, #tpu.memory_space<vmem>>
        %dma_wait3A_299 = arith.constant 0 : i32
        %dma_wait3A_300 = arith.constant 0 : i32
        %dma_wait3A_301 = tpu.memref_slice %arg22[%dma_wait3A_299, %dma_wait3A_300] : memref<10240x8xf32, #tpu.memory_space<vmem_shared>> -> memref<10240x8xf32, #tpu.memory_space<vmem_shared>>
        tpu.wait_indirect_dma semaphore(%arg20 : memref<!tpu.dma_semaphore, #tpu.memory_space<semaphore_mem>>) src(%arg11 : memref<128x8xf32, #tpu.memory_space<vmem>>) dst(%dma_wait3A_301 : memref<10240x8xf32, #tpu.memory_space<vmem_shared>>)
        %dma_start3A_302 = arith.constant 0 : i32
        %dma_start3A_303 = tpu.memref_slice %arg7[%add3A_293, %dma_start3A_302] : memref<95x128xi32, #tpu.memory_space<vmem>> -> memref<1x128xi32, #tpu.memory_space<vmem>>
        %dma_start3A_304 = tpu.memref_squeeze %dma_start3A_303 : memref<1x128xi32, #tpu.memory_space<vmem>> -> memref<128xi32, #tpu.memory_space<vmem>>
        %dma_start3A_305 = arith.constant 0 : i32
        %dma_start3A_306 = arith.constant 0 : i32
        %dma_start3A_307 = tpu.memref_slice %arg2[%dma_start3A_305, %dma_start3A_306] : memref<10240x8xf32, #tpu.memory_space<hbm>> -> memref<10240x8xf32, #tpu.memory_space<hbm>>
        tpu.enqueue_indirect_dma source(%dma_start3A_307 : memref<10240x8xf32, #tpu.memory_space<hbm>>) target(%arg11 : memref<128x8xf32, #tpu.memory_space<vmem>>) offsets(%dma_start3A_304 : memref<128xi32, #tpu.memory_space<vmem>>) semaphore(%arg16 : memref<!tpu.dma_semaphore, #tpu.memory_space<semaphore_mem>>)
        %sub3A_308 = arith.constant 2 : i32
        %sub3A_309 = arith.subi %add3A_293, %sub3A_308 : i32
        %dma_wait3A_310 = arith.constant 0 : i32
        %dma_wait3A_311 = tpu.memref_slice %arg7[%sub3A_309, %dma_wait3A_310] : memref<95x128xi32, #tpu.memory_space<vmem>> -> memref<1x128xi32, #tpu.memory_space<vmem>>
        %dma_wait3A_312 = tpu.memref_squeeze %dma_wait3A_311 : memref<1x128xi32, #tpu.memory_space<vmem>> -> memref<128xi32, #tpu.memory_space<vmem>>
        %dma_wait3A_313 = arith.constant 0 : i32
        %dma_wait3A_314 = arith.constant 0 : i32
        %dma_wait3A_315 = tpu.memref_slice %arg2[%dma_wait3A_313, %dma_wait3A_314] : memref<10240x8xf32, #tpu.memory_space<hbm>> -> memref<10240x8xf32, #tpu.memory_space<hbm>>
        tpu.wait_indirect_dma semaphore(%arg14 : memref<!tpu.dma_semaphore, #tpu.memory_space<semaphore_mem>>) src(%dma_wait3A_315 : memref<10240x8xf32, #tpu.memory_space<hbm>>) dst(%arg9 : memref<128x8xf32, #tpu.memory_space<vmem>>)
        %sub3A_316 = arith.constant 2 : i32
        %sub3A_317 = arith.subi %add3A_293, %sub3A_316 : i32
        %dma_start3A_318 = arith.constant 0 : i32
        %dma_start3A_319 = tpu.memref_slice %arg8[%sub3A_317, %dma_start3A_318] : memref<95x128xi32, #tpu.memory_space<vmem>> -> memref<1x128xi32, #tpu.memory_space<vmem>>
        %dma_start3A_320 = tpu.memref_squeeze %dma_start3A_319 : memref<1x128xi32, #tpu.memory_space<vmem>> -> memref<128xi32, #tpu.memory_space<vmem>>
        %dma_start3A_321 = arith.constant 0 : i32
        %dma_start3A_322 = arith.constant 0 : i32
        %dma_start3A_323 = tpu.memref_slice %arg22[%dma_start3A_321, %dma_start3A_322] : memref<10240x8xf32, #tpu.memory_space<vmem_shared>> -> memref<10240x8xf32, #tpu.memory_space<vmem_shared>>
        tpu.enqueue_indirect_dma source(%arg9 : memref<128x8xf32, #tpu.memory_space<vmem>>) target(%dma_start3A_323 : memref<10240x8xf32, #tpu.memory_space<vmem_shared>>) offsets(%dma_start3A_320 : memref<128xi32, #tpu.memory_space<vmem>>) semaphore(%arg18 : memref<!tpu.dma_semaphore, #tpu.memory_space<semaphore_mem>>) {add = true}
        %mul3A_324 = arith.constant 4 : i32
        %mul3A_325 = arith.muli %scan3A_222, %mul3A_324 : i32
        %add3A_326 = arith.constant 3 : i32
        %add3A_327 = arith.addi %mul3A_325, %add3A_326 : i32
        %sub3A_328 = arith.constant 4 : i32
        %sub3A_329 = arith.subi %add3A_327, %sub3A_328 : i32
        %dma_wait3A_330 = arith.constant 0 : i32
        %dma_wait3A_331 = tpu.memref_slice %arg8[%sub3A_329, %dma_wait3A_330] : memref<95x128xi32, #tpu.memory_space<vmem>> -> memref<1x128xi32, #tpu.memory_space<vmem>>
        %dma_wait3A_332 = tpu.memref_squeeze %dma_wait3A_331 : memref<1x128xi32, #tpu.memory_space<vmem>> -> memref<128xi32, #tpu.memory_space<vmem>>
        %dma_wait3A_333 = arith.constant 0 : i32
        %dma_wait3A_334 = arith.constant 0 : i32
        %dma_wait3A_335 = tpu.memref_slice %arg22[%dma_wait3A_333, %dma_wait3A_334] : memref<10240x8xf32, #tpu.memory_space<vmem_shared>> -> memref<10240x8xf32, #tpu.memory_space<vmem_shared>>
        tpu.wait_indirect_dma semaphore(%arg21 : memref<!tpu.dma_semaphore, #tpu.memory_space<semaphore_mem>>) src(%arg12 : memref<128x8xf32, #tpu.memory_space<vmem>>) dst(%dma_wait3A_335 : memref<10240x8xf32, #tpu.memory_space<vmem_shared>>)
        %dma_start3A_336 = arith.constant 0 : i32
        %dma_start3A_337 = tpu.memref_slice %arg7[%add3A_327, %dma_start3A_336] : memref<95x128xi32, #tpu.memory_space<vmem>> -> memref<1x128xi32, #tpu.memory_space<vmem>>
        %dma_start3A_338 = tpu.memref_squeeze %dma_start3A_337 : memref<1x128xi32, #tpu.memory_space<vmem>> -> memref<128xi32, #tpu.memory_space<vmem>>
        %dma_start3A_339 = arith.constant 0 : i32
        %dma_start3A_340 = arith.constant 0 : i32
        %dma_start3A_341 = tpu.memref_slice %arg2[%dma_start3A_339, %dma_start3A_340] : memref<10240x8xf32, #tpu.memory_space<hbm>> -> memref<10240x8xf32, #tpu.memory_space<hbm>>
        tpu.enqueue_indirect_dma source(%dma_start3A_341 : memref<10240x8xf32, #tpu.memory_space<hbm>>) target(%arg12 : memref<128x8xf32, #tpu.memory_space<vmem>>) offsets(%dma_start3A_338 : memref<128xi32, #tpu.memory_space<vmem>>) semaphore(%arg17 : memref<!tpu.dma_semaphore, #tpu.memory_space<semaphore_mem>>)
        %sub3A_342 = arith.constant 2 : i32
        %sub3A_343 = arith.subi %add3A_327, %sub3A_342 : i32
        %dma_wait3A_344 = arith.constant 0 : i32
        %dma_wait3A_345 = tpu.memref_slice %arg7[%sub3A_343, %dma_wait3A_344] : memref<95x128xi32, #tpu.memory_space<vmem>> -> memref<1x128xi32, #tpu.memory_space<vmem>>
        %dma_wait3A_346 = tpu.memref_squeeze %dma_wait3A_345 : memref<1x128xi32, #tpu.memory_space<vmem>> -> memref<128xi32, #tpu.memory_space<vmem>>
        %dma_wait3A_347 = arith.constant 0 : i32
        %dma_wait3A_348 = arith.constant 0 : i32
        %dma_wait3A_349 = tpu.memref_slice %arg2[%dma_wait3A_347, %dma_wait3A_348] : memref<10240x8xf32, #tpu.memory_space<hbm>> -> memref<10240x8xf32, #tpu.memory_space<hbm>>
        tpu.wait_indirect_dma semaphore(%arg15 : memref<!tpu.dma_semaphore, #tpu.memory_space<semaphore_mem>>) src(%dma_wait3A_349 : memref<10240x8xf32, #tpu.memory_space<hbm>>) dst(%arg10 : memref<128x8xf32, #tpu.memory_space<vmem>>)
        %sub3A_350 = arith.constant 2 : i32
        %sub3A_351 = arith.subi %add3A_327, %sub3A_350 : i32
        %dma_start3A_352 = arith.constant 0 : i32
        %dma_start3A_353 = tpu.memref_slice %arg8[%sub3A_351, %dma_start3A_352] : memref<95x128xi32, #tpu.memory_space<vmem>> -> memref<1x128xi32, #tpu.memory_space<vmem>>
        %dma_start3A_354 = tpu.memref_squeeze %dma_start3A_353 : memref<1x128xi32, #tpu.memory_space<vmem>> -> memref<128xi32, #tpu.memory_space<vmem>>
        %dma_start3A_355 = arith.constant 0 : i32
        %dma_start3A_356 = arith.constant 0 : i32
        %dma_start3A_357 = tpu.memref_slice %arg22[%dma_start3A_355, %dma_start3A_356] : memref<10240x8xf32, #tpu.memory_space<vmem_shared>> -> memref<10240x8xf32, #tpu.memory_space<vmem_shared>>
        tpu.enqueue_indirect_dma source(%arg10 : memref<128x8xf32, #tpu.memory_space<vmem>>) target(%dma_start3A_357 : memref<10240x8xf32, #tpu.memory_space<vmem_shared>>) offsets(%dma_start3A_354 : memref<128xi32, #tpu.memory_space<vmem>>) semaphore(%arg19 : memref<!tpu.dma_semaphore, #tpu.memory_space<semaphore_mem>>) {add = true}
      }
      %scan3A_81 = arith.constant 22 : i32
      %dma_wait3A_82 = arith.constant 88 : i32
      %dma_wait3A_83 = arith.constant 0 : i32
      %dma_wait3A_84 = tpu.memref_slice %arg8[%dma_wait3A_82, %dma_wait3A_83] : memref<95x128xi32, #tpu.memory_space<vmem>> -> memref<1x128xi32, #tpu.memory_space<vmem>>
      %dma_wait3A_85 = tpu.memref_squeeze %dma_wait3A_84 : memref<1x128xi32, #tpu.memory_space<vmem>> -> memref<128xi32, #tpu.memory_space<vmem>>
      %dma_wait3A_86 = arith.constant 0 : i32
      %dma_wait3A_87 = arith.constant 0 : i32
      %dma_wait3A_88 = tpu.memref_slice %arg22[%dma_wait3A_86, %dma_wait3A_87] : memref<10240x8xf32, #tpu.memory_space<vmem_shared>> -> memref<10240x8xf32, #tpu.memory_space<vmem_shared>>
      tpu.wait_indirect_dma semaphore(%arg18 : memref<!tpu.dma_semaphore, #tpu.memory_space<semaphore_mem>>) src(%arg9 : memref<128x8xf32, #tpu.memory_space<vmem>>) dst(%dma_wait3A_88 : memref<10240x8xf32, #tpu.memory_space<vmem_shared>>)
      %dma_start3A_89 = arith.constant 92 : i32
      %dma_start3A_90 = arith.constant 0 : i32
      %dma_start3A_91 = tpu.memref_slice %arg7[%dma_start3A_89, %dma_start3A_90] : memref<95x128xi32, #tpu.memory_space<vmem>> -> memref<1x128xi32, #tpu.memory_space<vmem>>
      %dma_start3A_92 = tpu.memref_squeeze %dma_start3A_91 : memref<1x128xi32, #tpu.memory_space<vmem>> -> memref<128xi32, #tpu.memory_space<vmem>>
      %dma_start3A_93 = arith.constant 0 : i32
      %dma_start3A_94 = arith.constant 0 : i32
      %dma_start3A_95 = tpu.memref_slice %arg2[%dma_start3A_93, %dma_start3A_94] : memref<10240x8xf32, #tpu.memory_space<hbm>> -> memref<10240x8xf32, #tpu.memory_space<hbm>>
      tpu.enqueue_indirect_dma source(%dma_start3A_95 : memref<10240x8xf32, #tpu.memory_space<hbm>>) target(%arg9 : memref<128x8xf32, #tpu.memory_space<vmem>>) offsets(%dma_start3A_92 : memref<128xi32, #tpu.memory_space<vmem>>) semaphore(%arg14 : memref<!tpu.dma_semaphore, #tpu.memory_space<semaphore_mem>>)
      %dma_wait3A_96 = arith.constant 90 : i32
      %dma_wait3A_97 = arith.constant 0 : i32
      %dma_wait3A_98 = tpu.memref_slice %arg7[%dma_wait3A_96, %dma_wait3A_97] : memref<95x128xi32, #tpu.memory_space<vmem>> -> memref<1x128xi32, #tpu.memory_space<vmem>>
      %dma_wait3A_99 = tpu.memref_squeeze %dma_wait3A_98 : memref<1x128xi32, #tpu.memory_space<vmem>> -> memref<128xi32, #tpu.memory_space<vmem>>
      %dma_wait3A_100 = arith.constant 0 : i32
      %dma_wait3A_101 = arith.constant 0 : i32
      %dma_wait3A_102 = tpu.memref_slice %arg2[%dma_wait3A_100, %dma_wait3A_101] : memref<10240x8xf32, #tpu.memory_space<hbm>> -> memref<10240x8xf32, #tpu.memory_space<hbm>>
      tpu.wait_indirect_dma semaphore(%arg16 : memref<!tpu.dma_semaphore, #tpu.memory_space<semaphore_mem>>) src(%dma_wait3A_102 : memref<10240x8xf32, #tpu.memory_space<hbm>>) dst(%arg11 : memref<128x8xf32, #tpu.memory_space<vmem>>)
      %dma_start3A_103 = arith.constant 90 : i32
      %dma_start3A_104 = arith.constant 0 : i32
      %dma_start3A_105 = tpu.memref_slice %arg8[%dma_start3A_103, %dma_start3A_104] : memref<95x128xi32, #tpu.memory_space<vmem>> -> memref<1x128xi32, #tpu.memory_space<vmem>>
      %dma_start3A_106 = tpu.memref_squeeze %dma_start3A_105 : memref<1x128xi32, #tpu.memory_space<vmem>> -> memref<128xi32, #tpu.memory_space<vmem>>
      %dma_start3A_107 = arith.constant 0 : i32
      %dma_start3A_108 = arith.constant 0 : i32
      %dma_start3A_109 = tpu.memref_slice %arg22[%dma_start3A_107, %dma_start3A_108] : memref<10240x8xf32, #tpu.memory_space<vmem_shared>> -> memref<10240x8xf32, #tpu.memory_space<vmem_shared>>
      tpu.enqueue_indirect_dma source(%arg11 : memref<128x8xf32, #tpu.memory_space<vmem>>) target(%dma_start3A_109 : memref<10240x8xf32, #tpu.memory_space<vmem_shared>>) offsets(%dma_start3A_106 : memref<128xi32, #tpu.memory_space<vmem>>) semaphore(%arg20 : memref<!tpu.dma_semaphore, #tpu.memory_space<semaphore_mem>>) {add = true}
      %dma_wait3A_110 = arith.constant 89 : i32
      %dma_wait3A_111 = arith.constant 0 : i32
      %dma_wait3A_112 = tpu.memref_slice %arg8[%dma_wait3A_110, %dma_wait3A_111] : memref<95x128xi32, #tpu.memory_space<vmem>> -> memref<1x128xi32, #tpu.memory_space<vmem>>
      %dma_wait3A_113 = tpu.memref_squeeze %dma_wait3A_112 : memref<1x128xi32, #tpu.memory_space<vmem>> -> memref<128xi32, #tpu.memory_space<vmem>>
      %dma_wait3A_114 = arith.constant 0 : i32
      %dma_wait3A_115 = arith.constant 0 : i32
      %dma_wait3A_116 = tpu.memref_slice %arg22[%dma_wait3A_114, %dma_wait3A_115] : memref<10240x8xf32, #tpu.memory_space<vmem_shared>> -> memref<10240x8xf32, #tpu.memory_space<vmem_shared>>
      tpu.wait_indirect_dma semaphore(%arg19 : memref<!tpu.dma_semaphore, #tpu.memory_space<semaphore_mem>>) src(%arg10 : memref<128x8xf32, #tpu.memory_space<vmem>>) dst(%dma_wait3A_116 : memref<10240x8xf32, #tpu.memory_space<vmem_shared>>)
      %dma_start3A_117 = arith.constant 93 : i32
      %dma_start3A_118 = arith.constant 0 : i32
      %dma_start3A_119 = tpu.memref_slice %arg7[%dma_start3A_117, %dma_start3A_118] : memref<95x128xi32, #tpu.memory_space<vmem>> -> memref<1x128xi32, #tpu.memory_space<vmem>>
      %dma_start3A_120 = tpu.memref_squeeze %dma_start3A_119 : memref<1x128xi32, #tpu.memory_space<vmem>> -> memref<128xi32, #tpu.memory_space<vmem>>
      %dma_start3A_121 = arith.constant 0 : i32
      %dma_start3A_122 = arith.constant 0 : i32
      %dma_start3A_123 = tpu.memref_slice %arg2[%dma_start3A_121, %dma_start3A_122] : memref<10240x8xf32, #tpu.memory_space<hbm>> -> memref<10240x8xf32, #tpu.memory_space<hbm>>
      tpu.enqueue_indirect_dma source(%dma_start3A_123 : memref<10240x8xf32, #tpu.memory_space<hbm>>) target(%arg10 : memref<128x8xf32, #tpu.memory_space<vmem>>) offsets(%dma_start3A_120 : memref<128xi32, #tpu.memory_space<vmem>>) semaphore(%arg15 : memref<!tpu.dma_semaphore, #tpu.memory_space<semaphore_mem>>)
      %dma_wait3A_124 = arith.constant 91 : i32
      %dma_wait3A_125 = arith.constant 0 : i32
      %dma_wait3A_126 = tpu.memref_slice %arg7[%dma_wait3A_124, %dma_wait3A_125] : memref<95x128xi32, #tpu.memory_space<vmem>> -> memref<1x128xi32, #tpu.memory_space<vmem>>
      %dma_wait3A_127 = tpu.memref_squeeze %dma_wait3A_126 : memref<1x128xi32, #tpu.memory_space<vmem>> -> memref<128xi32, #tpu.memory_space<vmem>>
      %dma_wait3A_128 = arith.constant 0 : i32
      %dma_wait3A_129 = arith.constant 0 : i32
      %dma_wait3A_130 = tpu.memref_slice %arg2[%dma_wait3A_128, %dma_wait3A_129] : memref<10240x8xf32, #tpu.memory_space<hbm>> -> memref<10240x8xf32, #tpu.memory_space<hbm>>
      tpu.wait_indirect_dma semaphore(%arg17 : memref<!tpu.dma_semaphore, #tpu.memory_space<semaphore_mem>>) src(%dma_wait3A_130 : memref<10240x8xf32, #tpu.memory_space<hbm>>) dst(%arg12 : memref<128x8xf32, #tpu.memory_space<vmem>>)
      %dma_start3A_131 = arith.constant 91 : i32
      %dma_start3A_132 = arith.constant 0 : i32
      %dma_start3A_133 = tpu.memref_slice %arg8[%dma_start3A_131, %dma_start3A_132] : memref<95x128xi32, #tpu.memory_space<vmem>> -> memref<1x128xi32, #tpu.memory_space<vmem>>
      %dma_start3A_134 = tpu.memref_squeeze %dma_start3A_133 : memref<1x128xi32, #tpu.memory_space<vmem>> -> memref<128xi32, #tpu.memory_space<vmem>>
      %dma_start3A_135 = arith.constant 0 : i32
      %dma_start3A_136 = arith.constant 0 : i32
      %dma_start3A_137 = tpu.memref_slice %arg22[%dma_start3A_135, %dma_start3A_136] : memref<10240x8xf32, #tpu.memory_space<vmem_shared>> -> memref<10240x8xf32, #tpu.memory_space<vmem_shared>>
      tpu.enqueue_indirect_dma source(%arg12 : memref<128x8xf32, #tpu.memory_space<vmem>>) target(%dma_start3A_137 : memref<10240x8xf32, #tpu.memory_space<vmem_shared>>) offsets(%dma_start3A_134 : memref<128xi32, #tpu.memory_space<vmem>>) semaphore(%arg21 : memref<!tpu.dma_semaphore, #tpu.memory_space<semaphore_mem>>) {add = true}
      %dma_wait3A_138 = arith.constant 90 : i32
      %dma_wait3A_139 = arith.constant 0 : i32
      %dma_wait3A_140 = tpu.memref_slice %arg8[%dma_wait3A_138, %dma_wait3A_139] : memref<95x128xi32, #tpu.memory_space<vmem>> -> memref<1x128xi32, #tpu.memory_space<vmem>>
      %dma_wait3A_141 = tpu.memref_squeeze %dma_wait3A_140 : memref<1x128xi32, #tpu.memory_space<vmem>> -> memref<128xi32, #tpu.memory_space<vmem>>
      %dma_wait3A_142 = arith.constant 0 : i32
      %dma_wait3A_143 = arith.constant 0 : i32
      %dma_wait3A_144 = tpu.memref_slice %arg22[%dma_wait3A_142, %dma_wait3A_143] : memref<10240x8xf32, #tpu.memory_space<vmem_shared>> -> memref<10240x8xf32, #tpu.memory_space<vmem_shared>>
      tpu.wait_indirect_dma semaphore(%arg20 : memref<!tpu.dma_semaphore, #tpu.memory_space<semaphore_mem>>) src(%arg11 : memref<128x8xf32, #tpu.memory_space<vmem>>) dst(%dma_wait3A_144 : memref<10240x8xf32, #tpu.memory_space<vmem_shared>>)
      %dma_start3A_145 = arith.constant 94 : i32
      %dma_start3A_146 = arith.constant 0 : i32
      %dma_start3A_147 = tpu.memref_slice %arg7[%dma_start3A_145, %dma_start3A_146] : memref<95x128xi32, #tpu.memory_space<vmem>> -> memref<1x128xi32, #tpu.memory_space<vmem>>
      %dma_start3A_148 = tpu.memref_squeeze %dma_start3A_147 : memref<1x128xi32, #tpu.memory_space<vmem>> -> memref<128xi32, #tpu.memory_space<vmem>>
      %dma_start3A_149 = arith.constant 0 : i32
      %dma_start3A_150 = arith.constant 0 : i32
      %dma_start3A_151 = tpu.memref_slice %arg2[%dma_start3A_149, %dma_start3A_150] : memref<10240x8xf32, #tpu.memory_space<hbm>> -> memref<10240x8xf32, #tpu.memory_space<hbm>>
      tpu.enqueue_indirect_dma source(%dma_start3A_151 : memref<10240x8xf32, #tpu.memory_space<hbm>>) target(%arg11 : memref<128x8xf32, #tpu.memory_space<vmem>>) offsets(%dma_start3A_148 : memref<128xi32, #tpu.memory_space<vmem>>) semaphore(%arg16 : memref<!tpu.dma_semaphore, #tpu.memory_space<semaphore_mem>>)
      %dma_wait3A_152 = arith.constant 92 : i32
      %dma_wait3A_153 = arith.constant 0 : i32
      %dma_wait3A_154 = tpu.memref_slice %arg7[%dma_wait3A_152, %dma_wait3A_153] : memref<95x128xi32, #tpu.memory_space<vmem>> -> memref<1x128xi32, #tpu.memory_space<vmem>>
      %dma_wait3A_155 = tpu.memref_squeeze %dma_wait3A_154 : memref<1x128xi32, #tpu.memory_space<vmem>> -> memref<128xi32, #tpu.memory_space<vmem>>
      %dma_wait3A_156 = arith.constant 0 : i32
      %dma_wait3A_157 = arith.constant 0 : i32
      %dma_wait3A_158 = tpu.memref_slice %arg2[%dma_wait3A_156, %dma_wait3A_157] : memref<10240x8xf32, #tpu.memory_space<hbm>> -> memref<10240x8xf32, #tpu.memory_space<hbm>>
      tpu.wait_indirect_dma semaphore(%arg14 : memref<!tpu.dma_semaphore, #tpu.memory_space<semaphore_mem>>) src(%dma_wait3A_158 : memref<10240x8xf32, #tpu.memory_space<hbm>>) dst(%arg9 : memref<128x8xf32, #tpu.memory_space<vmem>>)
      %dma_start3A_159 = arith.constant 92 : i32
      %dma_start3A_160 = arith.constant 0 : i32
      %dma_start3A_161 = tpu.memref_slice %arg8[%dma_start3A_159, %dma_start3A_160] : memref<95x128xi32, #tpu.memory_space<vmem>> -> memref<1x128xi32, #tpu.memory_space<vmem>>
      %dma_start3A_162 = tpu.memref_squeeze %dma_start3A_161 : memref<1x128xi32, #tpu.memory_space<vmem>> -> memref<128xi32, #tpu.memory_space<vmem>>
      %dma_start3A_163 = arith.constant 0 : i32
      %dma_start3A_164 = arith.constant 0 : i32
      %dma_start3A_165 = tpu.memref_slice %arg22[%dma_start3A_163, %dma_start3A_164] : memref<10240x8xf32, #tpu.memory_space<vmem_shared>> -> memref<10240x8xf32, #tpu.memory_space<vmem_shared>>
      tpu.enqueue_indirect_dma source(%arg9 : memref<128x8xf32, #tpu.memory_space<vmem>>) target(%dma_start3A_165 : memref<10240x8xf32, #tpu.memory_space<vmem_shared>>) offsets(%dma_start3A_162 : memref<128xi32, #tpu.memory_space<vmem>>) semaphore(%arg18 : memref<!tpu.dma_semaphore, #tpu.memory_space<semaphore_mem>>) {add = true}
      %dma_wait3A_166 = arith.constant 93 : i32
      %dma_wait3A_167 = arith.constant 0 : i32
      %dma_wait3A_168 = tpu.memref_slice %arg7[%dma_wait3A_166, %dma_wait3A_167] : memref<95x128xi32, #tpu.memory_space<vmem>> -> memref<1x128xi32, #tpu.memory_space<vmem>>
      %dma_wait3A_169 = tpu.memref_squeeze %dma_wait3A_168 : memref<1x128xi32, #tpu.memory_space<vmem>> -> memref<128xi32, #tpu.memory_space<vmem>>
      %dma_wait3A_170 = arith.constant 0 : i32
      %dma_wait3A_171 = arith.constant 0 : i32
      %dma_wait3A_172 = tpu.memref_slice %arg2[%dma_wait3A_170, %dma_wait3A_171] : memref<10240x8xf32, #tpu.memory_space<hbm>> -> memref<10240x8xf32, #tpu.memory_space<hbm>>
      tpu.wait_indirect_dma semaphore(%arg15 : memref<!tpu.dma_semaphore, #tpu.memory_space<semaphore_mem>>) src(%dma_wait3A_172 : memref<10240x8xf32, #tpu.memory_space<hbm>>) dst(%arg10 : memref<128x8xf32, #tpu.memory_space<vmem>>)
      %dma_start3A_173 = arith.constant 93 : i32
      %dma_start3A_174 = arith.constant 0 : i32
      %dma_start3A_175 = tpu.memref_slice %arg8[%dma_start3A_173, %dma_start3A_174] : memref<95x128xi32, #tpu.memory_space<vmem>> -> memref<1x128xi32, #tpu.memory_space<vmem>>
      %dma_start3A_176 = tpu.memref_squeeze %dma_start3A_175 : memref<1x128xi32, #tpu.memory_space<vmem>> -> memref<128xi32, #tpu.memory_space<vmem>>
      %dma_start3A_177 = arith.constant 0 : i32
      %dma_start3A_178 = arith.constant 0 : i32
      %dma_start3A_179 = tpu.memref_slice %arg22[%dma_start3A_177, %dma_start3A_178] : memref<10240x8xf32, #tpu.memory_space<vmem_shared>> -> memref<10240x8xf32, #tpu.memory_space<vmem_shared>>
      tpu.enqueue_indirect_dma source(%arg10 : memref<128x8xf32, #tpu.memory_space<vmem>>) target(%dma_start3A_179 : memref<10240x8xf32, #tpu.memory_space<vmem_shared>>) offsets(%dma_start3A_176 : memref<128xi32, #tpu.memory_space<vmem>>) semaphore(%arg19 : memref<!tpu.dma_semaphore, #tpu.memory_space<semaphore_mem>>) {add = true}
      %dma_wait3A_180 = arith.constant 94 : i32
      %dma_wait3A_181 = arith.constant 0 : i32
      %dma_wait3A_182 = tpu.memref_slice %arg7[%dma_wait3A_180, %dma_wait3A_181] : memref<95x128xi32, #tpu.memory_space<vmem>> -> memref<1x128xi32, #tpu.memory_space<vmem>>
      %dma_wait3A_183 = tpu.memref_squeeze %dma_wait3A_182 : memref<1x128xi32, #tpu.memory_space<vmem>> -> memref<128xi32, #tpu.memory_space<vmem>>
      %dma_wait3A_184 = arith.constant 0 : i32
      %dma_wait3A_185 = arith.constant 0 : i32
      %dma_wait3A_186 = tpu.memref_slice %arg2[%dma_wait3A_184, %dma_wait3A_185] : memref<10240x8xf32, #tpu.memory_space<hbm>> -> memref<10240x8xf32, #tpu.memory_space<hbm>>
      tpu.wait_indirect_dma semaphore(%arg16 : memref<!tpu.dma_semaphore, #tpu.memory_space<semaphore_mem>>) src(%dma_wait3A_186 : memref<10240x8xf32, #tpu.memory_space<hbm>>) dst(%arg11 : memref<128x8xf32, #tpu.memory_space<vmem>>)
      %dma_start3A_187 = arith.constant 94 : i32
      %dma_start3A_188 = arith.constant 0 : i32
      %dma_start3A_189 = tpu.memref_slice %arg8[%dma_start3A_187, %dma_start3A_188] : memref<95x128xi32, #tpu.memory_space<vmem>> -> memref<1x128xi32, #tpu.memory_space<vmem>>
      %dma_start3A_190 = tpu.memref_squeeze %dma_start3A_189 : memref<1x128xi32, #tpu.memory_space<vmem>> -> memref<128xi32, #tpu.memory_space<vmem>>
      %dma_start3A_191 = arith.constant 0 : i32
      %dma_start3A_192 = arith.constant 0 : i32
      %dma_start3A_193 = tpu.memref_slice %arg22[%dma_start3A_191, %dma_start3A_192] : memref<10240x8xf32, #tpu.memory_space<vmem_shared>> -> memref<10240x8xf32, #tpu.memory_space<vmem_shared>>
      tpu.enqueue_indirect_dma source(%arg11 : memref<128x8xf32, #tpu.memory_space<vmem>>) target(%dma_start3A_193 : memref<10240x8xf32, #tpu.memory_space<vmem_shared>>) offsets(%dma_start3A_190 : memref<128xi32, #tpu.memory_space<vmem>>) semaphore(%arg20 : memref<!tpu.dma_semaphore, #tpu.memory_space<semaphore_mem>>) {add = true}
      %dma_wait3A_194 = arith.constant 91 : i32
      %dma_wait3A_195 = arith.constant 0 : i32
      %dma_wait3A_196 = tpu.memref_slice %arg8[%dma_wait3A_194, %dma_wait3A_195] : memref<95x128xi32, #tpu.memory_space<vmem>> -> memref<1x128xi32, #tpu.memory_space<vmem>>
      %dma_wait3A_197 = tpu.memref_squeeze %dma_wait3A_196 : memref<1x128xi32, #tpu.memory_space<vmem>> -> memref<128xi32, #tpu.memory_space<vmem>>
      %dma_wait3A_198 = arith.constant 0 : i32
      %dma_wait3A_199 = arith.constant 0 : i32
      %dma_wait3A_200 = tpu.memref_slice %arg22[%dma_wait3A_198, %dma_wait3A_199] : memref<10240x8xf32, #tpu.memory_space<vmem_shared>> -> memref<10240x8xf32, #tpu.memory_space<vmem_shared>>
      tpu.wait_indirect_dma semaphore(%arg21 : memref<!tpu.dma_semaphore, #tpu.memory_space<semaphore_mem>>) src(%arg12 : memref<128x8xf32, #tpu.memory_space<vmem>>) dst(%dma_wait3A_200 : memref<10240x8xf32, #tpu.memory_space<vmem_shared>>)
      %dma_wait3A_201 = arith.constant 92 : i32
      %dma_wait3A_202 = arith.constant 0 : i32
      %dma_wait3A_203 = tpu.memref_slice %arg8[%dma_wait3A_201, %dma_wait3A_202] : memref<95x128xi32, #tpu.memory_space<vmem>> -> memref<1x128xi32, #tpu.memory_space<vmem>>
      %dma_wait3A_204 = tpu.memref_squeeze %dma_wait3A_203 : memref<1x128xi32, #tpu.memory_space<vmem>> -> memref<128xi32, #tpu.memory_space<vmem>>
      %dma_wait3A_205 = arith.constant 0 : i32
      %dma_wait3A_206 = arith.constant 0 : i32
      %dma_wait3A_207 = tpu.memref_slice %arg22[%dma_wait3A_205, %dma_wait3A_206] : memref<10240x8xf32, #tpu.memory_space<vmem_shared>> -> memref<10240x8xf32, #tpu.memory_space<vmem_shared>>
      tpu.wait_indirect_dma semaphore(%arg18 : memref<!tpu.dma_semaphore, #tpu.memory_space<semaphore_mem>>) src(%arg9 : memref<128x8xf32, #tpu.memory_space<vmem>>) dst(%dma_wait3A_207 : memref<10240x8xf32, #tpu.memory_space<vmem_shared>>)
      %dma_wait3A_208 = arith.constant 93 : i32
      %dma_wait3A_209 = arith.constant 0 : i32
      %dma_wait3A_210 = tpu.memref_slice %arg8[%dma_wait3A_208, %dma_wait3A_209] : memref<95x128xi32, #tpu.memory_space<vmem>> -> memref<1x128xi32, #tpu.memory_space<vmem>>
      %dma_wait3A_211 = tpu.memref_squeeze %dma_wait3A_210 : memref<1x128xi32, #tpu.memory_space<vmem>> -> memref<128xi32, #tpu.memory_space<vmem>>
      %dma_wait3A_212 = arith.constant 0 : i32
      %dma_wait3A_213 = arith.constant 0 : i32
      %dma_wait3A_214 = tpu.memref_slice %arg22[%dma_wait3A_212, %dma_wait3A_213] : memref<10240x8xf32, #tpu.memory_space<vmem_shared>> -> memref<10240x8xf32, #tpu.memory_space<vmem_shared>>
      tpu.wait_indirect_dma semaphore(%arg19 : memref<!tpu.dma_semaphore, #tpu.memory_space<semaphore_mem>>) src(%arg10 : memref<128x8xf32, #tpu.memory_space<vmem>>) dst(%dma_wait3A_214 : memref<10240x8xf32, #tpu.memory_space<vmem_shared>>)
      %dma_wait3A_215 = arith.constant 94 : i32
      %dma_wait3A_216 = arith.constant 0 : i32
      %dma_wait3A_217 = tpu.memref_slice %arg8[%dma_wait3A_215, %dma_wait3A_216] : memref<95x128xi32, #tpu.memory_space<vmem>> -> memref<1x128xi32, #tpu.memory_space<vmem>>
      %dma_wait3A_218 = tpu.memref_squeeze %dma_wait3A_217 : memref<1x128xi32, #tpu.memory_space<vmem>> -> memref<128xi32, #tpu.memory_space<vmem>>
      %dma_wait3A_219 = arith.constant 0 : i32
      %dma_wait3A_220 = arith.constant 0 : i32
      %dma_wait3A_221 = tpu.memref_slice %arg22[%dma_wait3A_219, %dma_wait3A_220] : memref<10240x8xf32, #tpu.memory_space<vmem_shared>> -> memref<10240x8xf32, #tpu.memory_space<vmem_shared>>
      tpu.wait_indirect_dma semaphore(%arg20 : memref<!tpu.dma_semaphore, #tpu.memory_space<semaphore_mem>>) src(%arg11 : memref<128x8xf32, #tpu.memory_space<vmem>>) dst(%dma_wait3A_221 : memref<10240x8xf32, #tpu.memory_space<vmem_shared>>)
    } else {
    }
    %eq3A_15 = arith.constant 1 : i32
    %eq3A_16 = arith.cmpi eq, %arg0, %eq3A_15 : i32
    %convert_element_type3A_17 = arith.extui %eq3A_16 : i1 to i32
    %cond3A_18 = arith.constant 0 : i32
    %cond3A_19 = arith.cmpi ne, %convert_element_type3A_17, %cond3A_18 : i32
    scf.if %cond3A_19 {
      %mul3A_21 = arith.constant 63 : i32
      %mul3A_22 = arith.muli %arg1, %mul3A_21 : i32
      %add3A_23 = arith.constant 1520 : i32
      %add3A_24 = arith.addi %add3A_23, %mul3A_22 : i32
      "tpu.region"() ({
        %run_scoped3A = tpu.sem_alloc : memref<!tpu.dma_semaphore, #tpu.memory_space<semaphore_mem>>
        %dma_start3A_224 = arith.constant 0 : i32
        %dma_start3A_225 = arith.constant 0 : i32
        %dma_start3A_226 = tpu.memref_slice %arg7[%dma_start3A_224, %dma_start3A_225] : memref<95x128xi32, #tpu.memory_space<vmem>> -> memref<63x128xi32, #tpu.memory_space<vmem>>
        %dma_start3A_227 = arith.constant 0 : i32
        %dma_start3A_228 = tpu.memref_slice %arg3[%add3A_24, %dma_start3A_227] : memref<2528x128xi32, #tpu.memory_space<hbm>> -> memref<63x128xi32, #tpu.memory_space<hbm>>
        %dma_start3A_229 = arith.constant 0 : i32
        %dma_start3A_230 = arith.constant 0 : i32
        %dma_start3A_231 = tpu.memref_slice %arg7[%dma_start3A_229, %dma_start3A_230] : memref<95x128xi32, #tpu.memory_space<vmem>> -> memref<63x128xi32, #tpu.memory_space<vmem>>
        %dma_start3A_232 = arith.constant 0 : i32
        %dma_start3A_233 = tpu.memref_slice %arg3[%add3A_24, %dma_start3A_232] : memref<2528x128xi32, #tpu.memory_space<hbm>> -> memref<63x128xi32, #tpu.memory_space<hbm>>
        tpu.enqueue_dma source(%dma_start3A_233 : memref<63x128xi32, #tpu.memory_space<hbm>>) target(%dma_start3A_231 : memref<63x128xi32, #tpu.memory_space<vmem>>) target_semaphore(%run_scoped3A : memref<!tpu.dma_semaphore, #tpu.memory_space<semaphore_mem>>)
        %dma_wait3A_234 = arith.constant 0 : i32
        %dma_wait3A_235 = arith.constant 0 : i32
        %dma_wait3A_236 = tpu.memref_slice %arg7[%dma_wait3A_234, %dma_wait3A_235] : memref<95x128xi32, #tpu.memory_space<vmem>> -> memref<63x128xi32, #tpu.memory_space<vmem>>
        %dma_wait3A_237 = arith.constant 0 : i32
        %dma_wait3A_238 = tpu.memref_slice %arg3[%add3A_24, %dma_wait3A_237] : memref<2528x128xi32, #tpu.memory_space<hbm>> -> memref<63x128xi32, #tpu.memory_space<hbm>>
        %dma_wait3A_239 = arith.constant 0 : i32
        %dma_wait3A_240 = arith.constant 0 : i32
        %dma_wait3A_241 = tpu.memref_slice %arg7[%dma_wait3A_239, %dma_wait3A_240] : memref<95x128xi32, #tpu.memory_space<vmem>> -> memref<63x128xi32, #tpu.memory_space<vmem>>
        %dma_wait3A_242 = arith.constant 0 : i32
        %dma_wait3A_243 = tpu.memref_slice %arg3[%add3A_24, %dma_wait3A_242] : memref<2528x128xi32, #tpu.memory_space<hbm>> -> memref<63x128xi32, #tpu.memory_space<hbm>>
        tpu.wait_dma2 semaphore(%run_scoped3A : memref<!tpu.dma_semaphore, #tpu.memory_space<semaphore_mem>>) src(%dma_wait3A_243 : memref<63x128xi32, #tpu.memory_space<hbm>>) dst(%dma_wait3A_241 : memref<63x128xi32, #tpu.memory_space<vmem>>)
        tpu.yield
      }) : () -> ()
      "tpu.region"() ({
        %run_scoped3A = tpu.sem_alloc : memref<!tpu.dma_semaphore, #tpu.memory_space<semaphore_mem>>
        %dma_start3A_224 = arith.constant 0 : i32
        %dma_start3A_225 = arith.constant 0 : i32
        %dma_start3A_226 = tpu.memref_slice %arg8[%dma_start3A_224, %dma_start3A_225] : memref<95x128xi32, #tpu.memory_space<vmem>> -> memref<63x128xi32, #tpu.memory_space<vmem>>
        %dma_start3A_227 = arith.constant 0 : i32
        %dma_start3A_228 = tpu.memref_slice %arg4[%add3A_24, %dma_start3A_227] : memref<2528x128xi32, #tpu.memory_space<hbm>> -> memref<63x128xi32, #tpu.memory_space<hbm>>
        %dma_start3A_229 = arith.constant 0 : i32
        %dma_start3A_230 = arith.constant 0 : i32
        %dma_start3A_231 = tpu.memref_slice %arg8[%dma_start3A_229, %dma_start3A_230] : memref<95x128xi32, #tpu.memory_space<vmem>> -> memref<63x128xi32, #tpu.memory_space<vmem>>
        %dma_start3A_232 = arith.constant 0 : i32
        %dma_start3A_233 = tpu.memref_slice %arg4[%add3A_24, %dma_start3A_232] : memref<2528x128xi32, #tpu.memory_space<hbm>> -> memref<63x128xi32, #tpu.memory_space<hbm>>
        tpu.enqueue_dma source(%dma_start3A_233 : memref<63x128xi32, #tpu.memory_space<hbm>>) target(%dma_start3A_231 : memref<63x128xi32, #tpu.memory_space<vmem>>) target_semaphore(%run_scoped3A : memref<!tpu.dma_semaphore, #tpu.memory_space<semaphore_mem>>)
        %dma_wait3A_234 = arith.constant 0 : i32
        %dma_wait3A_235 = arith.constant 0 : i32
        %dma_wait3A_236 = tpu.memref_slice %arg8[%dma_wait3A_234, %dma_wait3A_235] : memref<95x128xi32, #tpu.memory_space<vmem>> -> memref<63x128xi32, #tpu.memory_space<vmem>>
        %dma_wait3A_237 = arith.constant 0 : i32
        %dma_wait3A_238 = tpu.memref_slice %arg4[%add3A_24, %dma_wait3A_237] : memref<2528x128xi32, #tpu.memory_space<hbm>> -> memref<63x128xi32, #tpu.memory_space<hbm>>
        %dma_wait3A_239 = arith.constant 0 : i32
        %dma_wait3A_240 = arith.constant 0 : i32
        %dma_wait3A_241 = tpu.memref_slice %arg8[%dma_wait3A_239, %dma_wait3A_240] : memref<95x128xi32, #tpu.memory_space<vmem>> -> memref<63x128xi32, #tpu.memory_space<vmem>>
        %dma_wait3A_242 = arith.constant 0 : i32
        %dma_wait3A_243 = tpu.memref_slice %arg4[%add3A_24, %dma_wait3A_242] : memref<2528x128xi32, #tpu.memory_space<hbm>> -> memref<63x128xi32, #tpu.memory_space<hbm>>
        tpu.wait_dma2 semaphore(%run_scoped3A : memref<!tpu.dma_semaphore, #tpu.memory_space<semaphore_mem>>) src(%dma_wait3A_243 : memref<63x128xi32, #tpu.memory_space<hbm>>) dst(%dma_wait3A_241 : memref<63x128xi32, #tpu.memory_space<vmem>>)
        tpu.yield
      }) : () -> ()
      %dma_start3A = arith.constant 0 : i32
      %dma_start3A_25 = arith.constant 0 : i32
      %dma_start3A_26 = tpu.memref_slice %arg7[%dma_start3A, %dma_start3A_25] : memref<95x128xi32, #tpu.memory_space<vmem>> -> memref<1x128xi32, #tpu.memory_space<vmem>>
      %dma_start3A_27 = tpu.memref_squeeze %dma_start3A_26 : memref<1x128xi32, #tpu.memory_space<vmem>> -> memref<128xi32, #tpu.memory_space<vmem>>
      %dma_start3A_28 = arith.constant 0 : i32
      %dma_start3A_29 = arith.constant 0 : i32
      %dma_start3A_30 = tpu.memref_slice %arg2[%dma_start3A_28, %dma_start3A_29] : memref<10240x8xf32, #tpu.memory_space<hbm>> -> memref<10240x8xf32, #tpu.memory_space<hbm>>
      tpu.enqueue_indirect_dma source(%dma_start3A_30 : memref<10240x8xf32, #tpu.memory_space<hbm>>) target(%arg9 : memref<128x8xf32, #tpu.memory_space<vmem>>) offsets(%dma_start3A_27 : memref<128xi32, #tpu.memory_space<vmem>>) semaphore(%arg14 : memref<!tpu.dma_semaphore, #tpu.memory_space<semaphore_mem>>)
      %dma_start3A_31 = arith.constant 1 : i32
      %dma_start3A_32 = arith.constant 0 : i32
      %dma_start3A_33 = tpu.memref_slice %arg7[%dma_start3A_31, %dma_start3A_32] : memref<95x128xi32, #tpu.memory_space<vmem>> -> memref<1x128xi32, #tpu.memory_space<vmem>>
      %dma_start3A_34 = tpu.memref_squeeze %dma_start3A_33 : memref<1x128xi32, #tpu.memory_space<vmem>> -> memref<128xi32, #tpu.memory_space<vmem>>
      %dma_start3A_35 = arith.constant 0 : i32
      %dma_start3A_36 = arith.constant 0 : i32
      %dma_start3A_37 = tpu.memref_slice %arg2[%dma_start3A_35, %dma_start3A_36] : memref<10240x8xf32, #tpu.memory_space<hbm>> -> memref<10240x8xf32, #tpu.memory_space<hbm>>
      tpu.enqueue_indirect_dma source(%dma_start3A_37 : memref<10240x8xf32, #tpu.memory_space<hbm>>) target(%arg10 : memref<128x8xf32, #tpu.memory_space<vmem>>) offsets(%dma_start3A_34 : memref<128xi32, #tpu.memory_space<vmem>>) semaphore(%arg15 : memref<!tpu.dma_semaphore, #tpu.memory_space<semaphore_mem>>)
      %dma_start3A_38 = arith.constant 2 : i32
      %dma_start3A_39 = arith.constant 0 : i32
      %dma_start3A_40 = tpu.memref_slice %arg7[%dma_start3A_38, %dma_start3A_39] : memref<95x128xi32, #tpu.memory_space<vmem>> -> memref<1x128xi32, #tpu.memory_space<vmem>>
      %dma_start3A_41 = tpu.memref_squeeze %dma_start3A_40 : memref<1x128xi32, #tpu.memory_space<vmem>> -> memref<128xi32, #tpu.memory_space<vmem>>
      %dma_start3A_42 = arith.constant 0 : i32
      %dma_start3A_43 = arith.constant 0 : i32
      %dma_start3A_44 = tpu.memref_slice %arg2[%dma_start3A_42, %dma_start3A_43] : memref<10240x8xf32, #tpu.memory_space<hbm>> -> memref<10240x8xf32, #tpu.memory_space<hbm>>
      tpu.enqueue_indirect_dma source(%dma_start3A_44 : memref<10240x8xf32, #tpu.memory_space<hbm>>) target(%arg11 : memref<128x8xf32, #tpu.memory_space<vmem>>) offsets(%dma_start3A_41 : memref<128xi32, #tpu.memory_space<vmem>>) semaphore(%arg16 : memref<!tpu.dma_semaphore, #tpu.memory_space<semaphore_mem>>)
      %dma_wait3A = arith.constant 0 : i32
      %dma_wait3A_45 = arith.constant 0 : i32
      %dma_wait3A_46 = tpu.memref_slice %arg7[%dma_wait3A, %dma_wait3A_45] : memref<95x128xi32, #tpu.memory_space<vmem>> -> memref<1x128xi32, #tpu.memory_space<vmem>>
      %dma_wait3A_47 = tpu.memref_squeeze %dma_wait3A_46 : memref<1x128xi32, #tpu.memory_space<vmem>> -> memref<128xi32, #tpu.memory_space<vmem>>
      %dma_wait3A_48 = arith.constant 0 : i32
      %dma_wait3A_49 = arith.constant 0 : i32
      %dma_wait3A_50 = tpu.memref_slice %arg2[%dma_wait3A_48, %dma_wait3A_49] : memref<10240x8xf32, #tpu.memory_space<hbm>> -> memref<10240x8xf32, #tpu.memory_space<hbm>>
      tpu.wait_indirect_dma semaphore(%arg14 : memref<!tpu.dma_semaphore, #tpu.memory_space<semaphore_mem>>) src(%dma_wait3A_50 : memref<10240x8xf32, #tpu.memory_space<hbm>>) dst(%arg9 : memref<128x8xf32, #tpu.memory_space<vmem>>)
      %dma_start3A_51 = arith.constant 0 : i32
      %dma_start3A_52 = arith.constant 0 : i32
      %dma_start3A_53 = tpu.memref_slice %arg8[%dma_start3A_51, %dma_start3A_52] : memref<95x128xi32, #tpu.memory_space<vmem>> -> memref<1x128xi32, #tpu.memory_space<vmem>>
      %dma_start3A_54 = tpu.memref_squeeze %dma_start3A_53 : memref<1x128xi32, #tpu.memory_space<vmem>> -> memref<128xi32, #tpu.memory_space<vmem>>
      %dma_start3A_55 = arith.constant 0 : i32
      %dma_start3A_56 = arith.constant 0 : i32
      %dma_start3A_57 = tpu.memref_slice %arg22[%dma_start3A_55, %dma_start3A_56] : memref<10240x8xf32, #tpu.memory_space<vmem_shared>> -> memref<10240x8xf32, #tpu.memory_space<vmem_shared>>
      tpu.enqueue_indirect_dma source(%arg9 : memref<128x8xf32, #tpu.memory_space<vmem>>) target(%dma_start3A_57 : memref<10240x8xf32, #tpu.memory_space<vmem_shared>>) offsets(%dma_start3A_54 : memref<128xi32, #tpu.memory_space<vmem>>) semaphore(%arg18 : memref<!tpu.dma_semaphore, #tpu.memory_space<semaphore_mem>>) {add = true}
      %dma_start3A_58 = arith.constant 3 : i32
      %dma_start3A_59 = arith.constant 0 : i32
      %dma_start3A_60 = tpu.memref_slice %arg7[%dma_start3A_58, %dma_start3A_59] : memref<95x128xi32, #tpu.memory_space<vmem>> -> memref<1x128xi32, #tpu.memory_space<vmem>>
      %dma_start3A_61 = tpu.memref_squeeze %dma_start3A_60 : memref<1x128xi32, #tpu.memory_space<vmem>> -> memref<128xi32, #tpu.memory_space<vmem>>
      %dma_start3A_62 = arith.constant 0 : i32
      %dma_start3A_63 = arith.constant 0 : i32
      %dma_start3A_64 = tpu.memref_slice %arg2[%dma_start3A_62, %dma_start3A_63] : memref<10240x8xf32, #tpu.memory_space<hbm>> -> memref<10240x8xf32, #tpu.memory_space<hbm>>
      tpu.enqueue_indirect_dma source(%dma_start3A_64 : memref<10240x8xf32, #tpu.memory_space<hbm>>) target(%arg12 : memref<128x8xf32, #tpu.memory_space<vmem>>) offsets(%dma_start3A_61 : memref<128xi32, #tpu.memory_space<vmem>>) semaphore(%arg17 : memref<!tpu.dma_semaphore, #tpu.memory_space<semaphore_mem>>)
      %dma_wait3A_65 = arith.constant 1 : i32
      %dma_wait3A_66 = arith.constant 0 : i32
      %dma_wait3A_67 = tpu.memref_slice %arg7[%dma_wait3A_65, %dma_wait3A_66] : memref<95x128xi32, #tpu.memory_space<vmem>> -> memref<1x128xi32, #tpu.memory_space<vmem>>
      %dma_wait3A_68 = tpu.memref_squeeze %dma_wait3A_67 : memref<1x128xi32, #tpu.memory_space<vmem>> -> memref<128xi32, #tpu.memory_space<vmem>>
      %dma_wait3A_69 = arith.constant 0 : i32
      %dma_wait3A_70 = arith.constant 0 : i32
      %dma_wait3A_71 = tpu.memref_slice %arg2[%dma_wait3A_69, %dma_wait3A_70] : memref<10240x8xf32, #tpu.memory_space<hbm>> -> memref<10240x8xf32, #tpu.memory_space<hbm>>
      tpu.wait_indirect_dma semaphore(%arg15 : memref<!tpu.dma_semaphore, #tpu.memory_space<semaphore_mem>>) src(%dma_wait3A_71 : memref<10240x8xf32, #tpu.memory_space<hbm>>) dst(%arg10 : memref<128x8xf32, #tpu.memory_space<vmem>>)
      %dma_start3A_72 = arith.constant 1 : i32
      %dma_start3A_73 = arith.constant 0 : i32
      %dma_start3A_74 = tpu.memref_slice %arg8[%dma_start3A_72, %dma_start3A_73] : memref<95x128xi32, #tpu.memory_space<vmem>> -> memref<1x128xi32, #tpu.memory_space<vmem>>
      %dma_start3A_75 = tpu.memref_squeeze %dma_start3A_74 : memref<1x128xi32, #tpu.memory_space<vmem>> -> memref<128xi32, #tpu.memory_space<vmem>>
      %dma_start3A_76 = arith.constant 0 : i32
      %dma_start3A_77 = arith.constant 0 : i32
      %dma_start3A_78 = tpu.memref_slice %arg22[%dma_start3A_76, %dma_start3A_77] : memref<10240x8xf32, #tpu.memory_space<vmem_shared>> -> memref<10240x8xf32, #tpu.memory_space<vmem_shared>>
      tpu.enqueue_indirect_dma source(%arg10 : memref<128x8xf32, #tpu.memory_space<vmem>>) target(%dma_start3A_78 : memref<10240x8xf32, #tpu.memory_space<vmem_shared>>) offsets(%dma_start3A_75 : memref<128xi32, #tpu.memory_space<vmem>>) semaphore(%arg19 : memref<!tpu.dma_semaphore, #tpu.memory_space<semaphore_mem>>) {add = true}
      %scan3A = arith.constant 0 : i32
      %scan3A_79 = arith.constant 1 : i32
      %scan3A_80 = arith.constant 14 : i32
      %scan3A_81 = arith.addi %scan3A_79, %scan3A_80 : i32
      %scan3A_82 = arith.constant 1 : i32
      scf.for %scan3A_224 = %scan3A_79 to %scan3A_81 step %scan3A_82  : i32 {
        %mul3A_225 = arith.constant 4 : i32
        %mul3A_226 = arith.muli %scan3A_224, %mul3A_225 : i32
        %add3A_227 = arith.constant 0 : i32
        %add3A_228 = arith.addi %mul3A_226, %add3A_227 : i32
        %sub3A = arith.constant 4 : i32
        %sub3A_229 = arith.subi %add3A_228, %sub3A : i32
        %dma_wait3A_230 = arith.constant 0 : i32
        %dma_wait3A_231 = tpu.memref_slice %arg8[%sub3A_229, %dma_wait3A_230] : memref<95x128xi32, #tpu.memory_space<vmem>> -> memref<1x128xi32, #tpu.memory_space<vmem>>
        %dma_wait3A_232 = tpu.memref_squeeze %dma_wait3A_231 : memref<1x128xi32, #tpu.memory_space<vmem>> -> memref<128xi32, #tpu.memory_space<vmem>>
        %dma_wait3A_233 = arith.constant 0 : i32
        %dma_wait3A_234 = arith.constant 0 : i32
        %dma_wait3A_235 = tpu.memref_slice %arg22[%dma_wait3A_233, %dma_wait3A_234] : memref<10240x8xf32, #tpu.memory_space<vmem_shared>> -> memref<10240x8xf32, #tpu.memory_space<vmem_shared>>
        tpu.wait_indirect_dma semaphore(%arg18 : memref<!tpu.dma_semaphore, #tpu.memory_space<semaphore_mem>>) src(%arg9 : memref<128x8xf32, #tpu.memory_space<vmem>>) dst(%dma_wait3A_235 : memref<10240x8xf32, #tpu.memory_space<vmem_shared>>)
        %dma_start3A_236 = arith.constant 0 : i32
        %dma_start3A_237 = tpu.memref_slice %arg7[%add3A_228, %dma_start3A_236] : memref<95x128xi32, #tpu.memory_space<vmem>> -> memref<1x128xi32, #tpu.memory_space<vmem>>
        %dma_start3A_238 = tpu.memref_squeeze %dma_start3A_237 : memref<1x128xi32, #tpu.memory_space<vmem>> -> memref<128xi32, #tpu.memory_space<vmem>>
        %dma_start3A_239 = arith.constant 0 : i32
        %dma_start3A_240 = arith.constant 0 : i32
        %dma_start3A_241 = tpu.memref_slice %arg2[%dma_start3A_239, %dma_start3A_240] : memref<10240x8xf32, #tpu.memory_space<hbm>> -> memref<10240x8xf32, #tpu.memory_space<hbm>>
        tpu.enqueue_indirect_dma source(%dma_start3A_241 : memref<10240x8xf32, #tpu.memory_space<hbm>>) target(%arg9 : memref<128x8xf32, #tpu.memory_space<vmem>>) offsets(%dma_start3A_238 : memref<128xi32, #tpu.memory_space<vmem>>) semaphore(%arg14 : memref<!tpu.dma_semaphore, #tpu.memory_space<semaphore_mem>>)
        %sub3A_242 = arith.constant 2 : i32
        %sub3A_243 = arith.subi %add3A_228, %sub3A_242 : i32
        %dma_wait3A_244 = arith.constant 0 : i32
        %dma_wait3A_245 = tpu.memref_slice %arg7[%sub3A_243, %dma_wait3A_244] : memref<95x128xi32, #tpu.memory_space<vmem>> -> memref<1x128xi32, #tpu.memory_space<vmem>>
        %dma_wait3A_246 = tpu.memref_squeeze %dma_wait3A_245 : memref<1x128xi32, #tpu.memory_space<vmem>> -> memref<128xi32, #tpu.memory_space<vmem>>
        %dma_wait3A_247 = arith.constant 0 : i32
        %dma_wait3A_248 = arith.constant 0 : i32
        %dma_wait3A_249 = tpu.memref_slice %arg2[%dma_wait3A_247, %dma_wait3A_248] : memref<10240x8xf32, #tpu.memory_space<hbm>> -> memref<10240x8xf32, #tpu.memory_space<hbm>>
        tpu.wait_indirect_dma semaphore(%arg16 : memref<!tpu.dma_semaphore, #tpu.memory_space<semaphore_mem>>) src(%dma_wait3A_249 : memref<10240x8xf32, #tpu.memory_space<hbm>>) dst(%arg11 : memref<128x8xf32, #tpu.memory_space<vmem>>)
        %sub3A_250 = arith.constant 2 : i32
        %sub3A_251 = arith.subi %add3A_228, %sub3A_250 : i32
        %dma_start3A_252 = arith.constant 0 : i32
        %dma_start3A_253 = tpu.memref_slice %arg8[%sub3A_251, %dma_start3A_252] : memref<95x128xi32, #tpu.memory_space<vmem>> -> memref<1x128xi32, #tpu.memory_space<vmem>>
        %dma_start3A_254 = tpu.memref_squeeze %dma_start3A_253 : memref<1x128xi32, #tpu.memory_space<vmem>> -> memref<128xi32, #tpu.memory_space<vmem>>
        %dma_start3A_255 = arith.constant 0 : i32
        %dma_start3A_256 = arith.constant 0 : i32
        %dma_start3A_257 = tpu.memref_slice %arg22[%dma_start3A_255, %dma_start3A_256] : memref<10240x8xf32, #tpu.memory_space<vmem_shared>> -> memref<10240x8xf32, #tpu.memory_space<vmem_shared>>
        tpu.enqueue_indirect_dma source(%arg11 : memref<128x8xf32, #tpu.memory_space<vmem>>) target(%dma_start3A_257 : memref<10240x8xf32, #tpu.memory_space<vmem_shared>>) offsets(%dma_start3A_254 : memref<128xi32, #tpu.memory_space<vmem>>) semaphore(%arg20 : memref<!tpu.dma_semaphore, #tpu.memory_space<semaphore_mem>>) {add = true}
        %mul3A_258 = arith.constant 4 : i32
        %mul3A_259 = arith.muli %scan3A_224, %mul3A_258 : i32
        %add3A_260 = arith.constant 1 : i32
        %add3A_261 = arith.addi %mul3A_259, %add3A_260 : i32
        %sub3A_262 = arith.constant 4 : i32
        %sub3A_263 = arith.subi %add3A_261, %sub3A_262 : i32
        %dma_wait3A_264 = arith.constant 0 : i32
        %dma_wait3A_265 = tpu.memref_slice %arg8[%sub3A_263, %dma_wait3A_264] : memref<95x128xi32, #tpu.memory_space<vmem>> -> memref<1x128xi32, #tpu.memory_space<vmem>>
        %dma_wait3A_266 = tpu.memref_squeeze %dma_wait3A_265 : memref<1x128xi32, #tpu.memory_space<vmem>> -> memref<128xi32, #tpu.memory_space<vmem>>
        %dma_wait3A_267 = arith.constant 0 : i32
        %dma_wait3A_268 = arith.constant 0 : i32
        %dma_wait3A_269 = tpu.memref_slice %arg22[%dma_wait3A_267, %dma_wait3A_268] : memref<10240x8xf32, #tpu.memory_space<vmem_shared>> -> memref<10240x8xf32, #tpu.memory_space<vmem_shared>>
        tpu.wait_indirect_dma semaphore(%arg19 : memref<!tpu.dma_semaphore, #tpu.memory_space<semaphore_mem>>) src(%arg10 : memref<128x8xf32, #tpu.memory_space<vmem>>) dst(%dma_wait3A_269 : memref<10240x8xf32, #tpu.memory_space<vmem_shared>>)
        %dma_start3A_270 = arith.constant 0 : i32
        %dma_start3A_271 = tpu.memref_slice %arg7[%add3A_261, %dma_start3A_270] : memref<95x128xi32, #tpu.memory_space<vmem>> -> memref<1x128xi32, #tpu.memory_space<vmem>>
        %dma_start3A_272 = tpu.memref_squeeze %dma_start3A_271 : memref<1x128xi32, #tpu.memory_space<vmem>> -> memref<128xi32, #tpu.memory_space<vmem>>
        %dma_start3A_273 = arith.constant 0 : i32
        %dma_start3A_274 = arith.constant 0 : i32
        %dma_start3A_275 = tpu.memref_slice %arg2[%dma_start3A_273, %dma_start3A_274] : memref<10240x8xf32, #tpu.memory_space<hbm>> -> memref<10240x8xf32, #tpu.memory_space<hbm>>
        tpu.enqueue_indirect_dma source(%dma_start3A_275 : memref<10240x8xf32, #tpu.memory_space<hbm>>) target(%arg10 : memref<128x8xf32, #tpu.memory_space<vmem>>) offsets(%dma_start3A_272 : memref<128xi32, #tpu.memory_space<vmem>>) semaphore(%arg15 : memref<!tpu.dma_semaphore, #tpu.memory_space<semaphore_mem>>)
        %sub3A_276 = arith.constant 2 : i32
        %sub3A_277 = arith.subi %add3A_261, %sub3A_276 : i32
        %dma_wait3A_278 = arith.constant 0 : i32
        %dma_wait3A_279 = tpu.memref_slice %arg7[%sub3A_277, %dma_wait3A_278] : memref<95x128xi32, #tpu.memory_space<vmem>> -> memref<1x128xi32, #tpu.memory_space<vmem>>
        %dma_wait3A_280 = tpu.memref_squeeze %dma_wait3A_279 : memref<1x128xi32, #tpu.memory_space<vmem>> -> memref<128xi32, #tpu.memory_space<vmem>>
        %dma_wait3A_281 = arith.constant 0 : i32
        %dma_wait3A_282 = arith.constant 0 : i32
        %dma_wait3A_283 = tpu.memref_slice %arg2[%dma_wait3A_281, %dma_wait3A_282] : memref<10240x8xf32, #tpu.memory_space<hbm>> -> memref<10240x8xf32, #tpu.memory_space<hbm>>
        tpu.wait_indirect_dma semaphore(%arg17 : memref<!tpu.dma_semaphore, #tpu.memory_space<semaphore_mem>>) src(%dma_wait3A_283 : memref<10240x8xf32, #tpu.memory_space<hbm>>) dst(%arg12 : memref<128x8xf32, #tpu.memory_space<vmem>>)
        %sub3A_284 = arith.constant 2 : i32
        %sub3A_285 = arith.subi %add3A_261, %sub3A_284 : i32
        %dma_start3A_286 = arith.constant 0 : i32
        %dma_start3A_287 = tpu.memref_slice %arg8[%sub3A_285, %dma_start3A_286] : memref<95x128xi32, #tpu.memory_space<vmem>> -> memref<1x128xi32, #tpu.memory_space<vmem>>
        %dma_start3A_288 = tpu.memref_squeeze %dma_start3A_287 : memref<1x128xi32, #tpu.memory_space<vmem>> -> memref<128xi32, #tpu.memory_space<vmem>>
        %dma_start3A_289 = arith.constant 0 : i32
        %dma_start3A_290 = arith.constant 0 : i32
        %dma_start3A_291 = tpu.memref_slice %arg22[%dma_start3A_289, %dma_start3A_290] : memref<10240x8xf32, #tpu.memory_space<vmem_shared>> -> memref<10240x8xf32, #tpu.memory_space<vmem_shared>>
        tpu.enqueue_indirect_dma source(%arg12 : memref<128x8xf32, #tpu.memory_space<vmem>>) target(%dma_start3A_291 : memref<10240x8xf32, #tpu.memory_space<vmem_shared>>) offsets(%dma_start3A_288 : memref<128xi32, #tpu.memory_space<vmem>>) semaphore(%arg21 : memref<!tpu.dma_semaphore, #tpu.memory_space<semaphore_mem>>) {add = true}
        %mul3A_292 = arith.constant 4 : i32
        %mul3A_293 = arith.muli %scan3A_224, %mul3A_292 : i32
        %add3A_294 = arith.constant 2 : i32
        %add3A_295 = arith.addi %mul3A_293, %add3A_294 : i32
        %sub3A_296 = arith.constant 4 : i32
        %sub3A_297 = arith.subi %add3A_295, %sub3A_296 : i32
        %dma_wait3A_298 = arith.constant 0 : i32
        %dma_wait3A_299 = tpu.memref_slice %arg8[%sub3A_297, %dma_wait3A_298] : memref<95x128xi32, #tpu.memory_space<vmem>> -> memref<1x128xi32, #tpu.memory_space<vmem>>
        %dma_wait3A_300 = tpu.memref_squeeze %dma_wait3A_299 : memref<1x128xi32, #tpu.memory_space<vmem>> -> memref<128xi32, #tpu.memory_space<vmem>>
        %dma_wait3A_301 = arith.constant 0 : i32
        %dma_wait3A_302 = arith.constant 0 : i32
        %dma_wait3A_303 = tpu.memref_slice %arg22[%dma_wait3A_301, %dma_wait3A_302] : memref<10240x8xf32, #tpu.memory_space<vmem_shared>> -> memref<10240x8xf32, #tpu.memory_space<vmem_shared>>
        tpu.wait_indirect_dma semaphore(%arg20 : memref<!tpu.dma_semaphore, #tpu.memory_space<semaphore_mem>>) src(%arg11 : memref<128x8xf32, #tpu.memory_space<vmem>>) dst(%dma_wait3A_303 : memref<10240x8xf32, #tpu.memory_space<vmem_shared>>)
        %dma_start3A_304 = arith.constant 0 : i32
        %dma_start3A_305 = tpu.memref_slice %arg7[%add3A_295, %dma_start3A_304] : memref<95x128xi32, #tpu.memory_space<vmem>> -> memref<1x128xi32, #tpu.memory_space<vmem>>
        %dma_start3A_306 = tpu.memref_squeeze %dma_start3A_305 : memref<1x128xi32, #tpu.memory_space<vmem>> -> memref<128xi32, #tpu.memory_space<vmem>>
        %dma_start3A_307 = arith.constant 0 : i32
        %dma_start3A_308 = arith.constant 0 : i32
        %dma_start3A_309 = tpu.memref_slice %arg2[%dma_start3A_307, %dma_start3A_308] : memref<10240x8xf32, #tpu.memory_space<hbm>> -> memref<10240x8xf32, #tpu.memory_space<hbm>>
        tpu.enqueue_indirect_dma source(%dma_start3A_309 : memref<10240x8xf32, #tpu.memory_space<hbm>>) target(%arg11 : memref<128x8xf32, #tpu.memory_space<vmem>>) offsets(%dma_start3A_306 : memref<128xi32, #tpu.memory_space<vmem>>) semaphore(%arg16 : memref<!tpu.dma_semaphore, #tpu.memory_space<semaphore_mem>>)
        %sub3A_310 = arith.constant 2 : i32
        %sub3A_311 = arith.subi %add3A_295, %sub3A_310 : i32
        %dma_wait3A_312 = arith.constant 0 : i32
        %dma_wait3A_313 = tpu.memref_slice %arg7[%sub3A_311, %dma_wait3A_312] : memref<95x128xi32, #tpu.memory_space<vmem>> -> memref<1x128xi32, #tpu.memory_space<vmem>>
        %dma_wait3A_314 = tpu.memref_squeeze %dma_wait3A_313 : memref<1x128xi32, #tpu.memory_space<vmem>> -> memref<128xi32, #tpu.memory_space<vmem>>
        %dma_wait3A_315 = arith.constant 0 : i32
        %dma_wait3A_316 = arith.constant 0 : i32
        %dma_wait3A_317 = tpu.memref_slice %arg2[%dma_wait3A_315, %dma_wait3A_316] : memref<10240x8xf32, #tpu.memory_space<hbm>> -> memref<10240x8xf32, #tpu.memory_space<hbm>>
        tpu.wait_indirect_dma semaphore(%arg14 : memref<!tpu.dma_semaphore, #tpu.memory_space<semaphore_mem>>) src(%dma_wait3A_317 : memref<10240x8xf32, #tpu.memory_space<hbm>>) dst(%arg9 : memref<128x8xf32, #tpu.memory_space<vmem>>)
        %sub3A_318 = arith.constant 2 : i32
        %sub3A_319 = arith.subi %add3A_295, %sub3A_318 : i32
        %dma_start3A_320 = arith.constant 0 : i32
        %dma_start3A_321 = tpu.memref_slice %arg8[%sub3A_319, %dma_start3A_320] : memref<95x128xi32, #tpu.memory_space<vmem>> -> memref<1x128xi32, #tpu.memory_space<vmem>>
        %dma_start3A_322 = tpu.memref_squeeze %dma_start3A_321 : memref<1x128xi32, #tpu.memory_space<vmem>> -> memref<128xi32, #tpu.memory_space<vmem>>
        %dma_start3A_323 = arith.constant 0 : i32
        %dma_start3A_324 = arith.constant 0 : i32
        %dma_start3A_325 = tpu.memref_slice %arg22[%dma_start3A_323, %dma_start3A_324] : memref<10240x8xf32, #tpu.memory_space<vmem_shared>> -> memref<10240x8xf32, #tpu.memory_space<vmem_shared>>
        tpu.enqueue_indirect_dma source(%arg9 : memref<128x8xf32, #tpu.memory_space<vmem>>) target(%dma_start3A_325 : memref<10240x8xf32, #tpu.memory_space<vmem_shared>>) offsets(%dma_start3A_322 : memref<128xi32, #tpu.memory_space<vmem>>) semaphore(%arg18 : memref<!tpu.dma_semaphore, #tpu.memory_space<semaphore_mem>>) {add = true}
        %mul3A_326 = arith.constant 4 : i32
        %mul3A_327 = arith.muli %scan3A_224, %mul3A_326 : i32
        %add3A_328 = arith.constant 3 : i32
        %add3A_329 = arith.addi %mul3A_327, %add3A_328 : i32
        %sub3A_330 = arith.constant 4 : i32
        %sub3A_331 = arith.subi %add3A_329, %sub3A_330 : i32
        %dma_wait3A_332 = arith.constant 0 : i32
        %dma_wait3A_333 = tpu.memref_slice %arg8[%sub3A_331, %dma_wait3A_332] : memref<95x128xi32, #tpu.memory_space<vmem>> -> memref<1x128xi32, #tpu.memory_space<vmem>>
        %dma_wait3A_334 = tpu.memref_squeeze %dma_wait3A_333 : memref<1x128xi32, #tpu.memory_space<vmem>> -> memref<128xi32, #tpu.memory_space<vmem>>
        %dma_wait3A_335 = arith.constant 0 : i32
        %dma_wait3A_336 = arith.constant 0 : i32
        %dma_wait3A_337 = tpu.memref_slice %arg22[%dma_wait3A_335, %dma_wait3A_336] : memref<10240x8xf32, #tpu.memory_space<vmem_shared>> -> memref<10240x8xf32, #tpu.memory_space<vmem_shared>>
        tpu.wait_indirect_dma semaphore(%arg21 : memref<!tpu.dma_semaphore, #tpu.memory_space<semaphore_mem>>) src(%arg12 : memref<128x8xf32, #tpu.memory_space<vmem>>) dst(%dma_wait3A_337 : memref<10240x8xf32, #tpu.memory_space<vmem_shared>>)
        %dma_start3A_338 = arith.constant 0 : i32
        %dma_start3A_339 = tpu.memref_slice %arg7[%add3A_329, %dma_start3A_338] : memref<95x128xi32, #tpu.memory_space<vmem>> -> memref<1x128xi32, #tpu.memory_space<vmem>>
        %dma_start3A_340 = tpu.memref_squeeze %dma_start3A_339 : memref<1x128xi32, #tpu.memory_space<vmem>> -> memref<128xi32, #tpu.memory_space<vmem>>
        %dma_start3A_341 = arith.constant 0 : i32
        %dma_start3A_342 = arith.constant 0 : i32
        %dma_start3A_343 = tpu.memref_slice %arg2[%dma_start3A_341, %dma_start3A_342] : memref<10240x8xf32, #tpu.memory_space<hbm>> -> memref<10240x8xf32, #tpu.memory_space<hbm>>
        tpu.enqueue_indirect_dma source(%dma_start3A_343 : memref<10240x8xf32, #tpu.memory_space<hbm>>) target(%arg12 : memref<128x8xf32, #tpu.memory_space<vmem>>) offsets(%dma_start3A_340 : memref<128xi32, #tpu.memory_space<vmem>>) semaphore(%arg17 : memref<!tpu.dma_semaphore, #tpu.memory_space<semaphore_mem>>)
        %sub3A_344 = arith.constant 2 : i32
        %sub3A_345 = arith.subi %add3A_329, %sub3A_344 : i32
        %dma_wait3A_346 = arith.constant 0 : i32
        %dma_wait3A_347 = tpu.memref_slice %arg7[%sub3A_345, %dma_wait3A_346] : memref<95x128xi32, #tpu.memory_space<vmem>> -> memref<1x128xi32, #tpu.memory_space<vmem>>
        %dma_wait3A_348 = tpu.memref_squeeze %dma_wait3A_347 : memref<1x128xi32, #tpu.memory_space<vmem>> -> memref<128xi32, #tpu.memory_space<vmem>>
        %dma_wait3A_349 = arith.constant 0 : i32
        %dma_wait3A_350 = arith.constant 0 : i32
        %dma_wait3A_351 = tpu.memref_slice %arg2[%dma_wait3A_349, %dma_wait3A_350] : memref<10240x8xf32, #tpu.memory_space<hbm>> -> memref<10240x8xf32, #tpu.memory_space<hbm>>
        tpu.wait_indirect_dma semaphore(%arg15 : memref<!tpu.dma_semaphore, #tpu.memory_space<semaphore_mem>>) src(%dma_wait3A_351 : memref<10240x8xf32, #tpu.memory_space<hbm>>) dst(%arg10 : memref<128x8xf32, #tpu.memory_space<vmem>>)
        %sub3A_352 = arith.constant 2 : i32
        %sub3A_353 = arith.subi %add3A_329, %sub3A_352 : i32
        %dma_start3A_354 = arith.constant 0 : i32
        %dma_start3A_355 = tpu.memref_slice %arg8[%sub3A_353, %dma_start3A_354] : memref<95x128xi32, #tpu.memory_space<vmem>> -> memref<1x128xi32, #tpu.memory_space<vmem>>
        %dma_start3A_356 = tpu.memref_squeeze %dma_start3A_355 : memref<1x128xi32, #tpu.memory_space<vmem>> -> memref<128xi32, #tpu.memory_space<vmem>>
        %dma_start3A_357 = arith.constant 0 : i32
        %dma_start3A_358 = arith.constant 0 : i32
        %dma_start3A_359 = tpu.memref_slice %arg22[%dma_start3A_357, %dma_start3A_358] : memref<10240x8xf32, #tpu.memory_space<vmem_shared>> -> memref<10240x8xf32, #tpu.memory_space<vmem_shared>>
        tpu.enqueue_indirect_dma source(%arg10 : memref<128x8xf32, #tpu.memory_space<vmem>>) target(%dma_start3A_359 : memref<10240x8xf32, #tpu.memory_space<vmem_shared>>) offsets(%dma_start3A_356 : memref<128xi32, #tpu.memory_space<vmem>>) semaphore(%arg19 : memref<!tpu.dma_semaphore, #tpu.memory_space<semaphore_mem>>) {add = true}
      }
      %scan3A_83 = arith.constant 14 : i32
      %dma_wait3A_84 = arith.constant 56 : i32
      %dma_wait3A_85 = arith.constant 0 : i32
      %dma_wait3A_86 = tpu.memref_slice %arg8[%dma_wait3A_84, %dma_wait3A_85] : memref<95x128xi32, #tpu.memory_space<vmem>> -> memref<1x128xi32, #tpu.memory_space<vmem>>
      %dma_wait3A_87 = tpu.memref_squeeze %dma_wait3A_86 : memref<1x128xi32, #tpu.memory_space<vmem>> -> memref<128xi32, #tpu.memory_space<vmem>>
      %dma_wait3A_88 = arith.constant 0 : i32
      %dma_wait3A_89 = arith.constant 0 : i32
      %dma_wait3A_90 = tpu.memref_slice %arg22[%dma_wait3A_88, %dma_wait3A_89] : memref<10240x8xf32, #tpu.memory_space<vmem_shared>> -> memref<10240x8xf32, #tpu.memory_space<vmem_shared>>
      tpu.wait_indirect_dma semaphore(%arg18 : memref<!tpu.dma_semaphore, #tpu.memory_space<semaphore_mem>>) src(%arg9 : memref<128x8xf32, #tpu.memory_space<vmem>>) dst(%dma_wait3A_90 : memref<10240x8xf32, #tpu.memory_space<vmem_shared>>)
      %dma_start3A_91 = arith.constant 60 : i32
      %dma_start3A_92 = arith.constant 0 : i32
      %dma_start3A_93 = tpu.memref_slice %arg7[%dma_start3A_91, %dma_start3A_92] : memref<95x128xi32, #tpu.memory_space<vmem>> -> memref<1x128xi32, #tpu.memory_space<vmem>>
      %dma_start3A_94 = tpu.memref_squeeze %dma_start3A_93 : memref<1x128xi32, #tpu.memory_space<vmem>> -> memref<128xi32, #tpu.memory_space<vmem>>
      %dma_start3A_95 = arith.constant 0 : i32
      %dma_start3A_96 = arith.constant 0 : i32
      %dma_start3A_97 = tpu.memref_slice %arg2[%dma_start3A_95, %dma_start3A_96] : memref<10240x8xf32, #tpu.memory_space<hbm>> -> memref<10240x8xf32, #tpu.memory_space<hbm>>
      tpu.enqueue_indirect_dma source(%dma_start3A_97 : memref<10240x8xf32, #tpu.memory_space<hbm>>) target(%arg9 : memref<128x8xf32, #tpu.memory_space<vmem>>) offsets(%dma_start3A_94 : memref<128xi32, #tpu.memory_space<vmem>>) semaphore(%arg14 : memref<!tpu.dma_semaphore, #tpu.memory_space<semaphore_mem>>)
      %dma_wait3A_98 = arith.constant 58 : i32
      %dma_wait3A_99 = arith.constant 0 : i32
      %dma_wait3A_100 = tpu.memref_slice %arg7[%dma_wait3A_98, %dma_wait3A_99] : memref<95x128xi32, #tpu.memory_space<vmem>> -> memref<1x128xi32, #tpu.memory_space<vmem>>
      %dma_wait3A_101 = tpu.memref_squeeze %dma_wait3A_100 : memref<1x128xi32, #tpu.memory_space<vmem>> -> memref<128xi32, #tpu.memory_space<vmem>>
      %dma_wait3A_102 = arith.constant 0 : i32
      %dma_wait3A_103 = arith.constant 0 : i32
      %dma_wait3A_104 = tpu.memref_slice %arg2[%dma_wait3A_102, %dma_wait3A_103] : memref<10240x8xf32, #tpu.memory_space<hbm>> -> memref<10240x8xf32, #tpu.memory_space<hbm>>
      tpu.wait_indirect_dma semaphore(%arg16 : memref<!tpu.dma_semaphore, #tpu.memory_space<semaphore_mem>>) src(%dma_wait3A_104 : memref<10240x8xf32, #tpu.memory_space<hbm>>) dst(%arg11 : memref<128x8xf32, #tpu.memory_space<vmem>>)
      %dma_start3A_105 = arith.constant 58 : i32
      %dma_start3A_106 = arith.constant 0 : i32
      %dma_start3A_107 = tpu.memref_slice %arg8[%dma_start3A_105, %dma_start3A_106] : memref<95x128xi32, #tpu.memory_space<vmem>> -> memref<1x128xi32, #tpu.memory_space<vmem>>
      %dma_start3A_108 = tpu.memref_squeeze %dma_start3A_107 : memref<1x128xi32, #tpu.memory_space<vmem>> -> memref<128xi32, #tpu.memory_space<vmem>>
      %dma_start3A_109 = arith.constant 0 : i32
      %dma_start3A_110 = arith.constant 0 : i32
      %dma_start3A_111 = tpu.memref_slice %arg22[%dma_start3A_109, %dma_start3A_110] : memref<10240x8xf32, #tpu.memory_space<vmem_shared>> -> memref<10240x8xf32, #tpu.memory_space<vmem_shared>>
      tpu.enqueue_indirect_dma source(%arg11 : memref<128x8xf32, #tpu.memory_space<vmem>>) target(%dma_start3A_111 : memref<10240x8xf32, #tpu.memory_space<vmem_shared>>) offsets(%dma_start3A_108 : memref<128xi32, #tpu.memory_space<vmem>>) semaphore(%arg20 : memref<!tpu.dma_semaphore, #tpu.memory_space<semaphore_mem>>) {add = true}
      %dma_wait3A_112 = arith.constant 57 : i32
      %dma_wait3A_113 = arith.constant 0 : i32
      %dma_wait3A_114 = tpu.memref_slice %arg8[%dma_wait3A_112, %dma_wait3A_113] : memref<95x128xi32, #tpu.memory_space<vmem>> -> memref<1x128xi32, #tpu.memory_space<vmem>>
      %dma_wait3A_115 = tpu.memref_squeeze %dma_wait3A_114 : memref<1x128xi32, #tpu.memory_space<vmem>> -> memref<128xi32, #tpu.memory_space<vmem>>
      %dma_wait3A_116 = arith.constant 0 : i32
      %dma_wait3A_117 = arith.constant 0 : i32
      %dma_wait3A_118 = tpu.memref_slice %arg22[%dma_wait3A_116, %dma_wait3A_117] : memref<10240x8xf32, #tpu.memory_space<vmem_shared>> -> memref<10240x8xf32, #tpu.memory_space<vmem_shared>>
      tpu.wait_indirect_dma semaphore(%arg19 : memref<!tpu.dma_semaphore, #tpu.memory_space<semaphore_mem>>) src(%arg10 : memref<128x8xf32, #tpu.memory_space<vmem>>) dst(%dma_wait3A_118 : memref<10240x8xf32, #tpu.memory_space<vmem_shared>>)
      %dma_start3A_119 = arith.constant 61 : i32
      %dma_start3A_120 = arith.constant 0 : i32
      %dma_start3A_121 = tpu.memref_slice %arg7[%dma_start3A_119, %dma_start3A_120] : memref<95x128xi32, #tpu.memory_space<vmem>> -> memref<1x128xi32, #tpu.memory_space<vmem>>
      %dma_start3A_122 = tpu.memref_squeeze %dma_start3A_121 : memref<1x128xi32, #tpu.memory_space<vmem>> -> memref<128xi32, #tpu.memory_space<vmem>>
      %dma_start3A_123 = arith.constant 0 : i32
      %dma_start3A_124 = arith.constant 0 : i32
      %dma_start3A_125 = tpu.memref_slice %arg2[%dma_start3A_123, %dma_start3A_124] : memref<10240x8xf32, #tpu.memory_space<hbm>> -> memref<10240x8xf32, #tpu.memory_space<hbm>>
      tpu.enqueue_indirect_dma source(%dma_start3A_125 : memref<10240x8xf32, #tpu.memory_space<hbm>>) target(%arg10 : memref<128x8xf32, #tpu.memory_space<vmem>>) offsets(%dma_start3A_122 : memref<128xi32, #tpu.memory_space<vmem>>) semaphore(%arg15 : memref<!tpu.dma_semaphore, #tpu.memory_space<semaphore_mem>>)
      %dma_wait3A_126 = arith.constant 59 : i32
      %dma_wait3A_127 = arith.constant 0 : i32
      %dma_wait3A_128 = tpu.memref_slice %arg7[%dma_wait3A_126, %dma_wait3A_127] : memref<95x128xi32, #tpu.memory_space<vmem>> -> memref<1x128xi32, #tpu.memory_space<vmem>>
      %dma_wait3A_129 = tpu.memref_squeeze %dma_wait3A_128 : memref<1x128xi32, #tpu.memory_space<vmem>> -> memref<128xi32, #tpu.memory_space<vmem>>
      %dma_wait3A_130 = arith.constant 0 : i32
      %dma_wait3A_131 = arith.constant 0 : i32
      %dma_wait3A_132 = tpu.memref_slice %arg2[%dma_wait3A_130, %dma_wait3A_131] : memref<10240x8xf32, #tpu.memory_space<hbm>> -> memref<10240x8xf32, #tpu.memory_space<hbm>>
      tpu.wait_indirect_dma semaphore(%arg17 : memref<!tpu.dma_semaphore, #tpu.memory_space<semaphore_mem>>) src(%dma_wait3A_132 : memref<10240x8xf32, #tpu.memory_space<hbm>>) dst(%arg12 : memref<128x8xf32, #tpu.memory_space<vmem>>)
      %dma_start3A_133 = arith.constant 59 : i32
      %dma_start3A_134 = arith.constant 0 : i32
      %dma_start3A_135 = tpu.memref_slice %arg8[%dma_start3A_133, %dma_start3A_134] : memref<95x128xi32, #tpu.memory_space<vmem>> -> memref<1x128xi32, #tpu.memory_space<vmem>>
      %dma_start3A_136 = tpu.memref_squeeze %dma_start3A_135 : memref<1x128xi32, #tpu.memory_space<vmem>> -> memref<128xi32, #tpu.memory_space<vmem>>
      %dma_start3A_137 = arith.constant 0 : i32
      %dma_start3A_138 = arith.constant 0 : i32
      %dma_start3A_139 = tpu.memref_slice %arg22[%dma_start3A_137, %dma_start3A_138] : memref<10240x8xf32, #tpu.memory_space<vmem_shared>> -> memref<10240x8xf32, #tpu.memory_space<vmem_shared>>
      tpu.enqueue_indirect_dma source(%arg12 : memref<128x8xf32, #tpu.memory_space<vmem>>) target(%dma_start3A_139 : memref<10240x8xf32, #tpu.memory_space<vmem_shared>>) offsets(%dma_start3A_136 : memref<128xi32, #tpu.memory_space<vmem>>) semaphore(%arg21 : memref<!tpu.dma_semaphore, #tpu.memory_space<semaphore_mem>>) {add = true}
      %dma_wait3A_140 = arith.constant 58 : i32
      %dma_wait3A_141 = arith.constant 0 : i32
      %dma_wait3A_142 = tpu.memref_slice %arg8[%dma_wait3A_140, %dma_wait3A_141] : memref<95x128xi32, #tpu.memory_space<vmem>> -> memref<1x128xi32, #tpu.memory_space<vmem>>
      %dma_wait3A_143 = tpu.memref_squeeze %dma_wait3A_142 : memref<1x128xi32, #tpu.memory_space<vmem>> -> memref<128xi32, #tpu.memory_space<vmem>>
      %dma_wait3A_144 = arith.constant 0 : i32
      %dma_wait3A_145 = arith.constant 0 : i32
      %dma_wait3A_146 = tpu.memref_slice %arg22[%dma_wait3A_144, %dma_wait3A_145] : memref<10240x8xf32, #tpu.memory_space<vmem_shared>> -> memref<10240x8xf32, #tpu.memory_space<vmem_shared>>
      tpu.wait_indirect_dma semaphore(%arg20 : memref<!tpu.dma_semaphore, #tpu.memory_space<semaphore_mem>>) src(%arg11 : memref<128x8xf32, #tpu.memory_space<vmem>>) dst(%dma_wait3A_146 : memref<10240x8xf32, #tpu.memory_space<vmem_shared>>)
      %dma_start3A_147 = arith.constant 62 : i32
      %dma_start3A_148 = arith.constant 0 : i32
      %dma_start3A_149 = tpu.memref_slice %arg7[%dma_start3A_147, %dma_start3A_148] : memref<95x128xi32, #tpu.memory_space<vmem>> -> memref<1x128xi32, #tpu.memory_space<vmem>>
      %dma_start3A_150 = tpu.memref_squeeze %dma_start3A_149 : memref<1x128xi32, #tpu.memory_space<vmem>> -> memref<128xi32, #tpu.memory_space<vmem>>
      %dma_start3A_151 = arith.constant 0 : i32
      %dma_start3A_152 = arith.constant 0 : i32
      %dma_start3A_153 = tpu.memref_slice %arg2[%dma_start3A_151, %dma_start3A_152] : memref<10240x8xf32, #tpu.memory_space<hbm>> -> memref<10240x8xf32, #tpu.memory_space<hbm>>
      tpu.enqueue_indirect_dma source(%dma_start3A_153 : memref<10240x8xf32, #tpu.memory_space<hbm>>) target(%arg11 : memref<128x8xf32, #tpu.memory_space<vmem>>) offsets(%dma_start3A_150 : memref<128xi32, #tpu.memory_space<vmem>>) semaphore(%arg16 : memref<!tpu.dma_semaphore, #tpu.memory_space<semaphore_mem>>)
      %dma_wait3A_154 = arith.constant 60 : i32
      %dma_wait3A_155 = arith.constant 0 : i32
      %dma_wait3A_156 = tpu.memref_slice %arg7[%dma_wait3A_154, %dma_wait3A_155] : memref<95x128xi32, #tpu.memory_space<vmem>> -> memref<1x128xi32, #tpu.memory_space<vmem>>
      %dma_wait3A_157 = tpu.memref_squeeze %dma_wait3A_156 : memref<1x128xi32, #tpu.memory_space<vmem>> -> memref<128xi32, #tpu.memory_space<vmem>>
      %dma_wait3A_158 = arith.constant 0 : i32
      %dma_wait3A_159 = arith.constant 0 : i32
      %dma_wait3A_160 = tpu.memref_slice %arg2[%dma_wait3A_158, %dma_wait3A_159] : memref<10240x8xf32, #tpu.memory_space<hbm>> -> memref<10240x8xf32, #tpu.memory_space<hbm>>
      tpu.wait_indirect_dma semaphore(%arg14 : memref<!tpu.dma_semaphore, #tpu.memory_space<semaphore_mem>>) src(%dma_wait3A_160 : memref<10240x8xf32, #tpu.memory_space<hbm>>) dst(%arg9 : memref<128x8xf32, #tpu.memory_space<vmem>>)
      %dma_start3A_161 = arith.constant 60 : i32
      %dma_start3A_162 = arith.constant 0 : i32
      %dma_start3A_163 = tpu.memref_slice %arg8[%dma_start3A_161, %dma_start3A_162] : memref<95x128xi32, #tpu.memory_space<vmem>> -> memref<1x128xi32, #tpu.memory_space<vmem>>
      %dma_start3A_164 = tpu.memref_squeeze %dma_start3A_163 : memref<1x128xi32, #tpu.memory_space<vmem>> -> memref<128xi32, #tpu.memory_space<vmem>>
      %dma_start3A_165 = arith.constant 0 : i32
      %dma_start3A_166 = arith.constant 0 : i32
      %dma_start3A_167 = tpu.memref_slice %arg22[%dma_start3A_165, %dma_start3A_166] : memref<10240x8xf32, #tpu.memory_space<vmem_shared>> -> memref<10240x8xf32, #tpu.memory_space<vmem_shared>>
      tpu.enqueue_indirect_dma source(%arg9 : memref<128x8xf32, #tpu.memory_space<vmem>>) target(%dma_start3A_167 : memref<10240x8xf32, #tpu.memory_space<vmem_shared>>) offsets(%dma_start3A_164 : memref<128xi32, #tpu.memory_space<vmem>>) semaphore(%arg18 : memref<!tpu.dma_semaphore, #tpu.memory_space<semaphore_mem>>) {add = true}
      %dma_wait3A_168 = arith.constant 61 : i32
      %dma_wait3A_169 = arith.constant 0 : i32
      %dma_wait3A_170 = tpu.memref_slice %arg7[%dma_wait3A_168, %dma_wait3A_169] : memref<95x128xi32, #tpu.memory_space<vmem>> -> memref<1x128xi32, #tpu.memory_space<vmem>>
      %dma_wait3A_171 = tpu.memref_squeeze %dma_wait3A_170 : memref<1x128xi32, #tpu.memory_space<vmem>> -> memref<128xi32, #tpu.memory_space<vmem>>
      %dma_wait3A_172 = arith.constant 0 : i32
      %dma_wait3A_173 = arith.constant 0 : i32
      %dma_wait3A_174 = tpu.memref_slice %arg2[%dma_wait3A_172, %dma_wait3A_173] : memref<10240x8xf32, #tpu.memory_space<hbm>> -> memref<10240x8xf32, #tpu.memory_space<hbm>>
      tpu.wait_indirect_dma semaphore(%arg15 : memref<!tpu.dma_semaphore, #tpu.memory_space<semaphore_mem>>) src(%dma_wait3A_174 : memref<10240x8xf32, #tpu.memory_space<hbm>>) dst(%arg10 : memref<128x8xf32, #tpu.memory_space<vmem>>)
      %dma_start3A_175 = arith.constant 61 : i32
      %dma_start3A_176 = arith.constant 0 : i32
      %dma_start3A_177 = tpu.memref_slice %arg8[%dma_start3A_175, %dma_start3A_176] : memref<95x128xi32, #tpu.memory_space<vmem>> -> memref<1x128xi32, #tpu.memory_space<vmem>>
      %dma_start3A_178 = tpu.memref_squeeze %dma_start3A_177 : memref<1x128xi32, #tpu.memory_space<vmem>> -> memref<128xi32, #tpu.memory_space<vmem>>
      %dma_start3A_179 = arith.constant 0 : i32
      %dma_start3A_180 = arith.constant 0 : i32
      %dma_start3A_181 = tpu.memref_slice %arg22[%dma_start3A_179, %dma_start3A_180] : memref<10240x8xf32, #tpu.memory_space<vmem_shared>> -> memref<10240x8xf32, #tpu.memory_space<vmem_shared>>
      tpu.enqueue_indirect_dma source(%arg10 : memref<128x8xf32, #tpu.memory_space<vmem>>) target(%dma_start3A_181 : memref<10240x8xf32, #tpu.memory_space<vmem_shared>>) offsets(%dma_start3A_178 : memref<128xi32, #tpu.memory_space<vmem>>) semaphore(%arg19 : memref<!tpu.dma_semaphore, #tpu.memory_space<semaphore_mem>>) {add = true}
      %dma_wait3A_182 = arith.constant 62 : i32
      %dma_wait3A_183 = arith.constant 0 : i32
      %dma_wait3A_184 = tpu.memref_slice %arg7[%dma_wait3A_182, %dma_wait3A_183] : memref<95x128xi32, #tpu.memory_space<vmem>> -> memref<1x128xi32, #tpu.memory_space<vmem>>
      %dma_wait3A_185 = tpu.memref_squeeze %dma_wait3A_184 : memref<1x128xi32, #tpu.memory_space<vmem>> -> memref<128xi32, #tpu.memory_space<vmem>>
      %dma_wait3A_186 = arith.constant 0 : i32
      %dma_wait3A_187 = arith.constant 0 : i32
      %dma_wait3A_188 = tpu.memref_slice %arg2[%dma_wait3A_186, %dma_wait3A_187] : memref<10240x8xf32, #tpu.memory_space<hbm>> -> memref<10240x8xf32, #tpu.memory_space<hbm>>
      tpu.wait_indirect_dma semaphore(%arg16 : memref<!tpu.dma_semaphore, #tpu.memory_space<semaphore_mem>>) src(%dma_wait3A_188 : memref<10240x8xf32, #tpu.memory_space<hbm>>) dst(%arg11 : memref<128x8xf32, #tpu.memory_space<vmem>>)
      %dma_start3A_189 = arith.constant 62 : i32
      %dma_start3A_190 = arith.constant 0 : i32
      %dma_start3A_191 = tpu.memref_slice %arg8[%dma_start3A_189, %dma_start3A_190] : memref<95x128xi32, #tpu.memory_space<vmem>> -> memref<1x128xi32, #tpu.memory_space<vmem>>
      %dma_start3A_192 = tpu.memref_squeeze %dma_start3A_191 : memref<1x128xi32, #tpu.memory_space<vmem>> -> memref<128xi32, #tpu.memory_space<vmem>>
      %dma_start3A_193 = arith.constant 0 : i32
      %dma_start3A_194 = arith.constant 0 : i32
      %dma_start3A_195 = tpu.memref_slice %arg22[%dma_start3A_193, %dma_start3A_194] : memref<10240x8xf32, #tpu.memory_space<vmem_shared>> -> memref<10240x8xf32, #tpu.memory_space<vmem_shared>>
      tpu.enqueue_indirect_dma source(%arg11 : memref<128x8xf32, #tpu.memory_space<vmem>>) target(%dma_start3A_195 : memref<10240x8xf32, #tpu.memory_space<vmem_shared>>) offsets(%dma_start3A_192 : memref<128xi32, #tpu.memory_space<vmem>>) semaphore(%arg20 : memref<!tpu.dma_semaphore, #tpu.memory_space<semaphore_mem>>) {add = true}
      %dma_wait3A_196 = arith.constant 59 : i32
      %dma_wait3A_197 = arith.constant 0 : i32
      %dma_wait3A_198 = tpu.memref_slice %arg8[%dma_wait3A_196, %dma_wait3A_197] : memref<95x128xi32, #tpu.memory_space<vmem>> -> memref<1x128xi32, #tpu.memory_space<vmem>>
      %dma_wait3A_199 = tpu.memref_squeeze %dma_wait3A_198 : memref<1x128xi32, #tpu.memory_space<vmem>> -> memref<128xi32, #tpu.memory_space<vmem>>
      %dma_wait3A_200 = arith.constant 0 : i32
      %dma_wait3A_201 = arith.constant 0 : i32
      %dma_wait3A_202 = tpu.memref_slice %arg22[%dma_wait3A_200, %dma_wait3A_201] : memref<10240x8xf32, #tpu.memory_space<vmem_shared>> -> memref<10240x8xf32, #tpu.memory_space<vmem_shared>>
      tpu.wait_indirect_dma semaphore(%arg21 : memref<!tpu.dma_semaphore, #tpu.memory_space<semaphore_mem>>) src(%arg12 : memref<128x8xf32, #tpu.memory_space<vmem>>) dst(%dma_wait3A_202 : memref<10240x8xf32, #tpu.memory_space<vmem_shared>>)
      %dma_wait3A_203 = arith.constant 60 : i32
      %dma_wait3A_204 = arith.constant 0 : i32
      %dma_wait3A_205 = tpu.memref_slice %arg8[%dma_wait3A_203, %dma_wait3A_204] : memref<95x128xi32, #tpu.memory_space<vmem>> -> memref<1x128xi32, #tpu.memory_space<vmem>>
      %dma_wait3A_206 = tpu.memref_squeeze %dma_wait3A_205 : memref<1x128xi32, #tpu.memory_space<vmem>> -> memref<128xi32, #tpu.memory_space<vmem>>
      %dma_wait3A_207 = arith.constant 0 : i32
      %dma_wait3A_208 = arith.constant 0 : i32
      %dma_wait3A_209 = tpu.memref_slice %arg22[%dma_wait3A_207, %dma_wait3A_208] : memref<10240x8xf32, #tpu.memory_space<vmem_shared>> -> memref<10240x8xf32, #tpu.memory_space<vmem_shared>>
      tpu.wait_indirect_dma semaphore(%arg18 : memref<!tpu.dma_semaphore, #tpu.memory_space<semaphore_mem>>) src(%arg9 : memref<128x8xf32, #tpu.memory_space<vmem>>) dst(%dma_wait3A_209 : memref<10240x8xf32, #tpu.memory_space<vmem_shared>>)
      %dma_wait3A_210 = arith.constant 61 : i32
      %dma_wait3A_211 = arith.constant 0 : i32
      %dma_wait3A_212 = tpu.memref_slice %arg8[%dma_wait3A_210, %dma_wait3A_211] : memref<95x128xi32, #tpu.memory_space<vmem>> -> memref<1x128xi32, #tpu.memory_space<vmem>>
      %dma_wait3A_213 = tpu.memref_squeeze %dma_wait3A_212 : memref<1x128xi32, #tpu.memory_space<vmem>> -> memref<128xi32, #tpu.memory_space<vmem>>
      %dma_wait3A_214 = arith.constant 0 : i32
      %dma_wait3A_215 = arith.constant 0 : i32
      %dma_wait3A_216 = tpu.memref_slice %arg22[%dma_wait3A_214, %dma_wait3A_215] : memref<10240x8xf32, #tpu.memory_space<vmem_shared>> -> memref<10240x8xf32, #tpu.memory_space<vmem_shared>>
      tpu.wait_indirect_dma semaphore(%arg19 : memref<!tpu.dma_semaphore, #tpu.memory_space<semaphore_mem>>) src(%arg10 : memref<128x8xf32, #tpu.memory_space<vmem>>) dst(%dma_wait3A_216 : memref<10240x8xf32, #tpu.memory_space<vmem_shared>>)
      %dma_wait3A_217 = arith.constant 62 : i32
      %dma_wait3A_218 = arith.constant 0 : i32
      %dma_wait3A_219 = tpu.memref_slice %arg8[%dma_wait3A_217, %dma_wait3A_218] : memref<95x128xi32, #tpu.memory_space<vmem>> -> memref<1x128xi32, #tpu.memory_space<vmem>>
      %dma_wait3A_220 = tpu.memref_squeeze %dma_wait3A_219 : memref<1x128xi32, #tpu.memory_space<vmem>> -> memref<128xi32, #tpu.memory_space<vmem>>
      %dma_wait3A_221 = arith.constant 0 : i32
      %dma_wait3A_222 = arith.constant 0 : i32
      %dma_wait3A_223 = tpu.memref_slice %arg22[%dma_wait3A_221, %dma_wait3A_222] : memref<10240x8xf32, #tpu.memory_space<vmem_shared>> -> memref<10240x8xf32, #tpu.memory_space<vmem_shared>>
      tpu.wait_indirect_dma semaphore(%arg20 : memref<!tpu.dma_semaphore, #tpu.memory_space<semaphore_mem>>) src(%arg11 : memref<128x8xf32, #tpu.memory_space<vmem>>) dst(%dma_wait3A_223 : memref<10240x8xf32, #tpu.memory_space<vmem_shared>>)
    } else {
    }
    %barrier3A_20 = arith.constant 0 : index
    tpu.barrier barrier_id(%barrier3A_20)
    "tpu.region"() ({
      %run_scoped3A = tpu.sem_alloc : memref<!tpu.dma_semaphore, #tpu.memory_space<semaphore_mem>>
      %dma_start3A = arith.constant 0 : i32
      %dma_start3A_21 = tpu.memref_slice %arg22[%mul3A_2, %dma_start3A] : memref<10240x8xf32, #tpu.memory_space<vmem_shared>> -> memref<640x8xf32, #tpu.memory_space<vmem_shared>>
      %dma_start3A_22 = arith.constant 0 : i32
      %dma_start3A_23 = tpu.memref_slice %arg22[%mul3A_2, %dma_start3A_22] : memref<10240x8xf32, #tpu.memory_space<vmem_shared>> -> memref<640x8xf32, #tpu.memory_space<vmem_shared>>
      tpu.enqueue_dma source(%dma_start3A_23 : memref<640x8xf32, #tpu.memory_space<vmem_shared>>) target(%arg13 : memref<640x8xf32, #tpu.memory_space<vmem>>) target_semaphore(%run_scoped3A : memref<!tpu.dma_semaphore, #tpu.memory_space<semaphore_mem>>)
      %dma_wait3A = arith.constant 0 : i32
      %dma_wait3A_24 = tpu.memref_slice %arg22[%mul3A_2, %dma_wait3A] : memref<10240x8xf32, #tpu.memory_space<vmem_shared>> -> memref<640x8xf32, #tpu.memory_space<vmem_shared>>
      %dma_wait3A_25 = arith.constant 0 : i32
      %dma_wait3A_26 = tpu.memref_slice %arg22[%mul3A_2, %dma_wait3A_25] : memref<10240x8xf32, #tpu.memory_space<vmem_shared>> -> memref<640x8xf32, #tpu.memory_space<vmem_shared>>
      tpu.wait_dma2 semaphore(%run_scoped3A : memref<!tpu.dma_semaphore, #tpu.memory_space<semaphore_mem>>) src(%dma_wait3A_26 : memref<640x8xf32, #tpu.memory_space<vmem_shared>>) dst(%arg13 : memref<640x8xf32, #tpu.memory_space<vmem>>)
      tpu.yield
    }) : () -> ()
    "tpu.region"() ({
      %run_scoped3A = tpu.sem_alloc : memref<!tpu.dma_semaphore, #tpu.memory_space<semaphore_mem>>
      %dma_start3A = arith.constant 0 : i32
      %dma_start3A_21 = tpu.memref_slice %arg6[%arg0, %mul3A_2, %dma_start3A] : memref<2x10240x8xf32, #tpu.memory_space<hbm>> -> memref<1x640x8xf32, #tpu.memory_space<hbm>>
      %dma_start3A_22 = tpu.memref_squeeze %dma_start3A_21 : memref<1x640x8xf32, #tpu.memory_space<hbm>> -> memref<640x8xf32, #tpu.memory_space<hbm>>
      %dma_start3A_23 = arith.constant 0 : i32
      %dma_start3A_24 = tpu.memref_slice %arg6[%arg0, %mul3A_2, %dma_start3A_23] : memref<2x10240x8xf32, #tpu.memory_space<hbm>> -> memref<1x640x8xf32, #tpu.memory_space<hbm>>
      %dma_start3A_25 = tpu.memref_squeeze %dma_start3A_24 : memref<1x640x8xf32, #tpu.memory_space<hbm>> -> memref<640x8xf32, #tpu.memory_space<hbm>>
      tpu.enqueue_dma source(%arg13 : memref<640x8xf32, #tpu.memory_space<vmem>>) target(%dma_start3A_25 : memref<640x8xf32, #tpu.memory_space<hbm>>) target_semaphore(%run_scoped3A : memref<!tpu.dma_semaphore, #tpu.memory_space<semaphore_mem>>)
      %dma_wait3A = arith.constant 0 : i32
      %dma_wait3A_26 = tpu.memref_slice %arg6[%arg0, %mul3A_2, %dma_wait3A] : memref<2x10240x8xf32, #tpu.memory_space<hbm>> -> memref<1x640x8xf32, #tpu.memory_space<hbm>>
      %dma_wait3A_27 = tpu.memref_squeeze %dma_wait3A_26 : memref<1x640x8xf32, #tpu.memory_space<hbm>> -> memref<640x8xf32, #tpu.memory_space<hbm>>
      %dma_wait3A_28 = arith.constant 0 : i32
      %dma_wait3A_29 = tpu.memref_slice %arg6[%arg0, %mul3A_2, %dma_wait3A_28] : memref<2x10240x8xf32, #tpu.memory_space<hbm>> -> memref<1x640x8xf32, #tpu.memory_space<hbm>>
      %dma_wait3A_30 = tpu.memref_squeeze %dma_wait3A_29 : memref<1x640x8xf32, #tpu.memory_space<hbm>> -> memref<640x8xf32, #tpu.memory_space<hbm>>
      tpu.wait_dma2 semaphore(%run_scoped3A : memref<!tpu.dma_semaphore, #tpu.memory_space<semaphore_mem>>) src(%arg13 : memref<640x8xf32, #tpu.memory_space<vmem>>) dst(%dma_wait3A_30 : memref<640x8xf32, #tpu.memory_space<hbm>>)
      tpu.yield
    }) : () -> ()
    return
  }
}

#map = affine_map<(d0, d1) -> (0, 0)>
#map1 = affine_map<(d0, d1) -> (0, 0, 0)>
module attributes {stable_mosaic.version = 14 : i64} {
  func.func @_sc_agg_body(%arg0: i32, %arg1: i32, %arg2: memref<10240x32xf32, #tpu.memory_space<hbm>>, %arg3: memref<2528x128xi32, #tpu.memory_space<hbm>>, %arg4: memref<2528x128xi32, #tpu.memory_space<hbm>>, %arg5: memref<128x32xf32, #tpu.memory_space<hbm>>, %arg6: memref<2x10240x32xf32, #tpu.memory_space<hbm>>, %arg7: memref<95x128xi32, #tpu.memory_space<vmem>>, %arg8: memref<95x128xi32, #tpu.memory_space<vmem>>, %arg9: memref<128x32xf32, #tpu.memory_space<vmem>>, %arg10: memref<128x32xf32, #tpu.memory_space<vmem>>, %arg11: memref<128x32xf32, #tpu.memory_space<vmem>>, %arg12: memref<128x32xf32, #tpu.memory_space<vmem>>, %arg13: memref<640x32xf32, #tpu.memory_space<vmem>>, %arg14: memref<!tpu.dma_semaphore, #tpu.memory_space<semaphore_mem>>, %arg15: memref<!tpu.dma_semaphore, #tpu.memory_space<semaphore_mem>>, %arg16: memref<!tpu.dma_semaphore, #tpu.memory_space<semaphore_mem>>, %arg17: memref<!tpu.dma_semaphore, #tpu.memory_space<semaphore_mem>>, %arg18: memref<!tpu.dma_semaphore, #tpu.memory_space<semaphore_mem>>, %arg19: memref<!tpu.dma_semaphore, #tpu.memory_space<semaphore_mem>>, %arg20: memref<!tpu.dma_semaphore, #tpu.memory_space<semaphore_mem>>, %arg21: memref<!tpu.dma_semaphore, #tpu.memory_space<semaphore_mem>>, %arg22: memref<10240x32xf32, #tpu.memory_space<vmem_shared>>) attributes {dimension_semantics = [#tpu.dimension_semantics<core_parallel>, #tpu.dimension_semantics<subcore_parallel>], iteration_bounds = array<i64: 2, 16>, scalar_prefetch = 0 : i64, scratch_operands = 16 : i64, tpu.core_type = #tpu.core_type<sc_vector_subcore>, window_params = [{transform_indices = #map}, {transform_indices = #map}, {transform_indices = #map}, {transform_indices = #map}, {transform_indices = #map1}]} {
    %mul3A = arith.constant 16 : i32
    %mul3A_0 = arith.muli %arg0, %mul3A : i32
    %add3A = arith.addi %mul3A_0, %arg1 : i32
    %mul3A_1 = arith.constant 640 : i32
    %mul3A_2 = arith.muli %arg1, %mul3A_1 : i32
    "tpu.region"() ({
      %run_scoped3A = tpu.sem_alloc : memref<!tpu.dma_semaphore, #tpu.memory_space<semaphore_mem>>
      tpu.enqueue_dma source(%arg5 : memref<128x32xf32, #tpu.memory_space<hbm>>) target(%arg9 : memref<128x32xf32, #tpu.memory_space<vmem>>) target_semaphore(%run_scoped3A : memref<!tpu.dma_semaphore, #tpu.memory_space<semaphore_mem>>)
      tpu.wait_dma2 semaphore(%run_scoped3A : memref<!tpu.dma_semaphore, #tpu.memory_space<semaphore_mem>>) src(%arg5 : memref<128x32xf32, #tpu.memory_space<hbm>>) dst(%arg9 : memref<128x32xf32, #tpu.memory_space<vmem>>)
      tpu.yield
    }) : () -> ()
    %add3A_3 = arith.constant 0 : i32
    %add3A_4 = arith.addi %mul3A_2, %add3A_3 : i32
    "tpu.region"() ({
      %run_scoped3A = tpu.sem_alloc : memref<!tpu.dma_semaphore, #tpu.memory_space<semaphore_mem>>
      %dma_start3A = arith.constant 0 : i32
      %dma_start3A_21 = tpu.memref_slice %arg22[%add3A_4, %dma_start3A] : memref<10240x32xf32, #tpu.memory_space<vmem_shared>> -> memref<128x32xf32, #tpu.memory_space<vmem_shared>>
      %dma_start3A_22 = arith.constant 0 : i32
      %dma_start3A_23 = tpu.memref_slice %arg22[%add3A_4, %dma_start3A_22] : memref<10240x32xf32, #tpu.memory_space<vmem_shared>> -> memref<128x32xf32, #tpu.memory_space<vmem_shared>>
      tpu.enqueue_dma source(%arg9 : memref<128x32xf32, #tpu.memory_space<vmem>>) target(%dma_start3A_23 : memref<128x32xf32, #tpu.memory_space<vmem_shared>>) target_semaphore(%run_scoped3A : memref<!tpu.dma_semaphore, #tpu.memory_space<semaphore_mem>>)
      %dma_wait3A = arith.constant 0 : i32
      %dma_wait3A_24 = tpu.memref_slice %arg22[%add3A_4, %dma_wait3A] : memref<10240x32xf32, #tpu.memory_space<vmem_shared>> -> memref<128x32xf32, #tpu.memory_space<vmem_shared>>
      %dma_wait3A_25 = arith.constant 0 : i32
      %dma_wait3A_26 = tpu.memref_slice %arg22[%add3A_4, %dma_wait3A_25] : memref<10240x32xf32, #tpu.memory_space<vmem_shared>> -> memref<128x32xf32, #tpu.memory_space<vmem_shared>>
      tpu.wait_dma2 semaphore(%run_scoped3A : memref<!tpu.dma_semaphore, #tpu.memory_space<semaphore_mem>>) src(%arg9 : memref<128x32xf32, #tpu.memory_space<vmem>>) dst(%dma_wait3A_26 : memref<128x32xf32, #tpu.memory_space<vmem_shared>>)
      tpu.yield
    }) : () -> ()
    %add3A_5 = arith.constant 128 : i32
    %add3A_6 = arith.addi %mul3A_2, %add3A_5 : i32
    "tpu.region"() ({
      %run_scoped3A = tpu.sem_alloc : memref<!tpu.dma_semaphore, #tpu.memory_space<semaphore_mem>>
      %dma_start3A = arith.constant 0 : i32
      %dma_start3A_21 = tpu.memref_slice %arg22[%add3A_6, %dma_start3A] : memref<10240x32xf32, #tpu.memory_space<vmem_shared>> -> memref<128x32xf32, #tpu.memory_space<vmem_shared>>
      %dma_start3A_22 = arith.constant 0 : i32
      %dma_start3A_23 = tpu.memref_slice %arg22[%add3A_6, %dma_start3A_22] : memref<10240x32xf32, #tpu.memory_space<vmem_shared>> -> memref<128x32xf32, #tpu.memory_space<vmem_shared>>
      tpu.enqueue_dma source(%arg9 : memref<128x32xf32, #tpu.memory_space<vmem>>) target(%dma_start3A_23 : memref<128x32xf32, #tpu.memory_space<vmem_shared>>) target_semaphore(%run_scoped3A : memref<!tpu.dma_semaphore, #tpu.memory_space<semaphore_mem>>)
      %dma_wait3A = arith.constant 0 : i32
      %dma_wait3A_24 = tpu.memref_slice %arg22[%add3A_6, %dma_wait3A] : memref<10240x32xf32, #tpu.memory_space<vmem_shared>> -> memref<128x32xf32, #tpu.memory_space<vmem_shared>>
      %dma_wait3A_25 = arith.constant 0 : i32
      %dma_wait3A_26 = tpu.memref_slice %arg22[%add3A_6, %dma_wait3A_25] : memref<10240x32xf32, #tpu.memory_space<vmem_shared>> -> memref<128x32xf32, #tpu.memory_space<vmem_shared>>
      tpu.wait_dma2 semaphore(%run_scoped3A : memref<!tpu.dma_semaphore, #tpu.memory_space<semaphore_mem>>) src(%arg9 : memref<128x32xf32, #tpu.memory_space<vmem>>) dst(%dma_wait3A_26 : memref<128x32xf32, #tpu.memory_space<vmem_shared>>)
      tpu.yield
    }) : () -> ()
    %add3A_7 = arith.constant 256 : i32
    %add3A_8 = arith.addi %mul3A_2, %add3A_7 : i32
    "tpu.region"() ({
      %run_scoped3A = tpu.sem_alloc : memref<!tpu.dma_semaphore, #tpu.memory_space<semaphore_mem>>
      %dma_start3A = arith.constant 0 : i32
      %dma_start3A_21 = tpu.memref_slice %arg22[%add3A_8, %dma_start3A] : memref<10240x32xf32, #tpu.memory_space<vmem_shared>> -> memref<128x32xf32, #tpu.memory_space<vmem_shared>>
      %dma_start3A_22 = arith.constant 0 : i32
      %dma_start3A_23 = tpu.memref_slice %arg22[%add3A_8, %dma_start3A_22] : memref<10240x32xf32, #tpu.memory_space<vmem_shared>> -> memref<128x32xf32, #tpu.memory_space<vmem_shared>>
      tpu.enqueue_dma source(%arg9 : memref<128x32xf32, #tpu.memory_space<vmem>>) target(%dma_start3A_23 : memref<128x32xf32, #tpu.memory_space<vmem_shared>>) target_semaphore(%run_scoped3A : memref<!tpu.dma_semaphore, #tpu.memory_space<semaphore_mem>>)
      %dma_wait3A = arith.constant 0 : i32
      %dma_wait3A_24 = tpu.memref_slice %arg22[%add3A_8, %dma_wait3A] : memref<10240x32xf32, #tpu.memory_space<vmem_shared>> -> memref<128x32xf32, #tpu.memory_space<vmem_shared>>
      %dma_wait3A_25 = arith.constant 0 : i32
      %dma_wait3A_26 = tpu.memref_slice %arg22[%add3A_8, %dma_wait3A_25] : memref<10240x32xf32, #tpu.memory_space<vmem_shared>> -> memref<128x32xf32, #tpu.memory_space<vmem_shared>>
      tpu.wait_dma2 semaphore(%run_scoped3A : memref<!tpu.dma_semaphore, #tpu.memory_space<semaphore_mem>>) src(%arg9 : memref<128x32xf32, #tpu.memory_space<vmem>>) dst(%dma_wait3A_26 : memref<128x32xf32, #tpu.memory_space<vmem_shared>>)
      tpu.yield
    }) : () -> ()
    %add3A_9 = arith.constant 384 : i32
    %add3A_10 = arith.addi %mul3A_2, %add3A_9 : i32
    "tpu.region"() ({
      %run_scoped3A = tpu.sem_alloc : memref<!tpu.dma_semaphore, #tpu.memory_space<semaphore_mem>>
      %dma_start3A = arith.constant 0 : i32
      %dma_start3A_21 = tpu.memref_slice %arg22[%add3A_10, %dma_start3A] : memref<10240x32xf32, #tpu.memory_space<vmem_shared>> -> memref<128x32xf32, #tpu.memory_space<vmem_shared>>
      %dma_start3A_22 = arith.constant 0 : i32
      %dma_start3A_23 = tpu.memref_slice %arg22[%add3A_10, %dma_start3A_22] : memref<10240x32xf32, #tpu.memory_space<vmem_shared>> -> memref<128x32xf32, #tpu.memory_space<vmem_shared>>
      tpu.enqueue_dma source(%arg9 : memref<128x32xf32, #tpu.memory_space<vmem>>) target(%dma_start3A_23 : memref<128x32xf32, #tpu.memory_space<vmem_shared>>) target_semaphore(%run_scoped3A : memref<!tpu.dma_semaphore, #tpu.memory_space<semaphore_mem>>)
      %dma_wait3A = arith.constant 0 : i32
      %dma_wait3A_24 = tpu.memref_slice %arg22[%add3A_10, %dma_wait3A] : memref<10240x32xf32, #tpu.memory_space<vmem_shared>> -> memref<128x32xf32, #tpu.memory_space<vmem_shared>>
      %dma_wait3A_25 = arith.constant 0 : i32
      %dma_wait3A_26 = tpu.memref_slice %arg22[%add3A_10, %dma_wait3A_25] : memref<10240x32xf32, #tpu.memory_space<vmem_shared>> -> memref<128x32xf32, #tpu.memory_space<vmem_shared>>
      tpu.wait_dma2 semaphore(%run_scoped3A : memref<!tpu.dma_semaphore, #tpu.memory_space<semaphore_mem>>) src(%arg9 : memref<128x32xf32, #tpu.memory_space<vmem>>) dst(%dma_wait3A_26 : memref<128x32xf32, #tpu.memory_space<vmem_shared>>)
      tpu.yield
    }) : () -> ()
    %add3A_11 = arith.constant 512 : i32
    %add3A_12 = arith.addi %mul3A_2, %add3A_11 : i32
    "tpu.region"() ({
      %run_scoped3A = tpu.sem_alloc : memref<!tpu.dma_semaphore, #tpu.memory_space<semaphore_mem>>
      %dma_start3A = arith.constant 0 : i32
      %dma_start3A_21 = tpu.memref_slice %arg22[%add3A_12, %dma_start3A] : memref<10240x32xf32, #tpu.memory_space<vmem_shared>> -> memref<128x32xf32, #tpu.memory_space<vmem_shared>>
      %dma_start3A_22 = arith.constant 0 : i32
      %dma_start3A_23 = tpu.memref_slice %arg22[%add3A_12, %dma_start3A_22] : memref<10240x32xf32, #tpu.memory_space<vmem_shared>> -> memref<128x32xf32, #tpu.memory_space<vmem_shared>>
      tpu.enqueue_dma source(%arg9 : memref<128x32xf32, #tpu.memory_space<vmem>>) target(%dma_start3A_23 : memref<128x32xf32, #tpu.memory_space<vmem_shared>>) target_semaphore(%run_scoped3A : memref<!tpu.dma_semaphore, #tpu.memory_space<semaphore_mem>>)
      %dma_wait3A = arith.constant 0 : i32
      %dma_wait3A_24 = tpu.memref_slice %arg22[%add3A_12, %dma_wait3A] : memref<10240x32xf32, #tpu.memory_space<vmem_shared>> -> memref<128x32xf32, #tpu.memory_space<vmem_shared>>
      %dma_wait3A_25 = arith.constant 0 : i32
      %dma_wait3A_26 = tpu.memref_slice %arg22[%add3A_12, %dma_wait3A_25] : memref<10240x32xf32, #tpu.memory_space<vmem_shared>> -> memref<128x32xf32, #tpu.memory_space<vmem_shared>>
      tpu.wait_dma2 semaphore(%run_scoped3A : memref<!tpu.dma_semaphore, #tpu.memory_space<semaphore_mem>>) src(%arg9 : memref<128x32xf32, #tpu.memory_space<vmem>>) dst(%dma_wait3A_26 : memref<128x32xf32, #tpu.memory_space<vmem_shared>>)
      tpu.yield
    }) : () -> ()
    %barrier3A = arith.constant 0 : index
    tpu.barrier barrier_id(%barrier3A)
    %eq3A = arith.constant 0 : i32
    %eq3A_13 = arith.cmpi eq, %arg0, %eq3A : i32
    %convert_element_type3A = arith.extui %eq3A_13 : i1 to i32
    %cond3A = arith.constant 0 : i32
    %cond3A_14 = arith.cmpi ne, %convert_element_type3A, %cond3A : i32
    scf.if %cond3A_14 {
      %mul3A_21 = arith.constant 95 : i32
      %mul3A_22 = arith.muli %arg1, %mul3A_21 : i32
      "tpu.region"() ({
        %run_scoped3A = tpu.sem_alloc : memref<!tpu.dma_semaphore, #tpu.memory_space<semaphore_mem>>
        %dma_start3A_222 = arith.constant 0 : i32
        %dma_start3A_223 = arith.constant 0 : i32
        %dma_start3A_224 = tpu.memref_slice %arg7[%dma_start3A_222, %dma_start3A_223] : memref<95x128xi32, #tpu.memory_space<vmem>> -> memref<95x128xi32, #tpu.memory_space<vmem>>
        %dma_start3A_225 = arith.constant 0 : i32
        %dma_start3A_226 = tpu.memref_slice %arg3[%mul3A_22, %dma_start3A_225] : memref<2528x128xi32, #tpu.memory_space<hbm>> -> memref<95x128xi32, #tpu.memory_space<hbm>>
        %dma_start3A_227 = arith.constant 0 : i32
        %dma_start3A_228 = arith.constant 0 : i32
        %dma_start3A_229 = tpu.memref_slice %arg7[%dma_start3A_227, %dma_start3A_228] : memref<95x128xi32, #tpu.memory_space<vmem>> -> memref<95x128xi32, #tpu.memory_space<vmem>>
        %dma_start3A_230 = arith.constant 0 : i32
        %dma_start3A_231 = tpu.memref_slice %arg3[%mul3A_22, %dma_start3A_230] : memref<2528x128xi32, #tpu.memory_space<hbm>> -> memref<95x128xi32, #tpu.memory_space<hbm>>
        tpu.enqueue_dma source(%dma_start3A_231 : memref<95x128xi32, #tpu.memory_space<hbm>>) target(%dma_start3A_229 : memref<95x128xi32, #tpu.memory_space<vmem>>) target_semaphore(%run_scoped3A : memref<!tpu.dma_semaphore, #tpu.memory_space<semaphore_mem>>)
        %dma_wait3A_232 = arith.constant 0 : i32
        %dma_wait3A_233 = arith.constant 0 : i32
        %dma_wait3A_234 = tpu.memref_slice %arg7[%dma_wait3A_232, %dma_wait3A_233] : memref<95x128xi32, #tpu.memory_space<vmem>> -> memref<95x128xi32, #tpu.memory_space<vmem>>
        %dma_wait3A_235 = arith.constant 0 : i32
        %dma_wait3A_236 = tpu.memref_slice %arg3[%mul3A_22, %dma_wait3A_235] : memref<2528x128xi32, #tpu.memory_space<hbm>> -> memref<95x128xi32, #tpu.memory_space<hbm>>
        %dma_wait3A_237 = arith.constant 0 : i32
        %dma_wait3A_238 = arith.constant 0 : i32
        %dma_wait3A_239 = tpu.memref_slice %arg7[%dma_wait3A_237, %dma_wait3A_238] : memref<95x128xi32, #tpu.memory_space<vmem>> -> memref<95x128xi32, #tpu.memory_space<vmem>>
        %dma_wait3A_240 = arith.constant 0 : i32
        %dma_wait3A_241 = tpu.memref_slice %arg3[%mul3A_22, %dma_wait3A_240] : memref<2528x128xi32, #tpu.memory_space<hbm>> -> memref<95x128xi32, #tpu.memory_space<hbm>>
        tpu.wait_dma2 semaphore(%run_scoped3A : memref<!tpu.dma_semaphore, #tpu.memory_space<semaphore_mem>>) src(%dma_wait3A_241 : memref<95x128xi32, #tpu.memory_space<hbm>>) dst(%dma_wait3A_239 : memref<95x128xi32, #tpu.memory_space<vmem>>)
        tpu.yield
      }) : () -> ()
      "tpu.region"() ({
        %run_scoped3A = tpu.sem_alloc : memref<!tpu.dma_semaphore, #tpu.memory_space<semaphore_mem>>
        %dma_start3A_222 = arith.constant 0 : i32
        %dma_start3A_223 = arith.constant 0 : i32
        %dma_start3A_224 = tpu.memref_slice %arg8[%dma_start3A_222, %dma_start3A_223] : memref<95x128xi32, #tpu.memory_space<vmem>> -> memref<95x128xi32, #tpu.memory_space<vmem>>
        %dma_start3A_225 = arith.constant 0 : i32
        %dma_start3A_226 = tpu.memref_slice %arg4[%mul3A_22, %dma_start3A_225] : memref<2528x128xi32, #tpu.memory_space<hbm>> -> memref<95x128xi32, #tpu.memory_space<hbm>>
        %dma_start3A_227 = arith.constant 0 : i32
        %dma_start3A_228 = arith.constant 0 : i32
        %dma_start3A_229 = tpu.memref_slice %arg8[%dma_start3A_227, %dma_start3A_228] : memref<95x128xi32, #tpu.memory_space<vmem>> -> memref<95x128xi32, #tpu.memory_space<vmem>>
        %dma_start3A_230 = arith.constant 0 : i32
        %dma_start3A_231 = tpu.memref_slice %arg4[%mul3A_22, %dma_start3A_230] : memref<2528x128xi32, #tpu.memory_space<hbm>> -> memref<95x128xi32, #tpu.memory_space<hbm>>
        tpu.enqueue_dma source(%dma_start3A_231 : memref<95x128xi32, #tpu.memory_space<hbm>>) target(%dma_start3A_229 : memref<95x128xi32, #tpu.memory_space<vmem>>) target_semaphore(%run_scoped3A : memref<!tpu.dma_semaphore, #tpu.memory_space<semaphore_mem>>)
        %dma_wait3A_232 = arith.constant 0 : i32
        %dma_wait3A_233 = arith.constant 0 : i32
        %dma_wait3A_234 = tpu.memref_slice %arg8[%dma_wait3A_232, %dma_wait3A_233] : memref<95x128xi32, #tpu.memory_space<vmem>> -> memref<95x128xi32, #tpu.memory_space<vmem>>
        %dma_wait3A_235 = arith.constant 0 : i32
        %dma_wait3A_236 = tpu.memref_slice %arg4[%mul3A_22, %dma_wait3A_235] : memref<2528x128xi32, #tpu.memory_space<hbm>> -> memref<95x128xi32, #tpu.memory_space<hbm>>
        %dma_wait3A_237 = arith.constant 0 : i32
        %dma_wait3A_238 = arith.constant 0 : i32
        %dma_wait3A_239 = tpu.memref_slice %arg8[%dma_wait3A_237, %dma_wait3A_238] : memref<95x128xi32, #tpu.memory_space<vmem>> -> memref<95x128xi32, #tpu.memory_space<vmem>>
        %dma_wait3A_240 = arith.constant 0 : i32
        %dma_wait3A_241 = tpu.memref_slice %arg4[%mul3A_22, %dma_wait3A_240] : memref<2528x128xi32, #tpu.memory_space<hbm>> -> memref<95x128xi32, #tpu.memory_space<hbm>>
        tpu.wait_dma2 semaphore(%run_scoped3A : memref<!tpu.dma_semaphore, #tpu.memory_space<semaphore_mem>>) src(%dma_wait3A_241 : memref<95x128xi32, #tpu.memory_space<hbm>>) dst(%dma_wait3A_239 : memref<95x128xi32, #tpu.memory_space<vmem>>)
        tpu.yield
      }) : () -> ()
      %dma_start3A = arith.constant 0 : i32
      %dma_start3A_23 = arith.constant 0 : i32
      %dma_start3A_24 = tpu.memref_slice %arg7[%dma_start3A, %dma_start3A_23] : memref<95x128xi32, #tpu.memory_space<vmem>> -> memref<1x128xi32, #tpu.memory_space<vmem>>
      %dma_start3A_25 = tpu.memref_squeeze %dma_start3A_24 : memref<1x128xi32, #tpu.memory_space<vmem>> -> memref<128xi32, #tpu.memory_space<vmem>>
      %dma_start3A_26 = arith.constant 0 : i32
      %dma_start3A_27 = arith.constant 0 : i32
      %dma_start3A_28 = tpu.memref_slice %arg2[%dma_start3A_26, %dma_start3A_27] : memref<10240x32xf32, #tpu.memory_space<hbm>> -> memref<10240x32xf32, #tpu.memory_space<hbm>>
      tpu.enqueue_indirect_dma source(%dma_start3A_28 : memref<10240x32xf32, #tpu.memory_space<hbm>>) target(%arg9 : memref<128x32xf32, #tpu.memory_space<vmem>>) offsets(%dma_start3A_25 : memref<128xi32, #tpu.memory_space<vmem>>) semaphore(%arg14 : memref<!tpu.dma_semaphore, #tpu.memory_space<semaphore_mem>>)
      %dma_start3A_29 = arith.constant 1 : i32
      %dma_start3A_30 = arith.constant 0 : i32
      %dma_start3A_31 = tpu.memref_slice %arg7[%dma_start3A_29, %dma_start3A_30] : memref<95x128xi32, #tpu.memory_space<vmem>> -> memref<1x128xi32, #tpu.memory_space<vmem>>
      %dma_start3A_32 = tpu.memref_squeeze %dma_start3A_31 : memref<1x128xi32, #tpu.memory_space<vmem>> -> memref<128xi32, #tpu.memory_space<vmem>>
      %dma_start3A_33 = arith.constant 0 : i32
      %dma_start3A_34 = arith.constant 0 : i32
      %dma_start3A_35 = tpu.memref_slice %arg2[%dma_start3A_33, %dma_start3A_34] : memref<10240x32xf32, #tpu.memory_space<hbm>> -> memref<10240x32xf32, #tpu.memory_space<hbm>>
      tpu.enqueue_indirect_dma source(%dma_start3A_35 : memref<10240x32xf32, #tpu.memory_space<hbm>>) target(%arg10 : memref<128x32xf32, #tpu.memory_space<vmem>>) offsets(%dma_start3A_32 : memref<128xi32, #tpu.memory_space<vmem>>) semaphore(%arg15 : memref<!tpu.dma_semaphore, #tpu.memory_space<semaphore_mem>>)
      %dma_start3A_36 = arith.constant 2 : i32
      %dma_start3A_37 = arith.constant 0 : i32
      %dma_start3A_38 = tpu.memref_slice %arg7[%dma_start3A_36, %dma_start3A_37] : memref<95x128xi32, #tpu.memory_space<vmem>> -> memref<1x128xi32, #tpu.memory_space<vmem>>
      %dma_start3A_39 = tpu.memref_squeeze %dma_start3A_38 : memref<1x128xi32, #tpu.memory_space<vmem>> -> memref<128xi32, #tpu.memory_space<vmem>>
      %dma_start3A_40 = arith.constant 0 : i32
      %dma_start3A_41 = arith.constant 0 : i32
      %dma_start3A_42 = tpu.memref_slice %arg2[%dma_start3A_40, %dma_start3A_41] : memref<10240x32xf32, #tpu.memory_space<hbm>> -> memref<10240x32xf32, #tpu.memory_space<hbm>>
      tpu.enqueue_indirect_dma source(%dma_start3A_42 : memref<10240x32xf32, #tpu.memory_space<hbm>>) target(%arg11 : memref<128x32xf32, #tpu.memory_space<vmem>>) offsets(%dma_start3A_39 : memref<128xi32, #tpu.memory_space<vmem>>) semaphore(%arg16 : memref<!tpu.dma_semaphore, #tpu.memory_space<semaphore_mem>>)
      %dma_wait3A = arith.constant 0 : i32
      %dma_wait3A_43 = arith.constant 0 : i32
      %dma_wait3A_44 = tpu.memref_slice %arg7[%dma_wait3A, %dma_wait3A_43] : memref<95x128xi32, #tpu.memory_space<vmem>> -> memref<1x128xi32, #tpu.memory_space<vmem>>
      %dma_wait3A_45 = tpu.memref_squeeze %dma_wait3A_44 : memref<1x128xi32, #tpu.memory_space<vmem>> -> memref<128xi32, #tpu.memory_space<vmem>>
      %dma_wait3A_46 = arith.constant 0 : i32
      %dma_wait3A_47 = arith.constant 0 : i32
      %dma_wait3A_48 = tpu.memref_slice %arg2[%dma_wait3A_46, %dma_wait3A_47] : memref<10240x32xf32, #tpu.memory_space<hbm>> -> memref<10240x32xf32, #tpu.memory_space<hbm>>
      tpu.wait_indirect_dma semaphore(%arg14 : memref<!tpu.dma_semaphore, #tpu.memory_space<semaphore_mem>>) src(%dma_wait3A_48 : memref<10240x32xf32, #tpu.memory_space<hbm>>) dst(%arg9 : memref<128x32xf32, #tpu.memory_space<vmem>>)
      %dma_start3A_49 = arith.constant 0 : i32
      %dma_start3A_50 = arith.constant 0 : i32
      %dma_start3A_51 = tpu.memref_slice %arg8[%dma_start3A_49, %dma_start3A_50] : memref<95x128xi32, #tpu.memory_space<vmem>> -> memref<1x128xi32, #tpu.memory_space<vmem>>
      %dma_start3A_52 = tpu.memref_squeeze %dma_start3A_51 : memref<1x128xi32, #tpu.memory_space<vmem>> -> memref<128xi32, #tpu.memory_space<vmem>>
      %dma_start3A_53 = arith.constant 0 : i32
      %dma_start3A_54 = arith.constant 0 : i32
      %dma_start3A_55 = tpu.memref_slice %arg22[%dma_start3A_53, %dma_start3A_54] : memref<10240x32xf32, #tpu.memory_space<vmem_shared>> -> memref<10240x32xf32, #tpu.memory_space<vmem_shared>>
      tpu.enqueue_indirect_dma source(%arg9 : memref<128x32xf32, #tpu.memory_space<vmem>>) target(%dma_start3A_55 : memref<10240x32xf32, #tpu.memory_space<vmem_shared>>) offsets(%dma_start3A_52 : memref<128xi32, #tpu.memory_space<vmem>>) semaphore(%arg18 : memref<!tpu.dma_semaphore, #tpu.memory_space<semaphore_mem>>) {add = true}
      %dma_start3A_56 = arith.constant 3 : i32
      %dma_start3A_57 = arith.constant 0 : i32
      %dma_start3A_58 = tpu.memref_slice %arg7[%dma_start3A_56, %dma_start3A_57] : memref<95x128xi32, #tpu.memory_space<vmem>> -> memref<1x128xi32, #tpu.memory_space<vmem>>
      %dma_start3A_59 = tpu.memref_squeeze %dma_start3A_58 : memref<1x128xi32, #tpu.memory_space<vmem>> -> memref<128xi32, #tpu.memory_space<vmem>>
      %dma_start3A_60 = arith.constant 0 : i32
      %dma_start3A_61 = arith.constant 0 : i32
      %dma_start3A_62 = tpu.memref_slice %arg2[%dma_start3A_60, %dma_start3A_61] : memref<10240x32xf32, #tpu.memory_space<hbm>> -> memref<10240x32xf32, #tpu.memory_space<hbm>>
      tpu.enqueue_indirect_dma source(%dma_start3A_62 : memref<10240x32xf32, #tpu.memory_space<hbm>>) target(%arg12 : memref<128x32xf32, #tpu.memory_space<vmem>>) offsets(%dma_start3A_59 : memref<128xi32, #tpu.memory_space<vmem>>) semaphore(%arg17 : memref<!tpu.dma_semaphore, #tpu.memory_space<semaphore_mem>>)
      %dma_wait3A_63 = arith.constant 1 : i32
      %dma_wait3A_64 = arith.constant 0 : i32
      %dma_wait3A_65 = tpu.memref_slice %arg7[%dma_wait3A_63, %dma_wait3A_64] : memref<95x128xi32, #tpu.memory_space<vmem>> -> memref<1x128xi32, #tpu.memory_space<vmem>>
      %dma_wait3A_66 = tpu.memref_squeeze %dma_wait3A_65 : memref<1x128xi32, #tpu.memory_space<vmem>> -> memref<128xi32, #tpu.memory_space<vmem>>
      %dma_wait3A_67 = arith.constant 0 : i32
      %dma_wait3A_68 = arith.constant 0 : i32
      %dma_wait3A_69 = tpu.memref_slice %arg2[%dma_wait3A_67, %dma_wait3A_68] : memref<10240x32xf32, #tpu.memory_space<hbm>> -> memref<10240x32xf32, #tpu.memory_space<hbm>>
      tpu.wait_indirect_dma semaphore(%arg15 : memref<!tpu.dma_semaphore, #tpu.memory_space<semaphore_mem>>) src(%dma_wait3A_69 : memref<10240x32xf32, #tpu.memory_space<hbm>>) dst(%arg10 : memref<128x32xf32, #tpu.memory_space<vmem>>)
      %dma_start3A_70 = arith.constant 1 : i32
      %dma_start3A_71 = arith.constant 0 : i32
      %dma_start3A_72 = tpu.memref_slice %arg8[%dma_start3A_70, %dma_start3A_71] : memref<95x128xi32, #tpu.memory_space<vmem>> -> memref<1x128xi32, #tpu.memory_space<vmem>>
      %dma_start3A_73 = tpu.memref_squeeze %dma_start3A_72 : memref<1x128xi32, #tpu.memory_space<vmem>> -> memref<128xi32, #tpu.memory_space<vmem>>
      %dma_start3A_74 = arith.constant 0 : i32
      %dma_start3A_75 = arith.constant 0 : i32
      %dma_start3A_76 = tpu.memref_slice %arg22[%dma_start3A_74, %dma_start3A_75] : memref<10240x32xf32, #tpu.memory_space<vmem_shared>> -> memref<10240x32xf32, #tpu.memory_space<vmem_shared>>
      tpu.enqueue_indirect_dma source(%arg10 : memref<128x32xf32, #tpu.memory_space<vmem>>) target(%dma_start3A_76 : memref<10240x32xf32, #tpu.memory_space<vmem_shared>>) offsets(%dma_start3A_73 : memref<128xi32, #tpu.memory_space<vmem>>) semaphore(%arg19 : memref<!tpu.dma_semaphore, #tpu.memory_space<semaphore_mem>>) {add = true}
      %scan3A = arith.constant 0 : i32
      %scan3A_77 = arith.constant 1 : i32
      %scan3A_78 = arith.constant 22 : i32
      %scan3A_79 = arith.addi %scan3A_77, %scan3A_78 : i32
      %scan3A_80 = arith.constant 1 : i32
      scf.for %scan3A_222 = %scan3A_77 to %scan3A_79 step %scan3A_80  : i32 {
        %mul3A_223 = arith.constant 4 : i32
        %mul3A_224 = arith.muli %scan3A_222, %mul3A_223 : i32
        %add3A_225 = arith.constant 0 : i32
        %add3A_226 = arith.addi %mul3A_224, %add3A_225 : i32
        %sub3A = arith.constant 4 : i32
        %sub3A_227 = arith.subi %add3A_226, %sub3A : i32
        %dma_wait3A_228 = arith.constant 0 : i32
        %dma_wait3A_229 = tpu.memref_slice %arg8[%sub3A_227, %dma_wait3A_228] : memref<95x128xi32, #tpu.memory_space<vmem>> -> memref<1x128xi32, #tpu.memory_space<vmem>>
        %dma_wait3A_230 = tpu.memref_squeeze %dma_wait3A_229 : memref<1x128xi32, #tpu.memory_space<vmem>> -> memref<128xi32, #tpu.memory_space<vmem>>
        %dma_wait3A_231 = arith.constant 0 : i32
        %dma_wait3A_232 = arith.constant 0 : i32
        %dma_wait3A_233 = tpu.memref_slice %arg22[%dma_wait3A_231, %dma_wait3A_232] : memref<10240x32xf32, #tpu.memory_space<vmem_shared>> -> memref<10240x32xf32, #tpu.memory_space<vmem_shared>>
        tpu.wait_indirect_dma semaphore(%arg18 : memref<!tpu.dma_semaphore, #tpu.memory_space<semaphore_mem>>) src(%arg9 : memref<128x32xf32, #tpu.memory_space<vmem>>) dst(%dma_wait3A_233 : memref<10240x32xf32, #tpu.memory_space<vmem_shared>>)
        %dma_start3A_234 = arith.constant 0 : i32
        %dma_start3A_235 = tpu.memref_slice %arg7[%add3A_226, %dma_start3A_234] : memref<95x128xi32, #tpu.memory_space<vmem>> -> memref<1x128xi32, #tpu.memory_space<vmem>>
        %dma_start3A_236 = tpu.memref_squeeze %dma_start3A_235 : memref<1x128xi32, #tpu.memory_space<vmem>> -> memref<128xi32, #tpu.memory_space<vmem>>
        %dma_start3A_237 = arith.constant 0 : i32
        %dma_start3A_238 = arith.constant 0 : i32
        %dma_start3A_239 = tpu.memref_slice %arg2[%dma_start3A_237, %dma_start3A_238] : memref<10240x32xf32, #tpu.memory_space<hbm>> -> memref<10240x32xf32, #tpu.memory_space<hbm>>
        tpu.enqueue_indirect_dma source(%dma_start3A_239 : memref<10240x32xf32, #tpu.memory_space<hbm>>) target(%arg9 : memref<128x32xf32, #tpu.memory_space<vmem>>) offsets(%dma_start3A_236 : memref<128xi32, #tpu.memory_space<vmem>>) semaphore(%arg14 : memref<!tpu.dma_semaphore, #tpu.memory_space<semaphore_mem>>)
        %sub3A_240 = arith.constant 2 : i32
        %sub3A_241 = arith.subi %add3A_226, %sub3A_240 : i32
        %dma_wait3A_242 = arith.constant 0 : i32
        %dma_wait3A_243 = tpu.memref_slice %arg7[%sub3A_241, %dma_wait3A_242] : memref<95x128xi32, #tpu.memory_space<vmem>> -> memref<1x128xi32, #tpu.memory_space<vmem>>
        %dma_wait3A_244 = tpu.memref_squeeze %dma_wait3A_243 : memref<1x128xi32, #tpu.memory_space<vmem>> -> memref<128xi32, #tpu.memory_space<vmem>>
        %dma_wait3A_245 = arith.constant 0 : i32
        %dma_wait3A_246 = arith.constant 0 : i32
        %dma_wait3A_247 = tpu.memref_slice %arg2[%dma_wait3A_245, %dma_wait3A_246] : memref<10240x32xf32, #tpu.memory_space<hbm>> -> memref<10240x32xf32, #tpu.memory_space<hbm>>
        tpu.wait_indirect_dma semaphore(%arg16 : memref<!tpu.dma_semaphore, #tpu.memory_space<semaphore_mem>>) src(%dma_wait3A_247 : memref<10240x32xf32, #tpu.memory_space<hbm>>) dst(%arg11 : memref<128x32xf32, #tpu.memory_space<vmem>>)
        %sub3A_248 = arith.constant 2 : i32
        %sub3A_249 = arith.subi %add3A_226, %sub3A_248 : i32
        %dma_start3A_250 = arith.constant 0 : i32
        %dma_start3A_251 = tpu.memref_slice %arg8[%sub3A_249, %dma_start3A_250] : memref<95x128xi32, #tpu.memory_space<vmem>> -> memref<1x128xi32, #tpu.memory_space<vmem>>
        %dma_start3A_252 = tpu.memref_squeeze %dma_start3A_251 : memref<1x128xi32, #tpu.memory_space<vmem>> -> memref<128xi32, #tpu.memory_space<vmem>>
        %dma_start3A_253 = arith.constant 0 : i32
        %dma_start3A_254 = arith.constant 0 : i32
        %dma_start3A_255 = tpu.memref_slice %arg22[%dma_start3A_253, %dma_start3A_254] : memref<10240x32xf32, #tpu.memory_space<vmem_shared>> -> memref<10240x32xf32, #tpu.memory_space<vmem_shared>>
        tpu.enqueue_indirect_dma source(%arg11 : memref<128x32xf32, #tpu.memory_space<vmem>>) target(%dma_start3A_255 : memref<10240x32xf32, #tpu.memory_space<vmem_shared>>) offsets(%dma_start3A_252 : memref<128xi32, #tpu.memory_space<vmem>>) semaphore(%arg20 : memref<!tpu.dma_semaphore, #tpu.memory_space<semaphore_mem>>) {add = true}
        %mul3A_256 = arith.constant 4 : i32
        %mul3A_257 = arith.muli %scan3A_222, %mul3A_256 : i32
        %add3A_258 = arith.constant 1 : i32
        %add3A_259 = arith.addi %mul3A_257, %add3A_258 : i32
        %sub3A_260 = arith.constant 4 : i32
        %sub3A_261 = arith.subi %add3A_259, %sub3A_260 : i32
        %dma_wait3A_262 = arith.constant 0 : i32
        %dma_wait3A_263 = tpu.memref_slice %arg8[%sub3A_261, %dma_wait3A_262] : memref<95x128xi32, #tpu.memory_space<vmem>> -> memref<1x128xi32, #tpu.memory_space<vmem>>
        %dma_wait3A_264 = tpu.memref_squeeze %dma_wait3A_263 : memref<1x128xi32, #tpu.memory_space<vmem>> -> memref<128xi32, #tpu.memory_space<vmem>>
        %dma_wait3A_265 = arith.constant 0 : i32
        %dma_wait3A_266 = arith.constant 0 : i32
        %dma_wait3A_267 = tpu.memref_slice %arg22[%dma_wait3A_265, %dma_wait3A_266] : memref<10240x32xf32, #tpu.memory_space<vmem_shared>> -> memref<10240x32xf32, #tpu.memory_space<vmem_shared>>
        tpu.wait_indirect_dma semaphore(%arg19 : memref<!tpu.dma_semaphore, #tpu.memory_space<semaphore_mem>>) src(%arg10 : memref<128x32xf32, #tpu.memory_space<vmem>>) dst(%dma_wait3A_267 : memref<10240x32xf32, #tpu.memory_space<vmem_shared>>)
        %dma_start3A_268 = arith.constant 0 : i32
        %dma_start3A_269 = tpu.memref_slice %arg7[%add3A_259, %dma_start3A_268] : memref<95x128xi32, #tpu.memory_space<vmem>> -> memref<1x128xi32, #tpu.memory_space<vmem>>
        %dma_start3A_270 = tpu.memref_squeeze %dma_start3A_269 : memref<1x128xi32, #tpu.memory_space<vmem>> -> memref<128xi32, #tpu.memory_space<vmem>>
        %dma_start3A_271 = arith.constant 0 : i32
        %dma_start3A_272 = arith.constant 0 : i32
        %dma_start3A_273 = tpu.memref_slice %arg2[%dma_start3A_271, %dma_start3A_272] : memref<10240x32xf32, #tpu.memory_space<hbm>> -> memref<10240x32xf32, #tpu.memory_space<hbm>>
        tpu.enqueue_indirect_dma source(%dma_start3A_273 : memref<10240x32xf32, #tpu.memory_space<hbm>>) target(%arg10 : memref<128x32xf32, #tpu.memory_space<vmem>>) offsets(%dma_start3A_270 : memref<128xi32, #tpu.memory_space<vmem>>) semaphore(%arg15 : memref<!tpu.dma_semaphore, #tpu.memory_space<semaphore_mem>>)
        %sub3A_274 = arith.constant 2 : i32
        %sub3A_275 = arith.subi %add3A_259, %sub3A_274 : i32
        %dma_wait3A_276 = arith.constant 0 : i32
        %dma_wait3A_277 = tpu.memref_slice %arg7[%sub3A_275, %dma_wait3A_276] : memref<95x128xi32, #tpu.memory_space<vmem>> -> memref<1x128xi32, #tpu.memory_space<vmem>>
        %dma_wait3A_278 = tpu.memref_squeeze %dma_wait3A_277 : memref<1x128xi32, #tpu.memory_space<vmem>> -> memref<128xi32, #tpu.memory_space<vmem>>
        %dma_wait3A_279 = arith.constant 0 : i32
        %dma_wait3A_280 = arith.constant 0 : i32
        %dma_wait3A_281 = tpu.memref_slice %arg2[%dma_wait3A_279, %dma_wait3A_280] : memref<10240x32xf32, #tpu.memory_space<hbm>> -> memref<10240x32xf32, #tpu.memory_space<hbm>>
        tpu.wait_indirect_dma semaphore(%arg17 : memref<!tpu.dma_semaphore, #tpu.memory_space<semaphore_mem>>) src(%dma_wait3A_281 : memref<10240x32xf32, #tpu.memory_space<hbm>>) dst(%arg12 : memref<128x32xf32, #tpu.memory_space<vmem>>)
        %sub3A_282 = arith.constant 2 : i32
        %sub3A_283 = arith.subi %add3A_259, %sub3A_282 : i32
        %dma_start3A_284 = arith.constant 0 : i32
        %dma_start3A_285 = tpu.memref_slice %arg8[%sub3A_283, %dma_start3A_284] : memref<95x128xi32, #tpu.memory_space<vmem>> -> memref<1x128xi32, #tpu.memory_space<vmem>>
        %dma_start3A_286 = tpu.memref_squeeze %dma_start3A_285 : memref<1x128xi32, #tpu.memory_space<vmem>> -> memref<128xi32, #tpu.memory_space<vmem>>
        %dma_start3A_287 = arith.constant 0 : i32
        %dma_start3A_288 = arith.constant 0 : i32
        %dma_start3A_289 = tpu.memref_slice %arg22[%dma_start3A_287, %dma_start3A_288] : memref<10240x32xf32, #tpu.memory_space<vmem_shared>> -> memref<10240x32xf32, #tpu.memory_space<vmem_shared>>
        tpu.enqueue_indirect_dma source(%arg12 : memref<128x32xf32, #tpu.memory_space<vmem>>) target(%dma_start3A_289 : memref<10240x32xf32, #tpu.memory_space<vmem_shared>>) offsets(%dma_start3A_286 : memref<128xi32, #tpu.memory_space<vmem>>) semaphore(%arg21 : memref<!tpu.dma_semaphore, #tpu.memory_space<semaphore_mem>>) {add = true}
        %mul3A_290 = arith.constant 4 : i32
        %mul3A_291 = arith.muli %scan3A_222, %mul3A_290 : i32
        %add3A_292 = arith.constant 2 : i32
        %add3A_293 = arith.addi %mul3A_291, %add3A_292 : i32
        %sub3A_294 = arith.constant 4 : i32
        %sub3A_295 = arith.subi %add3A_293, %sub3A_294 : i32
        %dma_wait3A_296 = arith.constant 0 : i32
        %dma_wait3A_297 = tpu.memref_slice %arg8[%sub3A_295, %dma_wait3A_296] : memref<95x128xi32, #tpu.memory_space<vmem>> -> memref<1x128xi32, #tpu.memory_space<vmem>>
        %dma_wait3A_298 = tpu.memref_squeeze %dma_wait3A_297 : memref<1x128xi32, #tpu.memory_space<vmem>> -> memref<128xi32, #tpu.memory_space<vmem>>
        %dma_wait3A_299 = arith.constant 0 : i32
        %dma_wait3A_300 = arith.constant 0 : i32
        %dma_wait3A_301 = tpu.memref_slice %arg22[%dma_wait3A_299, %dma_wait3A_300] : memref<10240x32xf32, #tpu.memory_space<vmem_shared>> -> memref<10240x32xf32, #tpu.memory_space<vmem_shared>>
        tpu.wait_indirect_dma semaphore(%arg20 : memref<!tpu.dma_semaphore, #tpu.memory_space<semaphore_mem>>) src(%arg11 : memref<128x32xf32, #tpu.memory_space<vmem>>) dst(%dma_wait3A_301 : memref<10240x32xf32, #tpu.memory_space<vmem_shared>>)
        %dma_start3A_302 = arith.constant 0 : i32
        %dma_start3A_303 = tpu.memref_slice %arg7[%add3A_293, %dma_start3A_302] : memref<95x128xi32, #tpu.memory_space<vmem>> -> memref<1x128xi32, #tpu.memory_space<vmem>>
        %dma_start3A_304 = tpu.memref_squeeze %dma_start3A_303 : memref<1x128xi32, #tpu.memory_space<vmem>> -> memref<128xi32, #tpu.memory_space<vmem>>
        %dma_start3A_305 = arith.constant 0 : i32
        %dma_start3A_306 = arith.constant 0 : i32
        %dma_start3A_307 = tpu.memref_slice %arg2[%dma_start3A_305, %dma_start3A_306] : memref<10240x32xf32, #tpu.memory_space<hbm>> -> memref<10240x32xf32, #tpu.memory_space<hbm>>
        tpu.enqueue_indirect_dma source(%dma_start3A_307 : memref<10240x32xf32, #tpu.memory_space<hbm>>) target(%arg11 : memref<128x32xf32, #tpu.memory_space<vmem>>) offsets(%dma_start3A_304 : memref<128xi32, #tpu.memory_space<vmem>>) semaphore(%arg16 : memref<!tpu.dma_semaphore, #tpu.memory_space<semaphore_mem>>)
        %sub3A_308 = arith.constant 2 : i32
        %sub3A_309 = arith.subi %add3A_293, %sub3A_308 : i32
        %dma_wait3A_310 = arith.constant 0 : i32
        %dma_wait3A_311 = tpu.memref_slice %arg7[%sub3A_309, %dma_wait3A_310] : memref<95x128xi32, #tpu.memory_space<vmem>> -> memref<1x128xi32, #tpu.memory_space<vmem>>
        %dma_wait3A_312 = tpu.memref_squeeze %dma_wait3A_311 : memref<1x128xi32, #tpu.memory_space<vmem>> -> memref<128xi32, #tpu.memory_space<vmem>>
        %dma_wait3A_313 = arith.constant 0 : i32
        %dma_wait3A_314 = arith.constant 0 : i32
        %dma_wait3A_315 = tpu.memref_slice %arg2[%dma_wait3A_313, %dma_wait3A_314] : memref<10240x32xf32, #tpu.memory_space<hbm>> -> memref<10240x32xf32, #tpu.memory_space<hbm>>
        tpu.wait_indirect_dma semaphore(%arg14 : memref<!tpu.dma_semaphore, #tpu.memory_space<semaphore_mem>>) src(%dma_wait3A_315 : memref<10240x32xf32, #tpu.memory_space<hbm>>) dst(%arg9 : memref<128x32xf32, #tpu.memory_space<vmem>>)
        %sub3A_316 = arith.constant 2 : i32
        %sub3A_317 = arith.subi %add3A_293, %sub3A_316 : i32
        %dma_start3A_318 = arith.constant 0 : i32
        %dma_start3A_319 = tpu.memref_slice %arg8[%sub3A_317, %dma_start3A_318] : memref<95x128xi32, #tpu.memory_space<vmem>> -> memref<1x128xi32, #tpu.memory_space<vmem>>
        %dma_start3A_320 = tpu.memref_squeeze %dma_start3A_319 : memref<1x128xi32, #tpu.memory_space<vmem>> -> memref<128xi32, #tpu.memory_space<vmem>>
        %dma_start3A_321 = arith.constant 0 : i32
        %dma_start3A_322 = arith.constant 0 : i32
        %dma_start3A_323 = tpu.memref_slice %arg22[%dma_start3A_321, %dma_start3A_322] : memref<10240x32xf32, #tpu.memory_space<vmem_shared>> -> memref<10240x32xf32, #tpu.memory_space<vmem_shared>>
        tpu.enqueue_indirect_dma source(%arg9 : memref<128x32xf32, #tpu.memory_space<vmem>>) target(%dma_start3A_323 : memref<10240x32xf32, #tpu.memory_space<vmem_shared>>) offsets(%dma_start3A_320 : memref<128xi32, #tpu.memory_space<vmem>>) semaphore(%arg18 : memref<!tpu.dma_semaphore, #tpu.memory_space<semaphore_mem>>) {add = true}
        %mul3A_324 = arith.constant 4 : i32
        %mul3A_325 = arith.muli %scan3A_222, %mul3A_324 : i32
        %add3A_326 = arith.constant 3 : i32
        %add3A_327 = arith.addi %mul3A_325, %add3A_326 : i32
        %sub3A_328 = arith.constant 4 : i32
        %sub3A_329 = arith.subi %add3A_327, %sub3A_328 : i32
        %dma_wait3A_330 = arith.constant 0 : i32
        %dma_wait3A_331 = tpu.memref_slice %arg8[%sub3A_329, %dma_wait3A_330] : memref<95x128xi32, #tpu.memory_space<vmem>> -> memref<1x128xi32, #tpu.memory_space<vmem>>
        %dma_wait3A_332 = tpu.memref_squeeze %dma_wait3A_331 : memref<1x128xi32, #tpu.memory_space<vmem>> -> memref<128xi32, #tpu.memory_space<vmem>>
        %dma_wait3A_333 = arith.constant 0 : i32
        %dma_wait3A_334 = arith.constant 0 : i32
        %dma_wait3A_335 = tpu.memref_slice %arg22[%dma_wait3A_333, %dma_wait3A_334] : memref<10240x32xf32, #tpu.memory_space<vmem_shared>> -> memref<10240x32xf32, #tpu.memory_space<vmem_shared>>
        tpu.wait_indirect_dma semaphore(%arg21 : memref<!tpu.dma_semaphore, #tpu.memory_space<semaphore_mem>>) src(%arg12 : memref<128x32xf32, #tpu.memory_space<vmem>>) dst(%dma_wait3A_335 : memref<10240x32xf32, #tpu.memory_space<vmem_shared>>)
        %dma_start3A_336 = arith.constant 0 : i32
        %dma_start3A_337 = tpu.memref_slice %arg7[%add3A_327, %dma_start3A_336] : memref<95x128xi32, #tpu.memory_space<vmem>> -> memref<1x128xi32, #tpu.memory_space<vmem>>
        %dma_start3A_338 = tpu.memref_squeeze %dma_start3A_337 : memref<1x128xi32, #tpu.memory_space<vmem>> -> memref<128xi32, #tpu.memory_space<vmem>>
        %dma_start3A_339 = arith.constant 0 : i32
        %dma_start3A_340 = arith.constant 0 : i32
        %dma_start3A_341 = tpu.memref_slice %arg2[%dma_start3A_339, %dma_start3A_340] : memref<10240x32xf32, #tpu.memory_space<hbm>> -> memref<10240x32xf32, #tpu.memory_space<hbm>>
        tpu.enqueue_indirect_dma source(%dma_start3A_341 : memref<10240x32xf32, #tpu.memory_space<hbm>>) target(%arg12 : memref<128x32xf32, #tpu.memory_space<vmem>>) offsets(%dma_start3A_338 : memref<128xi32, #tpu.memory_space<vmem>>) semaphore(%arg17 : memref<!tpu.dma_semaphore, #tpu.memory_space<semaphore_mem>>)
        %sub3A_342 = arith.constant 2 : i32
        %sub3A_343 = arith.subi %add3A_327, %sub3A_342 : i32
        %dma_wait3A_344 = arith.constant 0 : i32
        %dma_wait3A_345 = tpu.memref_slice %arg7[%sub3A_343, %dma_wait3A_344] : memref<95x128xi32, #tpu.memory_space<vmem>> -> memref<1x128xi32, #tpu.memory_space<vmem>>
        %dma_wait3A_346 = tpu.memref_squeeze %dma_wait3A_345 : memref<1x128xi32, #tpu.memory_space<vmem>> -> memref<128xi32, #tpu.memory_space<vmem>>
        %dma_wait3A_347 = arith.constant 0 : i32
        %dma_wait3A_348 = arith.constant 0 : i32
        %dma_wait3A_349 = tpu.memref_slice %arg2[%dma_wait3A_347, %dma_wait3A_348] : memref<10240x32xf32, #tpu.memory_space<hbm>> -> memref<10240x32xf32, #tpu.memory_space<hbm>>
        tpu.wait_indirect_dma semaphore(%arg15 : memref<!tpu.dma_semaphore, #tpu.memory_space<semaphore_mem>>) src(%dma_wait3A_349 : memref<10240x32xf32, #tpu.memory_space<hbm>>) dst(%arg10 : memref<128x32xf32, #tpu.memory_space<vmem>>)
        %sub3A_350 = arith.constant 2 : i32
        %sub3A_351 = arith.subi %add3A_327, %sub3A_350 : i32
        %dma_start3A_352 = arith.constant 0 : i32
        %dma_start3A_353 = tpu.memref_slice %arg8[%sub3A_351, %dma_start3A_352] : memref<95x128xi32, #tpu.memory_space<vmem>> -> memref<1x128xi32, #tpu.memory_space<vmem>>
        %dma_start3A_354 = tpu.memref_squeeze %dma_start3A_353 : memref<1x128xi32, #tpu.memory_space<vmem>> -> memref<128xi32, #tpu.memory_space<vmem>>
        %dma_start3A_355 = arith.constant 0 : i32
        %dma_start3A_356 = arith.constant 0 : i32
        %dma_start3A_357 = tpu.memref_slice %arg22[%dma_start3A_355, %dma_start3A_356] : memref<10240x32xf32, #tpu.memory_space<vmem_shared>> -> memref<10240x32xf32, #tpu.memory_space<vmem_shared>>
        tpu.enqueue_indirect_dma source(%arg10 : memref<128x32xf32, #tpu.memory_space<vmem>>) target(%dma_start3A_357 : memref<10240x32xf32, #tpu.memory_space<vmem_shared>>) offsets(%dma_start3A_354 : memref<128xi32, #tpu.memory_space<vmem>>) semaphore(%arg19 : memref<!tpu.dma_semaphore, #tpu.memory_space<semaphore_mem>>) {add = true}
      }
      %scan3A_81 = arith.constant 22 : i32
      %dma_wait3A_82 = arith.constant 88 : i32
      %dma_wait3A_83 = arith.constant 0 : i32
      %dma_wait3A_84 = tpu.memref_slice %arg8[%dma_wait3A_82, %dma_wait3A_83] : memref<95x128xi32, #tpu.memory_space<vmem>> -> memref<1x128xi32, #tpu.memory_space<vmem>>
      %dma_wait3A_85 = tpu.memref_squeeze %dma_wait3A_84 : memref<1x128xi32, #tpu.memory_space<vmem>> -> memref<128xi32, #tpu.memory_space<vmem>>
      %dma_wait3A_86 = arith.constant 0 : i32
      %dma_wait3A_87 = arith.constant 0 : i32
      %dma_wait3A_88 = tpu.memref_slice %arg22[%dma_wait3A_86, %dma_wait3A_87] : memref<10240x32xf32, #tpu.memory_space<vmem_shared>> -> memref<10240x32xf32, #tpu.memory_space<vmem_shared>>
      tpu.wait_indirect_dma semaphore(%arg18 : memref<!tpu.dma_semaphore, #tpu.memory_space<semaphore_mem>>) src(%arg9 : memref<128x32xf32, #tpu.memory_space<vmem>>) dst(%dma_wait3A_88 : memref<10240x32xf32, #tpu.memory_space<vmem_shared>>)
      %dma_start3A_89 = arith.constant 92 : i32
      %dma_start3A_90 = arith.constant 0 : i32
      %dma_start3A_91 = tpu.memref_slice %arg7[%dma_start3A_89, %dma_start3A_90] : memref<95x128xi32, #tpu.memory_space<vmem>> -> memref<1x128xi32, #tpu.memory_space<vmem>>
      %dma_start3A_92 = tpu.memref_squeeze %dma_start3A_91 : memref<1x128xi32, #tpu.memory_space<vmem>> -> memref<128xi32, #tpu.memory_space<vmem>>
      %dma_start3A_93 = arith.constant 0 : i32
      %dma_start3A_94 = arith.constant 0 : i32
      %dma_start3A_95 = tpu.memref_slice %arg2[%dma_start3A_93, %dma_start3A_94] : memref<10240x32xf32, #tpu.memory_space<hbm>> -> memref<10240x32xf32, #tpu.memory_space<hbm>>
      tpu.enqueue_indirect_dma source(%dma_start3A_95 : memref<10240x32xf32, #tpu.memory_space<hbm>>) target(%arg9 : memref<128x32xf32, #tpu.memory_space<vmem>>) offsets(%dma_start3A_92 : memref<128xi32, #tpu.memory_space<vmem>>) semaphore(%arg14 : memref<!tpu.dma_semaphore, #tpu.memory_space<semaphore_mem>>)
      %dma_wait3A_96 = arith.constant 90 : i32
      %dma_wait3A_97 = arith.constant 0 : i32
      %dma_wait3A_98 = tpu.memref_slice %arg7[%dma_wait3A_96, %dma_wait3A_97] : memref<95x128xi32, #tpu.memory_space<vmem>> -> memref<1x128xi32, #tpu.memory_space<vmem>>
      %dma_wait3A_99 = tpu.memref_squeeze %dma_wait3A_98 : memref<1x128xi32, #tpu.memory_space<vmem>> -> memref<128xi32, #tpu.memory_space<vmem>>
      %dma_wait3A_100 = arith.constant 0 : i32
      %dma_wait3A_101 = arith.constant 0 : i32
      %dma_wait3A_102 = tpu.memref_slice %arg2[%dma_wait3A_100, %dma_wait3A_101] : memref<10240x32xf32, #tpu.memory_space<hbm>> -> memref<10240x32xf32, #tpu.memory_space<hbm>>
      tpu.wait_indirect_dma semaphore(%arg16 : memref<!tpu.dma_semaphore, #tpu.memory_space<semaphore_mem>>) src(%dma_wait3A_102 : memref<10240x32xf32, #tpu.memory_space<hbm>>) dst(%arg11 : memref<128x32xf32, #tpu.memory_space<vmem>>)
      %dma_start3A_103 = arith.constant 90 : i32
      %dma_start3A_104 = arith.constant 0 : i32
      %dma_start3A_105 = tpu.memref_slice %arg8[%dma_start3A_103, %dma_start3A_104] : memref<95x128xi32, #tpu.memory_space<vmem>> -> memref<1x128xi32, #tpu.memory_space<vmem>>
      %dma_start3A_106 = tpu.memref_squeeze %dma_start3A_105 : memref<1x128xi32, #tpu.memory_space<vmem>> -> memref<128xi32, #tpu.memory_space<vmem>>
      %dma_start3A_107 = arith.constant 0 : i32
      %dma_start3A_108 = arith.constant 0 : i32
      %dma_start3A_109 = tpu.memref_slice %arg22[%dma_start3A_107, %dma_start3A_108] : memref<10240x32xf32, #tpu.memory_space<vmem_shared>> -> memref<10240x32xf32, #tpu.memory_space<vmem_shared>>
      tpu.enqueue_indirect_dma source(%arg11 : memref<128x32xf32, #tpu.memory_space<vmem>>) target(%dma_start3A_109 : memref<10240x32xf32, #tpu.memory_space<vmem_shared>>) offsets(%dma_start3A_106 : memref<128xi32, #tpu.memory_space<vmem>>) semaphore(%arg20 : memref<!tpu.dma_semaphore, #tpu.memory_space<semaphore_mem>>) {add = true}
      %dma_wait3A_110 = arith.constant 89 : i32
      %dma_wait3A_111 = arith.constant 0 : i32
      %dma_wait3A_112 = tpu.memref_slice %arg8[%dma_wait3A_110, %dma_wait3A_111] : memref<95x128xi32, #tpu.memory_space<vmem>> -> memref<1x128xi32, #tpu.memory_space<vmem>>
      %dma_wait3A_113 = tpu.memref_squeeze %dma_wait3A_112 : memref<1x128xi32, #tpu.memory_space<vmem>> -> memref<128xi32, #tpu.memory_space<vmem>>
      %dma_wait3A_114 = arith.constant 0 : i32
      %dma_wait3A_115 = arith.constant 0 : i32
      %dma_wait3A_116 = tpu.memref_slice %arg22[%dma_wait3A_114, %dma_wait3A_115] : memref<10240x32xf32, #tpu.memory_space<vmem_shared>> -> memref<10240x32xf32, #tpu.memory_space<vmem_shared>>
      tpu.wait_indirect_dma semaphore(%arg19 : memref<!tpu.dma_semaphore, #tpu.memory_space<semaphore_mem>>) src(%arg10 : memref<128x32xf32, #tpu.memory_space<vmem>>) dst(%dma_wait3A_116 : memref<10240x32xf32, #tpu.memory_space<vmem_shared>>)
      %dma_start3A_117 = arith.constant 93 : i32
      %dma_start3A_118 = arith.constant 0 : i32
      %dma_start3A_119 = tpu.memref_slice %arg7[%dma_start3A_117, %dma_start3A_118] : memref<95x128xi32, #tpu.memory_space<vmem>> -> memref<1x128xi32, #tpu.memory_space<vmem>>
      %dma_start3A_120 = tpu.memref_squeeze %dma_start3A_119 : memref<1x128xi32, #tpu.memory_space<vmem>> -> memref<128xi32, #tpu.memory_space<vmem>>
      %dma_start3A_121 = arith.constant 0 : i32
      %dma_start3A_122 = arith.constant 0 : i32
      %dma_start3A_123 = tpu.memref_slice %arg2[%dma_start3A_121, %dma_start3A_122] : memref<10240x32xf32, #tpu.memory_space<hbm>> -> memref<10240x32xf32, #tpu.memory_space<hbm>>
      tpu.enqueue_indirect_dma source(%dma_start3A_123 : memref<10240x32xf32, #tpu.memory_space<hbm>>) target(%arg10 : memref<128x32xf32, #tpu.memory_space<vmem>>) offsets(%dma_start3A_120 : memref<128xi32, #tpu.memory_space<vmem>>) semaphore(%arg15 : memref<!tpu.dma_semaphore, #tpu.memory_space<semaphore_mem>>)
      %dma_wait3A_124 = arith.constant 91 : i32
      %dma_wait3A_125 = arith.constant 0 : i32
      %dma_wait3A_126 = tpu.memref_slice %arg7[%dma_wait3A_124, %dma_wait3A_125] : memref<95x128xi32, #tpu.memory_space<vmem>> -> memref<1x128xi32, #tpu.memory_space<vmem>>
      %dma_wait3A_127 = tpu.memref_squeeze %dma_wait3A_126 : memref<1x128xi32, #tpu.memory_space<vmem>> -> memref<128xi32, #tpu.memory_space<vmem>>
      %dma_wait3A_128 = arith.constant 0 : i32
      %dma_wait3A_129 = arith.constant 0 : i32
      %dma_wait3A_130 = tpu.memref_slice %arg2[%dma_wait3A_128, %dma_wait3A_129] : memref<10240x32xf32, #tpu.memory_space<hbm>> -> memref<10240x32xf32, #tpu.memory_space<hbm>>
      tpu.wait_indirect_dma semaphore(%arg17 : memref<!tpu.dma_semaphore, #tpu.memory_space<semaphore_mem>>) src(%dma_wait3A_130 : memref<10240x32xf32, #tpu.memory_space<hbm>>) dst(%arg12 : memref<128x32xf32, #tpu.memory_space<vmem>>)
      %dma_start3A_131 = arith.constant 91 : i32
      %dma_start3A_132 = arith.constant 0 : i32
      %dma_start3A_133 = tpu.memref_slice %arg8[%dma_start3A_131, %dma_start3A_132] : memref<95x128xi32, #tpu.memory_space<vmem>> -> memref<1x128xi32, #tpu.memory_space<vmem>>
      %dma_start3A_134 = tpu.memref_squeeze %dma_start3A_133 : memref<1x128xi32, #tpu.memory_space<vmem>> -> memref<128xi32, #tpu.memory_space<vmem>>
      %dma_start3A_135 = arith.constant 0 : i32
      %dma_start3A_136 = arith.constant 0 : i32
      %dma_start3A_137 = tpu.memref_slice %arg22[%dma_start3A_135, %dma_start3A_136] : memref<10240x32xf32, #tpu.memory_space<vmem_shared>> -> memref<10240x32xf32, #tpu.memory_space<vmem_shared>>
      tpu.enqueue_indirect_dma source(%arg12 : memref<128x32xf32, #tpu.memory_space<vmem>>) target(%dma_start3A_137 : memref<10240x32xf32, #tpu.memory_space<vmem_shared>>) offsets(%dma_start3A_134 : memref<128xi32, #tpu.memory_space<vmem>>) semaphore(%arg21 : memref<!tpu.dma_semaphore, #tpu.memory_space<semaphore_mem>>) {add = true}
      %dma_wait3A_138 = arith.constant 90 : i32
      %dma_wait3A_139 = arith.constant 0 : i32
      %dma_wait3A_140 = tpu.memref_slice %arg8[%dma_wait3A_138, %dma_wait3A_139] : memref<95x128xi32, #tpu.memory_space<vmem>> -> memref<1x128xi32, #tpu.memory_space<vmem>>
      %dma_wait3A_141 = tpu.memref_squeeze %dma_wait3A_140 : memref<1x128xi32, #tpu.memory_space<vmem>> -> memref<128xi32, #tpu.memory_space<vmem>>
      %dma_wait3A_142 = arith.constant 0 : i32
      %dma_wait3A_143 = arith.constant 0 : i32
      %dma_wait3A_144 = tpu.memref_slice %arg22[%dma_wait3A_142, %dma_wait3A_143] : memref<10240x32xf32, #tpu.memory_space<vmem_shared>> -> memref<10240x32xf32, #tpu.memory_space<vmem_shared>>
      tpu.wait_indirect_dma semaphore(%arg20 : memref<!tpu.dma_semaphore, #tpu.memory_space<semaphore_mem>>) src(%arg11 : memref<128x32xf32, #tpu.memory_space<vmem>>) dst(%dma_wait3A_144 : memref<10240x32xf32, #tpu.memory_space<vmem_shared>>)
      %dma_start3A_145 = arith.constant 94 : i32
      %dma_start3A_146 = arith.constant 0 : i32
      %dma_start3A_147 = tpu.memref_slice %arg7[%dma_start3A_145, %dma_start3A_146] : memref<95x128xi32, #tpu.memory_space<vmem>> -> memref<1x128xi32, #tpu.memory_space<vmem>>
      %dma_start3A_148 = tpu.memref_squeeze %dma_start3A_147 : memref<1x128xi32, #tpu.memory_space<vmem>> -> memref<128xi32, #tpu.memory_space<vmem>>
      %dma_start3A_149 = arith.constant 0 : i32
      %dma_start3A_150 = arith.constant 0 : i32
      %dma_start3A_151 = tpu.memref_slice %arg2[%dma_start3A_149, %dma_start3A_150] : memref<10240x32xf32, #tpu.memory_space<hbm>> -> memref<10240x32xf32, #tpu.memory_space<hbm>>
      tpu.enqueue_indirect_dma source(%dma_start3A_151 : memref<10240x32xf32, #tpu.memory_space<hbm>>) target(%arg11 : memref<128x32xf32, #tpu.memory_space<vmem>>) offsets(%dma_start3A_148 : memref<128xi32, #tpu.memory_space<vmem>>) semaphore(%arg16 : memref<!tpu.dma_semaphore, #tpu.memory_space<semaphore_mem>>)
      %dma_wait3A_152 = arith.constant 92 : i32
      %dma_wait3A_153 = arith.constant 0 : i32
      %dma_wait3A_154 = tpu.memref_slice %arg7[%dma_wait3A_152, %dma_wait3A_153] : memref<95x128xi32, #tpu.memory_space<vmem>> -> memref<1x128xi32, #tpu.memory_space<vmem>>
      %dma_wait3A_155 = tpu.memref_squeeze %dma_wait3A_154 : memref<1x128xi32, #tpu.memory_space<vmem>> -> memref<128xi32, #tpu.memory_space<vmem>>
      %dma_wait3A_156 = arith.constant 0 : i32
      %dma_wait3A_157 = arith.constant 0 : i32
      %dma_wait3A_158 = tpu.memref_slice %arg2[%dma_wait3A_156, %dma_wait3A_157] : memref<10240x32xf32, #tpu.memory_space<hbm>> -> memref<10240x32xf32, #tpu.memory_space<hbm>>
      tpu.wait_indirect_dma semaphore(%arg14 : memref<!tpu.dma_semaphore, #tpu.memory_space<semaphore_mem>>) src(%dma_wait3A_158 : memref<10240x32xf32, #tpu.memory_space<hbm>>) dst(%arg9 : memref<128x32xf32, #tpu.memory_space<vmem>>)
      %dma_start3A_159 = arith.constant 92 : i32
      %dma_start3A_160 = arith.constant 0 : i32
      %dma_start3A_161 = tpu.memref_slice %arg8[%dma_start3A_159, %dma_start3A_160] : memref<95x128xi32, #tpu.memory_space<vmem>> -> memref<1x128xi32, #tpu.memory_space<vmem>>
      %dma_start3A_162 = tpu.memref_squeeze %dma_start3A_161 : memref<1x128xi32, #tpu.memory_space<vmem>> -> memref<128xi32, #tpu.memory_space<vmem>>
      %dma_start3A_163 = arith.constant 0 : i32
      %dma_start3A_164 = arith.constant 0 : i32
      %dma_start3A_165 = tpu.memref_slice %arg22[%dma_start3A_163, %dma_start3A_164] : memref<10240x32xf32, #tpu.memory_space<vmem_shared>> -> memref<10240x32xf32, #tpu.memory_space<vmem_shared>>
      tpu.enqueue_indirect_dma source(%arg9 : memref<128x32xf32, #tpu.memory_space<vmem>>) target(%dma_start3A_165 : memref<10240x32xf32, #tpu.memory_space<vmem_shared>>) offsets(%dma_start3A_162 : memref<128xi32, #tpu.memory_space<vmem>>) semaphore(%arg18 : memref<!tpu.dma_semaphore, #tpu.memory_space<semaphore_mem>>) {add = true}
      %dma_wait3A_166 = arith.constant 93 : i32
      %dma_wait3A_167 = arith.constant 0 : i32
      %dma_wait3A_168 = tpu.memref_slice %arg7[%dma_wait3A_166, %dma_wait3A_167] : memref<95x128xi32, #tpu.memory_space<vmem>> -> memref<1x128xi32, #tpu.memory_space<vmem>>
      %dma_wait3A_169 = tpu.memref_squeeze %dma_wait3A_168 : memref<1x128xi32, #tpu.memory_space<vmem>> -> memref<128xi32, #tpu.memory_space<vmem>>
      %dma_wait3A_170 = arith.constant 0 : i32
      %dma_wait3A_171 = arith.constant 0 : i32
      %dma_wait3A_172 = tpu.memref_slice %arg2[%dma_wait3A_170, %dma_wait3A_171] : memref<10240x32xf32, #tpu.memory_space<hbm>> -> memref<10240x32xf32, #tpu.memory_space<hbm>>
      tpu.wait_indirect_dma semaphore(%arg15 : memref<!tpu.dma_semaphore, #tpu.memory_space<semaphore_mem>>) src(%dma_wait3A_172 : memref<10240x32xf32, #tpu.memory_space<hbm>>) dst(%arg10 : memref<128x32xf32, #tpu.memory_space<vmem>>)
      %dma_start3A_173 = arith.constant 93 : i32
      %dma_start3A_174 = arith.constant 0 : i32
      %dma_start3A_175 = tpu.memref_slice %arg8[%dma_start3A_173, %dma_start3A_174] : memref<95x128xi32, #tpu.memory_space<vmem>> -> memref<1x128xi32, #tpu.memory_space<vmem>>
      %dma_start3A_176 = tpu.memref_squeeze %dma_start3A_175 : memref<1x128xi32, #tpu.memory_space<vmem>> -> memref<128xi32, #tpu.memory_space<vmem>>
      %dma_start3A_177 = arith.constant 0 : i32
      %dma_start3A_178 = arith.constant 0 : i32
      %dma_start3A_179 = tpu.memref_slice %arg22[%dma_start3A_177, %dma_start3A_178] : memref<10240x32xf32, #tpu.memory_space<vmem_shared>> -> memref<10240x32xf32, #tpu.memory_space<vmem_shared>>
      tpu.enqueue_indirect_dma source(%arg10 : memref<128x32xf32, #tpu.memory_space<vmem>>) target(%dma_start3A_179 : memref<10240x32xf32, #tpu.memory_space<vmem_shared>>) offsets(%dma_start3A_176 : memref<128xi32, #tpu.memory_space<vmem>>) semaphore(%arg19 : memref<!tpu.dma_semaphore, #tpu.memory_space<semaphore_mem>>) {add = true}
      %dma_wait3A_180 = arith.constant 94 : i32
      %dma_wait3A_181 = arith.constant 0 : i32
      %dma_wait3A_182 = tpu.memref_slice %arg7[%dma_wait3A_180, %dma_wait3A_181] : memref<95x128xi32, #tpu.memory_space<vmem>> -> memref<1x128xi32, #tpu.memory_space<vmem>>
      %dma_wait3A_183 = tpu.memref_squeeze %dma_wait3A_182 : memref<1x128xi32, #tpu.memory_space<vmem>> -> memref<128xi32, #tpu.memory_space<vmem>>
      %dma_wait3A_184 = arith.constant 0 : i32
      %dma_wait3A_185 = arith.constant 0 : i32
      %dma_wait3A_186 = tpu.memref_slice %arg2[%dma_wait3A_184, %dma_wait3A_185] : memref<10240x32xf32, #tpu.memory_space<hbm>> -> memref<10240x32xf32, #tpu.memory_space<hbm>>
      tpu.wait_indirect_dma semaphore(%arg16 : memref<!tpu.dma_semaphore, #tpu.memory_space<semaphore_mem>>) src(%dma_wait3A_186 : memref<10240x32xf32, #tpu.memory_space<hbm>>) dst(%arg11 : memref<128x32xf32, #tpu.memory_space<vmem>>)
      %dma_start3A_187 = arith.constant 94 : i32
      %dma_start3A_188 = arith.constant 0 : i32
      %dma_start3A_189 = tpu.memref_slice %arg8[%dma_start3A_187, %dma_start3A_188] : memref<95x128xi32, #tpu.memory_space<vmem>> -> memref<1x128xi32, #tpu.memory_space<vmem>>
      %dma_start3A_190 = tpu.memref_squeeze %dma_start3A_189 : memref<1x128xi32, #tpu.memory_space<vmem>> -> memref<128xi32, #tpu.memory_space<vmem>>
      %dma_start3A_191 = arith.constant 0 : i32
      %dma_start3A_192 = arith.constant 0 : i32
      %dma_start3A_193 = tpu.memref_slice %arg22[%dma_start3A_191, %dma_start3A_192] : memref<10240x32xf32, #tpu.memory_space<vmem_shared>> -> memref<10240x32xf32, #tpu.memory_space<vmem_shared>>
      tpu.enqueue_indirect_dma source(%arg11 : memref<128x32xf32, #tpu.memory_space<vmem>>) target(%dma_start3A_193 : memref<10240x32xf32, #tpu.memory_space<vmem_shared>>) offsets(%dma_start3A_190 : memref<128xi32, #tpu.memory_space<vmem>>) semaphore(%arg20 : memref<!tpu.dma_semaphore, #tpu.memory_space<semaphore_mem>>) {add = true}
      %dma_wait3A_194 = arith.constant 91 : i32
      %dma_wait3A_195 = arith.constant 0 : i32
      %dma_wait3A_196 = tpu.memref_slice %arg8[%dma_wait3A_194, %dma_wait3A_195] : memref<95x128xi32, #tpu.memory_space<vmem>> -> memref<1x128xi32, #tpu.memory_space<vmem>>
      %dma_wait3A_197 = tpu.memref_squeeze %dma_wait3A_196 : memref<1x128xi32, #tpu.memory_space<vmem>> -> memref<128xi32, #tpu.memory_space<vmem>>
      %dma_wait3A_198 = arith.constant 0 : i32
      %dma_wait3A_199 = arith.constant 0 : i32
      %dma_wait3A_200 = tpu.memref_slice %arg22[%dma_wait3A_198, %dma_wait3A_199] : memref<10240x32xf32, #tpu.memory_space<vmem_shared>> -> memref<10240x32xf32, #tpu.memory_space<vmem_shared>>
      tpu.wait_indirect_dma semaphore(%arg21 : memref<!tpu.dma_semaphore, #tpu.memory_space<semaphore_mem>>) src(%arg12 : memref<128x32xf32, #tpu.memory_space<vmem>>) dst(%dma_wait3A_200 : memref<10240x32xf32, #tpu.memory_space<vmem_shared>>)
      %dma_wait3A_201 = arith.constant 92 : i32
      %dma_wait3A_202 = arith.constant 0 : i32
      %dma_wait3A_203 = tpu.memref_slice %arg8[%dma_wait3A_201, %dma_wait3A_202] : memref<95x128xi32, #tpu.memory_space<vmem>> -> memref<1x128xi32, #tpu.memory_space<vmem>>
      %dma_wait3A_204 = tpu.memref_squeeze %dma_wait3A_203 : memref<1x128xi32, #tpu.memory_space<vmem>> -> memref<128xi32, #tpu.memory_space<vmem>>
      %dma_wait3A_205 = arith.constant 0 : i32
      %dma_wait3A_206 = arith.constant 0 : i32
      %dma_wait3A_207 = tpu.memref_slice %arg22[%dma_wait3A_205, %dma_wait3A_206] : memref<10240x32xf32, #tpu.memory_space<vmem_shared>> -> memref<10240x32xf32, #tpu.memory_space<vmem_shared>>
      tpu.wait_indirect_dma semaphore(%arg18 : memref<!tpu.dma_semaphore, #tpu.memory_space<semaphore_mem>>) src(%arg9 : memref<128x32xf32, #tpu.memory_space<vmem>>) dst(%dma_wait3A_207 : memref<10240x32xf32, #tpu.memory_space<vmem_shared>>)
      %dma_wait3A_208 = arith.constant 93 : i32
      %dma_wait3A_209 = arith.constant 0 : i32
      %dma_wait3A_210 = tpu.memref_slice %arg8[%dma_wait3A_208, %dma_wait3A_209] : memref<95x128xi32, #tpu.memory_space<vmem>> -> memref<1x128xi32, #tpu.memory_space<vmem>>
      %dma_wait3A_211 = tpu.memref_squeeze %dma_wait3A_210 : memref<1x128xi32, #tpu.memory_space<vmem>> -> memref<128xi32, #tpu.memory_space<vmem>>
      %dma_wait3A_212 = arith.constant 0 : i32
      %dma_wait3A_213 = arith.constant 0 : i32
      %dma_wait3A_214 = tpu.memref_slice %arg22[%dma_wait3A_212, %dma_wait3A_213] : memref<10240x32xf32, #tpu.memory_space<vmem_shared>> -> memref<10240x32xf32, #tpu.memory_space<vmem_shared>>
      tpu.wait_indirect_dma semaphore(%arg19 : memref<!tpu.dma_semaphore, #tpu.memory_space<semaphore_mem>>) src(%arg10 : memref<128x32xf32, #tpu.memory_space<vmem>>) dst(%dma_wait3A_214 : memref<10240x32xf32, #tpu.memory_space<vmem_shared>>)
      %dma_wait3A_215 = arith.constant 94 : i32
      %dma_wait3A_216 = arith.constant 0 : i32
      %dma_wait3A_217 = tpu.memref_slice %arg8[%dma_wait3A_215, %dma_wait3A_216] : memref<95x128xi32, #tpu.memory_space<vmem>> -> memref<1x128xi32, #tpu.memory_space<vmem>>
      %dma_wait3A_218 = tpu.memref_squeeze %dma_wait3A_217 : memref<1x128xi32, #tpu.memory_space<vmem>> -> memref<128xi32, #tpu.memory_space<vmem>>
      %dma_wait3A_219 = arith.constant 0 : i32
      %dma_wait3A_220 = arith.constant 0 : i32
      %dma_wait3A_221 = tpu.memref_slice %arg22[%dma_wait3A_219, %dma_wait3A_220] : memref<10240x32xf32, #tpu.memory_space<vmem_shared>> -> memref<10240x32xf32, #tpu.memory_space<vmem_shared>>
      tpu.wait_indirect_dma semaphore(%arg20 : memref<!tpu.dma_semaphore, #tpu.memory_space<semaphore_mem>>) src(%arg11 : memref<128x32xf32, #tpu.memory_space<vmem>>) dst(%dma_wait3A_221 : memref<10240x32xf32, #tpu.memory_space<vmem_shared>>)
    } else {
    }
    %eq3A_15 = arith.constant 1 : i32
    %eq3A_16 = arith.cmpi eq, %arg0, %eq3A_15 : i32
    %convert_element_type3A_17 = arith.extui %eq3A_16 : i1 to i32
    %cond3A_18 = arith.constant 0 : i32
    %cond3A_19 = arith.cmpi ne, %convert_element_type3A_17, %cond3A_18 : i32
    scf.if %cond3A_19 {
      %mul3A_21 = arith.constant 63 : i32
      %mul3A_22 = arith.muli %arg1, %mul3A_21 : i32
      %add3A_23 = arith.constant 1520 : i32
      %add3A_24 = arith.addi %add3A_23, %mul3A_22 : i32
      "tpu.region"() ({
        %run_scoped3A = tpu.sem_alloc : memref<!tpu.dma_semaphore, #tpu.memory_space<semaphore_mem>>
        %dma_start3A_224 = arith.constant 0 : i32
        %dma_start3A_225 = arith.constant 0 : i32
        %dma_start3A_226 = tpu.memref_slice %arg7[%dma_start3A_224, %dma_start3A_225] : memref<95x128xi32, #tpu.memory_space<vmem>> -> memref<63x128xi32, #tpu.memory_space<vmem>>
        %dma_start3A_227 = arith.constant 0 : i32
        %dma_start3A_228 = tpu.memref_slice %arg3[%add3A_24, %dma_start3A_227] : memref<2528x128xi32, #tpu.memory_space<hbm>> -> memref<63x128xi32, #tpu.memory_space<hbm>>
        %dma_start3A_229 = arith.constant 0 : i32
        %dma_start3A_230 = arith.constant 0 : i32
        %dma_start3A_231 = tpu.memref_slice %arg7[%dma_start3A_229, %dma_start3A_230] : memref<95x128xi32, #tpu.memory_space<vmem>> -> memref<63x128xi32, #tpu.memory_space<vmem>>
        %dma_start3A_232 = arith.constant 0 : i32
        %dma_start3A_233 = tpu.memref_slice %arg3[%add3A_24, %dma_start3A_232] : memref<2528x128xi32, #tpu.memory_space<hbm>> -> memref<63x128xi32, #tpu.memory_space<hbm>>
        tpu.enqueue_dma source(%dma_start3A_233 : memref<63x128xi32, #tpu.memory_space<hbm>>) target(%dma_start3A_231 : memref<63x128xi32, #tpu.memory_space<vmem>>) target_semaphore(%run_scoped3A : memref<!tpu.dma_semaphore, #tpu.memory_space<semaphore_mem>>)
        %dma_wait3A_234 = arith.constant 0 : i32
        %dma_wait3A_235 = arith.constant 0 : i32
        %dma_wait3A_236 = tpu.memref_slice %arg7[%dma_wait3A_234, %dma_wait3A_235] : memref<95x128xi32, #tpu.memory_space<vmem>> -> memref<63x128xi32, #tpu.memory_space<vmem>>
        %dma_wait3A_237 = arith.constant 0 : i32
        %dma_wait3A_238 = tpu.memref_slice %arg3[%add3A_24, %dma_wait3A_237] : memref<2528x128xi32, #tpu.memory_space<hbm>> -> memref<63x128xi32, #tpu.memory_space<hbm>>
        %dma_wait3A_239 = arith.constant 0 : i32
        %dma_wait3A_240 = arith.constant 0 : i32
        %dma_wait3A_241 = tpu.memref_slice %arg7[%dma_wait3A_239, %dma_wait3A_240] : memref<95x128xi32, #tpu.memory_space<vmem>> -> memref<63x128xi32, #tpu.memory_space<vmem>>
        %dma_wait3A_242 = arith.constant 0 : i32
        %dma_wait3A_243 = tpu.memref_slice %arg3[%add3A_24, %dma_wait3A_242] : memref<2528x128xi32, #tpu.memory_space<hbm>> -> memref<63x128xi32, #tpu.memory_space<hbm>>
        tpu.wait_dma2 semaphore(%run_scoped3A : memref<!tpu.dma_semaphore, #tpu.memory_space<semaphore_mem>>) src(%dma_wait3A_243 : memref<63x128xi32, #tpu.memory_space<hbm>>) dst(%dma_wait3A_241 : memref<63x128xi32, #tpu.memory_space<vmem>>)
        tpu.yield
      }) : () -> ()
      "tpu.region"() ({
        %run_scoped3A = tpu.sem_alloc : memref<!tpu.dma_semaphore, #tpu.memory_space<semaphore_mem>>
        %dma_start3A_224 = arith.constant 0 : i32
        %dma_start3A_225 = arith.constant 0 : i32
        %dma_start3A_226 = tpu.memref_slice %arg8[%dma_start3A_224, %dma_start3A_225] : memref<95x128xi32, #tpu.memory_space<vmem>> -> memref<63x128xi32, #tpu.memory_space<vmem>>
        %dma_start3A_227 = arith.constant 0 : i32
        %dma_start3A_228 = tpu.memref_slice %arg4[%add3A_24, %dma_start3A_227] : memref<2528x128xi32, #tpu.memory_space<hbm>> -> memref<63x128xi32, #tpu.memory_space<hbm>>
        %dma_start3A_229 = arith.constant 0 : i32
        %dma_start3A_230 = arith.constant 0 : i32
        %dma_start3A_231 = tpu.memref_slice %arg8[%dma_start3A_229, %dma_start3A_230] : memref<95x128xi32, #tpu.memory_space<vmem>> -> memref<63x128xi32, #tpu.memory_space<vmem>>
        %dma_start3A_232 = arith.constant 0 : i32
        %dma_start3A_233 = tpu.memref_slice %arg4[%add3A_24, %dma_start3A_232] : memref<2528x128xi32, #tpu.memory_space<hbm>> -> memref<63x128xi32, #tpu.memory_space<hbm>>
        tpu.enqueue_dma source(%dma_start3A_233 : memref<63x128xi32, #tpu.memory_space<hbm>>) target(%dma_start3A_231 : memref<63x128xi32, #tpu.memory_space<vmem>>) target_semaphore(%run_scoped3A : memref<!tpu.dma_semaphore, #tpu.memory_space<semaphore_mem>>)
        %dma_wait3A_234 = arith.constant 0 : i32
        %dma_wait3A_235 = arith.constant 0 : i32
        %dma_wait3A_236 = tpu.memref_slice %arg8[%dma_wait3A_234, %dma_wait3A_235] : memref<95x128xi32, #tpu.memory_space<vmem>> -> memref<63x128xi32, #tpu.memory_space<vmem>>
        %dma_wait3A_237 = arith.constant 0 : i32
        %dma_wait3A_238 = tpu.memref_slice %arg4[%add3A_24, %dma_wait3A_237] : memref<2528x128xi32, #tpu.memory_space<hbm>> -> memref<63x128xi32, #tpu.memory_space<hbm>>
        %dma_wait3A_239 = arith.constant 0 : i32
        %dma_wait3A_240 = arith.constant 0 : i32
        %dma_wait3A_241 = tpu.memref_slice %arg8[%dma_wait3A_239, %dma_wait3A_240] : memref<95x128xi32, #tpu.memory_space<vmem>> -> memref<63x128xi32, #tpu.memory_space<vmem>>
        %dma_wait3A_242 = arith.constant 0 : i32
        %dma_wait3A_243 = tpu.memref_slice %arg4[%add3A_24, %dma_wait3A_242] : memref<2528x128xi32, #tpu.memory_space<hbm>> -> memref<63x128xi32, #tpu.memory_space<hbm>>
        tpu.wait_dma2 semaphore(%run_scoped3A : memref<!tpu.dma_semaphore, #tpu.memory_space<semaphore_mem>>) src(%dma_wait3A_243 : memref<63x128xi32, #tpu.memory_space<hbm>>) dst(%dma_wait3A_241 : memref<63x128xi32, #tpu.memory_space<vmem>>)
        tpu.yield
      }) : () -> ()
      %dma_start3A = arith.constant 0 : i32
      %dma_start3A_25 = arith.constant 0 : i32
      %dma_start3A_26 = tpu.memref_slice %arg7[%dma_start3A, %dma_start3A_25] : memref<95x128xi32, #tpu.memory_space<vmem>> -> memref<1x128xi32, #tpu.memory_space<vmem>>
      %dma_start3A_27 = tpu.memref_squeeze %dma_start3A_26 : memref<1x128xi32, #tpu.memory_space<vmem>> -> memref<128xi32, #tpu.memory_space<vmem>>
      %dma_start3A_28 = arith.constant 0 : i32
      %dma_start3A_29 = arith.constant 0 : i32
      %dma_start3A_30 = tpu.memref_slice %arg2[%dma_start3A_28, %dma_start3A_29] : memref<10240x32xf32, #tpu.memory_space<hbm>> -> memref<10240x32xf32, #tpu.memory_space<hbm>>
      tpu.enqueue_indirect_dma source(%dma_start3A_30 : memref<10240x32xf32, #tpu.memory_space<hbm>>) target(%arg9 : memref<128x32xf32, #tpu.memory_space<vmem>>) offsets(%dma_start3A_27 : memref<128xi32, #tpu.memory_space<vmem>>) semaphore(%arg14 : memref<!tpu.dma_semaphore, #tpu.memory_space<semaphore_mem>>)
      %dma_start3A_31 = arith.constant 1 : i32
      %dma_start3A_32 = arith.constant 0 : i32
      %dma_start3A_33 = tpu.memref_slice %arg7[%dma_start3A_31, %dma_start3A_32] : memref<95x128xi32, #tpu.memory_space<vmem>> -> memref<1x128xi32, #tpu.memory_space<vmem>>
      %dma_start3A_34 = tpu.memref_squeeze %dma_start3A_33 : memref<1x128xi32, #tpu.memory_space<vmem>> -> memref<128xi32, #tpu.memory_space<vmem>>
      %dma_start3A_35 = arith.constant 0 : i32
      %dma_start3A_36 = arith.constant 0 : i32
      %dma_start3A_37 = tpu.memref_slice %arg2[%dma_start3A_35, %dma_start3A_36] : memref<10240x32xf32, #tpu.memory_space<hbm>> -> memref<10240x32xf32, #tpu.memory_space<hbm>>
      tpu.enqueue_indirect_dma source(%dma_start3A_37 : memref<10240x32xf32, #tpu.memory_space<hbm>>) target(%arg10 : memref<128x32xf32, #tpu.memory_space<vmem>>) offsets(%dma_start3A_34 : memref<128xi32, #tpu.memory_space<vmem>>) semaphore(%arg15 : memref<!tpu.dma_semaphore, #tpu.memory_space<semaphore_mem>>)
      %dma_start3A_38 = arith.constant 2 : i32
      %dma_start3A_39 = arith.constant 0 : i32
      %dma_start3A_40 = tpu.memref_slice %arg7[%dma_start3A_38, %dma_start3A_39] : memref<95x128xi32, #tpu.memory_space<vmem>> -> memref<1x128xi32, #tpu.memory_space<vmem>>
      %dma_start3A_41 = tpu.memref_squeeze %dma_start3A_40 : memref<1x128xi32, #tpu.memory_space<vmem>> -> memref<128xi32, #tpu.memory_space<vmem>>
      %dma_start3A_42 = arith.constant 0 : i32
      %dma_start3A_43 = arith.constant 0 : i32
      %dma_start3A_44 = tpu.memref_slice %arg2[%dma_start3A_42, %dma_start3A_43] : memref<10240x32xf32, #tpu.memory_space<hbm>> -> memref<10240x32xf32, #tpu.memory_space<hbm>>
      tpu.enqueue_indirect_dma source(%dma_start3A_44 : memref<10240x32xf32, #tpu.memory_space<hbm>>) target(%arg11 : memref<128x32xf32, #tpu.memory_space<vmem>>) offsets(%dma_start3A_41 : memref<128xi32, #tpu.memory_space<vmem>>) semaphore(%arg16 : memref<!tpu.dma_semaphore, #tpu.memory_space<semaphore_mem>>)
      %dma_wait3A = arith.constant 0 : i32
      %dma_wait3A_45 = arith.constant 0 : i32
      %dma_wait3A_46 = tpu.memref_slice %arg7[%dma_wait3A, %dma_wait3A_45] : memref<95x128xi32, #tpu.memory_space<vmem>> -> memref<1x128xi32, #tpu.memory_space<vmem>>
      %dma_wait3A_47 = tpu.memref_squeeze %dma_wait3A_46 : memref<1x128xi32, #tpu.memory_space<vmem>> -> memref<128xi32, #tpu.memory_space<vmem>>
      %dma_wait3A_48 = arith.constant 0 : i32
      %dma_wait3A_49 = arith.constant 0 : i32
      %dma_wait3A_50 = tpu.memref_slice %arg2[%dma_wait3A_48, %dma_wait3A_49] : memref<10240x32xf32, #tpu.memory_space<hbm>> -> memref<10240x32xf32, #tpu.memory_space<hbm>>
      tpu.wait_indirect_dma semaphore(%arg14 : memref<!tpu.dma_semaphore, #tpu.memory_space<semaphore_mem>>) src(%dma_wait3A_50 : memref<10240x32xf32, #tpu.memory_space<hbm>>) dst(%arg9 : memref<128x32xf32, #tpu.memory_space<vmem>>)
      %dma_start3A_51 = arith.constant 0 : i32
      %dma_start3A_52 = arith.constant 0 : i32
      %dma_start3A_53 = tpu.memref_slice %arg8[%dma_start3A_51, %dma_start3A_52] : memref<95x128xi32, #tpu.memory_space<vmem>> -> memref<1x128xi32, #tpu.memory_space<vmem>>
      %dma_start3A_54 = tpu.memref_squeeze %dma_start3A_53 : memref<1x128xi32, #tpu.memory_space<vmem>> -> memref<128xi32, #tpu.memory_space<vmem>>
      %dma_start3A_55 = arith.constant 0 : i32
      %dma_start3A_56 = arith.constant 0 : i32
      %dma_start3A_57 = tpu.memref_slice %arg22[%dma_start3A_55, %dma_start3A_56] : memref<10240x32xf32, #tpu.memory_space<vmem_shared>> -> memref<10240x32xf32, #tpu.memory_space<vmem_shared>>
      tpu.enqueue_indirect_dma source(%arg9 : memref<128x32xf32, #tpu.memory_space<vmem>>) target(%dma_start3A_57 : memref<10240x32xf32, #tpu.memory_space<vmem_shared>>) offsets(%dma_start3A_54 : memref<128xi32, #tpu.memory_space<vmem>>) semaphore(%arg18 : memref<!tpu.dma_semaphore, #tpu.memory_space<semaphore_mem>>) {add = true}
      %dma_start3A_58 = arith.constant 3 : i32
      %dma_start3A_59 = arith.constant 0 : i32
      %dma_start3A_60 = tpu.memref_slice %arg7[%dma_start3A_58, %dma_start3A_59] : memref<95x128xi32, #tpu.memory_space<vmem>> -> memref<1x128xi32, #tpu.memory_space<vmem>>
      %dma_start3A_61 = tpu.memref_squeeze %dma_start3A_60 : memref<1x128xi32, #tpu.memory_space<vmem>> -> memref<128xi32, #tpu.memory_space<vmem>>
      %dma_start3A_62 = arith.constant 0 : i32
      %dma_start3A_63 = arith.constant 0 : i32
      %dma_start3A_64 = tpu.memref_slice %arg2[%dma_start3A_62, %dma_start3A_63] : memref<10240x32xf32, #tpu.memory_space<hbm>> -> memref<10240x32xf32, #tpu.memory_space<hbm>>
      tpu.enqueue_indirect_dma source(%dma_start3A_64 : memref<10240x32xf32, #tpu.memory_space<hbm>>) target(%arg12 : memref<128x32xf32, #tpu.memory_space<vmem>>) offsets(%dma_start3A_61 : memref<128xi32, #tpu.memory_space<vmem>>) semaphore(%arg17 : memref<!tpu.dma_semaphore, #tpu.memory_space<semaphore_mem>>)
      %dma_wait3A_65 = arith.constant 1 : i32
      %dma_wait3A_66 = arith.constant 0 : i32
      %dma_wait3A_67 = tpu.memref_slice %arg7[%dma_wait3A_65, %dma_wait3A_66] : memref<95x128xi32, #tpu.memory_space<vmem>> -> memref<1x128xi32, #tpu.memory_space<vmem>>
      %dma_wait3A_68 = tpu.memref_squeeze %dma_wait3A_67 : memref<1x128xi32, #tpu.memory_space<vmem>> -> memref<128xi32, #tpu.memory_space<vmem>>
      %dma_wait3A_69 = arith.constant 0 : i32
      %dma_wait3A_70 = arith.constant 0 : i32
      %dma_wait3A_71 = tpu.memref_slice %arg2[%dma_wait3A_69, %dma_wait3A_70] : memref<10240x32xf32, #tpu.memory_space<hbm>> -> memref<10240x32xf32, #tpu.memory_space<hbm>>
      tpu.wait_indirect_dma semaphore(%arg15 : memref<!tpu.dma_semaphore, #tpu.memory_space<semaphore_mem>>) src(%dma_wait3A_71 : memref<10240x32xf32, #tpu.memory_space<hbm>>) dst(%arg10 : memref<128x32xf32, #tpu.memory_space<vmem>>)
      %dma_start3A_72 = arith.constant 1 : i32
      %dma_start3A_73 = arith.constant 0 : i32
      %dma_start3A_74 = tpu.memref_slice %arg8[%dma_start3A_72, %dma_start3A_73] : memref<95x128xi32, #tpu.memory_space<vmem>> -> memref<1x128xi32, #tpu.memory_space<vmem>>
      %dma_start3A_75 = tpu.memref_squeeze %dma_start3A_74 : memref<1x128xi32, #tpu.memory_space<vmem>> -> memref<128xi32, #tpu.memory_space<vmem>>
      %dma_start3A_76 = arith.constant 0 : i32
      %dma_start3A_77 = arith.constant 0 : i32
      %dma_start3A_78 = tpu.memref_slice %arg22[%dma_start3A_76, %dma_start3A_77] : memref<10240x32xf32, #tpu.memory_space<vmem_shared>> -> memref<10240x32xf32, #tpu.memory_space<vmem_shared>>
      tpu.enqueue_indirect_dma source(%arg10 : memref<128x32xf32, #tpu.memory_space<vmem>>) target(%dma_start3A_78 : memref<10240x32xf32, #tpu.memory_space<vmem_shared>>) offsets(%dma_start3A_75 : memref<128xi32, #tpu.memory_space<vmem>>) semaphore(%arg19 : memref<!tpu.dma_semaphore, #tpu.memory_space<semaphore_mem>>) {add = true}
      %scan3A = arith.constant 0 : i32
      %scan3A_79 = arith.constant 1 : i32
      %scan3A_80 = arith.constant 14 : i32
      %scan3A_81 = arith.addi %scan3A_79, %scan3A_80 : i32
      %scan3A_82 = arith.constant 1 : i32
      scf.for %scan3A_224 = %scan3A_79 to %scan3A_81 step %scan3A_82  : i32 {
        %mul3A_225 = arith.constant 4 : i32
        %mul3A_226 = arith.muli %scan3A_224, %mul3A_225 : i32
        %add3A_227 = arith.constant 0 : i32
        %add3A_228 = arith.addi %mul3A_226, %add3A_227 : i32
        %sub3A = arith.constant 4 : i32
        %sub3A_229 = arith.subi %add3A_228, %sub3A : i32
        %dma_wait3A_230 = arith.constant 0 : i32
        %dma_wait3A_231 = tpu.memref_slice %arg8[%sub3A_229, %dma_wait3A_230] : memref<95x128xi32, #tpu.memory_space<vmem>> -> memref<1x128xi32, #tpu.memory_space<vmem>>
        %dma_wait3A_232 = tpu.memref_squeeze %dma_wait3A_231 : memref<1x128xi32, #tpu.memory_space<vmem>> -> memref<128xi32, #tpu.memory_space<vmem>>
        %dma_wait3A_233 = arith.constant 0 : i32
        %dma_wait3A_234 = arith.constant 0 : i32
        %dma_wait3A_235 = tpu.memref_slice %arg22[%dma_wait3A_233, %dma_wait3A_234] : memref<10240x32xf32, #tpu.memory_space<vmem_shared>> -> memref<10240x32xf32, #tpu.memory_space<vmem_shared>>
        tpu.wait_indirect_dma semaphore(%arg18 : memref<!tpu.dma_semaphore, #tpu.memory_space<semaphore_mem>>) src(%arg9 : memref<128x32xf32, #tpu.memory_space<vmem>>) dst(%dma_wait3A_235 : memref<10240x32xf32, #tpu.memory_space<vmem_shared>>)
        %dma_start3A_236 = arith.constant 0 : i32
        %dma_start3A_237 = tpu.memref_slice %arg7[%add3A_228, %dma_start3A_236] : memref<95x128xi32, #tpu.memory_space<vmem>> -> memref<1x128xi32, #tpu.memory_space<vmem>>
        %dma_start3A_238 = tpu.memref_squeeze %dma_start3A_237 : memref<1x128xi32, #tpu.memory_space<vmem>> -> memref<128xi32, #tpu.memory_space<vmem>>
        %dma_start3A_239 = arith.constant 0 : i32
        %dma_start3A_240 = arith.constant 0 : i32
        %dma_start3A_241 = tpu.memref_slice %arg2[%dma_start3A_239, %dma_start3A_240] : memref<10240x32xf32, #tpu.memory_space<hbm>> -> memref<10240x32xf32, #tpu.memory_space<hbm>>
        tpu.enqueue_indirect_dma source(%dma_start3A_241 : memref<10240x32xf32, #tpu.memory_space<hbm>>) target(%arg9 : memref<128x32xf32, #tpu.memory_space<vmem>>) offsets(%dma_start3A_238 : memref<128xi32, #tpu.memory_space<vmem>>) semaphore(%arg14 : memref<!tpu.dma_semaphore, #tpu.memory_space<semaphore_mem>>)
        %sub3A_242 = arith.constant 2 : i32
        %sub3A_243 = arith.subi %add3A_228, %sub3A_242 : i32
        %dma_wait3A_244 = arith.constant 0 : i32
        %dma_wait3A_245 = tpu.memref_slice %arg7[%sub3A_243, %dma_wait3A_244] : memref<95x128xi32, #tpu.memory_space<vmem>> -> memref<1x128xi32, #tpu.memory_space<vmem>>
        %dma_wait3A_246 = tpu.memref_squeeze %dma_wait3A_245 : memref<1x128xi32, #tpu.memory_space<vmem>> -> memref<128xi32, #tpu.memory_space<vmem>>
        %dma_wait3A_247 = arith.constant 0 : i32
        %dma_wait3A_248 = arith.constant 0 : i32
        %dma_wait3A_249 = tpu.memref_slice %arg2[%dma_wait3A_247, %dma_wait3A_248] : memref<10240x32xf32, #tpu.memory_space<hbm>> -> memref<10240x32xf32, #tpu.memory_space<hbm>>
        tpu.wait_indirect_dma semaphore(%arg16 : memref<!tpu.dma_semaphore, #tpu.memory_space<semaphore_mem>>) src(%dma_wait3A_249 : memref<10240x32xf32, #tpu.memory_space<hbm>>) dst(%arg11 : memref<128x32xf32, #tpu.memory_space<vmem>>)
        %sub3A_250 = arith.constant 2 : i32
        %sub3A_251 = arith.subi %add3A_228, %sub3A_250 : i32
        %dma_start3A_252 = arith.constant 0 : i32
        %dma_start3A_253 = tpu.memref_slice %arg8[%sub3A_251, %dma_start3A_252] : memref<95x128xi32, #tpu.memory_space<vmem>> -> memref<1x128xi32, #tpu.memory_space<vmem>>
        %dma_start3A_254 = tpu.memref_squeeze %dma_start3A_253 : memref<1x128xi32, #tpu.memory_space<vmem>> -> memref<128xi32, #tpu.memory_space<vmem>>
        %dma_start3A_255 = arith.constant 0 : i32
        %dma_start3A_256 = arith.constant 0 : i32
        %dma_start3A_257 = tpu.memref_slice %arg22[%dma_start3A_255, %dma_start3A_256] : memref<10240x32xf32, #tpu.memory_space<vmem_shared>> -> memref<10240x32xf32, #tpu.memory_space<vmem_shared>>
        tpu.enqueue_indirect_dma source(%arg11 : memref<128x32xf32, #tpu.memory_space<vmem>>) target(%dma_start3A_257 : memref<10240x32xf32, #tpu.memory_space<vmem_shared>>) offsets(%dma_start3A_254 : memref<128xi32, #tpu.memory_space<vmem>>) semaphore(%arg20 : memref<!tpu.dma_semaphore, #tpu.memory_space<semaphore_mem>>) {add = true}
        %mul3A_258 = arith.constant 4 : i32
        %mul3A_259 = arith.muli %scan3A_224, %mul3A_258 : i32
        %add3A_260 = arith.constant 1 : i32
        %add3A_261 = arith.addi %mul3A_259, %add3A_260 : i32
        %sub3A_262 = arith.constant 4 : i32
        %sub3A_263 = arith.subi %add3A_261, %sub3A_262 : i32
        %dma_wait3A_264 = arith.constant 0 : i32
        %dma_wait3A_265 = tpu.memref_slice %arg8[%sub3A_263, %dma_wait3A_264] : memref<95x128xi32, #tpu.memory_space<vmem>> -> memref<1x128xi32, #tpu.memory_space<vmem>>
        %dma_wait3A_266 = tpu.memref_squeeze %dma_wait3A_265 : memref<1x128xi32, #tpu.memory_space<vmem>> -> memref<128xi32, #tpu.memory_space<vmem>>
        %dma_wait3A_267 = arith.constant 0 : i32
        %dma_wait3A_268 = arith.constant 0 : i32
        %dma_wait3A_269 = tpu.memref_slice %arg22[%dma_wait3A_267, %dma_wait3A_268] : memref<10240x32xf32, #tpu.memory_space<vmem_shared>> -> memref<10240x32xf32, #tpu.memory_space<vmem_shared>>
        tpu.wait_indirect_dma semaphore(%arg19 : memref<!tpu.dma_semaphore, #tpu.memory_space<semaphore_mem>>) src(%arg10 : memref<128x32xf32, #tpu.memory_space<vmem>>) dst(%dma_wait3A_269 : memref<10240x32xf32, #tpu.memory_space<vmem_shared>>)
        %dma_start3A_270 = arith.constant 0 : i32
        %dma_start3A_271 = tpu.memref_slice %arg7[%add3A_261, %dma_start3A_270] : memref<95x128xi32, #tpu.memory_space<vmem>> -> memref<1x128xi32, #tpu.memory_space<vmem>>
        %dma_start3A_272 = tpu.memref_squeeze %dma_start3A_271 : memref<1x128xi32, #tpu.memory_space<vmem>> -> memref<128xi32, #tpu.memory_space<vmem>>
        %dma_start3A_273 = arith.constant 0 : i32
        %dma_start3A_274 = arith.constant 0 : i32
        %dma_start3A_275 = tpu.memref_slice %arg2[%dma_start3A_273, %dma_start3A_274] : memref<10240x32xf32, #tpu.memory_space<hbm>> -> memref<10240x32xf32, #tpu.memory_space<hbm>>
        tpu.enqueue_indirect_dma source(%dma_start3A_275 : memref<10240x32xf32, #tpu.memory_space<hbm>>) target(%arg10 : memref<128x32xf32, #tpu.memory_space<vmem>>) offsets(%dma_start3A_272 : memref<128xi32, #tpu.memory_space<vmem>>) semaphore(%arg15 : memref<!tpu.dma_semaphore, #tpu.memory_space<semaphore_mem>>)
        %sub3A_276 = arith.constant 2 : i32
        %sub3A_277 = arith.subi %add3A_261, %sub3A_276 : i32
        %dma_wait3A_278 = arith.constant 0 : i32
        %dma_wait3A_279 = tpu.memref_slice %arg7[%sub3A_277, %dma_wait3A_278] : memref<95x128xi32, #tpu.memory_space<vmem>> -> memref<1x128xi32, #tpu.memory_space<vmem>>
        %dma_wait3A_280 = tpu.memref_squeeze %dma_wait3A_279 : memref<1x128xi32, #tpu.memory_space<vmem>> -> memref<128xi32, #tpu.memory_space<vmem>>
        %dma_wait3A_281 = arith.constant 0 : i32
        %dma_wait3A_282 = arith.constant 0 : i32
        %dma_wait3A_283 = tpu.memref_slice %arg2[%dma_wait3A_281, %dma_wait3A_282] : memref<10240x32xf32, #tpu.memory_space<hbm>> -> memref<10240x32xf32, #tpu.memory_space<hbm>>
        tpu.wait_indirect_dma semaphore(%arg17 : memref<!tpu.dma_semaphore, #tpu.memory_space<semaphore_mem>>) src(%dma_wait3A_283 : memref<10240x32xf32, #tpu.memory_space<hbm>>) dst(%arg12 : memref<128x32xf32, #tpu.memory_space<vmem>>)
        %sub3A_284 = arith.constant 2 : i32
        %sub3A_285 = arith.subi %add3A_261, %sub3A_284 : i32
        %dma_start3A_286 = arith.constant 0 : i32
        %dma_start3A_287 = tpu.memref_slice %arg8[%sub3A_285, %dma_start3A_286] : memref<95x128xi32, #tpu.memory_space<vmem>> -> memref<1x128xi32, #tpu.memory_space<vmem>>
        %dma_start3A_288 = tpu.memref_squeeze %dma_start3A_287 : memref<1x128xi32, #tpu.memory_space<vmem>> -> memref<128xi32, #tpu.memory_space<vmem>>
        %dma_start3A_289 = arith.constant 0 : i32
        %dma_start3A_290 = arith.constant 0 : i32
        %dma_start3A_291 = tpu.memref_slice %arg22[%dma_start3A_289, %dma_start3A_290] : memref<10240x32xf32, #tpu.memory_space<vmem_shared>> -> memref<10240x32xf32, #tpu.memory_space<vmem_shared>>
        tpu.enqueue_indirect_dma source(%arg12 : memref<128x32xf32, #tpu.memory_space<vmem>>) target(%dma_start3A_291 : memref<10240x32xf32, #tpu.memory_space<vmem_shared>>) offsets(%dma_start3A_288 : memref<128xi32, #tpu.memory_space<vmem>>) semaphore(%arg21 : memref<!tpu.dma_semaphore, #tpu.memory_space<semaphore_mem>>) {add = true}
        %mul3A_292 = arith.constant 4 : i32
        %mul3A_293 = arith.muli %scan3A_224, %mul3A_292 : i32
        %add3A_294 = arith.constant 2 : i32
        %add3A_295 = arith.addi %mul3A_293, %add3A_294 : i32
        %sub3A_296 = arith.constant 4 : i32
        %sub3A_297 = arith.subi %add3A_295, %sub3A_296 : i32
        %dma_wait3A_298 = arith.constant 0 : i32
        %dma_wait3A_299 = tpu.memref_slice %arg8[%sub3A_297, %dma_wait3A_298] : memref<95x128xi32, #tpu.memory_space<vmem>> -> memref<1x128xi32, #tpu.memory_space<vmem>>
        %dma_wait3A_300 = tpu.memref_squeeze %dma_wait3A_299 : memref<1x128xi32, #tpu.memory_space<vmem>> -> memref<128xi32, #tpu.memory_space<vmem>>
        %dma_wait3A_301 = arith.constant 0 : i32
        %dma_wait3A_302 = arith.constant 0 : i32
        %dma_wait3A_303 = tpu.memref_slice %arg22[%dma_wait3A_301, %dma_wait3A_302] : memref<10240x32xf32, #tpu.memory_space<vmem_shared>> -> memref<10240x32xf32, #tpu.memory_space<vmem_shared>>
        tpu.wait_indirect_dma semaphore(%arg20 : memref<!tpu.dma_semaphore, #tpu.memory_space<semaphore_mem>>) src(%arg11 : memref<128x32xf32, #tpu.memory_space<vmem>>) dst(%dma_wait3A_303 : memref<10240x32xf32, #tpu.memory_space<vmem_shared>>)
        %dma_start3A_304 = arith.constant 0 : i32
        %dma_start3A_305 = tpu.memref_slice %arg7[%add3A_295, %dma_start3A_304] : memref<95x128xi32, #tpu.memory_space<vmem>> -> memref<1x128xi32, #tpu.memory_space<vmem>>
        %dma_start3A_306 = tpu.memref_squeeze %dma_start3A_305 : memref<1x128xi32, #tpu.memory_space<vmem>> -> memref<128xi32, #tpu.memory_space<vmem>>
        %dma_start3A_307 = arith.constant 0 : i32
        %dma_start3A_308 = arith.constant 0 : i32
        %dma_start3A_309 = tpu.memref_slice %arg2[%dma_start3A_307, %dma_start3A_308] : memref<10240x32xf32, #tpu.memory_space<hbm>> -> memref<10240x32xf32, #tpu.memory_space<hbm>>
        tpu.enqueue_indirect_dma source(%dma_start3A_309 : memref<10240x32xf32, #tpu.memory_space<hbm>>) target(%arg11 : memref<128x32xf32, #tpu.memory_space<vmem>>) offsets(%dma_start3A_306 : memref<128xi32, #tpu.memory_space<vmem>>) semaphore(%arg16 : memref<!tpu.dma_semaphore, #tpu.memory_space<semaphore_mem>>)
        %sub3A_310 = arith.constant 2 : i32
        %sub3A_311 = arith.subi %add3A_295, %sub3A_310 : i32
        %dma_wait3A_312 = arith.constant 0 : i32
        %dma_wait3A_313 = tpu.memref_slice %arg7[%sub3A_311, %dma_wait3A_312] : memref<95x128xi32, #tpu.memory_space<vmem>> -> memref<1x128xi32, #tpu.memory_space<vmem>>
        %dma_wait3A_314 = tpu.memref_squeeze %dma_wait3A_313 : memref<1x128xi32, #tpu.memory_space<vmem>> -> memref<128xi32, #tpu.memory_space<vmem>>
        %dma_wait3A_315 = arith.constant 0 : i32
        %dma_wait3A_316 = arith.constant 0 : i32
        %dma_wait3A_317 = tpu.memref_slice %arg2[%dma_wait3A_315, %dma_wait3A_316] : memref<10240x32xf32, #tpu.memory_space<hbm>> -> memref<10240x32xf32, #tpu.memory_space<hbm>>
        tpu.wait_indirect_dma semaphore(%arg14 : memref<!tpu.dma_semaphore, #tpu.memory_space<semaphore_mem>>) src(%dma_wait3A_317 : memref<10240x32xf32, #tpu.memory_space<hbm>>) dst(%arg9 : memref<128x32xf32, #tpu.memory_space<vmem>>)
        %sub3A_318 = arith.constant 2 : i32
        %sub3A_319 = arith.subi %add3A_295, %sub3A_318 : i32
        %dma_start3A_320 = arith.constant 0 : i32
        %dma_start3A_321 = tpu.memref_slice %arg8[%sub3A_319, %dma_start3A_320] : memref<95x128xi32, #tpu.memory_space<vmem>> -> memref<1x128xi32, #tpu.memory_space<vmem>>
        %dma_start3A_322 = tpu.memref_squeeze %dma_start3A_321 : memref<1x128xi32, #tpu.memory_space<vmem>> -> memref<128xi32, #tpu.memory_space<vmem>>
        %dma_start3A_323 = arith.constant 0 : i32
        %dma_start3A_324 = arith.constant 0 : i32
        %dma_start3A_325 = tpu.memref_slice %arg22[%dma_start3A_323, %dma_start3A_324] : memref<10240x32xf32, #tpu.memory_space<vmem_shared>> -> memref<10240x32xf32, #tpu.memory_space<vmem_shared>>
        tpu.enqueue_indirect_dma source(%arg9 : memref<128x32xf32, #tpu.memory_space<vmem>>) target(%dma_start3A_325 : memref<10240x32xf32, #tpu.memory_space<vmem_shared>>) offsets(%dma_start3A_322 : memref<128xi32, #tpu.memory_space<vmem>>) semaphore(%arg18 : memref<!tpu.dma_semaphore, #tpu.memory_space<semaphore_mem>>) {add = true}
        %mul3A_326 = arith.constant 4 : i32
        %mul3A_327 = arith.muli %scan3A_224, %mul3A_326 : i32
        %add3A_328 = arith.constant 3 : i32
        %add3A_329 = arith.addi %mul3A_327, %add3A_328 : i32
        %sub3A_330 = arith.constant 4 : i32
        %sub3A_331 = arith.subi %add3A_329, %sub3A_330 : i32
        %dma_wait3A_332 = arith.constant 0 : i32
        %dma_wait3A_333 = tpu.memref_slice %arg8[%sub3A_331, %dma_wait3A_332] : memref<95x128xi32, #tpu.memory_space<vmem>> -> memref<1x128xi32, #tpu.memory_space<vmem>>
        %dma_wait3A_334 = tpu.memref_squeeze %dma_wait3A_333 : memref<1x128xi32, #tpu.memory_space<vmem>> -> memref<128xi32, #tpu.memory_space<vmem>>
        %dma_wait3A_335 = arith.constant 0 : i32
        %dma_wait3A_336 = arith.constant 0 : i32
        %dma_wait3A_337 = tpu.memref_slice %arg22[%dma_wait3A_335, %dma_wait3A_336] : memref<10240x32xf32, #tpu.memory_space<vmem_shared>> -> memref<10240x32xf32, #tpu.memory_space<vmem_shared>>
        tpu.wait_indirect_dma semaphore(%arg21 : memref<!tpu.dma_semaphore, #tpu.memory_space<semaphore_mem>>) src(%arg12 : memref<128x32xf32, #tpu.memory_space<vmem>>) dst(%dma_wait3A_337 : memref<10240x32xf32, #tpu.memory_space<vmem_shared>>)
        %dma_start3A_338 = arith.constant 0 : i32
        %dma_start3A_339 = tpu.memref_slice %arg7[%add3A_329, %dma_start3A_338] : memref<95x128xi32, #tpu.memory_space<vmem>> -> memref<1x128xi32, #tpu.memory_space<vmem>>
        %dma_start3A_340 = tpu.memref_squeeze %dma_start3A_339 : memref<1x128xi32, #tpu.memory_space<vmem>> -> memref<128xi32, #tpu.memory_space<vmem>>
        %dma_start3A_341 = arith.constant 0 : i32
        %dma_start3A_342 = arith.constant 0 : i32
        %dma_start3A_343 = tpu.memref_slice %arg2[%dma_start3A_341, %dma_start3A_342] : memref<10240x32xf32, #tpu.memory_space<hbm>> -> memref<10240x32xf32, #tpu.memory_space<hbm>>
        tpu.enqueue_indirect_dma source(%dma_start3A_343 : memref<10240x32xf32, #tpu.memory_space<hbm>>) target(%arg12 : memref<128x32xf32, #tpu.memory_space<vmem>>) offsets(%dma_start3A_340 : memref<128xi32, #tpu.memory_space<vmem>>) semaphore(%arg17 : memref<!tpu.dma_semaphore, #tpu.memory_space<semaphore_mem>>)
        %sub3A_344 = arith.constant 2 : i32
        %sub3A_345 = arith.subi %add3A_329, %sub3A_344 : i32
        %dma_wait3A_346 = arith.constant 0 : i32
        %dma_wait3A_347 = tpu.memref_slice %arg7[%sub3A_345, %dma_wait3A_346] : memref<95x128xi32, #tpu.memory_space<vmem>> -> memref<1x128xi32, #tpu.memory_space<vmem>>
        %dma_wait3A_348 = tpu.memref_squeeze %dma_wait3A_347 : memref<1x128xi32, #tpu.memory_space<vmem>> -> memref<128xi32, #tpu.memory_space<vmem>>
        %dma_wait3A_349 = arith.constant 0 : i32
        %dma_wait3A_350 = arith.constant 0 : i32
        %dma_wait3A_351 = tpu.memref_slice %arg2[%dma_wait3A_349, %dma_wait3A_350] : memref<10240x32xf32, #tpu.memory_space<hbm>> -> memref<10240x32xf32, #tpu.memory_space<hbm>>
        tpu.wait_indirect_dma semaphore(%arg15 : memref<!tpu.dma_semaphore, #tpu.memory_space<semaphore_mem>>) src(%dma_wait3A_351 : memref<10240x32xf32, #tpu.memory_space<hbm>>) dst(%arg10 : memref<128x32xf32, #tpu.memory_space<vmem>>)
        %sub3A_352 = arith.constant 2 : i32
        %sub3A_353 = arith.subi %add3A_329, %sub3A_352 : i32
        %dma_start3A_354 = arith.constant 0 : i32
        %dma_start3A_355 = tpu.memref_slice %arg8[%sub3A_353, %dma_start3A_354] : memref<95x128xi32, #tpu.memory_space<vmem>> -> memref<1x128xi32, #tpu.memory_space<vmem>>
        %dma_start3A_356 = tpu.memref_squeeze %dma_start3A_355 : memref<1x128xi32, #tpu.memory_space<vmem>> -> memref<128xi32, #tpu.memory_space<vmem>>
        %dma_start3A_357 = arith.constant 0 : i32
        %dma_start3A_358 = arith.constant 0 : i32
        %dma_start3A_359 = tpu.memref_slice %arg22[%dma_start3A_357, %dma_start3A_358] : memref<10240x32xf32, #tpu.memory_space<vmem_shared>> -> memref<10240x32xf32, #tpu.memory_space<vmem_shared>>
        tpu.enqueue_indirect_dma source(%arg10 : memref<128x32xf32, #tpu.memory_space<vmem>>) target(%dma_start3A_359 : memref<10240x32xf32, #tpu.memory_space<vmem_shared>>) offsets(%dma_start3A_356 : memref<128xi32, #tpu.memory_space<vmem>>) semaphore(%arg19 : memref<!tpu.dma_semaphore, #tpu.memory_space<semaphore_mem>>) {add = true}
      }
      %scan3A_83 = arith.constant 14 : i32
      %dma_wait3A_84 = arith.constant 56 : i32
      %dma_wait3A_85 = arith.constant 0 : i32
      %dma_wait3A_86 = tpu.memref_slice %arg8[%dma_wait3A_84, %dma_wait3A_85] : memref<95x128xi32, #tpu.memory_space<vmem>> -> memref<1x128xi32, #tpu.memory_space<vmem>>
      %dma_wait3A_87 = tpu.memref_squeeze %dma_wait3A_86 : memref<1x128xi32, #tpu.memory_space<vmem>> -> memref<128xi32, #tpu.memory_space<vmem>>
      %dma_wait3A_88 = arith.constant 0 : i32
      %dma_wait3A_89 = arith.constant 0 : i32
      %dma_wait3A_90 = tpu.memref_slice %arg22[%dma_wait3A_88, %dma_wait3A_89] : memref<10240x32xf32, #tpu.memory_space<vmem_shared>> -> memref<10240x32xf32, #tpu.memory_space<vmem_shared>>
      tpu.wait_indirect_dma semaphore(%arg18 : memref<!tpu.dma_semaphore, #tpu.memory_space<semaphore_mem>>) src(%arg9 : memref<128x32xf32, #tpu.memory_space<vmem>>) dst(%dma_wait3A_90 : memref<10240x32xf32, #tpu.memory_space<vmem_shared>>)
      %dma_start3A_91 = arith.constant 60 : i32
      %dma_start3A_92 = arith.constant 0 : i32
      %dma_start3A_93 = tpu.memref_slice %arg7[%dma_start3A_91, %dma_start3A_92] : memref<95x128xi32, #tpu.memory_space<vmem>> -> memref<1x128xi32, #tpu.memory_space<vmem>>
      %dma_start3A_94 = tpu.memref_squeeze %dma_start3A_93 : memref<1x128xi32, #tpu.memory_space<vmem>> -> memref<128xi32, #tpu.memory_space<vmem>>
      %dma_start3A_95 = arith.constant 0 : i32
      %dma_start3A_96 = arith.constant 0 : i32
      %dma_start3A_97 = tpu.memref_slice %arg2[%dma_start3A_95, %dma_start3A_96] : memref<10240x32xf32, #tpu.memory_space<hbm>> -> memref<10240x32xf32, #tpu.memory_space<hbm>>
      tpu.enqueue_indirect_dma source(%dma_start3A_97 : memref<10240x32xf32, #tpu.memory_space<hbm>>) target(%arg9 : memref<128x32xf32, #tpu.memory_space<vmem>>) offsets(%dma_start3A_94 : memref<128xi32, #tpu.memory_space<vmem>>) semaphore(%arg14 : memref<!tpu.dma_semaphore, #tpu.memory_space<semaphore_mem>>)
      %dma_wait3A_98 = arith.constant 58 : i32
      %dma_wait3A_99 = arith.constant 0 : i32
      %dma_wait3A_100 = tpu.memref_slice %arg7[%dma_wait3A_98, %dma_wait3A_99] : memref<95x128xi32, #tpu.memory_space<vmem>> -> memref<1x128xi32, #tpu.memory_space<vmem>>
      %dma_wait3A_101 = tpu.memref_squeeze %dma_wait3A_100 : memref<1x128xi32, #tpu.memory_space<vmem>> -> memref<128xi32, #tpu.memory_space<vmem>>
      %dma_wait3A_102 = arith.constant 0 : i32
      %dma_wait3A_103 = arith.constant 0 : i32
      %dma_wait3A_104 = tpu.memref_slice %arg2[%dma_wait3A_102, %dma_wait3A_103] : memref<10240x32xf32, #tpu.memory_space<hbm>> -> memref<10240x32xf32, #tpu.memory_space<hbm>>
      tpu.wait_indirect_dma semaphore(%arg16 : memref<!tpu.dma_semaphore, #tpu.memory_space<semaphore_mem>>) src(%dma_wait3A_104 : memref<10240x32xf32, #tpu.memory_space<hbm>>) dst(%arg11 : memref<128x32xf32, #tpu.memory_space<vmem>>)
      %dma_start3A_105 = arith.constant 58 : i32
      %dma_start3A_106 = arith.constant 0 : i32
      %dma_start3A_107 = tpu.memref_slice %arg8[%dma_start3A_105, %dma_start3A_106] : memref<95x128xi32, #tpu.memory_space<vmem>> -> memref<1x128xi32, #tpu.memory_space<vmem>>
      %dma_start3A_108 = tpu.memref_squeeze %dma_start3A_107 : memref<1x128xi32, #tpu.memory_space<vmem>> -> memref<128xi32, #tpu.memory_space<vmem>>
      %dma_start3A_109 = arith.constant 0 : i32
      %dma_start3A_110 = arith.constant 0 : i32
      %dma_start3A_111 = tpu.memref_slice %arg22[%dma_start3A_109, %dma_start3A_110] : memref<10240x32xf32, #tpu.memory_space<vmem_shared>> -> memref<10240x32xf32, #tpu.memory_space<vmem_shared>>
      tpu.enqueue_indirect_dma source(%arg11 : memref<128x32xf32, #tpu.memory_space<vmem>>) target(%dma_start3A_111 : memref<10240x32xf32, #tpu.memory_space<vmem_shared>>) offsets(%dma_start3A_108 : memref<128xi32, #tpu.memory_space<vmem>>) semaphore(%arg20 : memref<!tpu.dma_semaphore, #tpu.memory_space<semaphore_mem>>) {add = true}
      %dma_wait3A_112 = arith.constant 57 : i32
      %dma_wait3A_113 = arith.constant 0 : i32
      %dma_wait3A_114 = tpu.memref_slice %arg8[%dma_wait3A_112, %dma_wait3A_113] : memref<95x128xi32, #tpu.memory_space<vmem>> -> memref<1x128xi32, #tpu.memory_space<vmem>>
      %dma_wait3A_115 = tpu.memref_squeeze %dma_wait3A_114 : memref<1x128xi32, #tpu.memory_space<vmem>> -> memref<128xi32, #tpu.memory_space<vmem>>
      %dma_wait3A_116 = arith.constant 0 : i32
      %dma_wait3A_117 = arith.constant 0 : i32
      %dma_wait3A_118 = tpu.memref_slice %arg22[%dma_wait3A_116, %dma_wait3A_117] : memref<10240x32xf32, #tpu.memory_space<vmem_shared>> -> memref<10240x32xf32, #tpu.memory_space<vmem_shared>>
      tpu.wait_indirect_dma semaphore(%arg19 : memref<!tpu.dma_semaphore, #tpu.memory_space<semaphore_mem>>) src(%arg10 : memref<128x32xf32, #tpu.memory_space<vmem>>) dst(%dma_wait3A_118 : memref<10240x32xf32, #tpu.memory_space<vmem_shared>>)
      %dma_start3A_119 = arith.constant 61 : i32
      %dma_start3A_120 = arith.constant 0 : i32
      %dma_start3A_121 = tpu.memref_slice %arg7[%dma_start3A_119, %dma_start3A_120] : memref<95x128xi32, #tpu.memory_space<vmem>> -> memref<1x128xi32, #tpu.memory_space<vmem>>
      %dma_start3A_122 = tpu.memref_squeeze %dma_start3A_121 : memref<1x128xi32, #tpu.memory_space<vmem>> -> memref<128xi32, #tpu.memory_space<vmem>>
      %dma_start3A_123 = arith.constant 0 : i32
      %dma_start3A_124 = arith.constant 0 : i32
      %dma_start3A_125 = tpu.memref_slice %arg2[%dma_start3A_123, %dma_start3A_124] : memref<10240x32xf32, #tpu.memory_space<hbm>> -> memref<10240x32xf32, #tpu.memory_space<hbm>>
      tpu.enqueue_indirect_dma source(%dma_start3A_125 : memref<10240x32xf32, #tpu.memory_space<hbm>>) target(%arg10 : memref<128x32xf32, #tpu.memory_space<vmem>>) offsets(%dma_start3A_122 : memref<128xi32, #tpu.memory_space<vmem>>) semaphore(%arg15 : memref<!tpu.dma_semaphore, #tpu.memory_space<semaphore_mem>>)
      %dma_wait3A_126 = arith.constant 59 : i32
      %dma_wait3A_127 = arith.constant 0 : i32
      %dma_wait3A_128 = tpu.memref_slice %arg7[%dma_wait3A_126, %dma_wait3A_127] : memref<95x128xi32, #tpu.memory_space<vmem>> -> memref<1x128xi32, #tpu.memory_space<vmem>>
      %dma_wait3A_129 = tpu.memref_squeeze %dma_wait3A_128 : memref<1x128xi32, #tpu.memory_space<vmem>> -> memref<128xi32, #tpu.memory_space<vmem>>
      %dma_wait3A_130 = arith.constant 0 : i32
      %dma_wait3A_131 = arith.constant 0 : i32
      %dma_wait3A_132 = tpu.memref_slice %arg2[%dma_wait3A_130, %dma_wait3A_131] : memref<10240x32xf32, #tpu.memory_space<hbm>> -> memref<10240x32xf32, #tpu.memory_space<hbm>>
      tpu.wait_indirect_dma semaphore(%arg17 : memref<!tpu.dma_semaphore, #tpu.memory_space<semaphore_mem>>) src(%dma_wait3A_132 : memref<10240x32xf32, #tpu.memory_space<hbm>>) dst(%arg12 : memref<128x32xf32, #tpu.memory_space<vmem>>)
      %dma_start3A_133 = arith.constant 59 : i32
      %dma_start3A_134 = arith.constant 0 : i32
      %dma_start3A_135 = tpu.memref_slice %arg8[%dma_start3A_133, %dma_start3A_134] : memref<95x128xi32, #tpu.memory_space<vmem>> -> memref<1x128xi32, #tpu.memory_space<vmem>>
      %dma_start3A_136 = tpu.memref_squeeze %dma_start3A_135 : memref<1x128xi32, #tpu.memory_space<vmem>> -> memref<128xi32, #tpu.memory_space<vmem>>
      %dma_start3A_137 = arith.constant 0 : i32
      %dma_start3A_138 = arith.constant 0 : i32
      %dma_start3A_139 = tpu.memref_slice %arg22[%dma_start3A_137, %dma_start3A_138] : memref<10240x32xf32, #tpu.memory_space<vmem_shared>> -> memref<10240x32xf32, #tpu.memory_space<vmem_shared>>
      tpu.enqueue_indirect_dma source(%arg12 : memref<128x32xf32, #tpu.memory_space<vmem>>) target(%dma_start3A_139 : memref<10240x32xf32, #tpu.memory_space<vmem_shared>>) offsets(%dma_start3A_136 : memref<128xi32, #tpu.memory_space<vmem>>) semaphore(%arg21 : memref<!tpu.dma_semaphore, #tpu.memory_space<semaphore_mem>>) {add = true}
      %dma_wait3A_140 = arith.constant 58 : i32
      %dma_wait3A_141 = arith.constant 0 : i32
      %dma_wait3A_142 = tpu.memref_slice %arg8[%dma_wait3A_140, %dma_wait3A_141] : memref<95x128xi32, #tpu.memory_space<vmem>> -> memref<1x128xi32, #tpu.memory_space<vmem>>
      %dma_wait3A_143 = tpu.memref_squeeze %dma_wait3A_142 : memref<1x128xi32, #tpu.memory_space<vmem>> -> memref<128xi32, #tpu.memory_space<vmem>>
      %dma_wait3A_144 = arith.constant 0 : i32
      %dma_wait3A_145 = arith.constant 0 : i32
      %dma_wait3A_146 = tpu.memref_slice %arg22[%dma_wait3A_144, %dma_wait3A_145] : memref<10240x32xf32, #tpu.memory_space<vmem_shared>> -> memref<10240x32xf32, #tpu.memory_space<vmem_shared>>
      tpu.wait_indirect_dma semaphore(%arg20 : memref<!tpu.dma_semaphore, #tpu.memory_space<semaphore_mem>>) src(%arg11 : memref<128x32xf32, #tpu.memory_space<vmem>>) dst(%dma_wait3A_146 : memref<10240x32xf32, #tpu.memory_space<vmem_shared>>)
      %dma_start3A_147 = arith.constant 62 : i32
      %dma_start3A_148 = arith.constant 0 : i32
      %dma_start3A_149 = tpu.memref_slice %arg7[%dma_start3A_147, %dma_start3A_148] : memref<95x128xi32, #tpu.memory_space<vmem>> -> memref<1x128xi32, #tpu.memory_space<vmem>>
      %dma_start3A_150 = tpu.memref_squeeze %dma_start3A_149 : memref<1x128xi32, #tpu.memory_space<vmem>> -> memref<128xi32, #tpu.memory_space<vmem>>
      %dma_start3A_151 = arith.constant 0 : i32
      %dma_start3A_152 = arith.constant 0 : i32
      %dma_start3A_153 = tpu.memref_slice %arg2[%dma_start3A_151, %dma_start3A_152] : memref<10240x32xf32, #tpu.memory_space<hbm>> -> memref<10240x32xf32, #tpu.memory_space<hbm>>
      tpu.enqueue_indirect_dma source(%dma_start3A_153 : memref<10240x32xf32, #tpu.memory_space<hbm>>) target(%arg11 : memref<128x32xf32, #tpu.memory_space<vmem>>) offsets(%dma_start3A_150 : memref<128xi32, #tpu.memory_space<vmem>>) semaphore(%arg16 : memref<!tpu.dma_semaphore, #tpu.memory_space<semaphore_mem>>)
      %dma_wait3A_154 = arith.constant 60 : i32
      %dma_wait3A_155 = arith.constant 0 : i32
      %dma_wait3A_156 = tpu.memref_slice %arg7[%dma_wait3A_154, %dma_wait3A_155] : memref<95x128xi32, #tpu.memory_space<vmem>> -> memref<1x128xi32, #tpu.memory_space<vmem>>
      %dma_wait3A_157 = tpu.memref_squeeze %dma_wait3A_156 : memref<1x128xi32, #tpu.memory_space<vmem>> -> memref<128xi32, #tpu.memory_space<vmem>>
      %dma_wait3A_158 = arith.constant 0 : i32
      %dma_wait3A_159 = arith.constant 0 : i32
      %dma_wait3A_160 = tpu.memref_slice %arg2[%dma_wait3A_158, %dma_wait3A_159] : memref<10240x32xf32, #tpu.memory_space<hbm>> -> memref<10240x32xf32, #tpu.memory_space<hbm>>
      tpu.wait_indirect_dma semaphore(%arg14 : memref<!tpu.dma_semaphore, #tpu.memory_space<semaphore_mem>>) src(%dma_wait3A_160 : memref<10240x32xf32, #tpu.memory_space<hbm>>) dst(%arg9 : memref<128x32xf32, #tpu.memory_space<vmem>>)
      %dma_start3A_161 = arith.constant 60 : i32
      %dma_start3A_162 = arith.constant 0 : i32
      %dma_start3A_163 = tpu.memref_slice %arg8[%dma_start3A_161, %dma_start3A_162] : memref<95x128xi32, #tpu.memory_space<vmem>> -> memref<1x128xi32, #tpu.memory_space<vmem>>
      %dma_start3A_164 = tpu.memref_squeeze %dma_start3A_163 : memref<1x128xi32, #tpu.memory_space<vmem>> -> memref<128xi32, #tpu.memory_space<vmem>>
      %dma_start3A_165 = arith.constant 0 : i32
      %dma_start3A_166 = arith.constant 0 : i32
      %dma_start3A_167 = tpu.memref_slice %arg22[%dma_start3A_165, %dma_start3A_166] : memref<10240x32xf32, #tpu.memory_space<vmem_shared>> -> memref<10240x32xf32, #tpu.memory_space<vmem_shared>>
      tpu.enqueue_indirect_dma source(%arg9 : memref<128x32xf32, #tpu.memory_space<vmem>>) target(%dma_start3A_167 : memref<10240x32xf32, #tpu.memory_space<vmem_shared>>) offsets(%dma_start3A_164 : memref<128xi32, #tpu.memory_space<vmem>>) semaphore(%arg18 : memref<!tpu.dma_semaphore, #tpu.memory_space<semaphore_mem>>) {add = true}
      %dma_wait3A_168 = arith.constant 61 : i32
      %dma_wait3A_169 = arith.constant 0 : i32
      %dma_wait3A_170 = tpu.memref_slice %arg7[%dma_wait3A_168, %dma_wait3A_169] : memref<95x128xi32, #tpu.memory_space<vmem>> -> memref<1x128xi32, #tpu.memory_space<vmem>>
      %dma_wait3A_171 = tpu.memref_squeeze %dma_wait3A_170 : memref<1x128xi32, #tpu.memory_space<vmem>> -> memref<128xi32, #tpu.memory_space<vmem>>
      %dma_wait3A_172 = arith.constant 0 : i32
      %dma_wait3A_173 = arith.constant 0 : i32
      %dma_wait3A_174 = tpu.memref_slice %arg2[%dma_wait3A_172, %dma_wait3A_173] : memref<10240x32xf32, #tpu.memory_space<hbm>> -> memref<10240x32xf32, #tpu.memory_space<hbm>>
      tpu.wait_indirect_dma semaphore(%arg15 : memref<!tpu.dma_semaphore, #tpu.memory_space<semaphore_mem>>) src(%dma_wait3A_174 : memref<10240x32xf32, #tpu.memory_space<hbm>>) dst(%arg10 : memref<128x32xf32, #tpu.memory_space<vmem>>)
      %dma_start3A_175 = arith.constant 61 : i32
      %dma_start3A_176 = arith.constant 0 : i32
      %dma_start3A_177 = tpu.memref_slice %arg8[%dma_start3A_175, %dma_start3A_176] : memref<95x128xi32, #tpu.memory_space<vmem>> -> memref<1x128xi32, #tpu.memory_space<vmem>>
      %dma_start3A_178 = tpu.memref_squeeze %dma_start3A_177 : memref<1x128xi32, #tpu.memory_space<vmem>> -> memref<128xi32, #tpu.memory_space<vmem>>
      %dma_start3A_179 = arith.constant 0 : i32
      %dma_start3A_180 = arith.constant 0 : i32
      %dma_start3A_181 = tpu.memref_slice %arg22[%dma_start3A_179, %dma_start3A_180] : memref<10240x32xf32, #tpu.memory_space<vmem_shared>> -> memref<10240x32xf32, #tpu.memory_space<vmem_shared>>
      tpu.enqueue_indirect_dma source(%arg10 : memref<128x32xf32, #tpu.memory_space<vmem>>) target(%dma_start3A_181 : memref<10240x32xf32, #tpu.memory_space<vmem_shared>>) offsets(%dma_start3A_178 : memref<128xi32, #tpu.memory_space<vmem>>) semaphore(%arg19 : memref<!tpu.dma_semaphore, #tpu.memory_space<semaphore_mem>>) {add = true}
      %dma_wait3A_182 = arith.constant 62 : i32
      %dma_wait3A_183 = arith.constant 0 : i32
      %dma_wait3A_184 = tpu.memref_slice %arg7[%dma_wait3A_182, %dma_wait3A_183] : memref<95x128xi32, #tpu.memory_space<vmem>> -> memref<1x128xi32, #tpu.memory_space<vmem>>
      %dma_wait3A_185 = tpu.memref_squeeze %dma_wait3A_184 : memref<1x128xi32, #tpu.memory_space<vmem>> -> memref<128xi32, #tpu.memory_space<vmem>>
      %dma_wait3A_186 = arith.constant 0 : i32
      %dma_wait3A_187 = arith.constant 0 : i32
      %dma_wait3A_188 = tpu.memref_slice %arg2[%dma_wait3A_186, %dma_wait3A_187] : memref<10240x32xf32, #tpu.memory_space<hbm>> -> memref<10240x32xf32, #tpu.memory_space<hbm>>
      tpu.wait_indirect_dma semaphore(%arg16 : memref<!tpu.dma_semaphore, #tpu.memory_space<semaphore_mem>>) src(%dma_wait3A_188 : memref<10240x32xf32, #tpu.memory_space<hbm>>) dst(%arg11 : memref<128x32xf32, #tpu.memory_space<vmem>>)
      %dma_start3A_189 = arith.constant 62 : i32
      %dma_start3A_190 = arith.constant 0 : i32
      %dma_start3A_191 = tpu.memref_slice %arg8[%dma_start3A_189, %dma_start3A_190] : memref<95x128xi32, #tpu.memory_space<vmem>> -> memref<1x128xi32, #tpu.memory_space<vmem>>
      %dma_start3A_192 = tpu.memref_squeeze %dma_start3A_191 : memref<1x128xi32, #tpu.memory_space<vmem>> -> memref<128xi32, #tpu.memory_space<vmem>>
      %dma_start3A_193 = arith.constant 0 : i32
      %dma_start3A_194 = arith.constant 0 : i32
      %dma_start3A_195 = tpu.memref_slice %arg22[%dma_start3A_193, %dma_start3A_194] : memref<10240x32xf32, #tpu.memory_space<vmem_shared>> -> memref<10240x32xf32, #tpu.memory_space<vmem_shared>>
      tpu.enqueue_indirect_dma source(%arg11 : memref<128x32xf32, #tpu.memory_space<vmem>>) target(%dma_start3A_195 : memref<10240x32xf32, #tpu.memory_space<vmem_shared>>) offsets(%dma_start3A_192 : memref<128xi32, #tpu.memory_space<vmem>>) semaphore(%arg20 : memref<!tpu.dma_semaphore, #tpu.memory_space<semaphore_mem>>) {add = true}
      %dma_wait3A_196 = arith.constant 59 : i32
      %dma_wait3A_197 = arith.constant 0 : i32
      %dma_wait3A_198 = tpu.memref_slice %arg8[%dma_wait3A_196, %dma_wait3A_197] : memref<95x128xi32, #tpu.memory_space<vmem>> -> memref<1x128xi32, #tpu.memory_space<vmem>>
      %dma_wait3A_199 = tpu.memref_squeeze %dma_wait3A_198 : memref<1x128xi32, #tpu.memory_space<vmem>> -> memref<128xi32, #tpu.memory_space<vmem>>
      %dma_wait3A_200 = arith.constant 0 : i32
      %dma_wait3A_201 = arith.constant 0 : i32
      %dma_wait3A_202 = tpu.memref_slice %arg22[%dma_wait3A_200, %dma_wait3A_201] : memref<10240x32xf32, #tpu.memory_space<vmem_shared>> -> memref<10240x32xf32, #tpu.memory_space<vmem_shared>>
      tpu.wait_indirect_dma semaphore(%arg21 : memref<!tpu.dma_semaphore, #tpu.memory_space<semaphore_mem>>) src(%arg12 : memref<128x32xf32, #tpu.memory_space<vmem>>) dst(%dma_wait3A_202 : memref<10240x32xf32, #tpu.memory_space<vmem_shared>>)
      %dma_wait3A_203 = arith.constant 60 : i32
      %dma_wait3A_204 = arith.constant 0 : i32
      %dma_wait3A_205 = tpu.memref_slice %arg8[%dma_wait3A_203, %dma_wait3A_204] : memref<95x128xi32, #tpu.memory_space<vmem>> -> memref<1x128xi32, #tpu.memory_space<vmem>>
      %dma_wait3A_206 = tpu.memref_squeeze %dma_wait3A_205 : memref<1x128xi32, #tpu.memory_space<vmem>> -> memref<128xi32, #tpu.memory_space<vmem>>
      %dma_wait3A_207 = arith.constant 0 : i32
      %dma_wait3A_208 = arith.constant 0 : i32
      %dma_wait3A_209 = tpu.memref_slice %arg22[%dma_wait3A_207, %dma_wait3A_208] : memref<10240x32xf32, #tpu.memory_space<vmem_shared>> -> memref<10240x32xf32, #tpu.memory_space<vmem_shared>>
      tpu.wait_indirect_dma semaphore(%arg18 : memref<!tpu.dma_semaphore, #tpu.memory_space<semaphore_mem>>) src(%arg9 : memref<128x32xf32, #tpu.memory_space<vmem>>) dst(%dma_wait3A_209 : memref<10240x32xf32, #tpu.memory_space<vmem_shared>>)
      %dma_wait3A_210 = arith.constant 61 : i32
      %dma_wait3A_211 = arith.constant 0 : i32
      %dma_wait3A_212 = tpu.memref_slice %arg8[%dma_wait3A_210, %dma_wait3A_211] : memref<95x128xi32, #tpu.memory_space<vmem>> -> memref<1x128xi32, #tpu.memory_space<vmem>>
      %dma_wait3A_213 = tpu.memref_squeeze %dma_wait3A_212 : memref<1x128xi32, #tpu.memory_space<vmem>> -> memref<128xi32, #tpu.memory_space<vmem>>
      %dma_wait3A_214 = arith.constant 0 : i32
      %dma_wait3A_215 = arith.constant 0 : i32
      %dma_wait3A_216 = tpu.memref_slice %arg22[%dma_wait3A_214, %dma_wait3A_215] : memref<10240x32xf32, #tpu.memory_space<vmem_shared>> -> memref<10240x32xf32, #tpu.memory_space<vmem_shared>>
      tpu.wait_indirect_dma semaphore(%arg19 : memref<!tpu.dma_semaphore, #tpu.memory_space<semaphore_mem>>) src(%arg10 : memref<128x32xf32, #tpu.memory_space<vmem>>) dst(%dma_wait3A_216 : memref<10240x32xf32, #tpu.memory_space<vmem_shared>>)
      %dma_wait3A_217 = arith.constant 62 : i32
      %dma_wait3A_218 = arith.constant 0 : i32
      %dma_wait3A_219 = tpu.memref_slice %arg8[%dma_wait3A_217, %dma_wait3A_218] : memref<95x128xi32, #tpu.memory_space<vmem>> -> memref<1x128xi32, #tpu.memory_space<vmem>>
      %dma_wait3A_220 = tpu.memref_squeeze %dma_wait3A_219 : memref<1x128xi32, #tpu.memory_space<vmem>> -> memref<128xi32, #tpu.memory_space<vmem>>
      %dma_wait3A_221 = arith.constant 0 : i32
      %dma_wait3A_222 = arith.constant 0 : i32
      %dma_wait3A_223 = tpu.memref_slice %arg22[%dma_wait3A_221, %dma_wait3A_222] : memref<10240x32xf32, #tpu.memory_space<vmem_shared>> -> memref<10240x32xf32, #tpu.memory_space<vmem_shared>>
      tpu.wait_indirect_dma semaphore(%arg20 : memref<!tpu.dma_semaphore, #tpu.memory_space<semaphore_mem>>) src(%arg11 : memref<128x32xf32, #tpu.memory_space<vmem>>) dst(%dma_wait3A_223 : memref<10240x32xf32, #tpu.memory_space<vmem_shared>>)
    } else {
    }
    %barrier3A_20 = arith.constant 0 : index
    tpu.barrier barrier_id(%barrier3A_20)
    "tpu.region"() ({
      %run_scoped3A = tpu.sem_alloc : memref<!tpu.dma_semaphore, #tpu.memory_space<semaphore_mem>>
      %dma_start3A = arith.constant 0 : i32
      %dma_start3A_21 = tpu.memref_slice %arg22[%mul3A_2, %dma_start3A] : memref<10240x32xf32, #tpu.memory_space<vmem_shared>> -> memref<640x32xf32, #tpu.memory_space<vmem_shared>>
      %dma_start3A_22 = arith.constant 0 : i32
      %dma_start3A_23 = tpu.memref_slice %arg22[%mul3A_2, %dma_start3A_22] : memref<10240x32xf32, #tpu.memory_space<vmem_shared>> -> memref<640x32xf32, #tpu.memory_space<vmem_shared>>
      tpu.enqueue_dma source(%dma_start3A_23 : memref<640x32xf32, #tpu.memory_space<vmem_shared>>) target(%arg13 : memref<640x32xf32, #tpu.memory_space<vmem>>) target_semaphore(%run_scoped3A : memref<!tpu.dma_semaphore, #tpu.memory_space<semaphore_mem>>)
      %dma_wait3A = arith.constant 0 : i32
      %dma_wait3A_24 = tpu.memref_slice %arg22[%mul3A_2, %dma_wait3A] : memref<10240x32xf32, #tpu.memory_space<vmem_shared>> -> memref<640x32xf32, #tpu.memory_space<vmem_shared>>
      %dma_wait3A_25 = arith.constant 0 : i32
      %dma_wait3A_26 = tpu.memref_slice %arg22[%mul3A_2, %dma_wait3A_25] : memref<10240x32xf32, #tpu.memory_space<vmem_shared>> -> memref<640x32xf32, #tpu.memory_space<vmem_shared>>
      tpu.wait_dma2 semaphore(%run_scoped3A : memref<!tpu.dma_semaphore, #tpu.memory_space<semaphore_mem>>) src(%dma_wait3A_26 : memref<640x32xf32, #tpu.memory_space<vmem_shared>>) dst(%arg13 : memref<640x32xf32, #tpu.memory_space<vmem>>)
      tpu.yield
    }) : () -> ()
    "tpu.region"() ({
      %run_scoped3A = tpu.sem_alloc : memref<!tpu.dma_semaphore, #tpu.memory_space<semaphore_mem>>
      %dma_start3A = arith.constant 0 : i32
      %dma_start3A_21 = tpu.memref_slice %arg6[%arg0, %mul3A_2, %dma_start3A] : memref<2x10240x32xf32, #tpu.memory_space<hbm>> -> memref<1x640x32xf32, #tpu.memory_space<hbm>>
      %dma_start3A_22 = tpu.memref_squeeze %dma_start3A_21 : memref<1x640x32xf32, #tpu.memory_space<hbm>> -> memref<640x32xf32, #tpu.memory_space<hbm>>
      %dma_start3A_23 = arith.constant 0 : i32
      %dma_start3A_24 = tpu.memref_slice %arg6[%arg0, %mul3A_2, %dma_start3A_23] : memref<2x10240x32xf32, #tpu.memory_space<hbm>> -> memref<1x640x32xf32, #tpu.memory_space<hbm>>
      %dma_start3A_25 = tpu.memref_squeeze %dma_start3A_24 : memref<1x640x32xf32, #tpu.memory_space<hbm>> -> memref<640x32xf32, #tpu.memory_space<hbm>>
      tpu.enqueue_dma source(%arg13 : memref<640x32xf32, #tpu.memory_space<vmem>>) target(%dma_start3A_25 : memref<640x32xf32, #tpu.memory_space<hbm>>) target_semaphore(%run_scoped3A : memref<!tpu.dma_semaphore, #tpu.memory_space<semaphore_mem>>)
      %dma_wait3A = arith.constant 0 : i32
      %dma_wait3A_26 = tpu.memref_slice %arg6[%arg0, %mul3A_2, %dma_wait3A] : memref<2x10240x32xf32, #tpu.memory_space<hbm>> -> memref<1x640x32xf32, #tpu.memory_space<hbm>>
      %dma_wait3A_27 = tpu.memref_squeeze %dma_wait3A_26 : memref<1x640x32xf32, #tpu.memory_space<hbm>> -> memref<640x32xf32, #tpu.memory_space<hbm>>
      %dma_wait3A_28 = arith.constant 0 : i32
      %dma_wait3A_29 = tpu.memref_slice %arg6[%arg0, %mul3A_2, %dma_wait3A_28] : memref<2x10240x32xf32, #tpu.memory_space<hbm>> -> memref<1x640x32xf32, #tpu.memory_space<hbm>>
      %dma_wait3A_30 = tpu.memref_squeeze %dma_wait3A_29 : memref<1x640x32xf32, #tpu.memory_space<hbm>> -> memref<640x32xf32, #tpu.memory_space<hbm>>
      tpu.wait_dma2 semaphore(%run_scoped3A : memref<!tpu.dma_semaphore, #tpu.memory_space<semaphore_mem>>) src(%arg13 : memref<640x32xf32, #tpu.memory_space<vmem>>) dst(%dma_wait3A_30 : memref<640x32xf32, #tpu.memory_space<hbm>>)
      tpu.yield
    }) : () -> ()
    return
  }
}

module attributes {stable_mosaic.version = 14 : i64} {
  func.func @_tc_mm_body(%arg0: i32, %arg1: memref<512x128xf32, #tpu.memory_space<vmem>>, %arg2: memref<128x32xf32, #tpu.memory_space<vmem>>, %arg3: memref<512x32xf32, #tpu.memory_space<vmem>>) attributes {dimension_semantics = [#tpu.dimension_semantics<arbitrary>], iteration_bounds = array<i64: 20>, scalar_prefetch = 0 : i64, scratch_operands = 0 : i64, tpu.core_type = #tpu.core_type<tc>, window_params = [{transform_indices = @transform_0, window_bounds = array<i64: 512, 128>}, {pipeline_mode = #tpu.pipeline_mode<synchronous>, transform_indices = @transform_1, window_bounds = array<i64: 128, 32>}, {transform_indices = @transform_2, window_bounds = array<i64: 512, 32>}]} {
    %get3A = arith.constant 0 : index
    %get3A_0 = arith.constant 0 : index
    %get3A_1 = vector.load %arg1[%get3A, %get3A_0] : memref<512x128xf32, #tpu.memory_space<vmem>>, vector<512x128xf32>
    %get3A_2 = arith.constant 0 : index
    %get3A_3 = arith.constant 0 : index
    %get3A_4 = vector.load %arg2[%get3A_2, %get3A_3] : memref<128x32xf32, #tpu.memory_space<vmem>>, vector<128x32xf32>
    %dot_general3A = arith.constant dense<0.000000e+00> : vector<512x32xf32>
    %dot_general3A_5 = tpu.matmul %get3A_1, %get3A_4, %dot_general3A {dimension_numbers = #tpu.dot_dimension_numbers<[1], [0], [0], [1], [0, 0, 1, 1], [], []>, precision = #tpu.contract_precision<fp32>, transpose_lhs_hint = false} : vector<512x128xf32>, vector<128x32xf32>, vector<512x32xf32> -> vector<512x32xf32>
    %swap3A = arith.constant 0 : index
    %swap3A_6 = arith.constant 0 : index
    %swap3A_7 = vector.load %arg3[%swap3A, %swap3A_6] : memref<512x32xf32, #tpu.memory_space<vmem>>, vector<512x32xf32>
    tpu.vector_store %arg3[%swap3A, %swap3A_6], %dot_general3A_5 {strides = array<i32>} : memref<512x32xf32, #tpu.memory_space<vmem>>, vector<512x32xf32>,
    return
  }
  func.func @transform_0(%arg0: i32) -> (i32, i32) {
    %c0_i32 = arith.constant 0 : i32
    %c0_i32_0 = arith.constant 0 : i32
    return %arg0, %c0_i32 : i32, i32
  }
  func.func @transform_1(%arg0: i32) -> (i32, i32) {
    %c0_i32 = arith.constant 0 : i32
    %c0_i32_0 = arith.constant 0 : i32
    %c0_i32_1 = arith.constant 0 : i32
    return %c0_i32, %c0_i32_0 : i32, i32
  }
  func.func @transform_2(%arg0: i32) -> (i32, i32) {
    %c0_i32 = arith.constant 0 : i32
    %c0_i32_0 = arith.constant 0 : i32
    return %arg0, %c0_i32 : i32, i32
  }
}

module attributes {stable_mosaic.version = 14 : i64} {
  func.func @_tc_scale_body(%arg0: i32, %arg1: memref<512x32xf32, #tpu.memory_space<vmem>>, %arg2: memref<2x512x8xf32, #tpu.memory_space<vmem>>, %arg3: memref<512x32xf32, #tpu.memory_space<vmem>>, %arg4: memref<512x1xf32, #tpu.memory_space<vmem>>) attributes {dimension_semantics = [#tpu.dimension_semantics<arbitrary>], iteration_bounds = array<i64: 20>, scalar_prefetch = 0 : i64, scratch_operands = 0 : i64, tpu.core_type = #tpu.core_type<tc>, window_params = [{transform_indices = @transform_0, window_bounds = array<i64: 512, 32>}, {transform_indices = @transform_1, window_bounds = array<i64: 2, 512, 8>}, {transform_indices = @transform_2, window_bounds = array<i64: 512, 32>}, {transform_indices = @transform_3, window_bounds = array<i64: 512, 1>}]} {
    %get3A = arith.constant 0 : index
    %get3A_0 = arith.constant 0 : index
    %get3A_1 = arith.constant 0 : index
    %get3A_2 = vector.load %arg2[%get3A, %get3A_0, %get3A_1] : memref<2x512x8xf32, #tpu.memory_space<vmem>>, vector<1x512x1xf32>
    %get3A_3 = vector.shape_cast %get3A_2 : vector<1x512x1xf32> to vector<512x1xf32>
    %get3A_4 = arith.constant 1 : index
    %get3A_5 = arith.constant 0 : index
    %get3A_6 = arith.constant 0 : index
    %get3A_7 = vector.load %arg2[%get3A_4, %get3A_5, %get3A_6] : memref<2x512x8xf32, #tpu.memory_space<vmem>>, vector<1x512x1xf32>
    %get3A_8 = vector.shape_cast %get3A_7 : vector<1x512x1xf32> to vector<512x1xf32>
    %add3A = arith.addf %get3A_3, %get3A_8 : vector<512x1xf32>
    %add3A_9 = arith.constant 1.000000e+00 : f32
    %add3A_10 = vector.broadcast %add3A_9 : f32 to vector<512x1xf32>
    %add3A_11 = arith.addf %add3A, %add3A_10 : vector<512x1xf32>
    %rsqrt3A = math.rsqrt %add3A_11 : vector<512x1xf32>
    %get3A_12 = arith.constant 0 : index
    %get3A_13 = arith.constant 0 : index
    %get3A_14 = vector.load %arg1[%get3A_12, %get3A_13] : memref<512x32xf32, #tpu.memory_space<vmem>>, vector<512x32xf32>
    %mul3A = vector.broadcast %rsqrt3A : vector<512x1xf32> to vector<512x32xf32>
    %mul3A_15 = arith.mulf %get3A_14, %mul3A : vector<512x32xf32>
    %swap3A = arith.constant 0 : index
    %swap3A_16 = arith.constant 0 : index
    %swap3A_17 = vector.load %arg3[%swap3A, %swap3A_16] : memref<512x32xf32, #tpu.memory_space<vmem>>, vector<512x32xf32>
    tpu.vector_store %arg3[%swap3A, %swap3A_16], %mul3A_15 {strides = array<i32>} : memref<512x32xf32, #tpu.memory_space<vmem>>, vector<512x32xf32>,
    %swap3A_18 = arith.constant 0 : index
    %swap3A_19 = arith.constant 0 : index
    %swap3A_20 = vector.load %arg4[%swap3A_18, %swap3A_19] : memref<512x1xf32, #tpu.memory_space<vmem>>, vector<512x1xf32>
    tpu.vector_store %arg4[%swap3A_18, %swap3A_19], %rsqrt3A {strides = array<i32>} : memref<512x1xf32, #tpu.memory_space<vmem>>, vector<512x1xf32>,
    return
  }
  func.func @transform_0(%arg0: i32) -> (i32, i32) {
    %c0_i32 = arith.constant 0 : i32
    %c0_i32_0 = arith.constant 0 : i32
    return %arg0, %c0_i32 : i32, i32
  }
  func.func @transform_1(%arg0: i32) -> (i32, i32, i32) {
    %c0_i32 = arith.constant 0 : i32
    %c0_i32_0 = arith.constant 0 : i32
    %c0_i32_1 = arith.constant 0 : i32
    return %c0_i32, %arg0, %c0_i32_0 : i32, i32, i32
  }
  func.func @transform_2(%arg0: i32) -> (i32, i32) {
    %c0_i32 = arith.constant 0 : i32
    %c0_i32_0 = arith.constant 0 : i32
    return %arg0, %c0_i32 : i32, i32
  }
  func.func @transform_3(%arg0: i32) -> (i32, i32) {
    %c0_i32 = arith.constant 0 : i32
    %c0_i32_0 = arith.constant 0 : i32
    return %arg0, %c0_i32 : i32, i32
  }
}

module attributes {stable_mosaic.version = 14 : i64} {
  func.func @_tc_glue1_body(%arg0: i32, %arg1: memref<2x512x32xf32, #tpu.memory_space<vmem>>, %arg2: memref<512x32xf32, #tpu.memory_space<vmem>>, %arg3: memref<512x1xf32, #tpu.memory_space<vmem>>, %arg4: memref<1x32xf32, #tpu.memory_space<vmem>>, %arg5: memref<1x32xf32, #tpu.memory_space<vmem>>, %arg6: memref<512x8xf32, #tpu.memory_space<vmem>>, %arg7: memref<512x1xf32, #tpu.memory_space<vmem>>) attributes {dimension_semantics = [#tpu.dimension_semantics<arbitrary>], iteration_bounds = array<i64: 20>, scalar_prefetch = 0 : i64, scratch_operands = 0 : i64, tpu.core_type = #tpu.core_type<tc>, window_params = [{transform_indices = @transform_0, window_bounds = array<i64: 2, 512, 32>}, {transform_indices = @transform_1, window_bounds = array<i64: 512, 32>}, {transform_indices = @transform_2, window_bounds = array<i64: 512, 1>}, {pipeline_mode = #tpu.pipeline_mode<synchronous>, transform_indices = @transform_3, window_bounds = array<i64: 1, 32>}, {pipeline_mode = #tpu.pipeline_mode<synchronous>, transform_indices = @transform_4, window_bounds = array<i64: 1, 32>}, {transform_indices = @transform_5, window_bounds = array<i64: 512, 8>}, {transform_indices = @transform_6, window_bounds = array<i64: 512, 1>}]} {
    %get3A = arith.constant 0 : index
    %get3A_0 = arith.constant 0 : index
    %get3A_1 = vector.load %arg3[%get3A, %get3A_0] : memref<512x1xf32, #tpu.memory_space<vmem>>, vector<512x1xf32>
    %get3A_2 = arith.constant 0 : index
    %get3A_3 = arith.constant 0 : index
    %get3A_4 = arith.constant 0 : index
    %get3A_5 = vector.load %arg1[%get3A_2, %get3A_3, %get3A_4] : memref<2x512x32xf32, #tpu.memory_space<vmem>>, vector<1x512x32xf32>
    %get3A_6 = vector.shape_cast %get3A_5 : vector<1x512x32xf32> to vector<512x32xf32>
    %get3A_7 = arith.constant 1 : index
    %get3A_8 = arith.constant 0 : index
    %get3A_9 = arith.constant 0 : index
    %get3A_10 = vector.load %arg1[%get3A_7, %get3A_8, %get3A_9] : memref<2x512x32xf32, #tpu.memory_space<vmem>>, vector<1x512x32xf32>
    %get3A_11 = vector.shape_cast %get3A_10 : vector<1x512x32xf32> to vector<512x32xf32>
    %add3A = arith.addf %get3A_6, %get3A_11 : vector<512x32xf32>
    %get3A_12 = arith.constant 0 : index
    %get3A_13 = arith.constant 0 : index
    %get3A_14 = vector.load %arg2[%get3A_12, %get3A_13] : memref<512x32xf32, #tpu.memory_space<vmem>>, vector<512x32xf32>
    %add3A_15 = arith.addf %add3A, %get3A_14 : vector<512x32xf32>
    %mul3A = vector.broadcast %get3A_1 : vector<512x1xf32> to vector<512x32xf32>
    %mul3A_16 = arith.mulf %mul3A, %add3A_15 : vector<512x32xf32>
    %get3A_17 = arith.constant 0 : index
    %get3A_18 = arith.constant 0 : index
    %get3A_19 = vector.load %arg4[%get3A_17, %get3A_18] : memref<1x32xf32, #tpu.memory_space<vmem>>, vector<1x32xf32>
    %add3A_20 = vector.broadcast %get3A_19 : vector<1x32xf32> to vector<512x32xf32>
    %add3A_21 = arith.addf %mul3A_16, %add3A_20 : vector<512x32xf32>
    %max3A = arith.constant 0.000000e+00 : f32
    %max3A_22 = vector.broadcast %max3A : f32 to vector<512x32xf32>
    %max3A_23 = arith.maximumf %add3A_21, %max3A_22 : vector<512x32xf32>
    %get3A_24 = arith.constant 0 : index
    %get3A_25 = arith.constant 0 : index
    %get3A_26 = vector.load %arg5[%get3A_24, %get3A_25] : memref<1x32xf32, #tpu.memory_space<vmem>>, vector<1x32xf32>
    %mul3A_27 = vector.broadcast %get3A_26 : vector<1x32xf32> to vector<512x32xf32>
    %mul3A_28 = arith.mulf %max3A_23, %mul3A_27 : vector<512x32xf32>
    %reduce_sum3A = arith.constant dense<0.000000e+00> : vector<512xf32>
    %reduce_sum3A_29 = vector.multi_reduction <add>, %mul3A_28, %reduce_sum3A [1] : vector<512x32xf32> to vector<512xf32>
    %broadcast_in_dim3A = vector.shape_cast %reduce_sum3A_29 : vector<512xf32> to vector<512x1xf32>
    %mul3A_30 = arith.mulf %get3A_1, %broadcast_in_dim3A : vector<512x1xf32>
    %broadcast_in_dim3A_31 = arith.constant 1.000000e+00 : f32
    %broadcast_in_dim3A_32 = vector.broadcast %broadcast_in_dim3A_31 : f32 to vector<1x8xf32>
    %mul3A_33 = vector.broadcast %mul3A_30 : vector<512x1xf32> to vector<512x8xf32>
    %mul3A_34 = vector.broadcast %broadcast_in_dim3A_32 : vector<1x8xf32> to vector<512x8xf32>
    %mul3A_35 = arith.mulf %mul3A_33, %mul3A_34 : vector<512x8xf32>
    %swap3A = arith.constant 0 : index
    %swap3A_36 = arith.constant 0 : index
    %swap3A_37 = vector.load %arg6[%swap3A, %swap3A_36] : memref<512x8xf32, #tpu.memory_space<vmem>>, vector<512x8xf32>
    tpu.vector_store %arg6[%swap3A, %swap3A_36], %mul3A_35 {strides = array<i32>} : memref<512x8xf32, #tpu.memory_space<vmem>>, vector<512x8xf32>,
    %swap3A_38 = arith.constant 0 : index
    %swap3A_39 = arith.constant 0 : index
    %swap3A_40 = vector.load %arg7[%swap3A_38, %swap3A_39] : memref<512x1xf32, #tpu.memory_space<vmem>>, vector<512x1xf32>
    tpu.vector_store %arg7[%swap3A_38, %swap3A_39], %mul3A_30 {strides = array<i32>} : memref<512x1xf32, #tpu.memory_space<vmem>>, vector<512x1xf32>,
    return
  }
  func.func @transform_0(%arg0: i32) -> (i32, i32, i32) {
    %c0_i32 = arith.constant 0 : i32
    %c0_i32_0 = arith.constant 0 : i32
    %c0_i32_1 = arith.constant 0 : i32
    return %c0_i32, %arg0, %c0_i32_0 : i32, i32, i32
  }
  func.func @transform_1(%arg0: i32) -> (i32, i32) {
    %c0_i32 = arith.constant 0 : i32
    %c0_i32_0 = arith.constant 0 : i32
    return %arg0, %c0_i32 : i32, i32
  }
  func.func @transform_2(%arg0: i32) -> (i32, i32) {
    %c0_i32 = arith.constant 0 : i32
    %c0_i32_0 = arith.constant 0 : i32
    return %arg0, %c0_i32 : i32, i32
  }
  func.func @transform_3(%arg0: i32) -> (i32, i32) {
    %c0_i32 = arith.constant 0 : i32
    %c0_i32_0 = arith.constant 0 : i32
    %c0_i32_1 = arith.constant 0 : i32
    return %c0_i32, %c0_i32_0 : i32, i32
  }
  func.func @transform_4(%arg0: i32) -> (i32, i32) {
    %c0_i32 = arith.constant 0 : i32
    %c0_i32_0 = arith.constant 0 : i32
    %c0_i32_1 = arith.constant 0 : i32
    return %c0_i32, %c0_i32_0 : i32, i32
  }
  func.func @transform_5(%arg0: i32) -> (i32, i32) {
    %c0_i32 = arith.constant 0 : i32
    %c0_i32_0 = arith.constant 0 : i32
    return %arg0, %c0_i32 : i32, i32
  }
  func.func @transform_6(%arg0: i32) -> (i32, i32) {
    %c0_i32 = arith.constant 0 : i32
    %c0_i32_0 = arith.constant 0 : i32
    return %arg0, %c0_i32 : i32, i32
  }
}

module attributes {stable_mosaic.version = 14 : i64} {
  func.func @_tc_glue2_body(%arg0: i32, %arg1: memref<2x512x8xf32, #tpu.memory_space<vmem>>, %arg2: memref<512x1xf32, #tpu.memory_space<vmem>>, %arg3: memref<512x1xf32, #tpu.memory_space<vmem>>, %arg4: memref<1x1xf32, #tpu.memory_space<vmem>>, %arg5: memref<512x1xf32, #tpu.memory_space<vmem>>) attributes {dimension_semantics = [#tpu.dimension_semantics<arbitrary>], iteration_bounds = array<i64: 20>, scalar_prefetch = 0 : i64, scratch_operands = 0 : i64, tpu.core_type = #tpu.core_type<tc>, window_params = [{transform_indices = @transform_0, window_bounds = array<i64: 2, 512, 8>}, {transform_indices = @transform_1, window_bounds = array<i64: 512, 1>}, {transform_indices = @transform_2, window_bounds = array<i64: 512, 1>}, {pipeline_mode = #tpu.pipeline_mode<synchronous>, transform_indices = @transform_3, window_bounds = array<i64: 1, 1>}, {transform_indices = @transform_4, window_bounds = array<i64: 512, 1>}]} {
    %get3A = arith.constant 0 : index
    %get3A_0 = arith.constant 0 : index
    %get3A_1 = vector.load %arg3[%get3A, %get3A_0] : memref<512x1xf32, #tpu.memory_space<vmem>>, vector<512x1xf32>
    %get3A_2 = arith.constant 0 : index
    %get3A_3 = arith.constant 0 : index
    %get3A_4 = arith.constant 0 : index
    %get3A_5 = vector.load %arg1[%get3A_2, %get3A_3, %get3A_4] : memref<2x512x8xf32, #tpu.memory_space<vmem>>, vector<1x512x1xf32>
    %get3A_6 = vector.shape_cast %get3A_5 : vector<1x512x1xf32> to vector<512x1xf32>
    %get3A_7 = arith.constant 1 : index
    %get3A_8 = arith.constant 0 : index
    %get3A_9 = arith.constant 0 : index
    %get3A_10 = vector.load %arg1[%get3A_7, %get3A_8, %get3A_9] : memref<2x512x8xf32, #tpu.memory_space<vmem>>, vector<1x512x1xf32>
    %get3A_11 = vector.shape_cast %get3A_10 : vector<1x512x1xf32> to vector<512x1xf32>
    %add3A = arith.addf %get3A_6, %get3A_11 : vector<512x1xf32>
    %get3A_12 = arith.constant 0 : index
    %get3A_13 = arith.constant 0 : index
    %get3A_14 = vector.load %arg2[%get3A_12, %get3A_13] : memref<512x1xf32, #tpu.memory_space<vmem>>, vector<512x1xf32>
    %add3A_15 = arith.addf %add3A, %get3A_14 : vector<512x1xf32>
    %mul3A = arith.mulf %get3A_1, %add3A_15 : vector<512x1xf32>
    %get3A_16 = arith.constant 0 : index
    %get3A_17 = arith.constant 0 : index
    %get3A_18 = vector.load %arg4[%get3A_16, %get3A_17] : memref<1x1xf32, #tpu.memory_space<vmem>>, vector<1x1xf32>
    %add3A_19 = vector.broadcast %get3A_18 : vector<1x1xf32> to vector<512x1xf32>
    %add3A_20 = arith.addf %mul3A, %add3A_19 : vector<512x1xf32>
    %swap3A = arith.constant 0 : index
    %swap3A_21 = arith.constant 0 : index
    %swap3A_22 = vector.load %arg5[%swap3A, %swap3A_21] : memref<512x1xf32, #tpu.memory_space<vmem>>, vector<512x1xf32>
    tpu.vector_store %arg5[%swap3A, %swap3A_21], %add3A_20 {strides = array<i32>} : memref<512x1xf32, #tpu.memory_space<vmem>>, vector<512x1xf32>,
    return
  }
  func.func @transform_0(%arg0: i32) -> (i32, i32, i32) {
    %c0_i32 = arith.constant 0 : i32
    %c0_i32_0 = arith.constant 0 : i32
    %c0_i32_1 = arith.constant 0 : i32
    return %c0_i32, %arg0, %c0_i32_0 : i32, i32, i32
  }
  func.func @transform_1(%arg0: i32) -> (i32, i32) {
    %c0_i32 = arith.constant 0 : i32
    %c0_i32_0 = arith.constant 0 : i32
    return %arg0, %c0_i32 : i32, i32
  }
  func.func @transform_2(%arg0: i32) -> (i32, i32) {
    %c0_i32 = arith.constant 0 : i32
    %c0_i32_0 = arith.constant 0 : i32
    return %arg0, %c0_i32 : i32, i32
  }
  func.func @transform_3(%arg0: i32) -> (i32, i32) {
    %c0_i32 = arith.constant 0 : i32
    %c0_i32_0 = arith.constant 0 : i32
    %c0_i32_1 = arith.constant 0 : i32
    return %c0_i32, %c0_i32_0 : i32, i32
  }
  func.func @transform_4(%arg0: i32) -> (i32, i32) {
    %c0_i32 = arith.constant 0 : i32
    %c0_i32_0 = arith.constant 0 : i32
    return %arg0, %c0_i32 : i32, i32
  }
}

</mosaic_0001>

<sc_bundles>
// kernel: kernel.12.cloned.1.call-start
scs
__scs_entry_jumppad:
0x0: {  	(pc) =	sbr.rel $0x88, $3  }
0x1: {  	(tag) =	ssettag $0x0;
	lr =	simm.s32 $0x1  }
0x2: {  	[smem:$0x3F9B] =	sst lr;
	_ =	strace $0xD0000000  }
0x3: {  	_ = 	snop  }
0x4: {  	_ = 	snop  }
0x5: {  	_ = 	snop  }
0x6: {  	_ = 	snop  }
0x7: {  	_ = 	snop  }
__scs_overlays_trampoline_lowered:
0x8: {  	[smem:$0x3FAA] =	sst s0  }
0x9: {  	[smem:$0x3FAB] =	sst s1  }
0xa: {  	[smem:$0x3FAC] =	sst s2  }
0xb: {  	[smem:$0x3FAD] =	sst s3  }
0xc: {  	[smem:$0x3FAE] =	sst s4  }
0xd: {  	[smem:$0x3FAF] =	sst s5  }
0xe: {  	[smem:$0x3FB0] =	sst s6  }
0xf: {  	[smem:$0x3FB1] =	sst s7  }
0x10: {  	[smem:$0x3FB2] =	sst s8  }
0x11: {  	[smem:$0x3FB3] =	sst s9;
	s0 =	simm.s32 @!p0 $0x0  }
0x12: {  	s1 =	sld [smem:$0x3F99];
	s0 =	simm.s32 @p0 $0x1  }
0x13: {  	[smem:$0x3FB4] =	sst s0;
	s0 =	simm.s32 @!p1 $0x0  }
0x14: {  	s2 =	sld [smem:$0x3F98];
	s0 =	simm.s32 @p1 $0x1  }
0x15: {  	[smem:$0x3FB5] =	sst s0;
	s0 =	simm.s32 @!p2 $0x0  }
0x16: {  	s3 =	sld [smem:$0x3FDB];
	s0 =	simm.s32 @p2 $0x1  }
0x17: {  	s4 =	simm.s32 $0x1BF5;
	[smem:$0x3FB7] =	sst s0  }
0x18: {  	s0 =	sld [smem:$0x3F9A];
	_ =	swait.ge [sflag:s4], $0x0  }
0x19: {  	s7 =	sld [smem:$0x3F9B]  }
0x1a: {  	s8 =	sadd.s32 $0xFFFFE003, lr  }
0x1b: {  	s9 =	sadd.s32 $0xFFFFFEF7, lr;
	s5 =	simm.s32 $0xFFFFFFFF;
	p2 =	slt.u32 s8, $0xFFFFF086  }
0x1c: {  	p1 =	slt.u32 s9, $0xF7A;
	s5 =	simm.s32 @!p2 $0x0  }
0x1d: {  	s5 =	simm.s32 @p1 $0x1;
	p0 =	seq.s32 s7, s2  }
0x1e: {  	s7 =	smul.u32 @!p0 $0xF7A, s2;
	p2 =	seq.s32 @!p0 s5, $0x0  }
0x1f: {  	s9 =	smul.u32 $0xF7A, s1;
	s8 =	simm.s32 @!p0 $0x1BF5;
	p2 =	por !p2, p0  }
0x20: {  	[sflag:s8] =	ssyncset.s32 @!p0 $0xFFFFF086;
	s6 =	sadd.s32 @!p0 s3, s7;
	s7 =	simm.s32 @!p0 $0x108  }
0x21: {  	s3 =	sadd.s32 s3, s9;
	s6 =	sadd.s32 @!p0 $0x88, s6;
	s7 =	simm.s32 @p2 $0x1082  }
0x22: {  	[simem:s7], [sflag:s8] =	dma.local @!p0 [hbm:s6], $0xF7A  }
0x23: {  	s9 =	sor.u32 $0xD0000000, s2;
	s6 =	simm.s32 $0x108;
	_ =	swait.ge @!p0 [sflag:s8], $0x0  }
0x24: {  	s3 =	sadd.s32 $0x88, s3;
	s6 =	simm.s32 @!p1 $0x1082;
	[sflag:s4] =	ssyncset.s32 $0xFFFFF086  }
0x25: {  	[simem:s6], [sflag:s4] =	dma.local [hbm:s3], $0xF7A  }
0x26: {  	[smem:$0x3F9B] =	sst s1;
	(tag) =	ssettag s2;
	_ =	strace s9  }
0x27: {  	s1 =	sld [smem:$0x3FAB]  }
0x28: {  	s2 =	sld [smem:$0x3FAC]  }
0x29: {  	s4 =	sld [smem:$0x3FAE]  }
0x2a: {  	p0 =	seq.s32 s5, $0x0;
	s5 =	sld [smem:$0x3FAF]  }
0x2b: {  	s6 =	sld [smem:$0x3FB0]  }
0x2c: {  	s7 =	sld [smem:$0x3FB1]  }
0x2d: {  	s3 =	simm.s32 $0x108;
	s8 =	sld [smem:$0x3FB2]  }
0x2e: {  	s3 =	simm.s32 @!p0 $0x1082;
	s9 =	sld [smem:$0x3FB3]  }
0x2f: {  	lr =	sadd.s32 s0, s3;
	s0 =	sld [smem:$0x3FAA]  }
0x30: {  	s3 =	sld [smem:$0x3FAD]  }
0x31: {  	[smem:$0x3FB6] =	sst s10  }
0x32: {  	s10 =	sld [smem:$0x3FB4];
	_ =	sdelay $0x3  }
0x33: {  	p0 =	seq.s32 s10, $0x1;
	s10 =	sld [smem:$0x3FB6];
	_ =	sdelay $0x3  }
0x34: {  	[smem:$0x3FB6] =	sst s10  }
0x35: {  	s10 =	sld [smem:$0x3FB5];
	_ =	sdelay $0x3  }
0x36: {  	p1 =	seq.s32 s10, $0x1;
	s10 =	sld [smem:$0x3FB6];
	_ =	sdelay $0x3  }
0x37: {  	[smem:$0x3FB6] =	sst s10  }
0x38: {  	s10 =	sld [smem:$0x3FB7]  }
0x39: {  	_ = 	snop;
	(pc) =	sbr.ind lr, $3  }
0x3a: {  	_ = 	snop  }
0x3b: {  	_ = 	snop  }
0x3c: {  	p2 =	seq.s32 s10, $0x1;
	s10 =	sld [smem:$0x3FB6]  }
0x3d: {  	_ =	shalt  }
0x3e: {  	_ =	shalt  }
0x3f: {  	_ =	shalt  }
0x40: {  	_ =	shalt  }
0x41: {  	_ =	shalt  }
0x42: {  	_ =	shalt  }
0x43: {  	_ =	shalt  }
0x44: {  	_ =	shalt  }
0x45: {  	_ =	shalt  }
0x46: {  	_ =	shalt  }
0x47: {  	_ =	shalt  }
0x48: {  	_ =	shalt  }
0x49: {  	_ =	shalt  }
0x4a: {  	_ =	shalt  }
0x4b: {  	_ =	shalt  }
0x4c: {  	_ =	shalt  }
0x4d: {  	_ =	shalt  }
0x4e: {  	_ =	shalt  }
0x4f: {  	_ =	shalt  }
0x50: {  	_ =	shalt  }
0x51: {  	_ =	shalt  }
0x52: {  	_ =	shalt  }
0x53: {  	_ =	shalt  }
0x54: {  	_ =	shalt  }
0x55: {  	_ =	shalt  }
0x56: {  	_ =	shalt  }
0x57: {  	_ =	shalt  }
0x58: {  	_ =	shalt  }
0x59: {  	_ =	shalt  }
0x5a: {  	_ =	shalt  }
0x5b: {  	_ =	shalt  }
0x5c: {  	_ =	shalt  }
0x5d: {  	_ =	shalt  }
0x5e: {  	_ =	shalt  }
0x5f: {  	_ =	shalt  }
0x60: {  	_ =	shalt  }
0x61: {  	_ =	shalt  }
0x62: {  	_ =	shalt  }
0x63: {  	_ =	shalt  }
0x64: {  	_ =	shalt  }
0x65: {  	_ =	shalt  }
0x66: {  	_ =	shalt  }
0x67: {  	_ =	shalt  }
0x68: {  	_ =	shalt  }
0x69: {  	_ =	shalt  }
0x6a: {  	_ =	shalt  }
0x6b: {  	_ =	shalt  }
0x6c: {  	_ =	shalt  }
0x6d: {  	_ =	shalt  }
0x6e: {  	_ =	shalt  }
0x6f: {  	_ =	shalt  }
0x70: {  	_ =	shalt  }
0x71: {  	_ =	shalt  }
0x72: {  	_ =	shalt  }
0x73: {  	_ =	shalt  }
0x74: {  	_ =	shalt  }
0x75: {  	_ =	shalt  }
0x76: {  	_ =	shalt  }
0x77: {  	_ =	shalt  }
0x78: {  	_ =	shalt  }
0x79: {  	_ =	shalt  }
0x7a: {  	_ =	shalt  }
0x7b: {  	_ =	shalt  }
0x7c: {  	_ =	shalt  }
0x7d: {  	_ =	shalt  }
0x7e: {  	_ =	shalt  }
0x7f: {  	_ =	shalt  }
0x80: {  	_ =	shalt  }
0x81: {  	_ =	shalt  }
0x82: {  	_ =	shalt  }
0x83: {  	_ =	shalt  }
0x84: {  	_ =	shalt  }
0x85: {  	_ =	shalt  }
0x86: {  	_ =	shalt  }
0x87: {  	_ =	shalt  }
.Lfunc_end0:
.L_simem_size_0:
called_computation.1_lowered:
.L_overlay_start_0:
0x88: {  	s2 =	sld [smem:$0x3FD9]  }
0x89: {  	s3 =	sld [smem:$0x3FFE];
	_ =	sdelay $0x1  }
0x8a: {  	s1 =	srdreg.scid  }
0x8b: {  	s0 =	sand.u32 $0x1, s1  }
0x8c: {  	s17 =	sshll.u32 s0, $0xA;
	s2 =	sadd.s32 s3, s2  }
0x8d: {  	s2 =	sadd.s32 s2, s17  }
0x8e: {  	[smem:$0x3FC2] =	sst s2  }
0x8f: {  	_ = 	snop  }
0x90: {  	s2 =	sld [smem:$0x3FD0];
	(tm) =	ssettm $0x1  }
0x91: {  	s18 =	sld [smem:$0x3FFB];
	_ =	sdelay $0x3  }
0x92: {  	_ =	strace s18  }
0x93: {  	s3 =	sld [smem:$0x3FFC];
	_ =	sdelay $0x3  }
0x94: {  	_ =	strace s3  }
0x95: {  	s3 =	sld [smem:$0x3FFD];
	_ =	sdelay $0x3  }
0x96: {  	_ =	strace s3  }
0x97: {  	_ =	strace $0x8FFFFFFF  }
0x98: {  	s19 =	sld [smem:$0x3FDB];
	_ =	sdelay $0x1  }
0x99: {  	s4 =	simm.s32 $_scs_section_size  }
0x9a: {  	s5 =	simm.s32 $_size__tile_overlayer_lowered;
	s6 =	simm.s32 $_tile_overlayer_lowered  }
0x9b: {  	s22 =	simm.s32 $0x1BFF;
	s21 =	sshll.u32 s6, $0x1;
	s3 =	sadd.s32 s4, s19  }
0x9c: {  	s7 =	simm.s32 $0x0;
	s20 =	sshll.u32 s5, $0x1;
	s5 =	sadd.s32 s21, s3  }
0x9d: {  	[timem:s7], [sflag:s22] =	dma.local [hbm:s5], s20  }
0x9e: {  	_ =	swait.ge [sflag:s22], s20  }
0x9f: {  	s4 =	ssub.s32 $0x0, s20;
	[sflag:s22] =	ssyncset.done $0x0  }
0xa0: {  	[sflag:s22] =	ssyncadd.s32 s4;
	_ =	sdelay $0x1  }
0xa1: {  	s23 =	simm.s32 $0x1B8B  }
0xa2: {  	_ =	swait.ge [sflag:s23], $0x1  }
0xa3: {  	[sflag:s23] =	ssyncset.done $0x0  }
0xa4: {  	s25 =	simm.s32 $0x1B8E;
	s24 =	sld [smem:$0x3FFE];
	[sflag:s23] =	ssyncadd.s32 $0xFFFFFFFF  }
0xa5: {  	s26 =	simm.s32 $execute0_lowered;
	[smem:$0x3FD2] =	sst s25  }
0xa6: {  	s5 =	sshll.u32 s26, $0x1;
	_ =	strace $0x80000049;
	[dreg:$0x1] =	wrdreg $0xFFFFFFFF  }
0xa7: {  	s28 =	simm.s32 $_size_execute0_lowered;
	s3 =	sadd.s32 s3, s5;
	[dreg:$0x0] =	wrdreg $0x0  }
0xa8: {  	s5 =	sshll.u32 s28, $0x1;
	[dreg:$0x2] =	wrdreg s3  }
0xa9: {  	[dreg:$0x3] =	wrdreg s5  }
0xaa: {  	[dreg:$0x4] =	wrdreg $0xC0  }
0xab: {  	_ =	task [dreg:s7], $0x5FFFF  }
0xac: {  	[dreg:$0x1] =	wrdreg $0xFFFFFFFF  }
0xad: {  	[dreg:$0x0] =	wrdreg $0x60  }
0xae: {  	[dreg:$0x2] =	wrdreg s24  }
0xaf: {  	[dreg:$0x3] =	wrdreg s2  }
0xb0: {  	[dreg:$0x4] =	wrdreg $0xEF000  }
0xb1: {  	[dreg:$0x5] =	wrdreg $0x9  }
0xb2: {  	_ =	task.clear_ibuf [dreg:s7], $0x6FFFF;
	_ =	strace $0x90000049  }
0xb3: {  	s29 =	simm.s32 $0x9;
	_ =	strace $0x8000004B  }
0xb4: {  	_ =	swait.ge [sflag:s29], $0x1  }
0xb5: {  	[sflag:s29] =	ssyncadd.s32 $0xFFFFFFFF  }
0xb6: {  	_ =	strace $0x9000004B  }
0xb7: {  	_ =	sfence  }
0xb8: {  	s30 =	sld [smem:$0x0];
	_ =	sdelay $0x2  }
0xb9: {  	s31 =	sshll.u32 s1, $0xD;
	s1 =	sshrl.u32 s1, $0x2  }
0xba: {  	s3 =	sand.u32 $0x4000, s31;
	s1 =	sadd.s32 s1, s30  }
0xbb: {  	s0 =	sor.u32 s3, s0;
	s1 =	sshll.u32 s1, $0x11  }
0xbc: {  	s0 =	sor.u32 s1, s0  }
0xbd: {  	s0 =	sadd.s32 $0x8F2B, s0  }
0xbe: {  	[sflag:s0] =	ssyncadd.remote.s32 $0x1  }
0xbf: {  	_ =	sfence.sel $0xFFFF  }
0xc0: {  	[dreg:$0x0] =	wrdreg $0xFFFFFFFF;
	(pc) =	sbr.abs _section_cstart, $3  }
0xc1: {  	[dreg:$0x1] =	wrdreg $0xFFFFFFFF  }
0xc2: {  	_ =	task.clear_ibuf [dreg:s7], $0x2FFFF;
	_ =	strace $0x9FFFFFFF  }
0xc3: {  	(tm) =	ssettm $0x7FFFFFFF  }
tec
execute0_lowered:
.L_overlay_start_1:
0x0: {  	(tag) =	ssettag $0x1  }
0x1: {  	s0 =	rddreg [dreg:$0x0]  }
0x2: {  	s3 =	rddreg [dreg:$0x2];
	s13 =	simm.s32 $0x0  }
0x3: {  	s1 =	srdreg.scid;
	s11 =	stileid.u32;
	s17 =	simm.s32 $0x5F00  }
0x4: {  	s28 =	simm.s32 $0x2;
	s30 =	simm.s32 $0x5;
	s31 =	simm.s32 $0x3  }
0x5: {  	s12 =	simm.s32 $0x0;
	[smem:$0x7FF] =	sst s13;
	s2 =	smul.u32 $0x5000, s11  }
0x6: {  	s1 =	sand.u32 $0x1, s1;
	s5 =	sadd.s32 $0x19E00, s0;
	s6 =	smul.u32 $0x14000, s11  }
0x7: {  	s7 =	sadd.s32 $0x10000, s0;
	s8 =	sadd.s32 $0x1000, s0;
	s21 =	smul.u32 $0x1F80, s11  }
0x8: {  	s11 =	smul.u32 $0x5F0, s11;
	_ =	strace $0x8000004A;
	s9 =	ssub.s32 $0x2, s1  }
0x9: {  	s4 =	smul.u32 $0x50000, s1;
	p0 =	seq.s32 s1, $0x1;
	s10 =	sshrl.u32 s9, $0x1  }
0xa: {  	s6 =	sshrl.u32 s6, $0x2;
	s24 =	sshrl.u32 s21, $0x3;
	s25 =	sadd.s32 s7, s11  }
0xb: {  	s26 =	sadd.s32 s8, s11;
	s21 =	simm.s32 $0x6F00;
	s11 =	simm.s32 $0x9F00  }
0xc: {  	s4 =	sadd.s32 s2, s4;
	s18 =	ssub.s32 s9, s10;
	[dreg:$0x7] =	wrdreg s25  }
0xd: {  	s19 =	sadd.s32 s6, s3;
	s6 =	sadd.s32 s2, s3;
	[dreg:$0x8] =	wrdreg s26  }
0xe: {  	s1 =	sadd.s32 $0x5F00, s24;
	s24 =	simm.s32 $0x1;
	s26 =	simm.s32 $0x8F00  }
0xf: {  	s2 =	simm.s32 $0x4;
	s4 =	sshrl.u32 s4, $0x3;
	s20 =	sadd.s32 $0x1000, s19  }
0x10: {  	s22 =	sadd.s32 $0x2000, s19;
	s23 =	sadd.s32 $0x3000, s19;
	[dreg:$0x4] =	wrdreg s20  }
0x11: {  	s10 =	sadd.s32 $0x4000, s19;
	s29 =	sadd.s32 s7, s1;
	[dreg:$0x5] =	wrdreg s22  }
.Ltmp0:
0x12: {  	s1 =	sadd.s32 s8, s1;
	[dreg:$0x6] =	wrdreg s23;
	(pc) =	sbr.rel .LBB2_1-.Ltmp0, $4  }
0x13: {  	s16 =	smax.u32 s18, $0x1;
	s18 =	simm.s32 $0x9;
	[dreg:$0x9] =	wrdreg s29  }
0x14: {  	s19 =	simm.s32 $0x2F80;
	s0 =	sadd.s32 s4, s0;
	[dreg:$0xa] =	wrdreg s1  }
0x15: {  	s20 =	simm.s32 $0x80;
	s23 =	simm.s32 $0x7F00;
	s1 =	simm.s32 $0x7  }
0x16: {  	s22 =	simm.s32 $0x8;
	s15 =	sadd.s32 $0x23E00, s0;
	s0 =	simm.s32 $0x6  }
.LBB2_4:
0x17: {  	[spmem:s3] =	stream.indirect.scatter.add.f32 [tilespmem:s21], [sflag:$0x6], $0x20, s4, s20, $0xb8;
	[tilespmem:$0x13F00] =	vst v63  }
0x18: {  	s13 =	simm.s32 $0x5E80;
	s25 =	simm.s32 $0x5E00  }
0x19: {  	s14 =	simm.s32 $0x5D80;
	s29 =	simm.s32 $0x2F00;
	s4 =	simm.s32 $0x5D00  }
0x1a: {  	s7 =	simm.s32 $0x2E80;
	s8 =	simm.s32 $0x5C80;
	s9 =	simm.s32 $0x2E00  }
.LBB2_8:
0x1b: {  	_ =	swait.ge [sflag:s30], $0x1000  }
0x1c: {  	[sflag:s30] =	ssyncset.done $0x0  }
0x1d: {  	[sflag:s30] =	ssyncadd.s32 $0xFFFFF000  }
0x1e: {  	[tilespmem:s17], [sflag:$0x1] =	stream.indirect.gather [hbm4b:s5+s20], $0x20, s9, s20, $0xb8;
	[tilespmem:$0x13F00] =	vst v63  }
0x1f: {  	_ =	swait.ge [sflag:s31], $0x1000  }
0x20: {  	[sflag:s31] =	ssyncset.done $0x0  }
0x21: {  	[sflag:s31] =	ssyncadd.s32 $0xFFFFF000  }
0x22: {  	[spmem:s3] =	stream.indirect.scatter.add.f32 [tilespmem:s23], [sflag:$0x7], $0x20, s8, s20, $0xb8;
	[tilespmem:$0x13F00] =	vst v63  }
0x23: {  	_ =	swait.ge [sflag:s0], $0x1000  }
0x24: {  	[sflag:s0] =	ssyncset.done $0x0  }
0x25: {  	[sflag:s0] =	ssyncadd.s32 $0xFFFFF000  }
0x26: {  	[tilespmem:s21], [sflag:$0x2] =	stream.indirect.gather [hbm4b:s5+s20], $0x20, s7, s20, $0xb8;
	[tilespmem:$0x13F00] =	vst v63  }
0x27: {  	_ =	swait.ge [sflag:s2], $0x1000  }
0x28: {  	[sflag:s2] =	ssyncset.done $0x0  }
0x29: {  	[sflag:s2] =	ssyncadd.s32 $0xFFFFF000  }
0x2a: {  	[spmem:s3] =	stream.indirect.scatter.add.f32 [tilespmem:s26], [sflag:$0x8], $0x20, s4, s20, $0xb8;
	[tilespmem:$0x13F00] =	vst v63  }
0x2b: {  	_ =	swait.ge [sflag:s1], $0x1000  }
0x2c: {  	[sflag:s1] =	ssyncset.done $0x0  }
0x2d: {  	[sflag:s1] =	ssyncadd.s32 $0xFFFFF000  }
0x2e: {  	[tilespmem:s23], [sflag:$0x3] =	stream.indirect.gather [hbm4b:s5+s20], $0x20, s29, s20, $0xb8;
	[tilespmem:$0x13F00] =	vst v63  }
0x2f: {  	_ =	swait.ge [sflag:s24], $0x1000  }
0x30: {  	[sflag:s24] =	ssyncset.done $0x0  }
0x31: {  	[sflag:s24] =	ssyncadd.s32 $0xFFFFF000  }
0x32: {  	[spmem:s3] =	stream.indirect.scatter.add.f32 [tilespmem:s17], [sflag:$0x5], $0x20, s14, s20, $0xb8;
	[tilespmem:$0x13F00] =	vst v63  }
0x33: {  	_ =	swait.ge [sflag:s28], $0x1000  }
0x34: {  	[sflag:s28] =	ssyncset.done $0x0  }
0x35: {  	[sflag:s28] =	ssyncadd.s32 $0xFFFFF000  }
0x36: {  	[spmem:s3] =	stream.indirect.scatter.add.f32 [tilespmem:s21], [sflag:$0x6], $0x20, s25, s20, $0xb8;
	[tilespmem:$0x13F00] =	vst v63  }
0x37: {  	_ =	swait.ge [sflag:s31], $0x1000  }
0x38: {  	[sflag:s31] =	ssyncset.done $0x0  }
0x39: {  	[sflag:s31] =	ssyncadd.s32 $0xFFFFF000  }
0x3a: {  	[spmem:s3] =	stream.indirect.scatter.add.f32 [tilespmem:s23], [sflag:$0x7], $0x20, s13, s20, $0xb8;
	[tilespmem:$0x13F00] =	vst v63  }
0x3b: {  	_ =	swait.ge [sflag:s22], $0x1000  }
0x3c: {  	[sflag:s22] =	ssyncset.done $0x0  }
0x3d: {  	[sflag:s22] =	ssyncadd.s32 $0xFFFFF000  }
0x3e: {  	_ =	swait.ge [sflag:s30], $0x1000  }
0x3f: {  	[sflag:s30] =	ssyncset.done $0x0  }
0x40: {  	[sflag:s30] =	ssyncadd.s32 $0xFFFFF000  }
0x41: {  	_ =	swait.ge [sflag:s0], $0x1000  }
0x42: {  	[sflag:s0] =	ssyncset.done $0x0  }
0x43: {  	[sflag:s0] =	ssyncadd.s32 $0xFFFFF000  }
0x44: {  	_ =	swait.ge [sflag:s1], $0x1000  }
0x45: {  	[sflag:s1] =	ssyncset.done $0x0  }
0x46: {  	[sflag:s1] =	ssyncadd.s32 $0xFFFFF000  }
0x47: {  	[bflag:$0x0] =	sbarrier.arrive $0xFFFF  }
0x48: {  	[tilespmem:s11], [sflag:$0x9] =	stream.linear.gather [spmem:s6], $0x5000, $0x38;
	[tilespmem:$0x13F00] =	vst v63  }
0x49: {  	s12 =	sadd.s32 $0x1, s12;
	_ =	swait.ge [sflag:s18], $0x5000  }
0x4a: {  	p1 =	sne.s32 s12, s16;
	[sflag:s18] =	ssyncset.done $0x0  }
.Ltmp1:
0x4b: {  	s13 =	simm.s32 $0x0;
	[sflag:s18] =	ssyncadd.s32 $0xFFFFB000;
	(pc) =	sbr.rel @!p1 .LBB2_9-.Ltmp1, $4  }
0x4c: {  	[hbm4b:s15+s13] =	stream.linear.scatter [tilespmem:s11], [sflag:$0x9], $0x5000, $0x38;
	[tilespmem:$0x13F00] =	vst v63  }
0x4d: {  	_ =	swait.ge [sflag:s18], $0x5000  }
0x4e: {  	[sflag:s18] =	ssyncset.done $0x0  }
0x4f: {  	[sflag:s18] =	ssyncadd.s32 $0xFFFFB000  }
.LBB2_1:
0x50: {  	s4 =	rddreg [dreg:$0x1]  }
0x51: {  	[tilespmem:s17], [sflag:$0x9] =	stream.linear.gather [hbm4b:s4+s13], $0x1000, $0x38;
	[tilespmem:$0x13F00] =	vst v63  }
0x52: {  	_ =	swait.ge [sflag:s18], $0x1000  }
0x53: {  	[sflag:s18] =	ssyncset.done $0x0  }
0x54: {  	[sflag:s18] =	ssyncadd.s32 $0xFFFFF000  }
0x55: {  	[spmem:s6] =	stream.linear.scatter [tilespmem:s17], [sflag:$0x9], $0x1000, $0x38;
	[tilespmem:$0x13F00] =	vst v63  }
0x56: {  	_ =	swait.ge [sflag:s18], $0x1000  }
0x57: {  	[sflag:s18] =	ssyncset.done $0x0  }
0x58: {  	s14 =	rddreg [dreg:$0x4];
	[sflag:s18] =	ssyncadd.s32 $0xFFFFF000  }
0x59: {  	[spmem:s14] =	stream.linear.scatter [tilespmem:s17], [sflag:$0x9], $0x1000, $0x38;
	[tilespmem:$0x13F00] =	vst v63  }
0x5a: {  	_ =	swait.ge [sflag:s18], $0x1000  }
0x5b: {  	[sflag:s18] =	ssyncset.done $0x0  }
0x5c: {  	s25 =	rddreg [dreg:$0x5];
	[sflag:s18] =	ssyncadd.s32 $0xFFFFF000  }
0x5d: {  	[spmem:s25] =	stream.linear.scatter [tilespmem:s17], [sflag:$0x9], $0x1000, $0x38;
	[tilespmem:$0x13F00] =	vst v63  }
0x5e: {  	_ =	swait.ge [sflag:s18], $0x1000  }
0x5f: {  	[sflag:s18] =	ssyncset.done $0x0  }
0x60: {  	s29 =	rddreg [dreg:$0x6];
	[sflag:s18] =	ssyncadd.s32 $0xFFFFF000  }
0x61: {  	[spmem:s29] =	stream.linear.scatter [tilespmem:s17], [sflag:$0x9], $0x1000, $0x38;
	[tilespmem:$0x13F00] =	vst v63  }
0x62: {  	_ =	swait.ge [sflag:s18], $0x1000  }
0x63: {  	[sflag:s18] =	ssyncset.done $0x0  }
0x64: {  	[sflag:s18] =	ssyncadd.s32 $0xFFFFF000  }
0x65: {  	[spmem:s10] =	stream.linear.scatter [tilespmem:s17], [sflag:$0x9], $0x1000, $0x38;
	[tilespmem:$0x13F00] =	vst v63  }
.Ltmp2:
0x66: {  	_ =	swait.ge [sflag:s18], $0x1000;
	(pc) =	sbr.rel @!p0 .LBB2_2-.Ltmp2, $4  }
0x67: {  	[sflag:s18] =	ssyncset.done $0x0  }
0x68: {  	[sflag:s18] =	ssyncadd.s32 $0xFFFFF000  }
0x69: {  	[bflag:$0x0] =	sbarrier.arrive $0xFFFF  }
0x6a: {  	s4 =	simm.s32 $0x0  }
0x6b: {  	s7 =	rddreg [dreg:$0x9]  }
0x6c: {  	[tilespmem:s4], [sflag:$0x9] =	stream.linear.gather [hbm4b:s7+s4], $0x1F80, $0x38;
	[tilespmem:$0x13F00] =	vst v63  }
0x6d: {  	_ =	swait.ge [sflag:s18], $0x1F80  }
0x6e: {  	[sflag:s18] =	ssyncset.done $0x0  }
0x6f: {  	s13 =	rddreg [dreg:$0xa];
	[sflag:s18] =	ssyncadd.s32 $0xFFFFE080  }
0x70: {  	[tilespmem:s19], [sflag:$0x9] =	stream.linear.gather [hbm4b:s13+s4], $0x1F80, $0x38;
	[tilespmem:$0x13F00] =	vst v63  }
0x71: {  	_ =	swait.ge [sflag:s18], $0x1F80  }
0x72: {  	[sflag:s18] =	ssyncset.done $0x0  }
0x73: {  	[sflag:s18] =	ssyncadd.s32 $0xFFFFE080  }
0x74: {  	[tilespmem:s17], [sflag:$0x1] =	stream.indirect.gather [hbm4b:s5+s20], $0x20, s4, s20, $0xb8;
	[tilespmem:$0x13F00] =	vst v63  }
0x75: {  	_ = 	snop  }
0x76: {  	[tilespmem:s21], [sflag:$0x2] =	stream.indirect.gather [hbm4b:s5+s20], $0x20, s20, s20, $0xb8;
	[tilespmem:$0x13F00] =	vst v63  }
0x77: {  	s14 =	simm.s32 $0x100  }
0x78: {  	[tilespmem:s23], [sflag:$0x3] =	stream.indirect.gather [hbm4b:s5+s20], $0x20, s14, s20, $0xb8;
	[tilespmem:$0x13F00] =	vst v63  }
0x79: {  	_ =	swait.ge [sflag:s24], $0x1000  }
0x7a: {  	[sflag:s24] =	ssyncset.done $0x0  }
0x7b: {  	[sflag:s24] =	ssyncadd.s32 $0xFFFFF000  }
0x7c: {  	[spmem:s3] =	stream.indirect.scatter.add.f32 [tilespmem:s17], [sflag:$0x5], $0x20, s19, s20, $0xb8;
	[tilespmem:$0x13F00] =	vst v63  }
0x7d: {  	s25 =	simm.s32 $0x180  }
0x7e: {  	[tilespmem:s26], [sflag:$0x4] =	stream.indirect.gather [hbm4b:s5+s20], $0x20, s25, s20, $0xb8;
	[tilespmem:$0x13F00] =	vst v63  }
0x7f: {  	_ =	swait.ge [sflag:s28], $0x1000  }
0x80: {  	[sflag:s28] =	ssyncset.done $0x0  }
0x81: {  	s29 =	simm.s32 $0x3000;
	[sflag:s28] =	ssyncadd.s32 $0xFFFFF000  }
0x82: {  	[spmem:s3] =	stream.indirect.scatter.add.f32 [tilespmem:s21], [sflag:$0x6], $0x20, s29, s20, $0xb8;
	[tilespmem:$0x13F00] =	vst v63  }
0x83: {  	_ =	swait.ge [sflag:s30], $0x1000  }
0x84: {  	[sflag:s30] =	ssyncset.done $0x0  }
0x85: {  	s7 =	simm.s32 $0x200;
	[sflag:s30] =	ssyncadd.s32 $0xFFFFF000  }
0x86: {  	[tilespmem:s17], [sflag:$0x1] =	stream.indirect.gather [hbm4b:s5+s20], $0x20, s7, s20, $0xb8;
	[tilespmem:$0x13F00] =	vst v63  }
0x87: {  	_ =	swait.ge [sflag:s31], $0x1000  }
0x88: {  	[sflag:s31] =	ssyncset.done $0x0  }
0x89: {  	s8 =	simm.s32 $0x3080;
	[sflag:s31] =	ssyncadd.s32 $0xFFFFF000  }
0x8a: {  	[spmem:s3] =	stream.indirect.scatter.add.f32 [tilespmem:s23], [sflag:$0x7], $0x20, s8, s20, $0xb8;
	[tilespmem:$0x13F00] =	vst v63  }
0x8b: {  	_ =	swait.ge [sflag:s0], $0x1000  }
0x8c: {  	[sflag:s0] =	ssyncset.done $0x0  }
0x8d: {  	s9 =	simm.s32 $0x280;
	[sflag:s0] =	ssyncadd.s32 $0xFFFFF000  }
0x8e: {  	[tilespmem:s21], [sflag:$0x2] =	stream.indirect.gather [hbm4b:s5+s20], $0x20, s9, s20, $0xb8;
	[tilespmem:$0x13F00] =	vst v63  }
0x8f: {  	_ =	swait.ge [sflag:s2], $0x1000  }
0x90: {  	[sflag:s2] =	ssyncset.done $0x0  }
0x91: {  	s13 =	simm.s32 $0x3100;
	[sflag:s2] =	ssyncadd.s32 $0xFFFFF000  }
0x92: {  	[spmem:s3] =	stream.indirect.scatter.add.f32 [tilespmem:s26], [sflag:$0x8], $0x20, s13, s20, $0xb8;
	[tilespmem:$0x13F00] =	vst v63  }
0x93: {  	_ =	swait.ge [sflag:s1], $0x1000  }
0x94: {  	[sflag:s1] =	ssyncset.done $0x0  }
0x95: {  	s14 =	simm.s32 $0x300;
	[sflag:s1] =	ssyncadd.s32 $0xFFFFF000  }
0x96: {  	[tilespmem:s23], [sflag:$0x3] =	stream.indirect.gather [hbm4b:s5+s20], $0x20, s14, s20, $0xb8;
	[tilespmem:$0x13F00] =	vst v63  }
0x97: {  	_ =	swait.ge [sflag:s24], $0x1000  }
0x98: {  	[sflag:s24] =	ssyncset.done $0x0  }
0x99: {  	s25 =	simm.s32 $0x3180;
	[sflag:s24] =	ssyncadd.s32 $0xFFFFF000  }
0x9a: {  	[spmem:s3] =	stream.indirect.scatter.add.f32 [tilespmem:s17], [sflag:$0x5], $0x20, s25, s20, $0xb8;
	[tilespmem:$0x13F00] =	vst v63  }
0x9b: {  	_ =	swait.ge [sflag:s22], $0x1000  }
0x9c: {  	[sflag:s22] =	ssyncset.done $0x0  }
0x9d: {  	s29 =	simm.s32 $0x380;
	[sflag:s22] =	ssyncadd.s32 $0xFFFFF000  }
0x9e: {  	[tilespmem:s26], [sflag:$0x4] =	stream.indirect.gather [hbm4b:s5+s20], $0x20, s29, s20, $0xb8;
	[tilespmem:$0x13F00] =	vst v63  }
0x9f: {  	_ =	swait.ge [sflag:s28], $0x1000  }
0xa0: {  	[sflag:s28] =	ssyncset.done $0x0  }
0xa1: {  	s4 =	simm.s32 $0x3200;
	s25 =	simm.s32 $0x800;
	[sflag:s28] =	ssyncadd.s32 $0xFFFFF000  }
.LBB2_6:
0xa2: {  	[spmem:s3] =	stream.indirect.scatter.add.f32 [tilespmem:s21], [sflag:$0x6], $0x20, s4, s20, $0xb8;
	[tilespmem:$0x13F00] =	vst v63  }
0xa3: {  	s4 =	smov.u32 s25  }
0xa4: {  	p1 =	sne.s32 s25, $0x6800;
	s25 =	sadd.s32 $0x800, s25;
	_ =	swait.ge [sflag:s30], $0x1000  }
0xa5: {  	s13 =	sshra.s32 s4, $0x2;
	[sflag:s30] =	ssyncset.done $0x0  }
0xa6: {  	s4 =	sadd.s32 $0x200, s13;
	[sflag:s30] =	ssyncadd.s32 $0xFFFFF000  }
0xa7: {  	[tilespmem:s17], [sflag:$0x1] =	stream.indirect.gather [hbm4b:s5+s20], $0x20, s4, s20, $0xb8;
	[tilespmem:$0x13F00] =	vst v63  }
0xa8: {  	_ =	swait.ge [sflag:s31], $0x1000  }
0xa9: {  	[sflag:s31] =	ssyncset.done $0x0  }
0xaa: {  	s4 =	sadd.s32 $0x3080, s13;
	[sflag:s31] =	ssyncadd.s32 $0xFFFFF000  }
0xab: {  	[spmem:s3] =	stream.indirect.scatter.add.f32 [tilespmem:s23], [sflag:$0x7], $0x20, s4, s20, $0xb8;
	[tilespmem:$0x13F00] =	vst v63  }
0xac: {  	_ =	swait.ge [sflag:s0], $0x1000  }
0xad: {  	[sflag:s0] =	ssyncset.done $0x0  }
0xae: {  	s4 =	sadd.s32 $0x280, s13;
	[sflag:s0] =	ssyncadd.s32 $0xFFFFF000  }
0xaf: {  	[tilespmem:s21], [sflag:$0x2] =	stream.indirect.gather [hbm4b:s5+s20], $0x20, s4, s20, $0xb8;
	[tilespmem:$0x13F00] =	vst v63  }
0xb0: {  	_ =	swait.ge [sflag:s2], $0x1000  }
0xb1: {  	[sflag:s2] =	ssyncset.done $0x0  }
0xb2: {  	s4 =	sadd.s32 $0x3100, s13;
	[sflag:s2] =	ssyncadd.s32 $0xFFFFF000  }
0xb3: {  	[spmem:s3] =	stream.indirect.scatter.add.f32 [tilespmem:s26], [sflag:$0x8], $0x20, s4, s20, $0xb8;
	[tilespmem:$0x13F00] =	vst v63  }
0xb4: {  	_ =	swait.ge [sflag:s1], $0x1000  }
0xb5: {  	[sflag:s1] =	ssyncset.done $0x0  }
0xb6: {  	s4 =	sadd.s32 $0x300, s13;
	[sflag:s1] =	ssyncadd.s32 $0xFFFFF000  }
0xb7: {  	[tilespmem:s23], [sflag:$0x3] =	stream.indirect.gather [hbm4b:s5+s20], $0x20, s4, s20, $0xb8;
	[tilespmem:$0x13F00] =	vst v63  }
0xb8: {  	_ =	swait.ge [sflag:s24], $0x1000  }
0xb9: {  	[sflag:s24] =	ssyncset.done $0x0  }
0xba: {  	s4 =	sadd.s32 $0x3180, s13;
	[sflag:s24] =	ssyncadd.s32 $0xFFFFF000  }
0xbb: {  	[spmem:s3] =	stream.indirect.scatter.add.f32 [tilespmem:s17], [sflag:$0x5], $0x20, s4, s20, $0xb8;
	[tilespmem:$0x13F00] =	vst v63  }
0xbc: {  	_ =	swait.ge [sflag:s22], $0x1000  }
0xbd: {  	[sflag:s22] =	ssyncset.done $0x0  }
.Ltmp3:
0xbe: {  	s4 =	sadd.s32 $0x380, s13;
	[sflag:s22] =	ssyncadd.s32 $0xFFFFF000;
	(pc) =	sbr.rel @p1 .LBB2_6-.Ltmp3, $4  }
0xbf: {  	[tilespmem:s26], [sflag:$0x4] =	stream.indirect.gather [hbm4b:s5+s20], $0x20, s4, s20, $0xb8;
	[tilespmem:$0x13F00] =	vst v63  }
0xc0: {  	_ =	swait.ge [sflag:s28], $0x1000  }
0xc1: {  	[sflag:s28] =	ssyncset.done $0x0  }
0xc2: {  	s4 =	sadd.s32 $0x3200, s13;
	[sflag:s28] =	ssyncadd.s32 $0xFFFFF000  }
.Ltmp4:
0xc3: {  	(pc) =	sbr.rel .LBB2_8-.Ltmp4, $4  }
0xc4: {  	[spmem:s3] =	stream.indirect.scatter.add.f32 [tilespmem:s21], [sflag:$0x6], $0x20, s4, s20, $0xb8;
	[tilespmem:$0x13F00] =	vst v63  }
0xc5: {  	s13 =	simm.s32 $0x4E80;
	s25 =	simm.s32 $0x4E00  }
0xc6: {  	s14 =	simm.s32 $0x4D80;
	s29 =	simm.s32 $0x1F00;
	s4 =	simm.s32 $0x4D00  }
0xc7: {  	s7 =	simm.s32 $0x1E80;
	s8 =	simm.s32 $0x4C80;
	s9 =	simm.s32 $0x1E00  }
.LBB2_2:
0xc8: {  	s7 =	rddreg [dreg:$0x7]  }
0xc9: {  	[tilespmem:s4], [sflag:$0x9] =	stream.linear.gather [hbm4b:s7+s4], $0x2F80, $0x38;
	[tilespmem:$0x13F00] =	vst v63  }
0xca: {  	_ =	swait.ge [sflag:s18], $0x2F80  }
0xcb: {  	[sflag:s18] =	ssyncset.done $0x0  }
0xcc: {  	s13 =	rddreg [dreg:$0x8];
	[sflag:s18] =	ssyncadd.s32 $0xFFFFD080  }
0xcd: {  	[tilespmem:s19], [sflag:$0x9] =	stream.linear.gather [hbm4b:s13+s4], $0x2F80, $0x38;
	[tilespmem:$0x13F00] =	vst v63  }
0xce: {  	_ =	swait.ge [sflag:s18], $0x2F80  }
0xcf: {  	[sflag:s18] =	ssyncset.done $0x0  }
0xd0: {  	[sflag:s18] =	ssyncadd.s32 $0xFFFFD080  }
0xd1: {  	[tilespmem:s17], [sflag:$0x1] =	stream.indirect.gather [hbm4b:s5+s20], $0x20, s4, s20, $0xb8;
	[tilespmem:$0x13F00] =	vst v63  }
0xd2: {  	_ = 	snop  }
0xd3: {  	[tilespmem:s21], [sflag:$0x2] =	stream.indirect.gather [hbm4b:s5+s20], $0x20, s20, s20, $0xb8;
	[tilespmem:$0x13F00] =	vst v63  }
0xd4: {  	s14 =	simm.s32 $0x100  }
0xd5: {  	[tilespmem:s23], [sflag:$0x3] =	stream.indirect.gather [hbm4b:s5+s20], $0x20, s14, s20, $0xb8;
	[tilespmem:$0x13F00] =	vst v63  }
0xd6: {  	_ =	swait.ge [sflag:s24], $0x1000  }
0xd7: {  	[sflag:s24] =	ssyncset.done $0x0  }
0xd8: {  	[sflag:s24] =	ssyncadd.s32 $0xFFFFF000  }
0xd9: {  	[spmem:s3] =	stream.indirect.scatter.add.f32 [tilespmem:s17], [sflag:$0x5], $0x20, s19, s20, $0xb8;
	[tilespmem:$0x13F00] =	vst v63  }
0xda: {  	s25 =	simm.s32 $0x180  }
0xdb: {  	[tilespmem:s26], [sflag:$0x4] =	stream.indirect.gather [hbm4b:s5+s20], $0x20, s25, s20, $0xb8;
	[tilespmem:$0x13F00] =	vst v63  }
0xdc: {  	_ =	swait.ge [sflag:s28], $0x1000  }
0xdd: {  	[sflag:s28] =	ssyncset.done $0x0  }
0xde: {  	s29 =	simm.s32 $0x3000;
	[sflag:s28] =	ssyncadd.s32 $0xFFFFF000  }
0xdf: {  	[spmem:s3] =	stream.indirect.scatter.add.f32 [tilespmem:s21], [sflag:$0x6], $0x20, s29, s20, $0xb8;
	[tilespmem:$0x13F00] =	vst v63  }
0xe0: {  	_ =	swait.ge [sflag:s30], $0x1000  }
0xe1: {  	[sflag:s30] =	ssyncset.done $0x0  }
0xe2: {  	s7 =	simm.s32 $0x200;
	[sflag:s30] =	ssyncadd.s32 $0xFFFFF000  }
0xe3: {  	[tilespmem:s17], [sflag:$0x1] =	stream.indirect.gather [hbm4b:s5+s20], $0x20, s7, s20, $0xb8;
	[tilespmem:$0x13F00] =	vst v63  }
0xe4: {  	_ =	swait.ge [sflag:s31], $0x1000  }
0xe5: {  	[sflag:s31] =	ssyncset.done $0x0  }
0xe6: {  	s8 =	simm.s32 $0x3080;
	[sflag:s31] =	ssyncadd.s32 $0xFFFFF000  }
0xe7: {  	[spmem:s3] =	stream.indirect.scatter.add.f32 [tilespmem:s23], [sflag:$0x7], $0x20, s8, s20, $0xb8;
	[tilespmem:$0x13F00] =	vst v63  }
0xe8: {  	_ =	swait.ge [sflag:s0], $0x1000  }
0xe9: {  	[sflag:s0] =	ssyncset.done $0x0  }
0xea: {  	s9 =	simm.s32 $0x280;
	[sflag:s0] =	ssyncadd.s32 $0xFFFFF000  }
0xeb: {  	[tilespmem:s21], [sflag:$0x2] =	stream.indirect.gather [hbm4b:s5+s20], $0x20, s9, s20, $0xb8;
	[tilespmem:$0x13F00] =	vst v63  }
0xec: {  	_ =	swait.ge [sflag:s2], $0x1000  }
0xed: {  	[sflag:s2] =	ssyncset.done $0x0  }
0xee: {  	s13 =	simm.s32 $0x3100;
	[sflag:s2] =	ssyncadd.s32 $0xFFFFF000  }
0xef: {  	[spmem:s3] =	stream.indirect.scatter.add.f32 [tilespmem:s26], [sflag:$0x8], $0x20, s13, s20, $0xb8;
	[tilespmem:$0x13F00] =	vst v63  }
0xf0: {  	_ =	swait.ge [sflag:s1], $0x1000  }
0xf1: {  	[sflag:s1] =	ssyncset.done $0x0  }
0xf2: {  	s14 =	simm.s32 $0x300;
	[sflag:s1] =	ssyncadd.s32 $0xFFFFF000  }
0xf3: {  	[tilespmem:s23], [sflag:$0x3] =	stream.indirect.gather [hbm4b:s5+s20], $0x20, s14, s20, $0xb8;
	[tilespmem:$0x13F00] =	vst v63  }
0xf4: {  	_ =	swait.ge [sflag:s24], $0x1000  }
0xf5: {  	[sflag:s24] =	ssyncset.done $0x0  }
0xf6: {  	s25 =	simm.s32 $0x3180;
	[sflag:s24] =	ssyncadd.s32 $0xFFFFF000  }
0xf7: {  	[spmem:s3] =	stream.indirect.scatter.add.f32 [tilespmem:s17], [sflag:$0x5], $0x20, s25, s20, $0xb8;
	[tilespmem:$0x13F00] =	vst v63  }
0xf8: {  	_ =	swait.ge [sflag:s22], $0x1000  }
0xf9: {  	p1 =	por $0x0, $0x0;
	[sflag:s22] =	ssyncset.done $0x0  }
.Ltmp5:
0xfa: {  	s29 =	simm.s32 $0x380;
	[sflag:s22] =	ssyncadd.s32 $0xFFFFF000;
	(pc) =	sbr.rel @p1 .LBB2_4-.Ltmp5, $4  }
0xfb: {  	[tilespmem:s26], [sflag:$0x4] =	stream.indirect.gather [hbm4b:s5+s20], $0x20, s29, s20, $0xb8;
	[tilespmem:$0x13F00] =	vst v63  }
0xfc: {  	_ =	swait.ge [sflag:s28], $0x1000  }
0xfd: {  	[sflag:s28] =	ssyncset.done $0x0  }
0xfe: {  	s4 =	simm.s32 $0x3200;
	s25 =	simm.s32 $0x800;
	[sflag:s28] =	ssyncadd.s32 $0xFFFFF000  }
.LBB2_3:
0xff: {  	[spmem:s3] =	stream.indirect.scatter.add.f32 [tilespmem:s21], [sflag:$0x6], $0x20, s4, s20, $0xb8;
	[tilespmem:$0x13F00] =	vst v63  }
0x100: {  	s4 =	smov.u32 s25  }
0x101: {  	p1 =	seq.s32 s25, $0xA800;
	s25 =	sadd.s32 $0x800, s25;
	_ =	swait.ge [sflag:s30], $0x1000  }
0x102: {  	s13 =	sshra.s32 s4, $0x2;
	[sflag:s30] =	ssyncset.done $0x0  }
0x103: {  	s4 =	sadd.s32 $0x200, s13;
	[sflag:s30] =	ssyncadd.s32 $0xFFFFF000  }
0x104: {  	[tilespmem:s17], [sflag:$0x1] =	stream.indirect.gather [hbm4b:s5+s20], $0x20, s4, s20, $0xb8;
	[tilespmem:$0x13F00] =	vst v63  }
0x105: {  	_ =	swait.ge [sflag:s31], $0x1000  }
0x106: {  	[sflag:s31] =	ssyncset.done $0x0  }
0x107: {  	s4 =	sadd.s32 $0x3080, s13;
	[sflag:s31] =	ssyncadd.s32 $0xFFFFF000  }
0x108: {  	[spmem:s3] =	stream.indirect.scatter.add.f32 [tilespmem:s23], [sflag:$0x7], $0x20, s4, s20, $0xb8;
	[tilespmem:$0x13F00] =	vst v63  }
0x109: {  	_ =	swait.ge [sflag:s0], $0x1000  }
0x10a: {  	[sflag:s0] =	ssyncset.done $0x0  }
0x10b: {  	s4 =	sadd.s32 $0x280, s13;
	[sflag:s0] =	ssyncadd.s32 $0xFFFFF000  }
0x10c: {  	[tilespmem:s21], [sflag:$0x2] =	stream.indirect.gather [hbm4b:s5+s20], $0x20, s4, s20, $0xb8;
	[tilespmem:$0x13F00] =	vst v63  }
0x10d: {  	_ =	swait.ge [sflag:s2], $0x1000  }
0x10e: {  	[sflag:s2] =	ssyncset.done $0x0  }
0x10f: {  	s4 =	sadd.s32 $0x3100, s13;
	[sflag:s2] =	ssyncadd.s32 $0xFFFFF000  }
0x110: {  	[spmem:s3] =	stream.indirect.scatter.add.f32 [tilespmem:s26], [sflag:$0x8], $0x20, s4, s20, $0xb8;
	[tilespmem:$0x13F00] =	vst v63  }
0x111: {  	_ =	swait.ge [sflag:s1], $0x1000  }
0x112: {  	[sflag:s1] =	ssyncset.done $0x0  }
0x113: {  	s4 =	sadd.s32 $0x300, s13;
	[sflag:s1] =	ssyncadd.s32 $0xFFFFF000  }
0x114: {  	[tilespmem:s23], [sflag:$0x3] =	stream.indirect.gather [hbm4b:s5+s20], $0x20, s4, s20, $0xb8;
	[tilespmem:$0x13F00] =	vst v63  }
0x115: {  	_ =	swait.ge [sflag:s24], $0x1000  }
0x116: {  	[sflag:s24] =	ssyncset.done $0x0  }
0x117: {  	s4 =	sadd.s32 $0x3180, s13;
	[sflag:s24] =	ssyncadd.s32 $0xFFFFF000  }
0x118: {  	[spmem:s3] =	stream.indirect.scatter.add.f32 [tilespmem:s17], [sflag:$0x5], $0x20, s4, s20, $0xb8;
	[tilespmem:$0x13F00] =	vst v63  }
0x119: {  	_ =	swait.ge [sflag:s22], $0x1000  }
0x11a: {  	[sflag:s22] =	ssyncset.done $0x0  }
.Ltmp6:
0x11b: {  	s4 =	sadd.s32 $0x380, s13;
	[sflag:s22] =	ssyncadd.s32 $0xFFFFF000;
	(pc) =	sbr.rel @!p1 .LBB2_3-.Ltmp6, $4  }
0x11c: {  	[tilespmem:s26], [sflag:$0x4] =	stream.indirect.gather [hbm4b:s5+s20], $0x20, s4, s20, $0xb8;
	[tilespmem:$0x13F00] =	vst v63  }
0x11d: {  	_ =	swait.ge [sflag:s28], $0x1000  }
0x11e: {  	[sflag:s28] =	ssyncset.done $0x0  }
0x11f: {  	s4 =	sadd.s32 $0x3200, s13;
	[sflag:s28] =	ssyncadd.s32 $0xFFFFF000  }
.Ltmp7:
0x120: {  	_ = 	snop;
	(pc) =	sbr.rel .LBB2_4-.Ltmp7, $1  }
0x121: {  	_ =	sdelay $0x3  }
.LBB2_9:
0x122: {  	_ =	sfence.sel $0x180000  }
0x123: {  	[bflag:$0x0] =	sbarrier.arrive $0xFFFF  }
0x124: {  	_ =	strace $0x9000004A  }
0x125: {  	s0 =	stileid.u32;
	[bflag:$0x2] =	sbarrier.arrive $0xFFFF  }
0x126: {  	p0 =	sne.s32 s0, $0x0;
	s0 =	rddreg [dreg:$0x3]  }
0x127: {  	s0 =	sadd.s32 @!p0 $0x100000, s0  }
0x128: {  	[sflag:s0] =	ssyncadd.tile.s32 @!p0 $0x1;
	_ =	shalt  }
.Lfunc_end2:
_tile_overlayer_lowered:
.L_overlay_start_2:
0x129: {  	(tag) =	ssettag $0x2  }
0x12a: {  	s0 =	rddreg [dreg:$0x0];
	s2 =	stileid.u32  }
0x12b: {  	s1 =	rddreg [dreg:$0x1];
	p0 =	sne.s32 s2, $0x0  }
0x12c: {  	s3 =	rddreg [dreg:$0x2];
	[bflag:$0x3] =	sbarrier.arrive $0xFFFF;
	s2 =	simm.s32 @!p0 $0x1C09  }
0x12d: {  	[timem:s3], [sflag:s2] =	dma.local @!p0 [hbm:s0], s1  }
0x12e: {  	s0 =	simm.s32 @!p0 $0x9  }
0x12f: {  	_ =	swait.ge @!p0 [sflag:s0], s1  }
0x130: {  	s1 =	ssub.s32 @!p0 $0x0, s1;
	[sflag:s0] =	ssyncset.done @!p0 $0x0  }
0x131: {  	[sflag:s0] =	ssyncadd.s32 @!p0 s1  }
0x132: {  	[bflag:$0x3] =	sbarrier.arrive $0xFFFF  }
0x133: {  	_ =	shalt  }

// kernel: kernel.15.cloned.1.call-start
scs
__scs_entry_jumppad:
0x0: {  	(pc) =	sbr.rel $0x88, $3  }
0x1: {  	(tag) =	ssettag $0x0;
	lr =	simm.s32 $0x1  }
0x2: {  	[smem:$0x3F9B] =	sst lr;
	_ =	strace $0xD0000000  }
0x3: {  	_ = 	snop  }
0x4: {  	_ = 	snop  }
0x5: {  	_ = 	snop  }
0x6: {  	_ = 	snop  }
0x7: {  	_ = 	snop  }
__scs_overlays_trampoline_lowered:
0x8: {  	[smem:$0x3FAA] =	sst s0  }
0x9: {  	[smem:$0x3FAB] =	sst s1  }
0xa: {  	[smem:$0x3FAC] =	sst s2  }
0xb: {  	[smem:$0x3FAD] =	sst s3  }
0xc: {  	[smem:$0x3FAE] =	sst s4  }
0xd: {  	[smem:$0x3FAF] =	sst s5  }
0xe: {  	[smem:$0x3FB0] =	sst s6  }
0xf: {  	[smem:$0x3FB1] =	sst s7  }
0x10: {  	[smem:$0x3FB2] =	sst s8  }
0x11: {  	[smem:$0x3FB3] =	sst s9;
	s0 =	simm.s32 @!p0 $0x0  }
0x12: {  	s1 =	sld [smem:$0x3F99];
	s0 =	simm.s32 @p0 $0x1  }
0x13: {  	[smem:$0x3FB4] =	sst s0;
	s0 =	simm.s32 @!p1 $0x0  }
0x14: {  	s2 =	sld [smem:$0x3F98];
	s0 =	simm.s32 @p1 $0x1  }
0x15: {  	[smem:$0x3FB5] =	sst s0;
	s0 =	simm.s32 @!p2 $0x0  }
0x16: {  	s3 =	sld [smem:$0x3FDB];
	s0 =	simm.s32 @p2 $0x1  }
0x17: {  	s4 =	simm.s32 $0x1BF5;
	[smem:$0x3FB7] =	sst s0  }
0x18: {  	s0 =	sld [smem:$0x3F9A];
	_ =	swait.ge [sflag:s4], $0x0  }
0x19: {  	s7 =	sld [smem:$0x3F9B]  }
0x1a: {  	s8 =	sadd.s32 $0xFFFFE003, lr  }
0x1b: {  	s9 =	sadd.s32 $0xFFFFFEF7, lr;
	s5 =	simm.s32 $0xFFFFFFFF;
	p2 =	slt.u32 s8, $0xFFFFF086  }
0x1c: {  	p1 =	slt.u32 s9, $0xF7A;
	s5 =	simm.s32 @!p2 $0x0  }
0x1d: {  	s5 =	simm.s32 @p1 $0x1;
	p0 =	seq.s32 s7, s2  }
0x1e: {  	s7 =	smul.u32 @!p0 $0xF7A, s2;
	p2 =	seq.s32 @!p0 s5, $0x0  }
0x1f: {  	s9 =	smul.u32 $0xF7A, s1;
	s8 =	simm.s32 @!p0 $0x1BF5;
	p2 =	por !p2, p0  }
0x20: {  	[sflag:s8] =	ssyncset.s32 @!p0 $0xFFFFF086;
	s6 =	sadd.s32 @!p0 s3, s7;
	s7 =	simm.s32 @!p0 $0x108  }
0x21: {  	s3 =	sadd.s32 s3, s9;
	s6 =	sadd.s32 @!p0 $0x88, s6;
	s7 =	simm.s32 @p2 $0x1082  }
0x22: {  	[simem:s7], [sflag:s8] =	dma.local @!p0 [hbm:s6], $0xF7A  }
0x23: {  	s9 =	sor.u32 $0xD0000000, s2;
	s6 =	simm.s32 $0x108;
	_ =	swait.ge @!p0 [sflag:s8], $0x0  }
0x24: {  	s3 =	sadd.s32 $0x88, s3;
	s6 =	simm.s32 @!p1 $0x1082;
	[sflag:s4] =	ssyncset.s32 $0xFFFFF086  }
0x25: {  	[simem:s6], [sflag:s4] =	dma.local [hbm:s3], $0xF7A  }
0x26: {  	[smem:$0x3F9B] =	sst s1;
	(tag) =	ssettag s2;
	_ =	strace s9  }
0x27: {  	s1 =	sld [smem:$0x3FAB]  }
0x28: {  	s2 =	sld [smem:$0x3FAC]  }
0x29: {  	s4 =	sld [smem:$0x3FAE]  }
0x2a: {  	p0 =	seq.s32 s5, $0x0;
	s5 =	sld [smem:$0x3FAF]  }
0x2b: {  	s6 =	sld [smem:$0x3FB0]  }
0x2c: {  	s7 =	sld [smem:$0x3FB1]  }
0x2d: {  	s3 =	simm.s32 $0x108;
	s8 =	sld [smem:$0x3FB2]  }
0x2e: {  	s3 =	simm.s32 @!p0 $0x1082;
	s9 =	sld [smem:$0x3FB3]  }
0x2f: {  	lr =	sadd.s32 s0, s3;
	s0 =	sld [smem:$0x3FAA]  }
0x30: {  	s3 =	sld [smem:$0x3FAD]  }
0x31: {  	[smem:$0x3FB6] =	sst s10  }
0x32: {  	s10 =	sld [smem:$0x3FB4];
	_ =	sdelay $0x3  }
0x33: {  	p0 =	seq.s32 s10, $0x1;
	s10 =	sld [smem:$0x3FB6];
	_ =	sdelay $0x3  }
0x34: {  	[smem:$0x3FB6] =	sst s10  }
0x35: {  	s10 =	sld [smem:$0x3FB5];
	_ =	sdelay $0x3  }
0x36: {  	p1 =	seq.s32 s10, $0x1;
	s10 =	sld [smem:$0x3FB6];
	_ =	sdelay $0x3  }
0x37: {  	[smem:$0x3FB6] =	sst s10  }
0x38: {  	s10 =	sld [smem:$0x3FB7]  }
0x39: {  	_ = 	snop;
	(pc) =	sbr.ind lr, $3  }
0x3a: {  	_ = 	snop  }
0x3b: {  	_ = 	snop  }
0x3c: {  	p2 =	seq.s32 s10, $0x1;
	s10 =	sld [smem:$0x3FB6]  }
0x3d: {  	_ =	shalt  }
0x3e: {  	_ =	shalt  }
0x3f: {  	_ =	shalt  }
0x40: {  	_ =	shalt  }
0x41: {  	_ =	shalt  }
0x42: {  	_ =	shalt  }
0x43: {  	_ =	shalt  }
0x44: {  	_ =	shalt  }
0x45: {  	_ =	shalt  }
0x46: {  	_ =	shalt  }
0x47: {  	_ =	shalt  }
0x48: {  	_ =	shalt  }
0x49: {  	_ =	shalt  }
0x4a: {  	_ =	shalt  }
0x4b: {  	_ =	shalt  }
0x4c: {  	_ =	shalt  }
0x4d: {  	_ =	shalt  }
0x4e: {  	_ =	shalt  }
0x4f: {  	_ =	shalt  }
0x50: {  	_ =	shalt  }
0x51: {  	_ =	shalt  }
0x52: {  	_ =	shalt  }
0x53: {  	_ =	shalt  }
0x54: {  	_ =	shalt  }
0x55: {  	_ =	shalt  }
0x56: {  	_ =	shalt  }
0x57: {  	_ =	shalt  }
0x58: {  	_ =	shalt  }
0x59: {  	_ =	shalt  }
0x5a: {  	_ =	shalt  }
0x5b: {  	_ =	shalt  }
0x5c: {  	_ =	shalt  }
0x5d: {  	_ =	shalt  }
0x5e: {  	_ =	shalt  }
0x5f: {  	_ =	shalt  }
0x60: {  	_ =	shalt  }
0x61: {  	_ =	shalt  }
0x62: {  	_ =	shalt  }
0x63: {  	_ =	shalt  }
0x64: {  	_ =	shalt  }
0x65: {  	_ =	shalt  }
0x66: {  	_ =	shalt  }
0x67: {  	_ =	shalt  }
0x68: {  	_ =	shalt  }
0x69: {  	_ =	shalt  }
0x6a: {  	_ =	shalt  }
0x6b: {  	_ =	shalt  }
0x6c: {  	_ =	shalt  }
0x6d: {  	_ =	shalt  }
0x6e: {  	_ =	shalt  }
0x6f: {  	_ =	shalt  }
0x70: {  	_ =	shalt  }
0x71: {  	_ =	shalt  }
0x72: {  	_ =	shalt  }
0x73: {  	_ =	shalt  }
0x74: {  	_ =	shalt  }
0x75: {  	_ =	shalt  }
0x76: {  	_ =	shalt  }
0x77: {  	_ =	shalt  }
0x78: {  	_ =	shalt  }
0x79: {  	_ =	shalt  }
0x7a: {  	_ =	shalt  }
0x7b: {  	_ =	shalt  }
0x7c: {  	_ =	shalt  }
0x7d: {  	_ =	shalt  }
0x7e: {  	_ =	shalt  }
0x7f: {  	_ =	shalt  }
0x80: {  	_ =	shalt  }
0x81: {  	_ =	shalt  }
0x82: {  	_ =	shalt  }
0x83: {  	_ =	shalt  }
0x84: {  	_ =	shalt  }
0x85: {  	_ =	shalt  }
0x86: {  	_ =	shalt  }
0x87: {  	_ =	shalt  }
.Lfunc_end0:
.L_simem_size_0:
called_computation.2_lowered:
.L_overlay_start_0:
0x88: {  	s2 =	sld [smem:$0x3FD9]  }
0x89: {  	s3 =	sld [smem:$0x3FFE];
	_ =	sdelay $0x1  }
0x8a: {  	s1 =	srdreg.scid  }
0x8b: {  	s0 =	sand.u32 $0x1, s1  }
0x8c: {  	s16 =	sshll.u32 s0, $0xA;
	s2 =	sadd.s32 s3, s2  }
0x8d: {  	s2 =	sadd.s32 s2, s16  }
0x8e: {  	[smem:$0x3FC2] =	sst s2  }
0x8f: {  	_ = 	snop  }
0x90: {  	(tm) =	ssettm $0x1  }
0x91: {  	s17 =	sld [smem:$0x3FFB];
	_ =	sdelay $0x3  }
0x92: {  	_ =	strace s17  }
0x93: {  	s2 =	sld [smem:$0x3FFC];
	_ =	sdelay $0x3  }
0x94: {  	_ =	strace s2  }
0x95: {  	s2 =	sld [smem:$0x3FFD];
	_ =	sdelay $0x3  }
0x96: {  	_ =	strace s2  }
0x97: {  	_ =	strace $0x8FFFFFFF  }
0x98: {  	s18 =	sld [smem:$0x3FDB];
	_ =	sdelay $0x1  }
0x99: {  	s19 =	simm.s32 $_scs_section_size  }
0x9a: {  	s4 =	simm.s32 $_size__tile_overlayer_lowered;
	s5 =	simm.s32 $_tile_overlayer_lowered  }
0x9b: {  	s22 =	simm.s32 $0x1BFF;
	s21 =	sshll.u32 s5, $0x1;
	s2 =	sadd.s32 s19, s18  }
0x9c: {  	s6 =	simm.s32 $0x0;
	s20 =	sshll.u32 s4, $0x1;
	s4 =	sadd.s32 s21, s2  }
0x9d: {  	[timem:s6], [sflag:s22] =	dma.local [hbm:s4], s20  }
0x9e: {  	_ =	swait.ge [sflag:s22], s20  }
0x9f: {  	s3 =	ssub.s32 $0x0, s20;
	[sflag:s22] =	ssyncset.done $0x0  }
0xa0: {  	[sflag:s22] =	ssyncadd.s32 s3;
	_ =	sdelay $0x1  }
0xa1: {  	s23 =	simm.s32 $0x1B8B  }
0xa2: {  	_ =	swait.ge [sflag:s23], $0x1  }
0xa3: {  	[sflag:s23] =	ssyncset.done $0x0  }
0xa4: {  	s25 =	simm.s32 $0x1B8E;
	s24 =	sld [smem:$0x3FFE];
	[sflag:s23] =	ssyncadd.s32 $0xFFFFFFFF  }
0xa5: {  	s26 =	simm.s32 $execute0_lowered;
	[smem:$0x3FD2] =	sst s25  }
0xa6: {  	s4 =	sshll.u32 s26, $0x1;
	_ =	strace $0x8000004C;
	[dreg:$0x1] =	wrdreg $0xFFFFFFFF  }
0xa7: {  	s28 =	simm.s32 $_size_execute0_lowered;
	s2 =	sadd.s32 s2, s4;
	[dreg:$0x0] =	wrdreg $0x0  }
0xa8: {  	s4 =	sshll.u32 s28, $0x1;
	[dreg:$0x2] =	wrdreg s2  }
0xa9: {  	[dreg:$0x3] =	wrdreg s4  }
0xaa: {  	[dreg:$0x4] =	wrdreg $0xC0  }
0xab: {  	_ =	task [dreg:s6], $0x5FFFF  }
0xac: {  	[dreg:$0x1] =	wrdreg $0xFFFFFFFF  }
0xad: {  	[dreg:$0x0] =	wrdreg $0x60  }
0xae: {  	[dreg:$0x2] =	wrdreg s24  }
0xaf: {  	[dreg:$0x3] =	wrdreg $0x83000  }
0xb0: {  	[dreg:$0x4] =	wrdreg $0x9  }
0xb1: {  	_ =	task.clear_ibuf [dreg:s6], $0x5FFFF;
	_ =	strace $0x9000004C  }
0xb2: {  	s29 =	simm.s32 $0x9;
	_ =	strace $0x8000004E  }
0xb3: {  	_ =	swait.ge [sflag:s29], $0x1  }
0xb4: {  	[sflag:s29] =	ssyncadd.s32 $0xFFFFFFFF  }
0xb5: {  	_ =	strace $0x9000004E  }
0xb6: {  	_ =	sfence  }
0xb7: {  	s30 =	sld [smem:$0x0];
	_ =	sdelay $0x2  }
0xb8: {  	s31 =	sshll.u32 s1, $0xD;
	s1 =	sshrl.u32 s1, $0x2  }
0xb9: {  	s3 =	sand.u32 $0x4000, s31;
	s1 =	sadd.s32 s1, s30  }
0xba: {  	s0 =	sor.u32 s3, s0;
	s1 =	sshll.u32 s1, $0x11  }
0xbb: {  	s0 =	sor.u32 s1, s0  }
0xbc: {  	s0 =	sadd.s32 $0x8F2B, s0  }
0xbd: {  	[sflag:s0] =	ssyncadd.remote.s32 $0x1  }
0xbe: {  	_ =	sfence.sel $0xFFFF  }
0xbf: {  	[dreg:$0x0] =	wrdreg $0xFFFFFFFF;
	(pc) =	sbr.abs _section_cstart, $3  }
0xc0: {  	[dreg:$0x1] =	wrdreg $0xFFFFFFFF  }
0xc1: {  	_ =	task.clear_ibuf [dreg:s6], $0x2FFFF;
	_ =	strace $0x9FFFFFFF  }
0xc2: {  	(tm) =	ssettm $0x7FFFFFFF  }
0xc3: {  	_ =	shalt  }
tec
execute0_lowered:
.L_overlay_start_1:
0x0: {  	(tag) =	ssettag $0x1  }
0x1: {  	s0 =	rddreg [dreg:$0x0]  }
0x2: {  	s2 =	rddreg [dreg:$0x1]  }
0x3: {  	s13 =	simm.s32 $0x0;
	s1 =	srdreg.scid;
	s11 =	stileid.u32  }
0x4: {  	s28 =	simm.s32 $0x2;
	s30 =	simm.s32 $0x5;
	s31 =	simm.s32 $0x3  }
0x5: {  	s12 =	simm.s32 $0x6F00;
	[smem:$0x7FF] =	sst s13;
	s3 =	smul.u32 $0x1400, s11  }
0x6: {  	s1 =	sand.u32 $0x1, s1;
	s4 =	sadd.s32 $0xB000, s0;
	s6 =	smul.u32 $0x5000, s11  }
0x7: {  	s7 =	sadd.s32 $0x10000, s0;
	s8 =	sadd.s32 $0x1000, s0;
	s21 =	smul.u32 $0x1F80, s11  }
0x8: {  	s9 =	sadd.s32 $0xAE00, s0;
	s11 =	smul.u32 $0x5F0, s11;
	_ =	strace $0x8000004D  }
0x9: {  	s5 =	smul.u32 $0x14000, s1;
	[dreg:$0x3] =	wrdreg s9;
	s17 =	ssub.s32 $0x2, s1  }
0xa: {  	p0 =	seq.s32 s1, $0x1;
	s10 =	sshrl.u32 s17, $0x1;
	s6 =	sshrl.u32 s6, $0x2  }
0xb: {  	s24 =	sshrl.u32 s21, $0x3;
	s25 =	sadd.s32 s7, s11;
	s26 =	sadd.s32 s8, s11  }
0xc: {  	s21 =	simm.s32 $0x6300;
	s11 =	simm.s32 $0x8;
	s5 =	sadd.s32 s3, s5  }
0xd: {  	s18 =	ssub.s32 s17, s10;
	s19 =	sadd.s32 s6, s2;
	[dreg:$0x7] =	wrdreg s25  }
0xe: {  	s6 =	sadd.s32 s3, s2;
	[dreg:$0x8] =	wrdreg s26;
	s1 =	sadd.s32 $0x5F00, s24  }
0xf: {  	s17 =	simm.s32 $0x5F00;
	s24 =	simm.s32 $0x1;
	s26 =	simm.s32 $0x6B00  }
0x10: {  	s25 =	simm.s32 $0x0;
	s5 =	sshrl.u32 s5, $0x3;
	s20 =	sadd.s32 $0x400, s19  }
0x11: {  	s22 =	sadd.s32 $0x800, s19;
	s23 =	sadd.s32 $0xC00, s19;
	[dreg:$0x4] =	wrdreg s20  }
0x12: {  	s10 =	sadd.s32 $0x1000, s19;
	s29 =	sadd.s32 s7, s1;
	[dreg:$0x5] =	wrdreg s22  }
.Ltmp0:
0x13: {  	s1 =	sadd.s32 s8, s1;
	[dreg:$0x6] =	wrdreg s23;
	(pc) =	sbr.rel .LBB2_1-.Ltmp0, $4  }
0x14: {  	s16 =	smax.u32 s18, $0x1;
	s18 =	simm.s32 $0x9;
	[dreg:$0x9] =	wrdreg s29  }
0x15: {  	s19 =	simm.s32 $0x2F80;
	s0 =	sadd.s32 s5, s0;
	[dreg:$0xa] =	wrdreg s1  }
0x16: {  	s20 =	simm.s32 $0x80;
	s23 =	simm.s32 $0x6700;
	s1 =	simm.s32 $0x4  }
0x17: {  	s22 =	simm.s32 $0x7;
	s15 =	sadd.s32 $0x19E00, s0;
	s0 =	simm.s32 $0x6  }
.LBB2_4:
0x18: {  	[spmem:s2] =	stream.indirect.scatter.add.f32 [tilespmem:s21], [sflag:$0x6], $0x8, s3, s20, $0xb8;
	[tilespmem:$0x9700] =	vst v63  }
0x19: {  	s13 =	simm.s32 $0x5E80;
	s14 =	simm.s32 $0x5E00  }
0x1a: {  	s29 =	simm.s32 $0x5D80;
	s3 =	simm.s32 $0x2F00;
	s5 =	simm.s32 $0x5D00  }
0x1b: {  	s7 =	simm.s32 $0x2E80;
	s8 =	simm.s32 $0x5C80;
	s9 =	simm.s32 $0x2E00  }
.LBB2_8:
0x1c: {  	_ =	swait.ge [sflag:s30], $0x400  }
0x1d: {  	[sflag:s30] =	ssyncset.done $0x0  }
0x1e: {  	[sflag:s30] =	ssyncadd.s32 $0xFFFFFC00  }
0x1f: {  	[tilespmem:s17], [sflag:$0x1] =	stream.indirect.gather [hbm4b:s4+s20], $0x8, s9, s20, $0xb8;
	[tilespmem:$0x9700] =	vst v63  }
0x20: {  	_ =	swait.ge [sflag:s31], $0x400  }
0x21: {  	[sflag:s31] =	ssyncset.done $0x0  }
0x22: {  	[sflag:s31] =	ssyncadd.s32 $0xFFFFFC00  }
0x23: {  	[spmem:s2] =	stream.indirect.scatter.add.f32 [tilespmem:s23], [sflag:$0x7], $0x8, s8, s20, $0xb8;
	[tilespmem:$0x9700] =	vst v63  }
0x24: {  	_ =	swait.ge [sflag:s0], $0x400  }
0x25: {  	[sflag:s0] =	ssyncset.done $0x0  }
0x26: {  	[sflag:s0] =	ssyncadd.s32 $0xFFFFFC00  }
0x27: {  	[tilespmem:s21], [sflag:$0x2] =	stream.indirect.gather [hbm4b:s4+s20], $0x8, s7, s20, $0xb8;
	[tilespmem:$0x9700] =	vst v63  }
0x28: {  	_ =	swait.ge [sflag:s1], $0x400  }
0x29: {  	[sflag:s1] =	ssyncset.done $0x0  }
0x2a: {  	[sflag:s1] =	ssyncadd.s32 $0xFFFFFC00  }
0x2b: {  	[spmem:s2] =	stream.indirect.scatter.add.f32 [tilespmem:s26], [sflag:$0x8], $0x8, s5, s20, $0xb8;
	[tilespmem:$0x9700] =	vst v63  }
0x2c: {  	_ =	swait.ge [sflag:s22], $0x400  }
0x2d: {  	[sflag:s22] =	ssyncset.done $0x0  }
0x2e: {  	[sflag:s22] =	ssyncadd.s32 $0xFFFFFC00  }
0x2f: {  	[tilespmem:s23], [sflag:$0x3] =	stream.indirect.gather [hbm4b:s4+s20], $0x8, s3, s20, $0xb8;
	[tilespmem:$0x9700] =	vst v63  }
0x30: {  	_ =	swait.ge [sflag:s24], $0x400  }
0x31: {  	[sflag:s24] =	ssyncset.done $0x0  }
0x32: {  	[sflag:s24] =	ssyncadd.s32 $0xFFFFFC00  }
0x33: {  	[spmem:s2] =	stream.indirect.scatter.add.f32 [tilespmem:s17], [sflag:$0x5], $0x8, s29, s20, $0xb8;
	[tilespmem:$0x9700] =	vst v63  }
0x34: {  	_ =	swait.ge [sflag:s28], $0x400  }
0x35: {  	[sflag:s28] =	ssyncset.done $0x0  }
0x36: {  	[sflag:s28] =	ssyncadd.s32 $0xFFFFFC00  }
0x37: {  	[spmem:s2] =	stream.indirect.scatter.add.f32 [tilespmem:s21], [sflag:$0x6], $0x8, s14, s20, $0xb8;
	[tilespmem:$0x9700] =	vst v63  }
0x38: {  	_ =	swait.ge [sflag:s31], $0x400  }
0x39: {  	[sflag:s31] =	ssyncset.done $0x0  }
0x3a: {  	[sflag:s31] =	ssyncadd.s32 $0xFFFFFC00  }
0x3b: {  	[spmem:s2] =	stream.indirect.scatter.add.f32 [tilespmem:s23], [sflag:$0x7], $0x8, s13, s20, $0xb8;
	[tilespmem:$0x9700] =	vst v63  }
0x3c: {  	_ =	swait.ge [sflag:s11], $0x400  }
0x3d: {  	[sflag:s11] =	ssyncset.done $0x0  }
0x3e: {  	[sflag:s11] =	ssyncadd.s32 $0xFFFFFC00  }
0x3f: {  	_ =	swait.ge [sflag:s30], $0x400  }
0x40: {  	[sflag:s30] =	ssyncset.done $0x0  }
0x41: {  	[sflag:s30] =	ssyncadd.s32 $0xFFFFFC00  }
0x42: {  	_ =	swait.ge [sflag:s0], $0x400  }
0x43: {  	[sflag:s0] =	ssyncset.done $0x0  }
0x44: {  	[sflag:s0] =	ssyncadd.s32 $0xFFFFFC00  }
0x45: {  	_ =	swait.ge [sflag:s22], $0x400  }
0x46: {  	[sflag:s22] =	ssyncset.done $0x0  }
0x47: {  	[sflag:s22] =	ssyncadd.s32 $0xFFFFFC00  }
0x48: {  	[bflag:$0x0] =	sbarrier.arrive $0xFFFF  }
0x49: {  	[tilespmem:s12], [sflag:$0x9] =	stream.linear.gather [spmem:s6], $0x1400, $0x38;
	[tilespmem:$0x9700] =	vst v63  }
0x4a: {  	s25 =	sadd.s32 $0x1, s25;
	_ =	swait.ge [sflag:s18], $0x1400  }
0x4b: {  	p1 =	sne.s32 s25, s16;
	[sflag:s18] =	ssyncset.done $0x0  }
.Ltmp1:
0x4c: {  	s13 =	simm.s32 $0x0;
	[sflag:s18] =	ssyncadd.s32 $0xFFFFEC00;
	(pc) =	sbr.rel @!p1 .LBB2_9-.Ltmp1, $4  }
0x4d: {  	[hbm4b:s15+s13] =	stream.linear.scatter [tilespmem:s12], [sflag:$0x9], $0x1400, $0x38;
	[tilespmem:$0x9700] =	vst v63  }
0x4e: {  	_ =	swait.ge [sflag:s18], $0x1400  }
0x4f: {  	[sflag:s18] =	ssyncset.done $0x0  }
0x50: {  	[sflag:s18] =	ssyncadd.s32 $0xFFFFEC00  }
.LBB2_1:
0x51: {  	s3 =	rddreg [dreg:$0x3]  }
0x52: {  	[tilespmem:s17], [sflag:$0x9] =	stream.linear.gather [hbm4b:s3+s13], $0x400, $0x38;
	[tilespmem:$0x9700] =	vst v63  }
0x53: {  	_ =	swait.ge [sflag:s18], $0x400  }
0x54: {  	[sflag:s18] =	ssyncset.done $0x0  }
0x55: {  	[sflag:s18] =	ssyncadd.s32 $0xFFFFFC00  }
0x56: {  	[spmem:s6] =	stream.linear.scatter [tilespmem:s17], [sflag:$0x9], $0x400, $0x38;
	[tilespmem:$0x9700] =	vst v63  }
0x57: {  	_ =	swait.ge [sflag:s18], $0x400  }
0x58: {  	[sflag:s18] =	ssyncset.done $0x0  }
0x59: {  	s13 =	rddreg [dreg:$0x4];
	[sflag:s18] =	ssyncadd.s32 $0xFFFFFC00  }
0x5a: {  	[spmem:s13] =	stream.linear.scatter [tilespmem:s17], [sflag:$0x9], $0x400, $0x38;
	[tilespmem:$0x9700] =	vst v63  }
0x5b: {  	_ =	swait.ge [sflag:s18], $0x400  }
0x5c: {  	[sflag:s18] =	ssyncset.done $0x0  }
0x5d: {  	s14 =	rddreg [dreg:$0x5];
	[sflag:s18] =	ssyncadd.s32 $0xFFFFFC00  }
0x5e: {  	[spmem:s14] =	stream.linear.scatter [tilespmem:s17], [sflag:$0x9], $0x400, $0x38;
	[tilespmem:$0x9700] =	vst v63  }
0x5f: {  	_ =	swait.ge [sflag:s18], $0x400  }
0x60: {  	[sflag:s18] =	ssyncset.done $0x0  }
0x61: {  	s29 =	rddreg [dreg:$0x6];
	[sflag:s18] =	ssyncadd.s32 $0xFFFFFC00  }
0x62: {  	[spmem:s29] =	stream.linear.scatter [tilespmem:s17], [sflag:$0x9], $0x400, $0x38;
	[tilespmem:$0x9700] =	vst v63  }
0x63: {  	_ =	swait.ge [sflag:s18], $0x400  }
0x64: {  	[sflag:s18] =	ssyncset.done $0x0  }
0x65: {  	[sflag:s18] =	ssyncadd.s32 $0xFFFFFC00  }
0x66: {  	[spmem:s10] =	stream.linear.scatter [tilespmem:s17], [sflag:$0x9], $0x400, $0x38;
	[tilespmem:$0x9700] =	vst v63  }
.Ltmp2:
0x67: {  	_ =	swait.ge [sflag:s18], $0x400;
	(pc) =	sbr.rel @!p0 .LBB2_2-.Ltmp2, $4  }
0x68: {  	[sflag:s18] =	ssyncset.done $0x0  }
0x69: {  	[sflag:s18] =	ssyncadd.s32 $0xFFFFFC00  }
0x6a: {  	[bflag:$0x0] =	sbarrier.arrive $0xFFFF  }
0x6b: {  	s3 =	simm.s32 $0x0  }
0x6c: {  	s5 =	rddreg [dreg:$0x9]  }
0x6d: {  	[tilespmem:s3], [sflag:$0x9] =	stream.linear.gather [hbm4b:s5+s3], $0x1F80, $0x38;
	[tilespmem:$0x9700] =	vst v63  }
0x6e: {  	_ =	swait.ge [sflag:s18], $0x1F80  }
0x6f: {  	[sflag:s18] =	ssyncset.done $0x0  }
0x70: {  	s9 =	rddreg [dreg:$0xa];
	[sflag:s18] =	ssyncadd.s32 $0xFFFFE080  }
0x71: {  	[tilespmem:s19], [sflag:$0x9] =	stream.linear.gather [hbm4b:s9+s3], $0x1F80, $0x38;
	[tilespmem:$0x9700] =	vst v63  }
0x72: {  	_ =	swait.ge [sflag:s18], $0x1F80  }
0x73: {  	[sflag:s18] =	ssyncset.done $0x0  }
0x74: {  	[sflag:s18] =	ssyncadd.s32 $0xFFFFE080  }
0x75: {  	[tilespmem:s17], [sflag:$0x1] =	stream.indirect.gather [hbm4b:s4+s20], $0x8, s3, s20, $0xb8;
	[tilespmem:$0x9700] =	vst v63  }
0x76: {  	_ = 	snop  }
0x77: {  	[tilespmem:s21], [sflag:$0x2] =	stream.indirect.gather [hbm4b:s4+s20], $0x8, s20, s20, $0xb8;
	[tilespmem:$0x9700] =	vst v63  }
0x78: {  	s13 =	simm.s32 $0x100  }
0x79: {  	[tilespmem:s23], [sflag:$0x3] =	stream.indirect.gather [hbm4b:s4+s20], $0x8, s13, s20, $0xb8;
	[tilespmem:$0x9700] =	vst v63  }
0x7a: {  	_ =	swait.ge [sflag:s24], $0x400  }
0x7b: {  	[sflag:s24] =	ssyncset.done $0x0  }
0x7c: {  	[sflag:s24] =	ssyncadd.s32 $0xFFFFFC00  }
0x7d: {  	[spmem:s2] =	stream.indirect.scatter.add.f32 [tilespmem:s17], [sflag:$0x5], $0x8, s19, s20, $0xb8;
	[tilespmem:$0x9700] =	vst v63  }
0x7e: {  	s14 =	simm.s32 $0x180  }
0x7f: {  	[tilespmem:s26], [sflag:$0x4] =	stream.indirect.gather [hbm4b:s4+s20], $0x8, s14, s20, $0xb8;
	[tilespmem:$0x9700] =	vst v63  }
0x80: {  	_ =	swait.ge [sflag:s28], $0x400  }
0x81: {  	[sflag:s28] =	ssyncset.done $0x0  }
0x82: {  	s29 =	simm.s32 $0x3000;
	[sflag:s28] =	ssyncadd.s32 $0xFFFFFC00  }
0x83: {  	[spmem:s2] =	stream.indirect.scatter.add.f32 [tilespmem:s21], [sflag:$0x6], $0x8, s29, s20, $0xb8;
	[tilespmem:$0x9700] =	vst v63  }
0x84: {  	_ =	swait.ge [sflag:s30], $0x400  }
0x85: {  	[sflag:s30] =	ssyncset.done $0x0  }
0x86: {  	s5 =	simm.s32 $0x200;
	[sflag:s30] =	ssyncadd.s32 $0xFFFFFC00  }
0x87: {  	[tilespmem:s17], [sflag:$0x1] =	stream.indirect.gather [hbm4b:s4+s20], $0x8, s5, s20, $0xb8;
	[tilespmem:$0x9700] =	vst v63  }
0x88: {  	_ =	swait.ge [sflag:s31], $0x400  }
0x89: {  	[sflag:s31] =	ssyncset.done $0x0  }
0x8a: {  	s7 =	simm.s32 $0x3080;
	[sflag:s31] =	ssyncadd.s32 $0xFFFFFC00  }
0x8b: {  	[spmem:s2] =	stream.indirect.scatter.add.f32 [tilespmem:s23], [sflag:$0x7], $0x8, s7, s20, $0xb8;
	[tilespmem:$0x9700] =	vst v63  }
0x8c: {  	_ =	swait.ge [sflag:s0], $0x400  }
0x8d: {  	[sflag:s0] =	ssyncset.done $0x0  }
0x8e: {  	s8 =	simm.s32 $0x280;
	[sflag:s0] =	ssyncadd.s32 $0xFFFFFC00  }
0x8f: {  	[tilespmem:s21], [sflag:$0x2] =	stream.indirect.gather [hbm4b:s4+s20], $0x8, s8, s20, $0xb8;
	[tilespmem:$0x9700] =	vst v63  }
0x90: {  	_ =	swait.ge [sflag:s1], $0x400  }
0x91: {  	[sflag:s1] =	ssyncset.done $0x0  }
0x92: {  	s9 =	simm.s32 $0x3100;
	[sflag:s1] =	ssyncadd.s32 $0xFFFFFC00  }
0x93: {  	[spmem:s2] =	stream.indirect.scatter.add.f32 [tilespmem:s26], [sflag:$0x8], $0x8, s9, s20, $0xb8;
	[tilespmem:$0x9700] =	vst v63  }
0x94: {  	_ =	swait.ge [sflag:s22], $0x400  }
0x95: {  	[sflag:s22] =	ssyncset.done $0x0  }
0x96: {  	s13 =	simm.s32 $0x300;
	[sflag:s22] =	ssyncadd.s32 $0xFFFFFC00  }
0x97: {  	[tilespmem:s23], [sflag:$0x3] =	stream.indirect.gather [hbm4b:s4+s20], $0x8, s13, s20, $0xb8;
	[tilespmem:$0x9700] =	vst v63  }
0x98: {  	_ =	swait.ge [sflag:s24], $0x400  }
0x99: {  	[sflag:s24] =	ssyncset.done $0x0  }
0x9a: {  	s14 =	simm.s32 $0x3180;
	[sflag:s24] =	ssyncadd.s32 $0xFFFFFC00  }
0x9b: {  	[spmem:s2] =	stream.indirect.scatter.add.f32 [tilespmem:s17], [sflag:$0x5], $0x8, s14, s20, $0xb8;
	[tilespmem:$0x9700] =	vst v63  }
0x9c: {  	_ =	swait.ge [sflag:s11], $0x400  }
0x9d: {  	[sflag:s11] =	ssyncset.done $0x0  }
0x9e: {  	s29 =	simm.s32 $0x380;
	[sflag:s11] =	ssyncadd.s32 $0xFFFFFC00  }
0x9f: {  	[tilespmem:s26], [sflag:$0x4] =	stream.indirect.gather [hbm4b:s4+s20], $0x8, s29, s20, $0xb8;
	[tilespmem:$0x9700] =	vst v63  }
0xa0: {  	_ =	swait.ge [sflag:s28], $0x400  }
0xa1: {  	[sflag:s28] =	ssyncset.done $0x0  }
0xa2: {  	s3 =	simm.s32 $0x3200;
	s13 =	simm.s32 $0x800;
	[sflag:s28] =	ssyncadd.s32 $0xFFFFFC00  }
.LBB2_6:
0xa3: {  	[spmem:s2] =	stream.indirect.scatter.add.f32 [tilespmem:s21], [sflag:$0x6], $0x8, s3, s20, $0xb8;
	[tilespmem:$0x9700] =	vst v63  }
0xa4: {  	s3 =	smov.u32 s13  }
0xa5: {  	p1 =	sne.s32 s13, $0x6800;
	s13 =	sadd.s32 $0x800, s13;
	_ =	swait.ge [sflag:s30], $0x400  }
0xa6: {  	s14 =	sshra.s32 s3, $0x2;
	[sflag:s30] =	ssyncset.done $0x0  }
0xa7: {  	s3 =	sadd.s32 $0x200, s14;
	[sflag:s30] =	ssyncadd.s32 $0xFFFFFC00  }
0xa8: {  	[tilespmem:s17], [sflag:$0x1] =	stream.indirect.gather [hbm4b:s4+s20], $0x8, s3, s20, $0xb8;
	[tilespmem:$0x9700] =	vst v63  }
0xa9: {  	_ =	swait.ge [sflag:s31], $0x400  }
0xaa: {  	[sflag:s31] =	ssyncset.done $0x0  }
0xab: {  	s3 =	sadd.s32 $0x3080, s14;
	[sflag:s31] =	ssyncadd.s32 $0xFFFFFC00  }
0xac: {  	[spmem:s2] =	stream.indirect.scatter.add.f32 [tilespmem:s23], [sflag:$0x7], $0x8, s3, s20, $0xb8;
	[tilespmem:$0x9700] =	vst v63  }
0xad: {  	_ =	swait.ge [sflag:s0], $0x400  }
0xae: {  	[sflag:s0] =	ssyncset.done $0x0  }
0xaf: {  	s3 =	sadd.s32 $0x280, s14;
	[sflag:s0] =	ssyncadd.s32 $0xFFFFFC00  }
0xb0: {  	[tilespmem:s21], [sflag:$0x2] =	stream.indirect.gather [hbm4b:s4+s20], $0x8, s3, s20, $0xb8;
	[tilespmem:$0x9700] =	vst v63  }
0xb1: {  	_ =	swait.ge [sflag:s1], $0x400  }
0xb2: {  	[sflag:s1] =	ssyncset.done $0x0  }
0xb3: {  	s3 =	sadd.s32 $0x3100, s14;
	[sflag:s1] =	ssyncadd.s32 $0xFFFFFC00  }
0xb4: {  	[spmem:s2] =	stream.indirect.scatter.add.f32 [tilespmem:s26], [sflag:$0x8], $0x8, s3, s20, $0xb8;
	[tilespmem:$0x9700] =	vst v63  }
0xb5: {  	_ =	swait.ge [sflag:s22], $0x400  }
0xb6: {  	[sflag:s22] =	ssyncset.done $0x0  }
0xb7: {  	s3 =	sadd.s32 $0x300, s14;
	[sflag:s22] =	ssyncadd.s32 $0xFFFFFC00  }
0xb8: {  	[tilespmem:s23], [sflag:$0x3] =	stream.indirect.gather [hbm4b:s4+s20], $0x8, s3, s20, $0xb8;
	[tilespmem:$0x9700] =	vst v63  }
0xb9: {  	_ =	swait.ge [sflag:s24], $0x400  }
0xba: {  	[sflag:s24] =	ssyncset.done $0x0  }
0xbb: {  	s3 =	sadd.s32 $0x3180, s14;
	[sflag:s24] =	ssyncadd.s32 $0xFFFFFC00  }
0xbc: {  	[spmem:s2] =	stream.indirect.scatter.add.f32 [tilespmem:s17], [sflag:$0x5], $0x8, s3, s20, $0xb8;
	[tilespmem:$0x9700] =	vst v63  }
0xbd: {  	_ =	swait.ge [sflag:s11], $0x400  }
0xbe: {  	[sflag:s11] =	ssyncset.done $0x0  }
.Ltmp3:
0xbf: {  	s3 =	sadd.s32 $0x380, s14;
	[sflag:s11] =	ssyncadd.s32 $0xFFFFFC00;
	(pc) =	sbr.rel @p1 .LBB2_6-.Ltmp3, $4  }
0xc0: {  	[tilespmem:s26], [sflag:$0x4] =	stream.indirect.gather [hbm4b:s4+s20], $0x8, s3, s20, $0xb8;
	[tilespmem:$0x9700] =	vst v63  }
0xc1: {  	_ =	swait.ge [sflag:s28], $0x400  }
0xc2: {  	[sflag:s28] =	ssyncset.done $0x0  }
0xc3: {  	s3 =	sadd.s32 $0x3200, s14;
	[sflag:s28] =	ssyncadd.s32 $0xFFFFFC00  }
.Ltmp4:
0xc4: {  	(pc) =	sbr.rel .LBB2_8-.Ltmp4, $4  }
0xc5: {  	[spmem:s2] =	stream.indirect.scatter.add.f32 [tilespmem:s21], [sflag:$0x6], $0x8, s3, s20, $0xb8;
	[tilespmem:$0x9700] =	vst v63  }
0xc6: {  	s13 =	simm.s32 $0x4E80;
	s14 =	simm.s32 $0x4E00  }
0xc7: {  	s29 =	simm.s32 $0x4D80;
	s3 =	simm.s32 $0x1F00;
	s5 =	simm.s32 $0x4D00  }
0xc8: {  	s7 =	simm.s32 $0x1E80;
	s8 =	simm.s32 $0x4C80;
	s9 =	simm.s32 $0x1E00  }
.LBB2_2:
0xc9: {  	s5 =	rddreg [dreg:$0x7]  }
0xca: {  	[tilespmem:s3], [sflag:$0x9] =	stream.linear.gather [hbm4b:s5+s3], $0x2F80, $0x38;
	[tilespmem:$0x9700] =	vst v63  }
0xcb: {  	_ =	swait.ge [sflag:s18], $0x2F80  }
0xcc: {  	[sflag:s18] =	ssyncset.done $0x0  }
0xcd: {  	s9 =	rddreg [dreg:$0x8];
	[sflag:s18] =	ssyncadd.s32 $0xFFFFD080  }
0xce: {  	[tilespmem:s19], [sflag:$0x9] =	stream.linear.gather [hbm4b:s9+s3], $0x2F80, $0x38;
	[tilespmem:$0x9700] =	vst v63  }
0xcf: {  	_ =	swait.ge [sflag:s18], $0x2F80  }
0xd0: {  	[sflag:s18] =	ssyncset.done $0x0  }
0xd1: {  	[sflag:s18] =	ssyncadd.s32 $0xFFFFD080  }
0xd2: {  	[tilespmem:s17], [sflag:$0x1] =	stream.indirect.gather [hbm4b:s4+s20], $0x8, s3, s20, $0xb8;
	[tilespmem:$0x9700] =	vst v63  }
0xd3: {  	_ = 	snop  }
0xd4: {  	[tilespmem:s21], [sflag:$0x2] =	stream.indirect.gather [hbm4b:s4+s20], $0x8, s20, s20, $0xb8;
	[tilespmem:$0x9700] =	vst v63  }
0xd5: {  	s13 =	simm.s32 $0x100  }
0xd6: {  	[tilespmem:s23], [sflag:$0x3] =	stream.indirect.gather [hbm4b:s4+s20], $0x8, s13, s20, $0xb8;
	[tilespmem:$0x9700] =	vst v63  }
0xd7: {  	_ =	swait.ge [sflag:s24], $0x400  }
0xd8: {  	[sflag:s24] =	ssyncset.done $0x0  }
0xd9: {  	[sflag:s24] =	ssyncadd.s32 $0xFFFFFC00  }
0xda: {  	[spmem:s2] =	stream.indirect.scatter.add.f32 [tilespmem:s17], [sflag:$0x5], $0x8, s19, s20, $0xb8;
	[tilespmem:$0x9700] =	vst v63  }
0xdb: {  	s14 =	simm.s32 $0x180  }
0xdc: {  	[tilespmem:s26], [sflag:$0x4] =	stream.indirect.gather [hbm4b:s4+s20], $0x8, s14, s20, $0xb8;
	[tilespmem:$0x9700] =	vst v63  }
0xdd: {  	_ =	swait.ge [sflag:s28], $0x400  }
0xde: {  	[sflag:s28] =	ssyncset.done $0x0  }
0xdf: {  	s29 =	simm.s32 $0x3000;
	[sflag:s28] =	ssyncadd.s32 $0xFFFFFC00  }
0xe0: {  	[spmem:s2] =	stream.indirect.scatter.add.f32 [tilespmem:s21], [sflag:$0x6], $0x8, s29, s20, $0xb8;
	[tilespmem:$0x9700] =	vst v63  }
0xe1: {  	_ =	swait.ge [sflag:s30], $0x400  }
0xe2: {  	[sflag:s30] =	ssyncset.done $0x0  }
0xe3: {  	s5 =	simm.s32 $0x200;
	[sflag:s30] =	ssyncadd.s32 $0xFFFFFC00  }
0xe4: {  	[tilespmem:s17], [sflag:$0x1] =	stream.indirect.gather [hbm4b:s4+s20], $0x8, s5, s20, $0xb8;
	[tilespmem:$0x9700] =	vst v63  }
0xe5: {  	_ =	swait.ge [sflag:s31], $0x400  }
0xe6: {  	[sflag:s31] =	ssyncset.done $0x0  }
0xe7: {  	s7 =	simm.s32 $0x3080;
	[sflag:s31] =	ssyncadd.s32 $0xFFFFFC00  }
0xe8: {  	[spmem:s2] =	stream.indirect.scatter.add.f32 [tilespmem:s23], [sflag:$0x7], $0x8, s7, s20, $0xb8;
	[tilespmem:$0x9700] =	vst v63  }
0xe9: {  	_ =	swait.ge [sflag:s0], $0x400  }
0xea: {  	[sflag:s0] =	ssyncset.done $0x0  }
0xeb: {  	s8 =	simm.s32 $0x280;
	[sflag:s0] =	ssyncadd.s32 $0xFFFFFC00  }
0xec: {  	[tilespmem:s21], [sflag:$0x2] =	stream.indirect.gather [hbm4b:s4+s20], $0x8, s8, s20, $0xb8;
	[tilespmem:$0x9700] =	vst v63  }
0xed: {  	_ =	swait.ge [sflag:s1], $0x400  }
0xee: {  	[sflag:s1] =	ssyncset.done $0x0  }
0xef: {  	s9 =	simm.s32 $0x3100;
	[sflag:s1] =	ssyncadd.s32 $0xFFFFFC00  }
0xf0: {  	[spmem:s2] =	stream.indirect.scatter.add.f32 [tilespmem:s26], [sflag:$0x8], $0x8, s9, s20, $0xb8;
	[tilespmem:$0x9700] =	vst v63  }
0xf1: {  	_ =	swait.ge [sflag:s22], $0x400  }
0xf2: {  	[sflag:s22] =	ssyncset.done $0x0  }
0xf3: {  	s13 =	simm.s32 $0x300;
	[sflag:s22] =	ssyncadd.s32 $0xFFFFFC00  }
0xf4: {  	[tilespmem:s23], [sflag:$0x3] =	stream.indirect.gather [hbm4b:s4+s20], $0x8, s13, s20, $0xb8;
	[tilespmem:$0x9700] =	vst v63  }
0xf5: {  	_ =	swait.ge [sflag:s24], $0x400  }
0xf6: {  	[sflag:s24] =	ssyncset.done $0x0  }
0xf7: {  	s14 =	simm.s32 $0x3180;
	[sflag:s24] =	ssyncadd.s32 $0xFFFFFC00  }
0xf8: {  	[spmem:s2] =	stream.indirect.scatter.add.f32 [tilespmem:s17], [sflag:$0x5], $0x8, s14, s20, $0xb8;
	[tilespmem:$0x9700] =	vst v63  }
0xf9: {  	_ =	swait.ge [sflag:s11], $0x400  }
0xfa: {  	p1 =	por $0x0, $0x0;
	[sflag:s11] =	ssyncset.done $0x0  }
.Ltmp5:
0xfb: {  	s29 =	simm.s32 $0x380;
	[sflag:s11] =	ssyncadd.s32 $0xFFFFFC00;
	(pc) =	sbr.rel @p1 .LBB2_4-.Ltmp5, $4  }
0xfc: {  	[tilespmem:s26], [sflag:$0x4] =	stream.indirect.gather [hbm4b:s4+s20], $0x8, s29, s20, $0xb8;
	[tilespmem:$0x9700] =	vst v63  }
0xfd: {  	_ =	swait.ge [sflag:s28], $0x400  }
0xfe: {  	[sflag:s28] =	ssyncset.done $0x0  }
0xff: {  	s3 =	simm.s32 $0x3200;
	s13 =	simm.s32 $0x800;
	[sflag:s28] =	ssyncadd.s32 $0xFFFFFC00  }
.LBB2_3:
0x100: {  	[spmem:s2] =	stream.indirect.scatter.add.f32 [tilespmem:s21], [sflag:$0x6], $0x8, s3, s20, $0xb8;
	[tilespmem:$0x9700] =	vst v63  }
0x101: {  	s3 =	smov.u32 s13  }
0x102: {  	p1 =	seq.s32 s13, $0xA800;
	s13 =	sadd.s32 $0x800, s13;
	_ =	swait.ge [sflag:s30], $0x400  }
0x103: {  	s14 =	sshra.s32 s3, $0x2;
	[sflag:s30] =	ssyncset.done $0x0  }
0x104: {  	s3 =	sadd.s32 $0x200, s14;
	[sflag:s30] =	ssyncadd.s32 $0xFFFFFC00  }
0x105: {  	[tilespmem:s17], [sflag:$0x1] =	stream.indirect.gather [hbm4b:s4+s20], $0x8, s3, s20, $0xb8;
	[tilespmem:$0x9700] =	vst v63  }
0x106: {  	_ =	swait.ge [sflag:s31], $0x400  }
0x107: {  	[sflag:s31] =	ssyncset.done $0x0  }
0x108: {  	s3 =	sadd.s32 $0x3080, s14;
	[sflag:s31] =	ssyncadd.s32 $0xFFFFFC00  }
0x109: {  	[spmem:s2] =	stream.indirect.scatter.add.f32 [tilespmem:s23], [sflag:$0x7], $0x8, s3, s20, $0xb8;
	[tilespmem:$0x9700] =	vst v63  }
0x10a: {  	_ =	swait.ge [sflag:s0], $0x400  }
0x10b: {  	[sflag:s0] =	ssyncset.done $0x0  }
0x10c: {  	s3 =	sadd.s32 $0x280, s14;
	[sflag:s0] =	ssyncadd.s32 $0xFFFFFC00  }
0x10d: {  	[tilespmem:s21], [sflag:$0x2] =	stream.indirect.gather [hbm4b:s4+s20], $0x8, s3, s20, $0xb8;
	[tilespmem:$0x9700] =	vst v63  }
0x10e: {  	_ =	swait.ge [sflag:s1], $0x400  }
0x10f: {  	[sflag:s1] =	ssyncset.done $0x0  }
0x110: {  	s3 =	sadd.s32 $0x3100, s14;
	[sflag:s1] =	ssyncadd.s32 $0xFFFFFC00  }
0x111: {  	[spmem:s2] =	stream.indirect.scatter.add.f32 [tilespmem:s26], [sflag:$0x8], $0x8, s3, s20, $0xb8;
	[tilespmem:$0x9700] =	vst v63  }
0x112: {  	_ =	swait.ge [sflag:s22], $0x400  }
0x113: {  	[sflag:s22] =	ssyncset.done $0x0  }
0x114: {  	s3 =	sadd.s32 $0x300, s14;
	[sflag:s22] =	ssyncadd.s32 $0xFFFFFC00  }
0x115: {  	[tilespmem:s23], [sflag:$0x3] =	stream.indirect.gather [hbm4b:s4+s20], $0x8, s3, s20, $0xb8;
	[tilespmem:$0x9700] =	vst v63  }
0x116: {  	_ =	swait.ge [sflag:s24], $0x400  }
0x117: {  	[sflag:s24] =	ssyncset.done $0x0  }
0x118: {  	s3 =	sadd.s32 $0x3180, s14;
	[sflag:s24] =	ssyncadd.s32 $0xFFFFFC00  }
0x119: {  	[spmem:s2] =	stream.indirect.scatter.add.f32 [tilespmem:s17], [sflag:$0x5], $0x8, s3, s20, $0xb8;
	[tilespmem:$0x9700] =	vst v63  }
0x11a: {  	_ =	swait.ge [sflag:s11], $0x400  }
0x11b: {  	[sflag:s11] =	ssyncset.done $0x0  }
.Ltmp6:
0x11c: {  	s3 =	sadd.s32 $0x380, s14;
	[sflag:s11] =	ssyncadd.s32 $0xFFFFFC00;
	(pc) =	sbr.rel @!p1 .LBB2_3-.Ltmp6, $4  }
0x11d: {  	[tilespmem:s26], [sflag:$0x4] =	stream.indirect.gather [hbm4b:s4+s20], $0x8, s3, s20, $0xb8;
	[tilespmem:$0x9700] =	vst v63  }
0x11e: {  	_ =	swait.ge [sflag:s28], $0x400  }
0x11f: {  	[sflag:s28] =	ssyncset.done $0x0  }
0x120: {  	s3 =	sadd.s32 $0x3200, s14;
	[sflag:s28] =	ssyncadd.s32 $0xFFFFFC00  }
.Ltmp7:
0x121: {  	_ = 	snop;
	(pc) =	sbr.rel .LBB2_4-.Ltmp7, $1  }
0x122: {  	_ =	sdelay $0x3  }
.LBB2_9:
0x123: {  	_ =	sfence.sel $0x180000  }
0x124: {  	[bflag:$0x0] =	sbarrier.arrive $0xFFFF  }
0x125: {  	_ =	strace $0x9000004D  }
0x126: {  	s0 =	stileid.u32;
	[bflag:$0x2] =	sbarrier.arrive $0xFFFF  }
0x127: {  	p0 =	sne.s32 s0, $0x0;
	s0 =	rddreg [dreg:$0x2]  }
0x128: {  	s0 =	sadd.s32 @!p0 $0x100000, s0  }
0x129: {  	[sflag:s0] =	ssyncadd.tile.s32 @!p0 $0x1;
	_ =	shalt  }
.Lfunc_end2:
_tile_overlayer_lowered:
.L_overlay_start_2:
0x12a: {  	(tag) =	ssettag $0x2  }
0x12b: {  	s0 =	rddreg [dreg:$0x0];
	s2 =	stileid.u32  }
0x12c: {  	s1 =	rddreg [dreg:$0x1];
	p0 =	sne.s32 s2, $0x0  }
0x12d: {  	s3 =	rddreg [dreg:$0x2];
	[bflag:$0x3] =	sbarrier.arrive $0xFFFF;
	s2 =	simm.s32 @!p0 $0x1C09  }
0x12e: {  	[timem:s3], [sflag:s2] =	dma.local @!p0 [hbm:s0], s1  }
0x12f: {  	s0 =	simm.s32 @!p0 $0x9  }
0x130: {  	_ =	swait.ge @!p0 [sflag:s0], s1  }
0x131: {  	s1 =	ssub.s32 @!p0 $0x0, s1;
	[sflag:s0] =	ssyncset.done @!p0 $0x0  }
0x132: {  	[sflag:s0] =	ssyncadd.s32 @!p0 s1  }
0x133: {  	[bflag:$0x3] =	sbarrier.arrive $0xFFFF  }
0x134: {  	_ =	shalt  }

// kernel: kernel.9.cloned.1.call-start
scs
__scs_entry_jumppad:
0x0: {  	(pc) =	sbr.rel $0x88, $3  }
0x1: {  	(tag) =	ssettag $0x0;
	lr =	simm.s32 $0x1  }
0x2: {  	[smem:$0x3F9B] =	sst lr;
	_ =	strace $0xD0000000  }
0x3: {  	_ = 	snop  }
0x4: {  	_ = 	snop  }
0x5: {  	_ = 	snop  }
0x6: {  	_ = 	snop  }
0x7: {  	_ = 	snop  }
__scs_overlays_trampoline_lowered:
0x8: {  	[smem:$0x3FAA] =	sst s0  }
0x9: {  	[smem:$0x3FAB] =	sst s1  }
0xa: {  	[smem:$0x3FAC] =	sst s2  }
0xb: {  	[smem:$0x3FAD] =	sst s3  }
0xc: {  	[smem:$0x3FAE] =	sst s4  }
0xd: {  	[smem:$0x3FAF] =	sst s5  }
0xe: {  	[smem:$0x3FB0] =	sst s6  }
0xf: {  	[smem:$0x3FB1] =	sst s7  }
0x10: {  	[smem:$0x3FB2] =	sst s8  }
0x11: {  	[smem:$0x3FB3] =	sst s9;
	s0 =	simm.s32 @!p0 $0x0  }
0x12: {  	s1 =	sld [smem:$0x3F99];
	s0 =	simm.s32 @p0 $0x1  }
0x13: {  	[smem:$0x3FB4] =	sst s0;
	s0 =	simm.s32 @!p1 $0x0  }
0x14: {  	s2 =	sld [smem:$0x3F98];
	s0 =	simm.s32 @p1 $0x1  }
0x15: {  	[smem:$0x3FB5] =	sst s0;
	s0 =	simm.s32 @!p2 $0x0  }
0x16: {  	s3 =	sld [smem:$0x3FDB];
	s0 =	simm.s32 @p2 $0x1  }
0x17: {  	s4 =	simm.s32 $0x1BF5;
	[smem:$0x3FB7] =	sst s0  }
0x18: {  	s0 =	sld [smem:$0x3F9A];
	_ =	swait.ge [sflag:s4], $0x0  }
0x19: {  	s7 =	sld [smem:$0x3F9B]  }
0x1a: {  	s8 =	sadd.s32 $0xFFFFE003, lr  }
0x1b: {  	s9 =	sadd.s32 $0xFFFFFEF7, lr;
	s5 =	simm.s32 $0xFFFFFFFF;
	p2 =	slt.u32 s8, $0xFFFFF086  }
0x1c: {  	p1 =	slt.u32 s9, $0xF7A;
	s5 =	simm.s32 @!p2 $0x0  }
0x1d: {  	s5 =	simm.s32 @p1 $0x1;
	p0 =	seq.s32 s7, s2  }
0x1e: {  	s7 =	smul.u32 @!p0 $0xF7A, s2;
	p2 =	seq.s32 @!p0 s5, $0x0  }
0x1f: {  	s9 =	smul.u32 $0xF7A, s1;
	s8 =	simm.s32 @!p0 $0x1BF5;
	p2 =	por !p2, p0  }
0x20: {  	[sflag:s8] =	ssyncset.s32 @!p0 $0xFFFFF086;
	s6 =	sadd.s32 @!p0 s3, s7;
	s7 =	simm.s32 @!p0 $0x108  }
0x21: {  	s3 =	sadd.s32 s3, s9;
	s6 =	sadd.s32 @!p0 $0x88, s6;
	s7 =	simm.s32 @p2 $0x1082  }
0x22: {  	[simem:s7], [sflag:s8] =	dma.local @!p0 [hbm:s6], $0xF7A  }
0x23: {  	s9 =	sor.u32 $0xD0000000, s2;
	s6 =	simm.s32 $0x108;
	_ =	swait.ge @!p0 [sflag:s8], $0x0  }
0x24: {  	s3 =	sadd.s32 $0x88, s3;
	s6 =	simm.s32 @!p1 $0x1082;
	[sflag:s4] =	ssyncset.s32 $0xFFFFF086  }
0x25: {  	[simem:s6], [sflag:s4] =	dma.local [hbm:s3], $0xF7A  }
0x26: {  	[smem:$0x3F9B] =	sst s1;
	(tag) =	ssettag s2;
	_ =	strace s9  }
0x27: {  	s1 =	sld [smem:$0x3FAB]  }
0x28: {  	s2 =	sld [smem:$0x3FAC]  }
0x29: {  	s4 =	sld [smem:$0x3FAE]  }
0x2a: {  	p0 =	seq.s32 s5, $0x0;
	s5 =	sld [smem:$0x3FAF]  }
0x2b: {  	s6 =	sld [smem:$0x3FB0]  }
0x2c: {  	s7 =	sld [smem:$0x3FB1]  }
0x2d: {  	s3 =	simm.s32 $0x108;
	s8 =	sld [smem:$0x3FB2]  }
0x2e: {  	s3 =	simm.s32 @!p0 $0x1082;
	s9 =	sld [smem:$0x3FB3]  }
0x2f: {  	lr =	sadd.s32 s0, s3;
	s0 =	sld [smem:$0x3FAA]  }
0x30: {  	s3 =	sld [smem:$0x3FAD]  }
0x31: {  	[smem:$0x3FB6] =	sst s10  }
0x32: {  	s10 =	sld [smem:$0x3FB4];
	_ =	sdelay $0x3  }
0x33: {  	p0 =	seq.s32 s10, $0x1;
	s10 =	sld [smem:$0x3FB6];
	_ =	sdelay $0x3  }
0x34: {  	[smem:$0x3FB6] =	sst s10  }
0x35: {  	s10 =	sld [smem:$0x3FB5];
	_ =	sdelay $0x3  }
0x36: {  	p1 =	seq.s32 s10, $0x1;
	s10 =	sld [smem:$0x3FB6];
	_ =	sdelay $0x3  }
0x37: {  	[smem:$0x3FB6] =	sst s10  }
0x38: {  	s10 =	sld [smem:$0x3FB7]  }
0x39: {  	_ = 	snop;
	(pc) =	sbr.ind lr, $3  }
0x3a: {  	_ = 	snop  }
0x3b: {  	_ = 	snop  }
0x3c: {  	p2 =	seq.s32 s10, $0x1;
	s10 =	sld [smem:$0x3FB6]  }
0x3d: {  	_ =	shalt  }
0x3e: {  	_ =	shalt  }
0x3f: {  	_ =	shalt  }
0x40: {  	_ =	shalt  }
0x41: {  	_ =	shalt  }
0x42: {  	_ =	shalt  }
0x43: {  	_ =	shalt  }
0x44: {  	_ =	shalt  }
0x45: {  	_ =	shalt  }
0x46: {  	_ =	shalt  }
0x47: {  	_ =	shalt  }
0x48: {  	_ =	shalt  }
0x49: {  	_ =	shalt  }
0x4a: {  	_ =	shalt  }
0x4b: {  	_ =	shalt  }
0x4c: {  	_ =	shalt  }
0x4d: {  	_ =	shalt  }
0x4e: {  	_ =	shalt  }
0x4f: {  	_ =	shalt  }
0x50: {  	_ =	shalt  }
0x51: {  	_ =	shalt  }
0x52: {  	_ =	shalt  }
0x53: {  	_ =	shalt  }
0x54: {  	_ =	shalt  }
0x55: {  	_ =	shalt  }
0x56: {  	_ =	shalt  }
0x57: {  	_ =	shalt  }
0x58: {  	_ =	shalt  }
0x59: {  	_ =	shalt  }
0x5a: {  	_ =	shalt  }
0x5b: {  	_ =	shalt  }
0x5c: {  	_ =	shalt  }
0x5d: {  	_ =	shalt  }
0x5e: {  	_ =	shalt  }
0x5f: {  	_ =	shalt  }
0x60: {  	_ =	shalt  }
0x61: {  	_ =	shalt  }
0x62: {  	_ =	shalt  }
0x63: {  	_ =	shalt  }
0x64: {  	_ =	shalt  }
0x65: {  	_ =	shalt  }
0x66: {  	_ =	shalt  }
0x67: {  	_ =	shalt  }
0x68: {  	_ =	shalt  }
0x69: {  	_ =	shalt  }
0x6a: {  	_ =	shalt  }
0x6b: {  	_ =	shalt  }
0x6c: {  	_ =	shalt  }
0x6d: {  	_ =	shalt  }
0x6e: {  	_ =	shalt  }
0x6f: {  	_ =	shalt  }
0x70: {  	_ =	shalt  }
0x71: {  	_ =	shalt  }
0x72: {  	_ =	shalt  }
0x73: {  	_ =	shalt  }
0x74: {  	_ =	shalt  }
0x75: {  	_ =	shalt  }
0x76: {  	_ =	shalt  }
0x77: {  	_ =	shalt  }
0x78: {  	_ =	shalt  }
0x79: {  	_ =	shalt  }
0x7a: {  	_ =	shalt  }
0x7b: {  	_ =	shalt  }
0x7c: {  	_ =	shalt  }
0x7d: {  	_ =	shalt  }
0x7e: {  	_ =	shalt  }
0x7f: {  	_ =	shalt  }
0x80: {  	_ =	shalt  }
0x81: {  	_ =	shalt  }
0x82: {  	_ =	shalt  }
0x83: {  	_ =	shalt  }
0x84: {  	_ =	shalt  }
0x85: {  	_ =	shalt  }
0x86: {  	_ =	shalt  }
0x87: {  	_ =	shalt  }
.Lfunc_end0:
.L_simem_size_0:
called_computation_lowered:
.L_overlay_start_0:
0x88: {  	s2 =	sld [smem:$0x3FD9]  }
0x89: {  	s3 =	sld [smem:$0x3FFE];
	_ =	sdelay $0x1  }
0x8a: {  	s1 =	srdreg.scid  }
0x8b: {  	s0 =	sand.u32 $0x1, s1  }
0x8c: {  	s17 =	sshll.u32 s0, $0xA;
	s2 =	sadd.s32 s3, s2  }
0x8d: {  	s2 =	sadd.s32 s2, s17  }
0x8e: {  	[smem:$0x3FC2] =	sst s2  }
0x8f: {  	_ = 	snop  }
0x90: {  	s2 =	sld [smem:$0x3FD0];
	(tm) =	ssettm $0x1  }
0x91: {  	s18 =	sld [smem:$0x3FFB];
	_ =	sdelay $0x3  }
0x92: {  	_ =	strace s18  }
0x93: {  	s3 =	sld [smem:$0x3FFC];
	_ =	sdelay $0x3  }
0x94: {  	_ =	strace s3  }
0x95: {  	s3 =	sld [smem:$0x3FFD];
	_ =	sdelay $0x3  }
0x96: {  	_ =	strace s3  }
0x97: {  	_ =	strace $0x8FFFFFFF  }
0x98: {  	s19 =	sld [smem:$0x3FDB];
	_ =	sdelay $0x1  }
0x99: {  	s4 =	simm.s32 $_scs_section_size  }
0x9a: {  	s5 =	simm.s32 $_size__tile_overlayer_lowered;
	s6 =	simm.s32 $_tile_overlayer_lowered  }
0x9b: {  	s22 =	simm.s32 $0x1BFF;
	s21 =	sshll.u32 s6, $0x1;
	s3 =	sadd.s32 s4, s19  }
0x9c: {  	s7 =	simm.s32 $0x0;
	s20 =	sshll.u32 s5, $0x1;
	s5 =	sadd.s32 s21, s3  }
0x9d: {  	[timem:s7], [sflag:s22] =	dma.local [hbm:s5], s20  }
0x9e: {  	_ =	swait.ge [sflag:s22], s20  }
0x9f: {  	s4 =	ssub.s32 $0x0, s20;
	[sflag:s22] =	ssyncset.done $0x0  }
0xa0: {  	[sflag:s22] =	ssyncadd.s32 s4;
	_ =	sdelay $0x1  }
0xa1: {  	s23 =	simm.s32 $0x1B8B  }
0xa2: {  	_ =	swait.ge [sflag:s23], $0x1  }
0xa3: {  	[sflag:s23] =	ssyncset.done $0x0  }
0xa4: {  	s25 =	simm.s32 $0x1B8E;
	s24 =	sld [smem:$0x3FFE];
	[sflag:s23] =	ssyncadd.s32 $0xFFFFFFFF  }
0xa5: {  	s26 =	simm.s32 $execute0_lowered;
	[smem:$0x3FD2] =	sst s25  }
0xa6: {  	s5 =	sshll.u32 s26, $0x1;
	_ =	strace $0x80000046;
	[dreg:$0x1] =	wrdreg $0xFFFFFFFF  }
0xa7: {  	s28 =	simm.s32 $_size_execute0_lowered;
	s3 =	sadd.s32 s3, s5;
	[dreg:$0x0] =	wrdreg $0x0  }
0xa8: {  	s5 =	sshll.u32 s28, $0x1;
	[dreg:$0x2] =	wrdreg s3  }
0xa9: {  	[dreg:$0x3] =	wrdreg s5  }
0xaa: {  	[dreg:$0x4] =	wrdreg $0xC0  }
0xab: {  	_ =	task [dreg:s7], $0x5FFFF  }
0xac: {  	[dreg:$0x1] =	wrdreg $0xFFFFFFFF  }
0xad: {  	[dreg:$0x0] =	wrdreg $0x60  }
0xae: {  	[dreg:$0x2] =	wrdreg s24  }
0xaf: {  	[dreg:$0x3] =	wrdreg s2  }
0xb0: {  	[dreg:$0x4] =	wrdreg $0x3F800  }
0xb1: {  	[dreg:$0x5] =	wrdreg $0x9  }
0xb2: {  	_ =	task.clear_ibuf [dreg:s7], $0x6FFFF;
	_ =	strace $0x90000046  }
0xb3: {  	s29 =	simm.s32 $0x9;
	_ =	strace $0x80000048  }
0xb4: {  	_ =	swait.ge [sflag:s29], $0x1  }
0xb5: {  	[sflag:s29] =	ssyncadd.s32 $0xFFFFFFFF  }
0xb6: {  	_ =	strace $0x90000048  }
0xb7: {  	_ =	sfence  }
0xb8: {  	s30 =	sld [smem:$0x0];
	_ =	sdelay $0x2  }
0xb9: {  	s31 =	sshll.u32 s1, $0xD;
	s1 =	sshrl.u32 s1, $0x2  }
0xba: {  	s3 =	sand.u32 $0x4000, s31;
	s1 =	sadd.s32 s1, s30  }
0xbb: {  	s0 =	sor.u32 s3, s0;
	s1 =	sshll.u32 s1, $0x11  }
0xbc: {  	s0 =	sor.u32 s1, s0  }
0xbd: {  	s0 =	sadd.s32 $0x8F2B, s0  }
0xbe: {  	[sflag:s0] =	ssyncadd.remote.s32 $0x1  }
0xbf: {  	_ =	sfence.sel $0xFFFF  }
0xc0: {  	[dreg:$0x0] =	wrdreg $0xFFFFFFFF;
	(pc) =	sbr.abs _section_cstart, $3  }
0xc1: {  	[dreg:$0x1] =	wrdreg $0xFFFFFFFF  }
0xc2: {  	_ =	task.clear_ibuf [dreg:s7], $0x2FFFF;
	_ =	strace $0x9FFFFFFF  }
0xc3: {  	(tm) =	ssettm $0x7FFFFFFF  }
tec
execute0_lowered:
.L_overlay_start_1:
0x0: {  	(tag) =	ssettag $0x1  }
0x1: {  	s7 =	rddreg [dreg:$0x0]  }
0x2: {  	s0 =	srdreg.scid;
	s2 =	rddreg [dreg:$0x1]  }
0x3: {  	s3 =	rddreg [dreg:$0x2];
	s4 =	simm.s32 $0x0;
	s14 =	simm.s32 $0x2B80  }
0x4: {  	s15 =	simm.s32 $0x1;
	s6 =	sand.u32 $0x1, s0;
	s0 =	stileid.u32  }
0x5: {  	s16 =	simm.s32 $0x2780;
	s17 =	simm.s32 $0x80;
	s8 =	smul.u32 $0x1400, s0  }
0x6: {  	s18 =	simm.s32 $0x0;
	s1 =	sshll.u32 s6, $0x4;
	s9 =	smul.u32 $0x14000, s6  }
0x7: {  	s10 =	smul.u32 $0x5000, s0;
	s6 =	ssub.s32 $0x2, s6;
	s1 =	sor.u32 s0, s1  }
0x8: {  	[smem:$0x7FF] =	sst s4;
	s30 =	sshrl.u32 s6, $0x1;
	s5 =	smul.u32 $0x4F0, s1  }
0x9: {  	s1 =	rddreg [dreg:$0x3];
	_ =	strace $0x80000047;
	s9 =	sadd.s32 s8, s9  }
0xa: {  	s31 =	sshrl.u32 s10, $0x2;
	s13 =	ssub.s32 s6, s30;
	s6 =	sadd.s32 s8, s3  }
0xb: {  	s9 =	sshrl.u32 s9, $0x3;
	s10 =	sadd.s32 s31, s3;
	s13 =	smax.u32 s13, $0x1  }
0xc: {  	s11 =	sadd.s32 s5, s7;
	s5 =	sadd.s32 $0xAE00, s7;
	s12 =	sadd.s32 s9, s7  }
0xd: {  	s7 =	sadd.s32 $0x400, s10;
	s8 =	sadd.s32 $0x800, s10;
	s9 =	sadd.s32 $0xC00, s10  }
0xe: {  	s10 =	sadd.s32 $0x1000, s10;
	s11 =	sadd.s32 $0x1000, s11;
	s12 =	sadd.s32 $0xB000, s12  }
.LBB2_1:
0xf: {  	[tilespmem:s14], [sflag:$0x1] =	stream.linear.gather [hbm4b:s5+s4], $0x400, $0x38;
	[tilespmem:$0x5380] =	vst v63  }
0x10: {  	_ =	swait.ge [sflag:s15], $0x400  }
0x11: {  	[sflag:s15] =	ssyncset.done $0x0  }
0x12: {  	[sflag:s15] =	ssyncadd.s32 $0xFFFFFC00  }
0x13: {  	[spmem:s6] =	stream.linear.scatter [tilespmem:s14], [sflag:$0x1], $0x400, $0x38;
	[tilespmem:$0x5380] =	vst v63  }
0x14: {  	_ =	swait.ge [sflag:s15], $0x400  }
0x15: {  	[sflag:s15] =	ssyncset.done $0x0  }
0x16: {  	[sflag:s15] =	ssyncadd.s32 $0xFFFFFC00  }
0x17: {  	[spmem:s7] =	stream.linear.scatter [tilespmem:s14], [sflag:$0x1], $0x400, $0x38;
	[tilespmem:$0x5380] =	vst v63  }
0x18: {  	_ =	swait.ge [sflag:s15], $0x400  }
0x19: {  	[sflag:s15] =	ssyncset.done $0x0  }
0x1a: {  	[sflag:s15] =	ssyncadd.s32 $0xFFFFFC00  }
0x1b: {  	[spmem:s8] =	stream.linear.scatter [tilespmem:s14], [sflag:$0x1], $0x400, $0x38;
	[tilespmem:$0x5380] =	vst v63  }
0x1c: {  	_ =	swait.ge [sflag:s15], $0x400  }
0x1d: {  	[sflag:s15] =	ssyncset.done $0x0  }
0x1e: {  	[sflag:s15] =	ssyncadd.s32 $0xFFFFFC00  }
0x1f: {  	[spmem:s9] =	stream.linear.scatter [tilespmem:s14], [sflag:$0x1], $0x400, $0x38;
	[tilespmem:$0x5380] =	vst v63  }
0x20: {  	_ =	swait.ge [sflag:s15], $0x400  }
0x21: {  	[sflag:s15] =	ssyncset.done $0x0  }
0x22: {  	[sflag:s15] =	ssyncadd.s32 $0xFFFFFC00  }
0x23: {  	[spmem:s10] =	stream.linear.scatter [tilespmem:s14], [sflag:$0x1], $0x400, $0x38;
	[tilespmem:$0x5380] =	vst v63  }
0x24: {  	_ =	swait.ge [sflag:s15], $0x400  }
0x25: {  	[sflag:s15] =	ssyncset.done $0x0  }
0x26: {  	[sflag:s15] =	ssyncadd.s32 $0xFFFFFC00  }
0x27: {  	[tilespmem:s16], [sflag:$0x1] =	stream.linear.gather [hbm4b:s2+s4], $0x400, $0x38;
	[tilespmem:$0x5380] =	vst v63  }
0x28: {  	_ =	swait.ge [sflag:s15], $0x400  }
0x29: {  	[sflag:s15] =	ssyncset.done $0x0  }
0x2a: {  	[sflag:s15] =	ssyncadd.s32 $0xFFFFFC00  }
0x2b: {  	[tilespmem:s4], [sflag:$0x1] =	stream.linear.gather [hbm4b:s11+s4], $0x2780, $0x38;
	[tilespmem:$0x5380] =	vst v63  }
0x2c: {  	_ =	swait.ge [sflag:s15], $0x2780  }
0x2d: {  	[sflag:s15] =	ssyncset.done $0x0  }
0x2e: {  	[sflag:s15] =	ssyncadd.s32 $0xFFFFD880  }
0x2f: {  	s19 =	simm.s32 $0x0;
	[bflag:$0x0] =	sbarrier.arrive $0xFFFF  }
0x30: {  	[spmem:s3] =	stream.indirect.scatter.add.f32 [tilespmem:s16], [sflag:$0x1], $0x8, s19, s17, $0xb8;
	[tilespmem:$0x5380] =	vst v63  }
0x31: {  	_ =	swait.ge [sflag:s15], $0x400  }
0x32: {  	s19 =	simm.s32 $0x200;
	[sflag:s15] =	ssyncset.done $0x0  }
.LBB2_2:
0x33: {  	s20 =	sshra.s32 s19, $0x2;
	[sflag:s15] =	ssyncadd.s32 $0xFFFFFC00;
	p0 =	sne.s32 s19, $0x9C00  }
0x34: {  	[spmem:s3] =	stream.indirect.scatter.add.f32 [tilespmem:s16], [sflag:$0x1], $0x8, s20, s17, $0xb8;
	[tilespmem:$0x5380] =	vst v63  }
.Ltmp0:
0x35: {  	_ = 	snop;
	(pc) =	sbr.rel @p0 .LBB2_2-.Ltmp0, $4  }
0x36: {  	_ = 	snop  }
0x37: {  	s19 =	sadd.s32 $0x200, s19  }
0x38: {  	_ =	swait.ge [sflag:s15], $0x400  }
0x39: {  	[sflag:s15] =	ssyncset.done $0x0  }
0x3a: {  	[sflag:s15] =	ssyncadd.s32 $0xFFFFFC00  }
0x3b: {  	[bflag:$0x0] =	sbarrier.arrive $0xFFFF  }
0x3c: {  	[tilespmem:s14], [sflag:$0x1] =	stream.linear.gather [spmem:s6], $0x1400, $0x38;
	[tilespmem:$0x5380] =	vst v63  }
0x3d: {  	s18 =	sadd.s32 $0x1, s18;
	_ =	swait.ge [sflag:s15], $0x1400  }
0x3e: {  	p0 =	sne.s32 s18, s13;
	[sflag:s15] =	ssyncset.done $0x0  }
.Ltmp1:
0x3f: {  	[sflag:s15] =	ssyncadd.s32 $0xFFFFEC00;
	(pc) =	sbr.rel @p0 .LBB2_1-.Ltmp1, $4  }
0x40: {  	[hbm4b:s12+s4] =	stream.linear.scatter [tilespmem:s14], [sflag:$0x1], $0x1400, $0x38;
	[tilespmem:$0x5380] =	vst v63  }
0x41: {  	_ =	swait.ge [sflag:s15], $0x1400  }
0x42: {  	[sflag:s15] =	ssyncset.done $0x0  }
0x43: {  	[sflag:s15] =	ssyncadd.s32 $0xFFFFEC00  }
0x44: {  	_ =	sfence.sel $0x180000  }
0x45: {  	[bflag:$0x0] =	sbarrier.arrive $0xFFFF  }
0x46: {  	p0 =	sne.s32 s0, $0x0;
	_ =	strace $0x90000047  }
0x47: {  	s0 =	sadd.s32 @!p0 $0x100000, s1;
	[bflag:$0x2] =	sbarrier.arrive $0xFFFF  }
0x48: {  	[sflag:s0] =	ssyncadd.tile.s32 @!p0 $0x1;
	_ =	shalt  }
.Lfunc_end2:
_tile_overlayer_lowered:
.L_overlay_start_2:
0x49: {  	(tag) =	ssettag $0x2  }
0x4a: {  	s0 =	rddreg [dreg:$0x0];
	s2 =	stileid.u32  }
0x4b: {  	s1 =	rddreg [dreg:$0x1];
	p0 =	sne.s32 s2, $0x0  }
0x4c: {  	s3 =	rddreg [dreg:$0x2];
	[bflag:$0x3] =	sbarrier.arrive $0xFFFF;
	s2 =	simm.s32 @!p0 $0x1C01  }
0x4d: {  	[timem:s3], [sflag:s2] =	dma.local @!p0 [hbm:s0], s1  }
0x4e: {  	s0 =	simm.s32 @!p0 $0x1  }
0x4f: {  	_ =	swait.ge @!p0 [sflag:s0], s1  }
0x50: {  	s1 =	ssub.s32 @!p0 $0x0, s1;
	[sflag:s0] =	ssyncset.done @!p0 $0x0  }
0x51: {  	[sflag:s0] =	ssyncadd.s32 @!p0 s1  }
0x52: {  	[bflag:$0x3] =	sbarrier.arrive $0xFFFF  }
0x53: {  	_ =	shalt  }

</sc_bundles>
